<compile_context>
chip_gen: v7x
topology: tpu7x:2x2x1
jax: 0.10.2.dev20260603
libtpu: 0.0.44.dev20260713+nightly
codegen_flags: <defaults>
</compile_context>

<pallas_src>
import functools

import jax
import jax.numpy as jnp
from jax import lax
from jax.experimental import pallas as pl
from jax.experimental.pallas import tpu as pltpu
from jax.experimental.pallas import tpu_sc as plsc

B = 8
S = 4096
D = 64
H = 8
NBK = 64
CS = 64
NC = H * S // CS
CPG = 64
NGRP = NC // CPG
NTOK = B * H * S
SCALE = D ** -0.5

def _hash_dest_kernel(qk_ref, v_ref, rot_ref, gdest_ref, bmask_ref, qkv_ref):
    b = pl.program_id(0)
    x = qk_ref[0]
    rot = rot_ref[...]
    qkv_ref[0] = jnp.concatenate([x, v_ref[0]], axis=1)
    rotated = jnp.dot(x, rot, preferred_element_type=jnp.float32)

    SB = 8
    NSB = S // SB
    io_r = lax.broadcasted_iota(jnp.int32, (NBK, NBK), 0)
    io_c = lax.broadcasted_iota(jnp.int32, (NBK, NBK), 1)
    upper = (io_r < io_c).astype(jnp.float32)
    io_R = lax.broadcasted_iota(jnp.int32, (NSB, NSB), 0)
    io_C = lax.broadcasted_iota(jnp.int32, (NSB, NSB), 1)
    lowerS = (io_C < io_R).astype(jnp.float32)
    iota_v = lax.broadcasted_iota(jnp.int32, (NSB, SB, NBK), 2)
    io_j = lax.broadcasted_iota(jnp.int32, (NSB, SB, SB), 1)
    io_k = lax.broadcasted_iota(jnp.int32, (NSB, SB, SB), 2)
    jlt = io_k < io_j

    dests = []
    for h in range(H):
        rh = rotated[:, h * 32:(h + 1) * 32]
        full = jnp.concatenate([rh, -rh], axis=1)
        full3 = full.reshape(NSB, SB, NBK)
        mx = jnp.max(full3, axis=2, keepdims=True)
        bucket3 = jnp.min(jnp.where(full3 == mx, iota_v, NBK),
                          axis=2, keepdims=True)

        oh3 = (bucket3 == iota_v).astype(jnp.float32)
        cnt = jnp.sum(oh3, axis=1)
        hist = jnp.sum(cnt, axis=0, keepdims=True)
        start = jnp.dot(hist, upper, preferred_element_type=jnp.float32)
        cnt_before = jnp.dot(lowerS, cnt, preferred_element_type=jnp.float32)

        b_row = jnp.swapaxes(bucket3, 1, 2)
        cmp = jnp.logical_and(bucket3 == b_row, jlt)
        rank = jnp.sum(cmp.astype(jnp.float32), axis=2, keepdims=True)

        base = start + cnt_before
        sel = jnp.sum(base[:, None, :] * oh3, axis=2, keepdims=True)
        dest = (sel + rank).astype(jnp.int32)
        dests.append(dest)
        gdest_ref[0, h] = dest[:, :, 0] + (b * H + h) * S

    for h in range(H):
        dcur = dests[h]
        dprev = dests[(h - 1) % H]
        a = (dcur == iota_v).astype(jnp.float32).reshape(S, NBK)
        bb = (dprev == iota_v + (S - CS)).astype(jnp.float32).reshape(S, NBK)
        m = lax.dot_general(a, bb, (((0,), (0,)), ((), ())),
                            preferred_element_type=jnp.float32)
        bmask_ref[0, h] = m


def _hash_dest(qk, v, rot2):
    nb = qk.shape[0]
    return pl.pallas_call(
        _hash_dest_kernel,
        grid=(nb,),
        in_specs=[
            pl.BlockSpec((1, S, D), lambda b: (b, 0, 0)),
            pl.BlockSpec((1, S, D), lambda b: (b, 0, 0)),
            pl.BlockSpec((D, H * 32), lambda b: (0, 0)),
        ],
        out_specs=[
            pl.BlockSpec((1, H, S // 8, 8), lambda b: (b, 0, 0, 0)),
            pl.BlockSpec((1, H, CS, CS), lambda b: (b, 0, 0, 0)),
            pl.BlockSpec((1, S, 2 * D), lambda b: (b, 0, 0)),
        ],
        out_shape=[
            jax.ShapeDtypeStruct((nb, H, S // 8, 8), jnp.int32),
            jax.ShapeDtypeStruct((nb, H, CS, CS), jnp.float32),
            jax.ShapeDtypeStruct((nb, S, 2 * D), jnp.float32),
        ],
    )(qk, v, rot2)


_NW = 32
_W = 256


def _sc_mesh():
    return plsc.VectorSubcoreMesh(core_axis_name="c", subcore_axis_name="s")


def _sc_scatter(qkv, gidx):
    nb = qkv.shape[0] // S
    tok_pw = nb * S // _NW
    segs = S // tok_pw

    @functools.partial(
        pl.kernel,
        mesh=_sc_mesh(),
        out_type=jax.ShapeDtypeStruct((nb * H * S, 2 * D), jnp.float32),
        scratch_types=[
            pltpu.VMEM((_W, 2 * D), jnp.float32),
            pltpu.VMEM((_W,), jnp.int32),
        ],
    )
    def k(qkv_hbm, gidx_hbm, sqkv_hbm, rows_v, idx_v):
        wid = lax.axis_index("s") * 2 + lax.axis_index("c")
        b = wid // segs
        seg = wid % segs

        @pl.loop(0, tok_pw // _W)
        def _(ci):
            t0 = seg * tok_pw + ci * _W
            pltpu.sync_copy(qkv_hbm.at[pl.ds(b * S + t0, _W)], rows_v)
            for h in range(H):
                pltpu.sync_copy(gidx_hbm.at[pl.ds((b * H + h) * S + t0, _W)],
                                idx_v)
                pltpu.sync_copy(rows_v, sqkv_hbm.at[idx_v])

    return k(qkv, gidx)


def _sc_gather(so_ext, gidx):
    ntok = so_ext.shape[0]

    @functools.partial(
        pl.kernel,
        mesh=_sc_mesh(),
        out_type=jax.ShapeDtypeStruct((ntok, 2 * D), jnp.float32),
        scratch_types=[
            pltpu.VMEM((_W, 2 * D), jnp.float32),
            pltpu.VMEM((_W,), jnp.int32),
        ],
    )
    def k(so_hbm, gidx_hbm, oext_hbm, rows_v, idx_v):
        wid = lax.axis_index("s") * 2 + lax.axis_index("c")
        per_w = ntok // _NW

        @pl.loop(0, per_w // _W)
        def _(ci):
            g0 = wid * per_w + ci * _W
            pltpu.sync_copy(gidx_hbm.at[pl.ds(g0, _W)], idx_v)
            pltpu.sync_copy(so_hbm.at[idx_v], rows_v)
            pltpu.sync_copy(rows_v, oext_hbm.at[pl.ds(g0, _W)])

    return k(so_ext, gidx)


def _attn_kernel(sqkv_ref, halo_ref, bmask_ref, out_ref,
                 q_ref, k_ref, v_ref, d_ref, p_ref):
    def nrm(x):
        n = jnp.sqrt(jnp.sum(x * x, axis=1, keepdims=True))
        return x / jnp.maximum(n, 1e-12)

    x2 = sqkv_ref[0].reshape(CPG * CS, 2 * D)
    halo = halo_ref[0, 0]
    q_all = x2[:, :D]
    q_ref[...] = q_all.astype(jnp.bfloat16)
    k_ref[0:CS, :] = nrm(halo[:, :D]).astype(jnp.bfloat16)
    k_ref[CS:, :] = nrm(q_all).astype(jnp.bfloat16)
    v_ref[0:CS, :] = halo[:, D:].astype(jnp.bfloat16)
    v_ref[CS:, :] = x2[:, D:].astype(jnp.bfloat16)

    for c in range(CPG):
        d_ref[c * CS:(c + 1) * CS, :] = lax.dot_general(
            q_ref[c * CS:(c + 1) * CS, :], k_ref[c * CS:(c + 2) * CS, :],
            (((1,), (1,)), ((), ())), preferred_element_type=jnp.float32)

    dots = d_ref[...] * SCALE
    ii = lax.broadcasted_iota(jnp.int32, (CPG * CS, 2 * CS), 0)
    jj = lax.broadcasted_iota(jnp.int32, (CPG * CS, 2 * CS), 1)
    eye = jj == (ii % CS) + CS
    dots = jnp.where(eye, -50000.0, dots)
    bpad = jnp.pad(bmask_ref[0, 0], ((0, CPG * CS - CS), (0, CS)))
    dots = jnp.where(bpad > 0.5, -50000.0, dots)
    m = jnp.max(dots, axis=1, keepdims=True)
    pexp = jnp.exp(dots - m)
    ssum = jnp.sum(pexp, axis=1, keepdims=True)
    lse = m + jnp.log(ssum)
    p_ref[...] = (pexp / ssum).astype(jnp.bfloat16)
    out_ref[0, :, :, D:] = jnp.broadcast_to(
        lse.reshape(CPG, CS, 1), (CPG, CS, D))

    for c in range(CPG):
        out_ref[0, c, :, :D] = lax.dot_general(
            p_ref[c * CS:(c + 1) * CS, :], v_ref[c * CS:(c + 2) * CS, :],
            (((1,), (0,)), ((), ())), preferred_element_type=jnp.float32)


def _attention(sqkv4, bmask):
    nb = sqkv4.shape[0]
    return pl.pallas_call(
        _attn_kernel,
        grid=(nb, NGRP),
        in_specs=[
            pl.BlockSpec((1, CPG, CS, 2 * D), lambda b, g: (b, g, 0, 0)),
            pl.BlockSpec((1, 1, CS, 2 * D),
                         lambda b, g: (b, (g * CPG - 1) % NC, 0, 0)),
            pl.BlockSpec((1, 1, CS, CS), lambda b, g: (b, g, 0, 0)),
        ],
        out_specs=pl.BlockSpec((1, CPG, CS, 2 * D), lambda b, g: (b, g, 0, 0)),
        out_shape=jax.ShapeDtypeStruct((nb, NC, CS, 2 * D), jnp.float32),
        scratch_shapes=[
            pltpu.VMEM((CPG * CS, D), jnp.bfloat16),
            pltpu.VMEM(((CPG + 1) * CS, D), jnp.bfloat16),
            pltpu.VMEM(((CPG + 1) * CS, D), jnp.bfloat16),
            pltpu.VMEM((CPG * CS, 2 * CS), jnp.float32),
            pltpu.VMEM((CPG * CS, 2 * CS), jnp.bfloat16),
        ],
    )(sqkv4, sqkv4, bmask)


_T = 512


def _combine_kernel(oext_ref, out_ref):
    x = oext_ref[0]
    o = x[:, :, :D]
    l = x[:, :, D:D + 1]
    m = jnp.max(l, axis=0, keepdims=True)
    w = jnp.exp(l - m)
    s = jnp.sum(w, axis=0)
    acc = jnp.sum(o * w, axis=0)
    out_ref[0] = acc / s


def _combine(o_ext4):
    nb = o_ext4.shape[0]
    return pl.pallas_call(
        _combine_kernel,
        grid=(nb, S // _T),
        in_specs=[pl.BlockSpec((1, H, _T, 2 * D), lambda b, t: (b, 0, t, 0))],
        out_specs=pl.BlockSpec((1, _T, D), lambda b, t: (b, t, 0)),
        out_shape=jax.ShapeDtypeStruct((nb, S, D), jnp.float32),
    )(o_ext4)


def kernel(qk, v, rotations):
    rot2 = rotations.reshape(D, H * 32)
    hb = B // 2
    gdA, bmA, qvA = _hash_dest(qk[:hb], v[:hb], rot2)
    gdB, bmB, qvB = _hash_dest(qk[hb:], v[hb:], rot2)
    gdA = gdA.reshape(hb * H * S)
    gdB = gdB.reshape(hb * H * S)
    sA = _sc_scatter(qvA.reshape(hb * S, 2 * D), gdA)
    soA = _attention(sA.reshape(hb, NC, CS, 2 * D), bmA)
    sB = _sc_scatter(qvB.reshape(hb * S, 2 * D), gdB)
    oA = _sc_gather(soA.reshape(hb * H * S, 2 * D), gdA)
    soB = _attention(sB.reshape(hb, NC, CS, 2 * D), bmB)
    outA = _combine(oA.reshape(hb, H, S, 2 * D))
    oB = _sc_gather(soB.reshape(hb * H * S, 2 * D), gdB)
    outB = _combine(oB.reshape(hb, H, S, 2 * D))
    return jnp.concatenate([outA, outB], axis=0)

# --- scband reference (transcript-rebuilt; emitter-appended) ---
"""Pipeline reference for scband-lshattention-12713103196748 (READ-ONLY COPY).

The authoritative reference and input builder live on the scoring server;
editing this copy changes nothing except your own understanding.
"""

import jax, jax.numpy as jnp
import numpy as np

BUCKET_SIZE = 64
N_HASHES = 8


def setup_inputs(seed: int = 0) -> dict:
    key = jax.random.key(seed)
    k1, k2, k3 = jax.random.split(key, 3)
    batch, seqlen, dim = 8, 4096, 64
    n_buckets = seqlen // BUCKET_SIZE
    qk = jax.random.normal(k1, (batch, seqlen, dim), dtype=jnp.float32)
    v = jax.random.normal(k2, (batch, seqlen, dim), dtype=jnp.float32)
    # random rotations for LSH hashing (shared across batch since random_rotations_per_head=False)
    rotations = jax.random.normal(k3, (1, dim, N_HASHES, n_buckets // 2), dtype=jnp.float32)
    return {"qk": qk, "v": v, "rotations": rotations}


def _look_one_back(x):
    x_extra = jnp.concatenate([x[:, -1:, ...], x[:, :-1, ...]], axis=1)
    return jnp.concatenate([x, x_extra], axis=2)


def reference(qk, v, rotations):
    batch_size, seqlen, dim = qk.shape
    n_buckets = seqlen // BUCKET_SIZE
    total_hashes = N_HASHES

    # ---- hash_vectors ----
    rot = jnp.broadcast_to(rotations, (batch_size,) + rotations.shape[1:])
    rotated = jnp.einsum('btf,bfhi->bhti', qk, rot)
    rotated = jnp.concatenate([rotated, -rotated], axis=-1)
    buckets = jnp.argmax(rotated, axis=-1)  # [b, n_hashes, t]
    offsets = (jnp.arange(total_hashes) * n_buckets).reshape(1, -1, 1)
    buckets = jnp.reshape(buckets + offsets, (batch_size, -1))  # [b, n_hashes*t]

    # ---- sort tokens by (bucket, position) ----
    ticker = jnp.broadcast_to(jnp.arange(total_hashes * seqlen)[None, :], buckets.shape)
    buckets_and_t = jax.lax.stop_gradient(seqlen * buckets + (ticker % seqlen))
    perm = jnp.argsort(buckets_and_t, axis=-1)
    sticker = jnp.take_along_axis(ticker, perm, axis=-1)
    undo_sort = jnp.argsort(sticker, axis=-1)
    st = sticker % seqlen

    sqk = jnp.take_along_axis(qk, st[:, :, None], axis=1)
    sv = jnp.take_along_axis(v, st[:, :, None], axis=1)

    chunk_size = total_hashes * n_buckets
    bq_t = st.reshape(batch_size, chunk_size, -1)
    bqk = sqk.reshape(batch_size, chunk_size, -1, dim)
    bv = sv.reshape(batch_size, chunk_size, -1, dim)
    bq = bqk
    norm = jnp.maximum(jnp.linalg.norm(bqk, axis=-1, keepdims=True), 1e-12)
    bk = bqk / norm

    bk = _look_one_back(bk)
    bv = _look_one_back(bv)
    bkv_t = _look_one_back(bq_t)

    # ---- block-local attention ----
    dots = jnp.einsum('bhie,bhje->bhij', bq, bk) * (dim ** -0.5)
    # mask attention to self (TOKEN_SELF_ATTN_VALUE)
    self_mask = bq_t[:, :, :, None] == bkv_t[:, :, None, :]
    dots = jnp.where(self_mask, -50000.0, dots)

    dots_logsumexp = jax.scipy.special.logsumexp(dots, axis=-1, keepdims=True)
    dots = jnp.exp(dots - dots_logsumexp)
    bo = jnp.einsum('buij,buje->buie', dots, bv)
    so = bo.reshape(batch_size, -1, dim)
    slogits = dots_logsumexp.reshape(batch_size, -1)

    # ---- unsort and combine across hash rounds ----
    o = jnp.take_along_axis(so, undo_sort[:, :, None], axis=1)
    logits = jnp.take_along_axis(slogits, undo_sort, axis=1)
    o = o.reshape(batch_size, total_hashes, seqlen, dim)
    logits = logits.reshape(batch_size, total_hashes, seqlen, 1)
    probs = jnp.exp(logits - jax.scipy.special.logsumexp(logits, axis=1, keepdims=True))
    out = jnp.sum(o * probs, axis=1)
    return out

if __name__ == "__main__":
    import jax
    _d = setup_inputs()
    print(jax.jit(kernel)(*tuple(_d.values())))

</pallas_src>

<mosaic_0001>
#map = affine_map<(d0, d1) -> (0, 0)>
#map1 = affine_map<(d0, d1) -> (0)>
module attributes {stable_mosaic.version = 14 : i64} {
  func.func @k(%arg0: i32, %arg1: i32, %arg2: memref<131072x128xf32, #tpu.memory_space<hbm>>, %arg3: memref<131072xi32, #tpu.memory_space<hbm>>, %arg4: memref<131072x128xf32, #tpu.memory_space<hbm>>, %arg5: memref<256x128xf32, #tpu.memory_space<vmem>>, %arg6: memref<256xi32, #tpu.memory_space<vmem>>) attributes {dimension_semantics = [#tpu.dimension_semantics<core_parallel>, #tpu.dimension_semantics<subcore_parallel>], iteration_bounds = array<i64: 2, 16>, scalar_prefetch = 0 : i64, scratch_operands = 2 : i64, tpu.core_type = #tpu.core_type<sc_vector_subcore>, window_params = [{transform_indices = #map}, {transform_indices = #map1}, {transform_indices = #map}]} {
    %mul3A = arith.constant 2 : i32
    %mul3A_0 = arith.muli %arg1, %mul3A : i32
    %add3A = arith.addi %mul3A_0, %arg0 : i32
    %scan3A = arith.constant 0 : i32
    %scan3A_1 = arith.constant 16 : i32
    %scan3A_2 = arith.addi %scan3A, %scan3A_1 : i32
    %scan3A_3 = arith.constant 1 : i32
    scf.for %scan3A_5 = %scan3A to %scan3A_2 step %scan3A_3  : i32 {
      %mul3A_6 = arith.constant 1 : i32
      %mul3A_7 = arith.muli %scan3A_5, %mul3A_6 : i32
      %add3A_8 = arith.constant 0 : i32
      %add3A_9 = arith.addi %add3A_8, %mul3A_7 : i32
      %mul3A_10 = arith.constant 4096 : i32
      %mul3A_11 = arith.muli %add3A, %mul3A_10 : i32
      %mul3A_12 = arith.constant 256 : i32
      %mul3A_13 = arith.muli %add3A_9, %mul3A_12 : i32
      %add3A_14 = arith.addi %mul3A_11, %mul3A_13 : i32
      "tpu.region"() ({
        %run_scoped3A = tpu.sem_alloc : memref<!tpu.dma_semaphore, #tpu.memory_space<semaphore_mem>>
        %dma_start3A = tpu.memref_slice %arg3[%add3A_14] : memref<131072xi32, #tpu.memory_space<hbm>> -> memref<256xi32, #tpu.memory_space<hbm>>
        %dma_start3A_15 = tpu.memref_slice %arg3[%add3A_14] : memref<131072xi32, #tpu.memory_space<hbm>> -> memref<256xi32, #tpu.memory_space<hbm>>
        tpu.enqueue_dma source(%dma_start3A_15 : memref<256xi32, #tpu.memory_space<hbm>>) target(%arg6 : memref<256xi32, #tpu.memory_space<vmem>>) target_semaphore(%run_scoped3A : memref<!tpu.dma_semaphore, #tpu.memory_space<semaphore_mem>>)
        %dma_wait3A = tpu.memref_slice %arg3[%add3A_14] : memref<131072xi32, #tpu.memory_space<hbm>> -> memref<256xi32, #tpu.memory_space<hbm>>
        %dma_wait3A_16 = tpu.memref_slice %arg3[%add3A_14] : memref<131072xi32, #tpu.memory_space<hbm>> -> memref<256xi32, #tpu.memory_space<hbm>>
        tpu.wait_dma2 semaphore(%run_scoped3A : memref<!tpu.dma_semaphore, #tpu.memory_space<semaphore_mem>>) src(%dma_wait3A_16 : memref<256xi32, #tpu.memory_space<hbm>>) dst(%arg6 : memref<256xi32, #tpu.memory_space<vmem>>)
        tpu.yield
      }) : () -> ()
      "tpu.region"() ({
        %run_scoped3A = tpu.sem_alloc : memref<!tpu.dma_semaphore, #tpu.memory_space<semaphore_mem>>
        %dma_start3A = arith.constant 0 : i32
        %dma_start3A_15 = arith.constant 0 : i32
        %dma_start3A_16 = tpu.memref_slice %arg2[%dma_start3A, %dma_start3A_15] : memref<131072x128xf32, #tpu.memory_space<hbm>> -> memref<131072x128xf32, #tpu.memory_space<hbm>>
        tpu.enqueue_indirect_dma source(%dma_start3A_16 : memref<131072x128xf32, #tpu.memory_space<hbm>>) target(%arg5 : memref<256x128xf32, #tpu.memory_space<vmem>>) offsets(%arg6 : memref<256xi32, #tpu.memory_space<vmem>>) semaphore(%run_scoped3A : memref<!tpu.dma_semaphore, #tpu.memory_space<semaphore_mem>>)
        %dma_wait3A = arith.constant 0 : i32
        %dma_wait3A_17 = arith.constant 0 : i32
        %dma_wait3A_18 = tpu.memref_slice %arg2[%dma_wait3A, %dma_wait3A_17] : memref<131072x128xf32, #tpu.memory_space<hbm>> -> memref<131072x128xf32, #tpu.memory_space<hbm>>
        tpu.wait_indirect_dma semaphore(%run_scoped3A : memref<!tpu.dma_semaphore, #tpu.memory_space<semaphore_mem>>) src(%dma_wait3A_18 : memref<131072x128xf32, #tpu.memory_space<hbm>>) dst(%arg5 : memref<256x128xf32, #tpu.memory_space<vmem>>)
        tpu.yield
      }) : () -> ()
      "tpu.region"() ({
        %run_scoped3A = tpu.sem_alloc : memref<!tpu.dma_semaphore, #tpu.memory_space<semaphore_mem>>
        %dma_start3A = arith.constant 0 : i32
        %dma_start3A_15 = tpu.memref_slice %arg4[%add3A_14, %dma_start3A] : memref<131072x128xf32, #tpu.memory_space<hbm>> -> memref<256x128xf32, #tpu.memory_space<hbm>>
        %dma_start3A_16 = arith.constant 0 : i32
        %dma_start3A_17 = tpu.memref_slice %arg4[%add3A_14, %dma_start3A_16] : memref<131072x128xf32, #tpu.memory_space<hbm>> -> memref<256x128xf32, #tpu.memory_space<hbm>>
        tpu.enqueue_dma source(%arg5 : memref<256x128xf32, #tpu.memory_space<vmem>>) target(%dma_start3A_17 : memref<256x128xf32, #tpu.memory_space<hbm>>) target_semaphore(%run_scoped3A : memref<!tpu.dma_semaphore, #tpu.memory_space<semaphore_mem>>)
        %dma_wait3A = arith.constant 0 : i32
        %dma_wait3A_18 = tpu.memref_slice %arg4[%add3A_14, %dma_wait3A] : memref<131072x128xf32, #tpu.memory_space<hbm>> -> memref<256x128xf32, #tpu.memory_space<hbm>>
        %dma_wait3A_19 = arith.constant 0 : i32
        %dma_wait3A_20 = tpu.memref_slice %arg4[%add3A_14, %dma_wait3A_19] : memref<131072x128xf32, #tpu.memory_space<hbm>> -> memref<256x128xf32, #tpu.memory_space<hbm>>
        tpu.wait_dma2 semaphore(%run_scoped3A : memref<!tpu.dma_semaphore, #tpu.memory_space<semaphore_mem>>) src(%arg5 : memref<256x128xf32, #tpu.memory_space<vmem>>) dst(%dma_wait3A_20 : memref<256x128xf32, #tpu.memory_space<hbm>>)
        tpu.yield
      }) : () -> ()
    }
    %scan3A_4 = arith.constant 16 : i32
    return
  }
}

#map = affine_map<(d0, d1) -> (0, 0)>
#map1 = affine_map<(d0, d1) -> (0)>
module attributes {stable_mosaic.version = 14 : i64} {
  func.func @k(%arg0: i32, %arg1: i32, %arg2: memref<16384x128xf32, #tpu.memory_space<hbm>>, %arg3: memref<131072xi32, #tpu.memory_space<hbm>>, %arg4: memref<131072x128xf32, #tpu.memory_space<hbm>>, %arg5: memref<256x128xf32, #tpu.memory_space<vmem>>, %arg6: memref<256xi32, #tpu.memory_space<vmem>>) attributes {dimension_semantics = [#tpu.dimension_semantics<core_parallel>, #tpu.dimension_semantics<subcore_parallel>], iteration_bounds = array<i64: 2, 16>, scalar_prefetch = 0 : i64, scratch_operands = 2 : i64, tpu.core_type = #tpu.core_type<sc_vector_subcore>, window_params = [{transform_indices = #map}, {transform_indices = #map1}, {transform_indices = #map}]} {
    %mul3A = arith.constant 2 : i32
    %mul3A_0 = arith.muli %arg1, %mul3A : i32
    %add3A = arith.addi %mul3A_0, %arg0 : i32
    %jit3A = arith.constant 8 : i32
    %div3A = arith.divsi %add3A, %jit3A : i32
    %sign3A = arith.constant 0 : i32
    %sign3A_1 = arith.cmpi sgt, %add3A, %sign3A : i32
    %sign3A_2 = arith.extui %sign3A_1 : i1 to i32
    %sign3A_3 = arith.constant 0 : i32
    %sign3A_4 = arith.cmpi slt, %add3A, %sign3A_3 : i32
    %sign3A_5 = arith.extui %sign3A_4 : i1 to i32
    %sign3A_6 = arith.subi %sign3A_2, %sign3A_5 : i32
    %sign3A_7 = arith.constant 0 : i32
    %sign3A_8 = arith.cmpi sgt, %jit3A, %sign3A_7 : i32
    %sign3A_9 = arith.extui %sign3A_8 : i1 to i32
    %sign3A_10 = arith.constant 0 : i32
    %sign3A_11 = arith.cmpi slt, %jit3A, %sign3A_10 : i32
    %sign3A_12 = arith.extui %sign3A_11 : i1 to i32
    %sign3A_13 = arith.subi %sign3A_9, %sign3A_12 : i32
    %ne3A = arith.cmpi ne, %sign3A_6, %sign3A_13 : i32
    %rem3A = arith.remsi %add3A, %jit3A : i32
    %ne3A_14 = arith.constant 0 : i32
    %ne3A_15 = arith.cmpi ne, %rem3A, %ne3A_14 : i32
    %and3A = arith.andi %ne3A, %ne3A_15 : i1
    %sub3A = arith.constant 1 : i32
    %sub3A_16 = arith.subi %div3A, %sub3A : i32
    %select_n3A = arith.select %and3A, %sub3A_16, %div3A : i32
    %jit3A_17 = arith.constant 8 : i32
    %eq3A = arith.constant 0 : i32
    %eq3A_18 = arith.cmpi eq, %jit3A_17, %eq3A : i32
    %jit3A_19 = arith.constant 1 : i32
    %select_n3A_20 = arith.select %eq3A_18, %jit3A_19, %jit3A_17 : i32
    %rem3A_21 = arith.remsi %add3A, %select_n3A_20 : i32
    %ne3A_22 = arith.constant 0 : i32
    %ne3A_23 = arith.cmpi ne, %rem3A_21, %ne3A_22 : i32
    %lt3A = arith.constant 0 : i32
    %lt3A_24 = arith.cmpi slt, %rem3A_21, %lt3A : i32
    %lt3A_25 = arith.constant 0 : i32
    %lt3A_26 = arith.cmpi slt, %select_n3A_20, %lt3A_25 : i32
    %ne3A_27 = arith.xori %lt3A_24, %lt3A_26 : i1
    %and3A_28 = arith.andi %ne3A_27, %ne3A_23 : i1
    %add3A_29 = arith.addi %rem3A_21, %select_n3A_20 : i32
    %select_n3A_30 = arith.select %and3A_28, %add3A_29, %rem3A_21 : i32
    %scan3A = arith.constant 0 : i32
    %scan3A_31 = arith.constant 2 : i32
    %scan3A_32 = arith.addi %scan3A, %scan3A_31 : i32
    %scan3A_33 = arith.constant 1 : i32
    scf.for %scan3A_35 = %scan3A to %scan3A_32 step %scan3A_33  : i32 {
      %mul3A_36 = arith.constant 1 : i32
      %mul3A_37 = arith.muli %scan3A_35, %mul3A_36 : i32
      %add3A_38 = arith.constant 0 : i32
      %add3A_39 = arith.addi %add3A_38, %mul3A_37 : i32
      %mul3A_40 = arith.constant 512 : i32
      %mul3A_41 = arith.muli %select_n3A_30, %mul3A_40 : i32
      %mul3A_42 = arith.constant 256 : i32
      %mul3A_43 = arith.muli %add3A_39, %mul3A_42 : i32
      %add3A_44 = arith.addi %mul3A_41, %mul3A_43 : i32
      %mul3A_45 = arith.constant 4096 : i32
      %mul3A_46 = arith.muli %select_n3A, %mul3A_45 : i32
      %add3A_47 = arith.addi %mul3A_46, %add3A_44 : i32
      "tpu.region"() ({
        %run_scoped3A = tpu.sem_alloc : memref<!tpu.dma_semaphore, #tpu.memory_space<semaphore_mem>>
        %dma_start3A = arith.constant 0 : i32
        %dma_start3A_104 = tpu.memref_slice %arg2[%add3A_47, %dma_start3A] : memref<16384x128xf32, #tpu.memory_space<hbm>> -> memref<256x128xf32, #tpu.memory_space<hbm>>
        %dma_start3A_105 = arith.constant 0 : i32
        %dma_start3A_106 = tpu.memref_slice %arg2[%add3A_47, %dma_start3A_105] : memref<16384x128xf32, #tpu.memory_space<hbm>> -> memref<256x128xf32, #tpu.memory_space<hbm>>
        tpu.enqueue_dma source(%dma_start3A_106 : memref<256x128xf32, #tpu.memory_space<hbm>>) target(%arg5 : memref<256x128xf32, #tpu.memory_space<vmem>>) target_semaphore(%run_scoped3A : memref<!tpu.dma_semaphore, #tpu.memory_space<semaphore_mem>>)
        %dma_wait3A = arith.constant 0 : i32
        %dma_wait3A_107 = tpu.memref_slice %arg2[%add3A_47, %dma_wait3A] : memref<16384x128xf32, #tpu.memory_space<hbm>> -> memref<256x128xf32, #tpu.memory_space<hbm>>
        %dma_wait3A_108 = arith.constant 0 : i32
        %dma_wait3A_109 = tpu.memref_slice %arg2[%add3A_47, %dma_wait3A_108] : memref<16384x128xf32, #tpu.memory_space<hbm>> -> memref<256x128xf32, #tpu.memory_space<hbm>>
        tpu.wait_dma2 semaphore(%run_scoped3A : memref<!tpu.dma_semaphore, #tpu.memory_space<semaphore_mem>>) src(%dma_wait3A_109 : memref<256x128xf32, #tpu.memory_space<hbm>>) dst(%arg5 : memref<256x128xf32, #tpu.memory_space<vmem>>)
        tpu.yield
      }) : () -> ()
      %mul3A_48 = arith.constant 8 : i32
      %mul3A_49 = arith.muli %select_n3A, %mul3A_48 : i32
      %add3A_50 = arith.constant 0 : i32
      %add3A_51 = arith.addi %mul3A_49, %add3A_50 : i32
      %mul3A_52 = arith.constant 4096 : i32
      %mul3A_53 = arith.muli %add3A_51, %mul3A_52 : i32
      %add3A_54 = arith.addi %mul3A_53, %add3A_44 : i32
      "tpu.region"() ({
        %run_scoped3A = tpu.sem_alloc : memref<!tpu.dma_semaphore, #tpu.memory_space<semaphore_mem>>
        %dma_start3A = tpu.memref_slice %arg3[%add3A_54] : memref<131072xi32, #tpu.memory_space<hbm>> -> memref<256xi32, #tpu.memory_space<hbm>>
        %dma_start3A_104 = tpu.memref_slice %arg3[%add3A_54] : memref<131072xi32, #tpu.memory_space<hbm>> -> memref<256xi32, #tpu.memory_space<hbm>>
        tpu.enqueue_dma source(%dma_start3A_104 : memref<256xi32, #tpu.memory_space<hbm>>) target(%arg6 : memref<256xi32, #tpu.memory_space<vmem>>) target_semaphore(%run_scoped3A : memref<!tpu.dma_semaphore, #tpu.memory_space<semaphore_mem>>)
        %dma_wait3A = tpu.memref_slice %arg3[%add3A_54] : memref<131072xi32, #tpu.memory_space<hbm>> -> memref<256xi32, #tpu.memory_space<hbm>>
        %dma_wait3A_105 = tpu.memref_slice %arg3[%add3A_54] : memref<131072xi32, #tpu.memory_space<hbm>> -> memref<256xi32, #tpu.memory_space<hbm>>
        tpu.wait_dma2 semaphore(%run_scoped3A : memref<!tpu.dma_semaphore, #tpu.memory_space<semaphore_mem>>) src(%dma_wait3A_105 : memref<256xi32, #tpu.memory_space<hbm>>) dst(%arg6 : memref<256xi32, #tpu.memory_space<vmem>>)
        tpu.yield
      }) : () -> ()
      "tpu.region"() ({
        %run_scoped3A = tpu.sem_alloc : memref<!tpu.dma_semaphore, #tpu.memory_space<semaphore_mem>>
        %dma_start3A = arith.constant 0 : i32
        %dma_start3A_104 = arith.constant 0 : i32
        %dma_start3A_105 = tpu.memref_slice %arg4[%dma_start3A, %dma_start3A_104] : memref<131072x128xf32, #tpu.memory_space<hbm>> -> memref<131072x128xf32, #tpu.memory_space<hbm>>
        tpu.enqueue_indirect_dma source(%arg5 : memref<256x128xf32, #tpu.memory_space<vmem>>) target(%dma_start3A_105 : memref<131072x128xf32, #tpu.memory_space<hbm>>) offsets(%arg6 : memref<256xi32, #tpu.memory_space<vmem>>) semaphore(%run_scoped3A : memref<!tpu.dma_semaphore, #tpu.memory_space<semaphore_mem>>)
        %dma_wait3A = arith.constant 0 : i32
        %dma_wait3A_106 = arith.constant 0 : i32
        %dma_wait3A_107 = tpu.memref_slice %arg4[%dma_wait3A, %dma_wait3A_106] : memref<131072x128xf32, #tpu.memory_space<hbm>> -> memref<131072x128xf32, #tpu.memory_space<hbm>>
        tpu.wait_indirect_dma semaphore(%run_scoped3A : memref<!tpu.dma_semaphore, #tpu.memory_space<semaphore_mem>>) src(%arg5 : memref<256x128xf32, #tpu.memory_space<vmem>>) dst(%dma_wait3A_107 : memref<131072x128xf32, #tpu.memory_space<hbm>>)
        tpu.yield
      }) : () -> ()
      %mul3A_55 = arith.constant 8 : i32
      %mul3A_56 = arith.muli %select_n3A, %mul3A_55 : i32
      %add3A_57 = arith.constant 1 : i32
      %add3A_58 = arith.addi %mul3A_56, %add3A_57 : i32
      %mul3A_59 = arith.constant 4096 : i32
      %mul3A_60 = arith.muli %add3A_58, %mul3A_59 : i32
      %add3A_61 = arith.addi %mul3A_60, %add3A_44 : i32
      "tpu.region"() ({
        %run_scoped3A = tpu.sem_alloc : memref<!tpu.dma_semaphore, #tpu.memory_space<semaphore_mem>>
        %dma_start3A = tpu.memref_slice %arg3[%add3A_61] : memref<131072xi32, #tpu.memory_space<hbm>> -> memref<256xi32, #tpu.memory_space<hbm>>
        %dma_start3A_104 = tpu.memref_slice %arg3[%add3A_61] : memref<131072xi32, #tpu.memory_space<hbm>> -> memref<256xi32, #tpu.memory_space<hbm>>
        tpu.enqueue_dma source(%dma_start3A_104 : memref<256xi32, #tpu.memory_space<hbm>>) target(%arg6 : memref<256xi32, #tpu.memory_space<vmem>>) target_semaphore(%run_scoped3A : memref<!tpu.dma_semaphore, #tpu.memory_space<semaphore_mem>>)
        %dma_wait3A = tpu.memref_slice %arg3[%add3A_61] : memref<131072xi32, #tpu.memory_space<hbm>> -> memref<256xi32, #tpu.memory_space<hbm>>
        %dma_wait3A_105 = tpu.memref_slice %arg3[%add3A_61] : memref<131072xi32, #tpu.memory_space<hbm>> -> memref<256xi32, #tpu.memory_space<hbm>>
        tpu.wait_dma2 semaphore(%run_scoped3A : memref<!tpu.dma_semaphore, #tpu.memory_space<semaphore_mem>>) src(%dma_wait3A_105 : memref<256xi32, #tpu.memory_space<hbm>>) dst(%arg6 : memref<256xi32, #tpu.memory_space<vmem>>)
        tpu.yield
      }) : () -> ()
      "tpu.region"() ({
        %run_scoped3A = tpu.sem_alloc : memref<!tpu.dma_semaphore, #tpu.memory_space<semaphore_mem>>
        %dma_start3A = arith.constant 0 : i32
        %dma_start3A_104 = arith.constant 0 : i32
        %dma_start3A_105 = tpu.memref_slice %arg4[%dma_start3A, %dma_start3A_104] : memref<131072x128xf32, #tpu.memory_space<hbm>> -> memref<131072x128xf32, #tpu.memory_space<hbm>>
        tpu.enqueue_indirect_dma source(%arg5 : memref<256x128xf32, #tpu.memory_space<vmem>>) target(%dma_start3A_105 : memref<131072x128xf32, #tpu.memory_space<hbm>>) offsets(%arg6 : memref<256xi32, #tpu.memory_space<vmem>>) semaphore(%run_scoped3A : memref<!tpu.dma_semaphore, #tpu.memory_space<semaphore_mem>>)
        %dma_wait3A = arith.constant 0 : i32
        %dma_wait3A_106 = arith.constant 0 : i32
        %dma_wait3A_107 = tpu.memref_slice %arg4[%dma_wait3A, %dma_wait3A_106] : memref<131072x128xf32, #tpu.memory_space<hbm>> -> memref<131072x128xf32, #tpu.memory_space<hbm>>
        tpu.wait_indirect_dma semaphore(%run_scoped3A : memref<!tpu.dma_semaphore, #tpu.memory_space<semaphore_mem>>) src(%arg5 : memref<256x128xf32, #tpu.memory_space<vmem>>) dst(%dma_wait3A_107 : memref<131072x128xf32, #tpu.memory_space<hbm>>)
        tpu.yield
      }) : () -> ()
      %mul3A_62 = arith.constant 8 : i32
      %mul3A_63 = arith.muli %select_n3A, %mul3A_62 : i32
      %add3A_64 = arith.constant 2 : i32
      %add3A_65 = arith.addi %mul3A_63, %add3A_64 : i32
      %mul3A_66 = arith.constant 4096 : i32
      %mul3A_67 = arith.muli %add3A_65, %mul3A_66 : i32
      %add3A_68 = arith.addi %mul3A_67, %add3A_44 : i32
      "tpu.region"() ({
        %run_scoped3A = tpu.sem_alloc : memref<!tpu.dma_semaphore, #tpu.memory_space<semaphore_mem>>
        %dma_start3A = tpu.memref_slice %arg3[%add3A_68] : memref<131072xi32, #tpu.memory_space<hbm>> -> memref<256xi32, #tpu.memory_space<hbm>>
        %dma_start3A_104 = tpu.memref_slice %arg3[%add3A_68] : memref<131072xi32, #tpu.memory_space<hbm>> -> memref<256xi32, #tpu.memory_space<hbm>>
        tpu.enqueue_dma source(%dma_start3A_104 : memref<256xi32, #tpu.memory_space<hbm>>) target(%arg6 : memref<256xi32, #tpu.memory_space<vmem>>) target_semaphore(%run_scoped3A : memref<!tpu.dma_semaphore, #tpu.memory_space<semaphore_mem>>)
        %dma_wait3A = tpu.memref_slice %arg3[%add3A_68] : memref<131072xi32, #tpu.memory_space<hbm>> -> memref<256xi32, #tpu.memory_space<hbm>>
        %dma_wait3A_105 = tpu.memref_slice %arg3[%add3A_68] : memref<131072xi32, #tpu.memory_space<hbm>> -> memref<256xi32, #tpu.memory_space<hbm>>
        tpu.wait_dma2 semaphore(%run_scoped3A : memref<!tpu.dma_semaphore, #tpu.memory_space<semaphore_mem>>) src(%dma_wait3A_105 : memref<256xi32, #tpu.memory_space<hbm>>) dst(%arg6 : memref<256xi32, #tpu.memory_space<vmem>>)
        tpu.yield
      }) : () -> ()
      "tpu.region"() ({
        %run_scoped3A = tpu.sem_alloc : memref<!tpu.dma_semaphore, #tpu.memory_space<semaphore_mem>>
        %dma_start3A = arith.constant 0 : i32
        %dma_start3A_104 = arith.constant 0 : i32
        %dma_start3A_105 = tpu.memref_slice %arg4[%dma_start3A, %dma_start3A_104] : memref<131072x128xf32, #tpu.memory_space<hbm>> -> memref<131072x128xf32, #tpu.memory_space<hbm>>
        tpu.enqueue_indirect_dma source(%arg5 : memref<256x128xf32, #tpu.memory_space<vmem>>) target(%dma_start3A_105 : memref<131072x128xf32, #tpu.memory_space<hbm>>) offsets(%arg6 : memref<256xi32, #tpu.memory_space<vmem>>) semaphore(%run_scoped3A : memref<!tpu.dma_semaphore, #tpu.memory_space<semaphore_mem>>)
        %dma_wait3A = arith.constant 0 : i32
        %dma_wait3A_106 = arith.constant 0 : i32
        %dma_wait3A_107 = tpu.memref_slice %arg4[%dma_wait3A, %dma_wait3A_106] : memref<131072x128xf32, #tpu.memory_space<hbm>> -> memref<131072x128xf32, #tpu.memory_space<hbm>>
        tpu.wait_indirect_dma semaphore(%run_scoped3A : memref<!tpu.dma_semaphore, #tpu.memory_space<semaphore_mem>>) src(%arg5 : memref<256x128xf32, #tpu.memory_space<vmem>>) dst(%dma_wait3A_107 : memref<131072x128xf32, #tpu.memory_space<hbm>>)
        tpu.yield
      }) : () -> ()
      %mul3A_69 = arith.constant 8 : i32
      %mul3A_70 = arith.muli %select_n3A, %mul3A_69 : i32
      %add3A_71 = arith.constant 3 : i32
      %add3A_72 = arith.addi %mul3A_70, %add3A_71 : i32
      %mul3A_73 = arith.constant 4096 : i32
      %mul3A_74 = arith.muli %add3A_72, %mul3A_73 : i32
      %add3A_75 = arith.addi %mul3A_74, %add3A_44 : i32
      "tpu.region"() ({
        %run_scoped3A = tpu.sem_alloc : memref<!tpu.dma_semaphore, #tpu.memory_space<semaphore_mem>>
        %dma_start3A = tpu.memref_slice %arg3[%add3A_75] : memref<131072xi32, #tpu.memory_space<hbm>> -> memref<256xi32, #tpu.memory_space<hbm>>
        %dma_start3A_104 = tpu.memref_slice %arg3[%add3A_75] : memref<131072xi32, #tpu.memory_space<hbm>> -> memref<256xi32, #tpu.memory_space<hbm>>
        tpu.enqueue_dma source(%dma_start3A_104 : memref<256xi32, #tpu.memory_space<hbm>>) target(%arg6 : memref<256xi32, #tpu.memory_space<vmem>>) target_semaphore(%run_scoped3A : memref<!tpu.dma_semaphore, #tpu.memory_space<semaphore_mem>>)
        %dma_wait3A = tpu.memref_slice %arg3[%add3A_75] : memref<131072xi32, #tpu.memory_space<hbm>> -> memref<256xi32, #tpu.memory_space<hbm>>
        %dma_wait3A_105 = tpu.memref_slice %arg3[%add3A_75] : memref<131072xi32, #tpu.memory_space<hbm>> -> memref<256xi32, #tpu.memory_space<hbm>>
        tpu.wait_dma2 semaphore(%run_scoped3A : memref<!tpu.dma_semaphore, #tpu.memory_space<semaphore_mem>>) src(%dma_wait3A_105 : memref<256xi32, #tpu.memory_space<hbm>>) dst(%arg6 : memref<256xi32, #tpu.memory_space<vmem>>)
        tpu.yield
      }) : () -> ()
      "tpu.region"() ({
        %run_scoped3A = tpu.sem_alloc : memref<!tpu.dma_semaphore, #tpu.memory_space<semaphore_mem>>
        %dma_start3A = arith.constant 0 : i32
        %dma_start3A_104 = arith.constant 0 : i32
        %dma_start3A_105 = tpu.memref_slice %arg4[%dma_start3A, %dma_start3A_104] : memref<131072x128xf32, #tpu.memory_space<hbm>> -> memref<131072x128xf32, #tpu.memory_space<hbm>>
        tpu.enqueue_indirect_dma source(%arg5 : memref<256x128xf32, #tpu.memory_space<vmem>>) target(%dma_start3A_105 : memref<131072x128xf32, #tpu.memory_space<hbm>>) offsets(%arg6 : memref<256xi32, #tpu.memory_space<vmem>>) semaphore(%run_scoped3A : memref<!tpu.dma_semaphore, #tpu.memory_space<semaphore_mem>>)
        %dma_wait3A = arith.constant 0 : i32
        %dma_wait3A_106 = arith.constant 0 : i32
        %dma_wait3A_107 = tpu.memref_slice %arg4[%dma_wait3A, %dma_wait3A_106] : memref<131072x128xf32, #tpu.memory_space<hbm>> -> memref<131072x128xf32, #tpu.memory_space<hbm>>
        tpu.wait_indirect_dma semaphore(%run_scoped3A : memref<!tpu.dma_semaphore, #tpu.memory_space<semaphore_mem>>) src(%arg5 : memref<256x128xf32, #tpu.memory_space<vmem>>) dst(%dma_wait3A_107 : memref<131072x128xf32, #tpu.memory_space<hbm>>)
        tpu.yield
      }) : () -> ()
      %mul3A_76 = arith.constant 8 : i32
      %mul3A_77 = arith.muli %select_n3A, %mul3A_76 : i32
      %add3A_78 = arith.constant 4 : i32
      %add3A_79 = arith.addi %mul3A_77, %add3A_78 : i32
      %mul3A_80 = arith.constant 4096 : i32
      %mul3A_81 = arith.muli %add3A_79, %mul3A_80 : i32
      %add3A_82 = arith.addi %mul3A_81, %add3A_44 : i32
      "tpu.region"() ({
        %run_scoped3A = tpu.sem_alloc : memref<!tpu.dma_semaphore, #tpu.memory_space<semaphore_mem>>
        %dma_start3A = tpu.memref_slice %arg3[%add3A_82] : memref<131072xi32, #tpu.memory_space<hbm>> -> memref<256xi32, #tpu.memory_space<hbm>>
        %dma_start3A_104 = tpu.memref_slice %arg3[%add3A_82] : memref<131072xi32, #tpu.memory_space<hbm>> -> memref<256xi32, #tpu.memory_space<hbm>>
        tpu.enqueue_dma source(%dma_start3A_104 : memref<256xi32, #tpu.memory_space<hbm>>) target(%arg6 : memref<256xi32, #tpu.memory_space<vmem>>) target_semaphore(%run_scoped3A : memref<!tpu.dma_semaphore, #tpu.memory_space<semaphore_mem>>)
        %dma_wait3A = tpu.memref_slice %arg3[%add3A_82] : memref<131072xi32, #tpu.memory_space<hbm>> -> memref<256xi32, #tpu.memory_space<hbm>>
        %dma_wait3A_105 = tpu.memref_slice %arg3[%add3A_82] : memref<131072xi32, #tpu.memory_space<hbm>> -> memref<256xi32, #tpu.memory_space<hbm>>
        tpu.wait_dma2 semaphore(%run_scoped3A : memref<!tpu.dma_semaphore, #tpu.memory_space<semaphore_mem>>) src(%dma_wait3A_105 : memref<256xi32, #tpu.memory_space<hbm>>) dst(%arg6 : memref<256xi32, #tpu.memory_space<vmem>>)
        tpu.yield
      }) : () -> ()
      "tpu.region"() ({
        %run_scoped3A = tpu.sem_alloc : memref<!tpu.dma_semaphore, #tpu.memory_space<semaphore_mem>>
        %dma_start3A = arith.constant 0 : i32
        %dma_start3A_104 = arith.constant 0 : i32
        %dma_start3A_105 = tpu.memref_slice %arg4[%dma_start3A, %dma_start3A_104] : memref<131072x128xf32, #tpu.memory_space<hbm>> -> memref<131072x128xf32, #tpu.memory_space<hbm>>
        tpu.enqueue_indirect_dma source(%arg5 : memref<256x128xf32, #tpu.memory_space<vmem>>) target(%dma_start3A_105 : memref<131072x128xf32, #tpu.memory_space<hbm>>) offsets(%arg6 : memref<256xi32, #tpu.memory_space<vmem>>) semaphore(%run_scoped3A : memref<!tpu.dma_semaphore, #tpu.memory_space<semaphore_mem>>)
        %dma_wait3A = arith.constant 0 : i32
        %dma_wait3A_106 = arith.constant 0 : i32
        %dma_wait3A_107 = tpu.memref_slice %arg4[%dma_wait3A, %dma_wait3A_106] : memref<131072x128xf32, #tpu.memory_space<hbm>> -> memref<131072x128xf32, #tpu.memory_space<hbm>>
        tpu.wait_indirect_dma semaphore(%run_scoped3A : memref<!tpu.dma_semaphore, #tpu.memory_space<semaphore_mem>>) src(%arg5 : memref<256x128xf32, #tpu.memory_space<vmem>>) dst(%dma_wait3A_107 : memref<131072x128xf32, #tpu.memory_space<hbm>>)
        tpu.yield
      }) : () -> ()
      %mul3A_83 = arith.constant 8 : i32
      %mul3A_84 = arith.muli %select_n3A, %mul3A_83 : i32
      %add3A_85 = arith.constant 5 : i32
      %add3A_86 = arith.addi %mul3A_84, %add3A_85 : i32
      %mul3A_87 = arith.constant 4096 : i32
      %mul3A_88 = arith.muli %add3A_86, %mul3A_87 : i32
      %add3A_89 = arith.addi %mul3A_88, %add3A_44 : i32
      "tpu.region"() ({
        %run_scoped3A = tpu.sem_alloc : memref<!tpu.dma_semaphore, #tpu.memory_space<semaphore_mem>>
        %dma_start3A = tpu.memref_slice %arg3[%add3A_89] : memref<131072xi32, #tpu.memory_space<hbm>> -> memref<256xi32, #tpu.memory_space<hbm>>
        %dma_start3A_104 = tpu.memref_slice %arg3[%add3A_89] : memref<131072xi32, #tpu.memory_space<hbm>> -> memref<256xi32, #tpu.memory_space<hbm>>
        tpu.enqueue_dma source(%dma_start3A_104 : memref<256xi32, #tpu.memory_space<hbm>>) target(%arg6 : memref<256xi32, #tpu.memory_space<vmem>>) target_semaphore(%run_scoped3A : memref<!tpu.dma_semaphore, #tpu.memory_space<semaphore_mem>>)
        %dma_wait3A = tpu.memref_slice %arg3[%add3A_89] : memref<131072xi32, #tpu.memory_space<hbm>> -> memref<256xi32, #tpu.memory_space<hbm>>
        %dma_wait3A_105 = tpu.memref_slice %arg3[%add3A_89] : memref<131072xi32, #tpu.memory_space<hbm>> -> memref<256xi32, #tpu.memory_space<hbm>>
        tpu.wait_dma2 semaphore(%run_scoped3A : memref<!tpu.dma_semaphore, #tpu.memory_space<semaphore_mem>>) src(%dma_wait3A_105 : memref<256xi32, #tpu.memory_space<hbm>>) dst(%arg6 : memref<256xi32, #tpu.memory_space<vmem>>)
        tpu.yield
      }) : () -> ()
      "tpu.region"() ({
        %run_scoped3A = tpu.sem_alloc : memref<!tpu.dma_semaphore, #tpu.memory_space<semaphore_mem>>
        %dma_start3A = arith.constant 0 : i32
        %dma_start3A_104 = arith.constant 0 : i32
        %dma_start3A_105 = tpu.memref_slice %arg4[%dma_start3A, %dma_start3A_104] : memref<131072x128xf32, #tpu.memory_space<hbm>> -> memref<131072x128xf32, #tpu.memory_space<hbm>>
        tpu.enqueue_indirect_dma source(%arg5 : memref<256x128xf32, #tpu.memory_space<vmem>>) target(%dma_start3A_105 : memref<131072x128xf32, #tpu.memory_space<hbm>>) offsets(%arg6 : memref<256xi32, #tpu.memory_space<vmem>>) semaphore(%run_scoped3A : memref<!tpu.dma_semaphore, #tpu.memory_space<semaphore_mem>>)
        %dma_wait3A = arith.constant 0 : i32
        %dma_wait3A_106 = arith.constant 0 : i32
        %dma_wait3A_107 = tpu.memref_slice %arg4[%dma_wait3A, %dma_wait3A_106] : memref<131072x128xf32, #tpu.memory_space<hbm>> -> memref<131072x128xf32, #tpu.memory_space<hbm>>
        tpu.wait_indirect_dma semaphore(%run_scoped3A : memref<!tpu.dma_semaphore, #tpu.memory_space<semaphore_mem>>) src(%arg5 : memref<256x128xf32, #tpu.memory_space<vmem>>) dst(%dma_wait3A_107 : memref<131072x128xf32, #tpu.memory_space<hbm>>)
        tpu.yield
      }) : () -> ()
      %mul3A_90 = arith.constant 8 : i32
      %mul3A_91 = arith.muli %select_n3A, %mul3A_90 : i32
      %add3A_92 = arith.constant 6 : i32
      %add3A_93 = arith.addi %mul3A_91, %add3A_92 : i32
      %mul3A_94 = arith.constant 4096 : i32
      %mul3A_95 = arith.muli %add3A_93, %mul3A_94 : i32
      %add3A_96 = arith.addi %mul3A_95, %add3A_44 : i32
      "tpu.region"() ({
        %run_scoped3A = tpu.sem_alloc : memref<!tpu.dma_semaphore, #tpu.memory_space<semaphore_mem>>
        %dma_start3A = tpu.memref_slice %arg3[%add3A_96] : memref<131072xi32, #tpu.memory_space<hbm>> -> memref<256xi32, #tpu.memory_space<hbm>>
        %dma_start3A_104 = tpu.memref_slice %arg3[%add3A_96] : memref<131072xi32, #tpu.memory_space<hbm>> -> memref<256xi32, #tpu.memory_space<hbm>>
        tpu.enqueue_dma source(%dma_start3A_104 : memref<256xi32, #tpu.memory_space<hbm>>) target(%arg6 : memref<256xi32, #tpu.memory_space<vmem>>) target_semaphore(%run_scoped3A : memref<!tpu.dma_semaphore, #tpu.memory_space<semaphore_mem>>)
        %dma_wait3A = tpu.memref_slice %arg3[%add3A_96] : memref<131072xi32, #tpu.memory_space<hbm>> -> memref<256xi32, #tpu.memory_space<hbm>>
        %dma_wait3A_105 = tpu.memref_slice %arg3[%add3A_96] : memref<131072xi32, #tpu.memory_space<hbm>> -> memref<256xi32, #tpu.memory_space<hbm>>
        tpu.wait_dma2 semaphore(%run_scoped3A : memref<!tpu.dma_semaphore, #tpu.memory_space<semaphore_mem>>) src(%dma_wait3A_105 : memref<256xi32, #tpu.memory_space<hbm>>) dst(%arg6 : memref<256xi32, #tpu.memory_space<vmem>>)
        tpu.yield
      }) : () -> ()
      "tpu.region"() ({
        %run_scoped3A = tpu.sem_alloc : memref<!tpu.dma_semaphore, #tpu.memory_space<semaphore_mem>>
        %dma_start3A = arith.constant 0 : i32
        %dma_start3A_104 = arith.constant 0 : i32
        %dma_start3A_105 = tpu.memref_slice %arg4[%dma_start3A, %dma_start3A_104] : memref<131072x128xf32, #tpu.memory_space<hbm>> -> memref<131072x128xf32, #tpu.memory_space<hbm>>
        tpu.enqueue_indirect_dma source(%arg5 : memref<256x128xf32, #tpu.memory_space<vmem>>) target(%dma_start3A_105 : memref<131072x128xf32, #tpu.memory_space<hbm>>) offsets(%arg6 : memref<256xi32, #tpu.memory_space<vmem>>) semaphore(%run_scoped3A : memref<!tpu.dma_semaphore, #tpu.memory_space<semaphore_mem>>)
        %dma_wait3A = arith.constant 0 : i32
        %dma_wait3A_106 = arith.constant 0 : i32
        %dma_wait3A_107 = tpu.memref_slice %arg4[%dma_wait3A, %dma_wait3A_106] : memref<131072x128xf32, #tpu.memory_space<hbm>> -> memref<131072x128xf32, #tpu.memory_space<hbm>>
        tpu.wait_indirect_dma semaphore(%run_scoped3A : memref<!tpu.dma_semaphore, #tpu.memory_space<semaphore_mem>>) src(%arg5 : memref<256x128xf32, #tpu.memory_space<vmem>>) dst(%dma_wait3A_107 : memref<131072x128xf32, #tpu.memory_space<hbm>>)
        tpu.yield
      }) : () -> ()
      %mul3A_97 = arith.constant 8 : i32
      %mul3A_98 = arith.muli %select_n3A, %mul3A_97 : i32
      %add3A_99 = arith.constant 7 : i32
      %add3A_100 = arith.addi %mul3A_98, %add3A_99 : i32
      %mul3A_101 = arith.constant 4096 : i32
      %mul3A_102 = arith.muli %add3A_100, %mul3A_101 : i32
      %add3A_103 = arith.addi %mul3A_102, %add3A_44 : i32
      "tpu.region"() ({
        %run_scoped3A = tpu.sem_alloc : memref<!tpu.dma_semaphore, #tpu.memory_space<semaphore_mem>>
        %dma_start3A = tpu.memref_slice %arg3[%add3A_103] : memref<131072xi32, #tpu.memory_space<hbm>> -> memref<256xi32, #tpu.memory_space<hbm>>
        %dma_start3A_104 = tpu.memref_slice %arg3[%add3A_103] : memref<131072xi32, #tpu.memory_space<hbm>> -> memref<256xi32, #tpu.memory_space<hbm>>
        tpu.enqueue_dma source(%dma_start3A_104 : memref<256xi32, #tpu.memory_space<hbm>>) target(%arg6 : memref<256xi32, #tpu.memory_space<vmem>>) target_semaphore(%run_scoped3A : memref<!tpu.dma_semaphore, #tpu.memory_space<semaphore_mem>>)
        %dma_wait3A = tpu.memref_slice %arg3[%add3A_103] : memref<131072xi32, #tpu.memory_space<hbm>> -> memref<256xi32, #tpu.memory_space<hbm>>
        %dma_wait3A_105 = tpu.memref_slice %arg3[%add3A_103] : memref<131072xi32, #tpu.memory_space<hbm>> -> memref<256xi32, #tpu.memory_space<hbm>>
        tpu.wait_dma2 semaphore(%run_scoped3A : memref<!tpu.dma_semaphore, #tpu.memory_space<semaphore_mem>>) src(%dma_wait3A_105 : memref<256xi32, #tpu.memory_space<hbm>>) dst(%arg6 : memref<256xi32, #tpu.memory_space<vmem>>)
        tpu.yield
      }) : () -> ()
      "tpu.region"() ({
        %run_scoped3A = tpu.sem_alloc : memref<!tpu.dma_semaphore, #tpu.memory_space<semaphore_mem>>
        %dma_start3A = arith.constant 0 : i32
        %dma_start3A_104 = arith.constant 0 : i32
        %dma_start3A_105 = tpu.memref_slice %arg4[%dma_start3A, %dma_start3A_104] : memref<131072x128xf32, #tpu.memory_space<hbm>> -> memref<131072x128xf32, #tpu.memory_space<hbm>>
        tpu.enqueue_indirect_dma source(%arg5 : memref<256x128xf32, #tpu.memory_space<vmem>>) target(%dma_start3A_105 : memref<131072x128xf32, #tpu.memory_space<hbm>>) offsets(%arg6 : memref<256xi32, #tpu.memory_space<vmem>>) semaphore(%run_scoped3A : memref<!tpu.dma_semaphore, #tpu.memory_space<semaphore_mem>>)
        %dma_wait3A = arith.constant 0 : i32
        %dma_wait3A_106 = arith.constant 0 : i32
        %dma_wait3A_107 = tpu.memref_slice %arg4[%dma_wait3A, %dma_wait3A_106] : memref<131072x128xf32, #tpu.memory_space<hbm>> -> memref<131072x128xf32, #tpu.memory_space<hbm>>
        tpu.wait_indirect_dma semaphore(%run_scoped3A : memref<!tpu.dma_semaphore, #tpu.memory_space<semaphore_mem>>) src(%arg5 : memref<256x128xf32, #tpu.memory_space<vmem>>) dst(%dma_wait3A_107 : memref<131072x128xf32, #tpu.memory_space<hbm>>)
        tpu.yield
      }) : () -> ()
    }
    %scan3A_34 = arith.constant 2 : i32
    return
  }
}

#map = affine_map<(d0, d1) -> (0, 0)>
#map1 = affine_map<(d0, d1) -> (0)>
module attributes {stable_mosaic.version = 14 : i64} {
  func.func @k(%arg0: i32, %arg1: i32, %arg2: memref<131072x128xf32, #tpu.memory_space<hbm>>, %arg3: memref<131072xi32, #tpu.memory_space<hbm>>, %arg4: memref<131072x128xf32, #tpu.memory_space<hbm>>, %arg5: memref<256x128xf32, #tpu.memory_space<vmem>>, %arg6: memref<256xi32, #tpu.memory_space<vmem>>) attributes {dimension_semantics = [#tpu.dimension_semantics<core_parallel>, #tpu.dimension_semantics<subcore_parallel>], iteration_bounds = array<i64: 2, 16>, scalar_prefetch = 0 : i64, scratch_operands = 2 : i64, tpu.core_type = #tpu.core_type<sc_vector_subcore>, window_params = [{transform_indices = #map}, {transform_indices = #map1}, {transform_indices = #map}]} {
    %mul3A = arith.constant 2 : i32
    %mul3A_0 = arith.muli %arg1, %mul3A : i32
    %add3A = arith.addi %mul3A_0, %arg0 : i32
    %scan3A = arith.constant 0 : i32
    %scan3A_1 = arith.constant 16 : i32
    %scan3A_2 = arith.addi %scan3A, %scan3A_1 : i32
    %scan3A_3 = arith.constant 1 : i32
    scf.for %scan3A_5 = %scan3A to %scan3A_2 step %scan3A_3  : i32 {
      %mul3A_6 = arith.constant 1 : i32
      %mul3A_7 = arith.muli %scan3A_5, %mul3A_6 : i32
      %add3A_8 = arith.constant 0 : i32
      %add3A_9 = arith.addi %add3A_8, %mul3A_7 : i32
      %mul3A_10 = arith.constant 4096 : i32
      %mul3A_11 = arith.muli %add3A, %mul3A_10 : i32
      %mul3A_12 = arith.constant 256 : i32
      %mul3A_13 = arith.muli %add3A_9, %mul3A_12 : i32
      %add3A_14 = arith.addi %mul3A_11, %mul3A_13 : i32
      "tpu.region"() ({
        %run_scoped3A = tpu.sem_alloc : memref<!tpu.dma_semaphore, #tpu.memory_space<semaphore_mem>>
        %dma_start3A = tpu.memref_slice %arg3[%add3A_14] : memref<131072xi32, #tpu.memory_space<hbm>> -> memref<256xi32, #tpu.memory_space<hbm>>
        %dma_start3A_15 = tpu.memref_slice %arg3[%add3A_14] : memref<131072xi32, #tpu.memory_space<hbm>> -> memref<256xi32, #tpu.memory_space<hbm>>
        tpu.enqueue_dma source(%dma_start3A_15 : memref<256xi32, #tpu.memory_space<hbm>>) target(%arg6 : memref<256xi32, #tpu.memory_space<vmem>>) target_semaphore(%run_scoped3A : memref<!tpu.dma_semaphore, #tpu.memory_space<semaphore_mem>>)
        %dma_wait3A = tpu.memref_slice %arg3[%add3A_14] : memref<131072xi32, #tpu.memory_space<hbm>> -> memref<256xi32, #tpu.memory_space<hbm>>
        %dma_wait3A_16 = tpu.memref_slice %arg3[%add3A_14] : memref<131072xi32, #tpu.memory_space<hbm>> -> memref<256xi32, #tpu.memory_space<hbm>>
        tpu.wait_dma2 semaphore(%run_scoped3A : memref<!tpu.dma_semaphore, #tpu.memory_space<semaphore_mem>>) src(%dma_wait3A_16 : memref<256xi32, #tpu.memory_space<hbm>>) dst(%arg6 : memref<256xi32, #tpu.memory_space<vmem>>)
        tpu.yield
      }) : () -> ()
      "tpu.region"() ({
        %run_scoped3A = tpu.sem_alloc : memref<!tpu.dma_semaphore, #tpu.memory_space<semaphore_mem>>
        %dma_start3A = arith.constant 0 : i32
        %dma_start3A_15 = arith.constant 0 : i32
        %dma_start3A_16 = tpu.memref_slice %arg2[%dma_start3A, %dma_start3A_15] : memref<131072x128xf32, #tpu.memory_space<hbm>> -> memref<131072x128xf32, #tpu.memory_space<hbm>>
        tpu.enqueue_indirect_dma source(%dma_start3A_16 : memref<131072x128xf32, #tpu.memory_space<hbm>>) target(%arg5 : memref<256x128xf32, #tpu.memory_space<vmem>>) offsets(%arg6 : memref<256xi32, #tpu.memory_space<vmem>>) semaphore(%run_scoped3A : memref<!tpu.dma_semaphore, #tpu.memory_space<semaphore_mem>>)
        %dma_wait3A = arith.constant 0 : i32
        %dma_wait3A_17 = arith.constant 0 : i32
        %dma_wait3A_18 = tpu.memref_slice %arg2[%dma_wait3A, %dma_wait3A_17] : memref<131072x128xf32, #tpu.memory_space<hbm>> -> memref<131072x128xf32, #tpu.memory_space<hbm>>
        tpu.wait_indirect_dma semaphore(%run_scoped3A : memref<!tpu.dma_semaphore, #tpu.memory_space<semaphore_mem>>) src(%dma_wait3A_18 : memref<131072x128xf32, #tpu.memory_space<hbm>>) dst(%arg5 : memref<256x128xf32, #tpu.memory_space<vmem>>)
        tpu.yield
      }) : () -> ()
      "tpu.region"() ({
        %run_scoped3A = tpu.sem_alloc : memref<!tpu.dma_semaphore, #tpu.memory_space<semaphore_mem>>
        %dma_start3A = arith.constant 0 : i32
        %dma_start3A_15 = tpu.memref_slice %arg4[%add3A_14, %dma_start3A] : memref<131072x128xf32, #tpu.memory_space<hbm>> -> memref<256x128xf32, #tpu.memory_space<hbm>>
        %dma_start3A_16 = arith.constant 0 : i32
        %dma_start3A_17 = tpu.memref_slice %arg4[%add3A_14, %dma_start3A_16] : memref<131072x128xf32, #tpu.memory_space<hbm>> -> memref<256x128xf32, #tpu.memory_space<hbm>>
        tpu.enqueue_dma source(%arg5 : memref<256x128xf32, #tpu.memory_space<vmem>>) target(%dma_start3A_17 : memref<256x128xf32, #tpu.memory_space<hbm>>) target_semaphore(%run_scoped3A : memref<!tpu.dma_semaphore, #tpu.memory_space<semaphore_mem>>)
        %dma_wait3A = arith.constant 0 : i32
        %dma_wait3A_18 = tpu.memref_slice %arg4[%add3A_14, %dma_wait3A] : memref<131072x128xf32, #tpu.memory_space<hbm>> -> memref<256x128xf32, #tpu.memory_space<hbm>>
        %dma_wait3A_19 = arith.constant 0 : i32
        %dma_wait3A_20 = tpu.memref_slice %arg4[%add3A_14, %dma_wait3A_19] : memref<131072x128xf32, #tpu.memory_space<hbm>> -> memref<256x128xf32, #tpu.memory_space<hbm>>
        tpu.wait_dma2 semaphore(%run_scoped3A : memref<!tpu.dma_semaphore, #tpu.memory_space<semaphore_mem>>) src(%arg5 : memref<256x128xf32, #tpu.memory_space<vmem>>) dst(%dma_wait3A_20 : memref<256x128xf32, #tpu.memory_space<hbm>>)
        tpu.yield
      }) : () -> ()
    }
    %scan3A_4 = arith.constant 16 : i32
    return
  }
}

#map = affine_map<(d0, d1) -> (0, 0)>
#map1 = affine_map<(d0, d1) -> (0)>
module attributes {stable_mosaic.version = 14 : i64} {
  func.func @k(%arg0: i32, %arg1: i32, %arg2: memref<16384x128xf32, #tpu.memory_space<hbm>>, %arg3: memref<131072xi32, #tpu.memory_space<hbm>>, %arg4: memref<131072x128xf32, #tpu.memory_space<hbm>>, %arg5: memref<256x128xf32, #tpu.memory_space<vmem>>, %arg6: memref<256xi32, #tpu.memory_space<vmem>>) attributes {dimension_semantics = [#tpu.dimension_semantics<core_parallel>, #tpu.dimension_semantics<subcore_parallel>], iteration_bounds = array<i64: 2, 16>, scalar_prefetch = 0 : i64, scratch_operands = 2 : i64, tpu.core_type = #tpu.core_type<sc_vector_subcore>, window_params = [{transform_indices = #map}, {transform_indices = #map1}, {transform_indices = #map}]} {
    %mul3A = arith.constant 2 : i32
    %mul3A_0 = arith.muli %arg1, %mul3A : i32
    %add3A = arith.addi %mul3A_0, %arg0 : i32
    %jit3A = arith.constant 8 : i32
    %div3A = arith.divsi %add3A, %jit3A : i32
    %sign3A = arith.constant 0 : i32
    %sign3A_1 = arith.cmpi sgt, %add3A, %sign3A : i32
    %sign3A_2 = arith.extui %sign3A_1 : i1 to i32
    %sign3A_3 = arith.constant 0 : i32
    %sign3A_4 = arith.cmpi slt, %add3A, %sign3A_3 : i32
    %sign3A_5 = arith.extui %sign3A_4 : i1 to i32
    %sign3A_6 = arith.subi %sign3A_2, %sign3A_5 : i32
    %sign3A_7 = arith.constant 0 : i32
    %sign3A_8 = arith.cmpi sgt, %jit3A, %sign3A_7 : i32
    %sign3A_9 = arith.extui %sign3A_8 : i1 to i32
    %sign3A_10 = arith.constant 0 : i32
    %sign3A_11 = arith.cmpi slt, %jit3A, %sign3A_10 : i32
    %sign3A_12 = arith.extui %sign3A_11 : i1 to i32
    %sign3A_13 = arith.subi %sign3A_9, %sign3A_12 : i32
    %ne3A = arith.cmpi ne, %sign3A_6, %sign3A_13 : i32
    %rem3A = arith.remsi %add3A, %jit3A : i32
    %ne3A_14 = arith.constant 0 : i32
    %ne3A_15 = arith.cmpi ne, %rem3A, %ne3A_14 : i32
    %and3A = arith.andi %ne3A, %ne3A_15 : i1
    %sub3A = arith.constant 1 : i32
    %sub3A_16 = arith.subi %div3A, %sub3A : i32
    %select_n3A = arith.select %and3A, %sub3A_16, %div3A : i32
    %jit3A_17 = arith.constant 8 : i32
    %eq3A = arith.constant 0 : i32
    %eq3A_18 = arith.cmpi eq, %jit3A_17, %eq3A : i32
    %jit3A_19 = arith.constant 1 : i32
    %select_n3A_20 = arith.select %eq3A_18, %jit3A_19, %jit3A_17 : i32
    %rem3A_21 = arith.remsi %add3A, %select_n3A_20 : i32
    %ne3A_22 = arith.constant 0 : i32
    %ne3A_23 = arith.cmpi ne, %rem3A_21, %ne3A_22 : i32
    %lt3A = arith.constant 0 : i32
    %lt3A_24 = arith.cmpi slt, %rem3A_21, %lt3A : i32
    %lt3A_25 = arith.constant 0 : i32
    %lt3A_26 = arith.cmpi slt, %select_n3A_20, %lt3A_25 : i32
    %ne3A_27 = arith.xori %lt3A_24, %lt3A_26 : i1
    %and3A_28 = arith.andi %ne3A_27, %ne3A_23 : i1
    %add3A_29 = arith.addi %rem3A_21, %select_n3A_20 : i32
    %select_n3A_30 = arith.select %and3A_28, %add3A_29, %rem3A_21 : i32
    %scan3A = arith.constant 0 : i32
    %scan3A_31 = arith.constant 2 : i32
    %scan3A_32 = arith.addi %scan3A, %scan3A_31 : i32
    %scan3A_33 = arith.constant 1 : i32
    scf.for %scan3A_35 = %scan3A to %scan3A_32 step %scan3A_33  : i32 {
      %mul3A_36 = arith.constant 1 : i32
      %mul3A_37 = arith.muli %scan3A_35, %mul3A_36 : i32
      %add3A_38 = arith.constant 0 : i32
      %add3A_39 = arith.addi %add3A_38, %mul3A_37 : i32
      %mul3A_40 = arith.constant 512 : i32
      %mul3A_41 = arith.muli %select_n3A_30, %mul3A_40 : i32
      %mul3A_42 = arith.constant 256 : i32
      %mul3A_43 = arith.muli %add3A_39, %mul3A_42 : i32
      %add3A_44 = arith.addi %mul3A_41, %mul3A_43 : i32
      %mul3A_45 = arith.constant 4096 : i32
      %mul3A_46 = arith.muli %select_n3A, %mul3A_45 : i32
      %add3A_47 = arith.addi %mul3A_46, %add3A_44 : i32
      "tpu.region"() ({
        %run_scoped3A = tpu.sem_alloc : memref<!tpu.dma_semaphore, #tpu.memory_space<semaphore_mem>>
        %dma_start3A = arith.constant 0 : i32
        %dma_start3A_104 = tpu.memref_slice %arg2[%add3A_47, %dma_start3A] : memref<16384x128xf32, #tpu.memory_space<hbm>> -> memref<256x128xf32, #tpu.memory_space<hbm>>
        %dma_start3A_105 = arith.constant 0 : i32
        %dma_start3A_106 = tpu.memref_slice %arg2[%add3A_47, %dma_start3A_105] : memref<16384x128xf32, #tpu.memory_space<hbm>> -> memref<256x128xf32, #tpu.memory_space<hbm>>
        tpu.enqueue_dma source(%dma_start3A_106 : memref<256x128xf32, #tpu.memory_space<hbm>>) target(%arg5 : memref<256x128xf32, #tpu.memory_space<vmem>>) target_semaphore(%run_scoped3A : memref<!tpu.dma_semaphore, #tpu.memory_space<semaphore_mem>>)
        %dma_wait3A = arith.constant 0 : i32
        %dma_wait3A_107 = tpu.memref_slice %arg2[%add3A_47, %dma_wait3A] : memref<16384x128xf32, #tpu.memory_space<hbm>> -> memref<256x128xf32, #tpu.memory_space<hbm>>
        %dma_wait3A_108 = arith.constant 0 : i32
        %dma_wait3A_109 = tpu.memref_slice %arg2[%add3A_47, %dma_wait3A_108] : memref<16384x128xf32, #tpu.memory_space<hbm>> -> memref<256x128xf32, #tpu.memory_space<hbm>>
        tpu.wait_dma2 semaphore(%run_scoped3A : memref<!tpu.dma_semaphore, #tpu.memory_space<semaphore_mem>>) src(%dma_wait3A_109 : memref<256x128xf32, #tpu.memory_space<hbm>>) dst(%arg5 : memref<256x128xf32, #tpu.memory_space<vmem>>)
        tpu.yield
      }) : () -> ()
      %mul3A_48 = arith.constant 8 : i32
      %mul3A_49 = arith.muli %select_n3A, %mul3A_48 : i32
      %add3A_50 = arith.constant 0 : i32
      %add3A_51 = arith.addi %mul3A_49, %add3A_50 : i32
      %mul3A_52 = arith.constant 4096 : i32
      %mul3A_53 = arith.muli %add3A_51, %mul3A_52 : i32
      %add3A_54 = arith.addi %mul3A_53, %add3A_44 : i32
      "tpu.region"() ({
        %run_scoped3A = tpu.sem_alloc : memref<!tpu.dma_semaphore, #tpu.memory_space<semaphore_mem>>
        %dma_start3A = tpu.memref_slice %arg3[%add3A_54] : memref<131072xi32, #tpu.memory_space<hbm>> -> memref<256xi32, #tpu.memory_space<hbm>>
        %dma_start3A_104 = tpu.memref_slice %arg3[%add3A_54] : memref<131072xi32, #tpu.memory_space<hbm>> -> memref<256xi32, #tpu.memory_space<hbm>>
        tpu.enqueue_dma source(%dma_start3A_104 : memref<256xi32, #tpu.memory_space<hbm>>) target(%arg6 : memref<256xi32, #tpu.memory_space<vmem>>) target_semaphore(%run_scoped3A : memref<!tpu.dma_semaphore, #tpu.memory_space<semaphore_mem>>)
        %dma_wait3A = tpu.memref_slice %arg3[%add3A_54] : memref<131072xi32, #tpu.memory_space<hbm>> -> memref<256xi32, #tpu.memory_space<hbm>>
        %dma_wait3A_105 = tpu.memref_slice %arg3[%add3A_54] : memref<131072xi32, #tpu.memory_space<hbm>> -> memref<256xi32, #tpu.memory_space<hbm>>
        tpu.wait_dma2 semaphore(%run_scoped3A : memref<!tpu.dma_semaphore, #tpu.memory_space<semaphore_mem>>) src(%dma_wait3A_105 : memref<256xi32, #tpu.memory_space<hbm>>) dst(%arg6 : memref<256xi32, #tpu.memory_space<vmem>>)
        tpu.yield
      }) : () -> ()
      "tpu.region"() ({
        %run_scoped3A = tpu.sem_alloc : memref<!tpu.dma_semaphore, #tpu.memory_space<semaphore_mem>>
        %dma_start3A = arith.constant 0 : i32
        %dma_start3A_104 = arith.constant 0 : i32
        %dma_start3A_105 = tpu.memref_slice %arg4[%dma_start3A, %dma_start3A_104] : memref<131072x128xf32, #tpu.memory_space<hbm>> -> memref<131072x128xf32, #tpu.memory_space<hbm>>
        tpu.enqueue_indirect_dma source(%arg5 : memref<256x128xf32, #tpu.memory_space<vmem>>) target(%dma_start3A_105 : memref<131072x128xf32, #tpu.memory_space<hbm>>) offsets(%arg6 : memref<256xi32, #tpu.memory_space<vmem>>) semaphore(%run_scoped3A : memref<!tpu.dma_semaphore, #tpu.memory_space<semaphore_mem>>)
        %dma_wait3A = arith.constant 0 : i32
        %dma_wait3A_106 = arith.constant 0 : i32
        %dma_wait3A_107 = tpu.memref_slice %arg4[%dma_wait3A, %dma_wait3A_106] : memref<131072x128xf32, #tpu.memory_space<hbm>> -> memref<131072x128xf32, #tpu.memory_space<hbm>>
        tpu.wait_indirect_dma semaphore(%run_scoped3A : memref<!tpu.dma_semaphore, #tpu.memory_space<semaphore_mem>>) src(%arg5 : memref<256x128xf32, #tpu.memory_space<vmem>>) dst(%dma_wait3A_107 : memref<131072x128xf32, #tpu.memory_space<hbm>>)
        tpu.yield
      }) : () -> ()
      %mul3A_55 = arith.constant 8 : i32
      %mul3A_56 = arith.muli %select_n3A, %mul3A_55 : i32
      %add3A_57 = arith.constant 1 : i32
      %add3A_58 = arith.addi %mul3A_56, %add3A_57 : i32
      %mul3A_59 = arith.constant 4096 : i32
      %mul3A_60 = arith.muli %add3A_58, %mul3A_59 : i32
      %add3A_61 = arith.addi %mul3A_60, %add3A_44 : i32
      "tpu.region"() ({
        %run_scoped3A = tpu.sem_alloc : memref<!tpu.dma_semaphore, #tpu.memory_space<semaphore_mem>>
        %dma_start3A = tpu.memref_slice %arg3[%add3A_61] : memref<131072xi32, #tpu.memory_space<hbm>> -> memref<256xi32, #tpu.memory_space<hbm>>
        %dma_start3A_104 = tpu.memref_slice %arg3[%add3A_61] : memref<131072xi32, #tpu.memory_space<hbm>> -> memref<256xi32, #tpu.memory_space<hbm>>
        tpu.enqueue_dma source(%dma_start3A_104 : memref<256xi32, #tpu.memory_space<hbm>>) target(%arg6 : memref<256xi32, #tpu.memory_space<vmem>>) target_semaphore(%run_scoped3A : memref<!tpu.dma_semaphore, #tpu.memory_space<semaphore_mem>>)
        %dma_wait3A = tpu.memref_slice %arg3[%add3A_61] : memref<131072xi32, #tpu.memory_space<hbm>> -> memref<256xi32, #tpu.memory_space<hbm>>
        %dma_wait3A_105 = tpu.memref_slice %arg3[%add3A_61] : memref<131072xi32, #tpu.memory_space<hbm>> -> memref<256xi32, #tpu.memory_space<hbm>>
        tpu.wait_dma2 semaphore(%run_scoped3A : memref<!tpu.dma_semaphore, #tpu.memory_space<semaphore_mem>>) src(%dma_wait3A_105 : memref<256xi32, #tpu.memory_space<hbm>>) dst(%arg6 : memref<256xi32, #tpu.memory_space<vmem>>)
        tpu.yield
      }) : () -> ()
      "tpu.region"() ({
        %run_scoped3A = tpu.sem_alloc : memref<!tpu.dma_semaphore, #tpu.memory_space<semaphore_mem>>
        %dma_start3A = arith.constant 0 : i32
        %dma_start3A_104 = arith.constant 0 : i32
        %dma_start3A_105 = tpu.memref_slice %arg4[%dma_start3A, %dma_start3A_104] : memref<131072x128xf32, #tpu.memory_space<hbm>> -> memref<131072x128xf32, #tpu.memory_space<hbm>>
        tpu.enqueue_indirect_dma source(%arg5 : memref<256x128xf32, #tpu.memory_space<vmem>>) target(%dma_start3A_105 : memref<131072x128xf32, #tpu.memory_space<hbm>>) offsets(%arg6 : memref<256xi32, #tpu.memory_space<vmem>>) semaphore(%run_scoped3A : memref<!tpu.dma_semaphore, #tpu.memory_space<semaphore_mem>>)
        %dma_wait3A = arith.constant 0 : i32
        %dma_wait3A_106 = arith.constant 0 : i32
        %dma_wait3A_107 = tpu.memref_slice %arg4[%dma_wait3A, %dma_wait3A_106] : memref<131072x128xf32, #tpu.memory_space<hbm>> -> memref<131072x128xf32, #tpu.memory_space<hbm>>
        tpu.wait_indirect_dma semaphore(%run_scoped3A : memref<!tpu.dma_semaphore, #tpu.memory_space<semaphore_mem>>) src(%arg5 : memref<256x128xf32, #tpu.memory_space<vmem>>) dst(%dma_wait3A_107 : memref<131072x128xf32, #tpu.memory_space<hbm>>)
        tpu.yield
      }) : () -> ()
      %mul3A_62 = arith.constant 8 : i32
      %mul3A_63 = arith.muli %select_n3A, %mul3A_62 : i32
      %add3A_64 = arith.constant 2 : i32
      %add3A_65 = arith.addi %mul3A_63, %add3A_64 : i32
      %mul3A_66 = arith.constant 4096 : i32
      %mul3A_67 = arith.muli %add3A_65, %mul3A_66 : i32
      %add3A_68 = arith.addi %mul3A_67, %add3A_44 : i32
      "tpu.region"() ({
        %run_scoped3A = tpu.sem_alloc : memref<!tpu.dma_semaphore, #tpu.memory_space<semaphore_mem>>
        %dma_start3A = tpu.memref_slice %arg3[%add3A_68] : memref<131072xi32, #tpu.memory_space<hbm>> -> memref<256xi32, #tpu.memory_space<hbm>>
        %dma_start3A_104 = tpu.memref_slice %arg3[%add3A_68] : memref<131072xi32, #tpu.memory_space<hbm>> -> memref<256xi32, #tpu.memory_space<hbm>>
        tpu.enqueue_dma source(%dma_start3A_104 : memref<256xi32, #tpu.memory_space<hbm>>) target(%arg6 : memref<256xi32, #tpu.memory_space<vmem>>) target_semaphore(%run_scoped3A : memref<!tpu.dma_semaphore, #tpu.memory_space<semaphore_mem>>)
        %dma_wait3A = tpu.memref_slice %arg3[%add3A_68] : memref<131072xi32, #tpu.memory_space<hbm>> -> memref<256xi32, #tpu.memory_space<hbm>>
        %dma_wait3A_105 = tpu.memref_slice %arg3[%add3A_68] : memref<131072xi32, #tpu.memory_space<hbm>> -> memref<256xi32, #tpu.memory_space<hbm>>
        tpu.wait_dma2 semaphore(%run_scoped3A : memref<!tpu.dma_semaphore, #tpu.memory_space<semaphore_mem>>) src(%dma_wait3A_105 : memref<256xi32, #tpu.memory_space<hbm>>) dst(%arg6 : memref<256xi32, #tpu.memory_space<vmem>>)
        tpu.yield
      }) : () -> ()
      "tpu.region"() ({
        %run_scoped3A = tpu.sem_alloc : memref<!tpu.dma_semaphore, #tpu.memory_space<semaphore_mem>>
        %dma_start3A = arith.constant 0 : i32
        %dma_start3A_104 = arith.constant 0 : i32
        %dma_start3A_105 = tpu.memref_slice %arg4[%dma_start3A, %dma_start3A_104] : memref<131072x128xf32, #tpu.memory_space<hbm>> -> memref<131072x128xf32, #tpu.memory_space<hbm>>
        tpu.enqueue_indirect_dma source(%arg5 : memref<256x128xf32, #tpu.memory_space<vmem>>) target(%dma_start3A_105 : memref<131072x128xf32, #tpu.memory_space<hbm>>) offsets(%arg6 : memref<256xi32, #tpu.memory_space<vmem>>) semaphore(%run_scoped3A : memref<!tpu.dma_semaphore, #tpu.memory_space<semaphore_mem>>)
        %dma_wait3A = arith.constant 0 : i32
        %dma_wait3A_106 = arith.constant 0 : i32
        %dma_wait3A_107 = tpu.memref_slice %arg4[%dma_wait3A, %dma_wait3A_106] : memref<131072x128xf32, #tpu.memory_space<hbm>> -> memref<131072x128xf32, #tpu.memory_space<hbm>>
        tpu.wait_indirect_dma semaphore(%run_scoped3A : memref<!tpu.dma_semaphore, #tpu.memory_space<semaphore_mem>>) src(%arg5 : memref<256x128xf32, #tpu.memory_space<vmem>>) dst(%dma_wait3A_107 : memref<131072x128xf32, #tpu.memory_space<hbm>>)
        tpu.yield
      }) : () -> ()
      %mul3A_69 = arith.constant 8 : i32
      %mul3A_70 = arith.muli %select_n3A, %mul3A_69 : i32
      %add3A_71 = arith.constant 3 : i32
      %add3A_72 = arith.addi %mul3A_70, %add3A_71 : i32
      %mul3A_73 = arith.constant 4096 : i32
      %mul3A_74 = arith.muli %add3A_72, %mul3A_73 : i32
      %add3A_75 = arith.addi %mul3A_74, %add3A_44 : i32
      "tpu.region"() ({
        %run_scoped3A = tpu.sem_alloc : memref<!tpu.dma_semaphore, #tpu.memory_space<semaphore_mem>>
        %dma_start3A = tpu.memref_slice %arg3[%add3A_75] : memref<131072xi32, #tpu.memory_space<hbm>> -> memref<256xi32, #tpu.memory_space<hbm>>
        %dma_start3A_104 = tpu.memref_slice %arg3[%add3A_75] : memref<131072xi32, #tpu.memory_space<hbm>> -> memref<256xi32, #tpu.memory_space<hbm>>
        tpu.enqueue_dma source(%dma_start3A_104 : memref<256xi32, #tpu.memory_space<hbm>>) target(%arg6 : memref<256xi32, #tpu.memory_space<vmem>>) target_semaphore(%run_scoped3A : memref<!tpu.dma_semaphore, #tpu.memory_space<semaphore_mem>>)
        %dma_wait3A = tpu.memref_slice %arg3[%add3A_75] : memref<131072xi32, #tpu.memory_space<hbm>> -> memref<256xi32, #tpu.memory_space<hbm>>
        %dma_wait3A_105 = tpu.memref_slice %arg3[%add3A_75] : memref<131072xi32, #tpu.memory_space<hbm>> -> memref<256xi32, #tpu.memory_space<hbm>>
        tpu.wait_dma2 semaphore(%run_scoped3A : memref<!tpu.dma_semaphore, #tpu.memory_space<semaphore_mem>>) src(%dma_wait3A_105 : memref<256xi32, #tpu.memory_space<hbm>>) dst(%arg6 : memref<256xi32, #tpu.memory_space<vmem>>)
        tpu.yield
      }) : () -> ()
      "tpu.region"() ({
        %run_scoped3A = tpu.sem_alloc : memref<!tpu.dma_semaphore, #tpu.memory_space<semaphore_mem>>
        %dma_start3A = arith.constant 0 : i32
        %dma_start3A_104 = arith.constant 0 : i32
        %dma_start3A_105 = tpu.memref_slice %arg4[%dma_start3A, %dma_start3A_104] : memref<131072x128xf32, #tpu.memory_space<hbm>> -> memref<131072x128xf32, #tpu.memory_space<hbm>>
        tpu.enqueue_indirect_dma source(%arg5 : memref<256x128xf32, #tpu.memory_space<vmem>>) target(%dma_start3A_105 : memref<131072x128xf32, #tpu.memory_space<hbm>>) offsets(%arg6 : memref<256xi32, #tpu.memory_space<vmem>>) semaphore(%run_scoped3A : memref<!tpu.dma_semaphore, #tpu.memory_space<semaphore_mem>>)
        %dma_wait3A = arith.constant 0 : i32
        %dma_wait3A_106 = arith.constant 0 : i32
        %dma_wait3A_107 = tpu.memref_slice %arg4[%dma_wait3A, %dma_wait3A_106] : memref<131072x128xf32, #tpu.memory_space<hbm>> -> memref<131072x128xf32, #tpu.memory_space<hbm>>
        tpu.wait_indirect_dma semaphore(%run_scoped3A : memref<!tpu.dma_semaphore, #tpu.memory_space<semaphore_mem>>) src(%arg5 : memref<256x128xf32, #tpu.memory_space<vmem>>) dst(%dma_wait3A_107 : memref<131072x128xf32, #tpu.memory_space<hbm>>)
        tpu.yield
      }) : () -> ()
      %mul3A_76 = arith.constant 8 : i32
      %mul3A_77 = arith.muli %select_n3A, %mul3A_76 : i32
      %add3A_78 = arith.constant 4 : i32
      %add3A_79 = arith.addi %mul3A_77, %add3A_78 : i32
      %mul3A_80 = arith.constant 4096 : i32
      %mul3A_81 = arith.muli %add3A_79, %mul3A_80 : i32
      %add3A_82 = arith.addi %mul3A_81, %add3A_44 : i32
      "tpu.region"() ({
        %run_scoped3A = tpu.sem_alloc : memref<!tpu.dma_semaphore, #tpu.memory_space<semaphore_mem>>
        %dma_start3A = tpu.memref_slice %arg3[%add3A_82] : memref<131072xi32, #tpu.memory_space<hbm>> -> memref<256xi32, #tpu.memory_space<hbm>>
        %dma_start3A_104 = tpu.memref_slice %arg3[%add3A_82] : memref<131072xi32, #tpu.memory_space<hbm>> -> memref<256xi32, #tpu.memory_space<hbm>>
        tpu.enqueue_dma source(%dma_start3A_104 : memref<256xi32, #tpu.memory_space<hbm>>) target(%arg6 : memref<256xi32, #tpu.memory_space<vmem>>) target_semaphore(%run_scoped3A : memref<!tpu.dma_semaphore, #tpu.memory_space<semaphore_mem>>)
        %dma_wait3A = tpu.memref_slice %arg3[%add3A_82] : memref<131072xi32, #tpu.memory_space<hbm>> -> memref<256xi32, #tpu.memory_space<hbm>>
        %dma_wait3A_105 = tpu.memref_slice %arg3[%add3A_82] : memref<131072xi32, #tpu.memory_space<hbm>> -> memref<256xi32, #tpu.memory_space<hbm>>
        tpu.wait_dma2 semaphore(%run_scoped3A : memref<!tpu.dma_semaphore, #tpu.memory_space<semaphore_mem>>) src(%dma_wait3A_105 : memref<256xi32, #tpu.memory_space<hbm>>) dst(%arg6 : memref<256xi32, #tpu.memory_space<vmem>>)
        tpu.yield
      }) : () -> ()
      "tpu.region"() ({
        %run_scoped3A = tpu.sem_alloc : memref<!tpu.dma_semaphore, #tpu.memory_space<semaphore_mem>>
        %dma_start3A = arith.constant 0 : i32
        %dma_start3A_104 = arith.constant 0 : i32
        %dma_start3A_105 = tpu.memref_slice %arg4[%dma_start3A, %dma_start3A_104] : memref<131072x128xf32, #tpu.memory_space<hbm>> -> memref<131072x128xf32, #tpu.memory_space<hbm>>
        tpu.enqueue_indirect_dma source(%arg5 : memref<256x128xf32, #tpu.memory_space<vmem>>) target(%dma_start3A_105 : memref<131072x128xf32, #tpu.memory_space<hbm>>) offsets(%arg6 : memref<256xi32, #tpu.memory_space<vmem>>) semaphore(%run_scoped3A : memref<!tpu.dma_semaphore, #tpu.memory_space<semaphore_mem>>)
        %dma_wait3A = arith.constant 0 : i32
        %dma_wait3A_106 = arith.constant 0 : i32
        %dma_wait3A_107 = tpu.memref_slice %arg4[%dma_wait3A, %dma_wait3A_106] : memref<131072x128xf32, #tpu.memory_space<hbm>> -> memref<131072x128xf32, #tpu.memory_space<hbm>>
        tpu.wait_indirect_dma semaphore(%run_scoped3A : memref<!tpu.dma_semaphore, #tpu.memory_space<semaphore_mem>>) src(%arg5 : memref<256x128xf32, #tpu.memory_space<vmem>>) dst(%dma_wait3A_107 : memref<131072x128xf32, #tpu.memory_space<hbm>>)
        tpu.yield
      }) : () -> ()
      %mul3A_83 = arith.constant 8 : i32
      %mul3A_84 = arith.muli %select_n3A, %mul3A_83 : i32
      %add3A_85 = arith.constant 5 : i32
      %add3A_86 = arith.addi %mul3A_84, %add3A_85 : i32
      %mul3A_87 = arith.constant 4096 : i32
      %mul3A_88 = arith.muli %add3A_86, %mul3A_87 : i32
      %add3A_89 = arith.addi %mul3A_88, %add3A_44 : i32
      "tpu.region"() ({
        %run_scoped3A = tpu.sem_alloc : memref<!tpu.dma_semaphore, #tpu.memory_space<semaphore_mem>>
        %dma_start3A = tpu.memref_slice %arg3[%add3A_89] : memref<131072xi32, #tpu.memory_space<hbm>> -> memref<256xi32, #tpu.memory_space<hbm>>
        %dma_start3A_104 = tpu.memref_slice %arg3[%add3A_89] : memref<131072xi32, #tpu.memory_space<hbm>> -> memref<256xi32, #tpu.memory_space<hbm>>
        tpu.enqueue_dma source(%dma_start3A_104 : memref<256xi32, #tpu.memory_space<hbm>>) target(%arg6 : memref<256xi32, #tpu.memory_space<vmem>>) target_semaphore(%run_scoped3A : memref<!tpu.dma_semaphore, #tpu.memory_space<semaphore_mem>>)
        %dma_wait3A = tpu.memref_slice %arg3[%add3A_89] : memref<131072xi32, #tpu.memory_space<hbm>> -> memref<256xi32, #tpu.memory_space<hbm>>
        %dma_wait3A_105 = tpu.memref_slice %arg3[%add3A_89] : memref<131072xi32, #tpu.memory_space<hbm>> -> memref<256xi32, #tpu.memory_space<hbm>>
        tpu.wait_dma2 semaphore(%run_scoped3A : memref<!tpu.dma_semaphore, #tpu.memory_space<semaphore_mem>>) src(%dma_wait3A_105 : memref<256xi32, #tpu.memory_space<hbm>>) dst(%arg6 : memref<256xi32, #tpu.memory_space<vmem>>)
        tpu.yield
      }) : () -> ()
      "tpu.region"() ({
        %run_scoped3A = tpu.sem_alloc : memref<!tpu.dma_semaphore, #tpu.memory_space<semaphore_mem>>
        %dma_start3A = arith.constant 0 : i32
        %dma_start3A_104 = arith.constant 0 : i32
        %dma_start3A_105 = tpu.memref_slice %arg4[%dma_start3A, %dma_start3A_104] : memref<131072x128xf32, #tpu.memory_space<hbm>> -> memref<131072x128xf32, #tpu.memory_space<hbm>>
        tpu.enqueue_indirect_dma source(%arg5 : memref<256x128xf32, #tpu.memory_space<vmem>>) target(%dma_start3A_105 : memref<131072x128xf32, #tpu.memory_space<hbm>>) offsets(%arg6 : memref<256xi32, #tpu.memory_space<vmem>>) semaphore(%run_scoped3A : memref<!tpu.dma_semaphore, #tpu.memory_space<semaphore_mem>>)
        %dma_wait3A = arith.constant 0 : i32
        %dma_wait3A_106 = arith.constant 0 : i32
        %dma_wait3A_107 = tpu.memref_slice %arg4[%dma_wait3A, %dma_wait3A_106] : memref<131072x128xf32, #tpu.memory_space<hbm>> -> memref<131072x128xf32, #tpu.memory_space<hbm>>
        tpu.wait_indirect_dma semaphore(%run_scoped3A : memref<!tpu.dma_semaphore, #tpu.memory_space<semaphore_mem>>) src(%arg5 : memref<256x128xf32, #tpu.memory_space<vmem>>) dst(%dma_wait3A_107 : memref<131072x128xf32, #tpu.memory_space<hbm>>)
        tpu.yield
      }) : () -> ()
      %mul3A_90 = arith.constant 8 : i32
      %mul3A_91 = arith.muli %select_n3A, %mul3A_90 : i32
      %add3A_92 = arith.constant 6 : i32
      %add3A_93 = arith.addi %mul3A_91, %add3A_92 : i32
      %mul3A_94 = arith.constant 4096 : i32
      %mul3A_95 = arith.muli %add3A_93, %mul3A_94 : i32
      %add3A_96 = arith.addi %mul3A_95, %add3A_44 : i32
      "tpu.region"() ({
        %run_scoped3A = tpu.sem_alloc : memref<!tpu.dma_semaphore, #tpu.memory_space<semaphore_mem>>
        %dma_start3A = tpu.memref_slice %arg3[%add3A_96] : memref<131072xi32, #tpu.memory_space<hbm>> -> memref<256xi32, #tpu.memory_space<hbm>>
        %dma_start3A_104 = tpu.memref_slice %arg3[%add3A_96] : memref<131072xi32, #tpu.memory_space<hbm>> -> memref<256xi32, #tpu.memory_space<hbm>>
        tpu.enqueue_dma source(%dma_start3A_104 : memref<256xi32, #tpu.memory_space<hbm>>) target(%arg6 : memref<256xi32, #tpu.memory_space<vmem>>) target_semaphore(%run_scoped3A : memref<!tpu.dma_semaphore, #tpu.memory_space<semaphore_mem>>)
        %dma_wait3A = tpu.memref_slice %arg3[%add3A_96] : memref<131072xi32, #tpu.memory_space<hbm>> -> memref<256xi32, #tpu.memory_space<hbm>>
        %dma_wait3A_105 = tpu.memref_slice %arg3[%add3A_96] : memref<131072xi32, #tpu.memory_space<hbm>> -> memref<256xi32, #tpu.memory_space<hbm>>
        tpu.wait_dma2 semaphore(%run_scoped3A : memref<!tpu.dma_semaphore, #tpu.memory_space<semaphore_mem>>) src(%dma_wait3A_105 : memref<256xi32, #tpu.memory_space<hbm>>) dst(%arg6 : memref<256xi32, #tpu.memory_space<vmem>>)
        tpu.yield
      }) : () -> ()
      "tpu.region"() ({
        %run_scoped3A = tpu.sem_alloc : memref<!tpu.dma_semaphore, #tpu.memory_space<semaphore_mem>>
        %dma_start3A = arith.constant 0 : i32
        %dma_start3A_104 = arith.constant 0 : i32
        %dma_start3A_105 = tpu.memref_slice %arg4[%dma_start3A, %dma_start3A_104] : memref<131072x128xf32, #tpu.memory_space<hbm>> -> memref<131072x128xf32, #tpu.memory_space<hbm>>
        tpu.enqueue_indirect_dma source(%arg5 : memref<256x128xf32, #tpu.memory_space<vmem>>) target(%dma_start3A_105 : memref<131072x128xf32, #tpu.memory_space<hbm>>) offsets(%arg6 : memref<256xi32, #tpu.memory_space<vmem>>) semaphore(%run_scoped3A : memref<!tpu.dma_semaphore, #tpu.memory_space<semaphore_mem>>)
        %dma_wait3A = arith.constant 0 : i32
        %dma_wait3A_106 = arith.constant 0 : i32
        %dma_wait3A_107 = tpu.memref_slice %arg4[%dma_wait3A, %dma_wait3A_106] : memref<131072x128xf32, #tpu.memory_space<hbm>> -> memref<131072x128xf32, #tpu.memory_space<hbm>>
        tpu.wait_indirect_dma semaphore(%run_scoped3A : memref<!tpu.dma_semaphore, #tpu.memory_space<semaphore_mem>>) src(%arg5 : memref<256x128xf32, #tpu.memory_space<vmem>>) dst(%dma_wait3A_107 : memref<131072x128xf32, #tpu.memory_space<hbm>>)
        tpu.yield
      }) : () -> ()
      %mul3A_97 = arith.constant 8 : i32
      %mul3A_98 = arith.muli %select_n3A, %mul3A_97 : i32
      %add3A_99 = arith.constant 7 : i32
      %add3A_100 = arith.addi %mul3A_98, %add3A_99 : i32
      %mul3A_101 = arith.constant 4096 : i32
      %mul3A_102 = arith.muli %add3A_100, %mul3A_101 : i32
      %add3A_103 = arith.addi %mul3A_102, %add3A_44 : i32
      "tpu.region"() ({
        %run_scoped3A = tpu.sem_alloc : memref<!tpu.dma_semaphore, #tpu.memory_space<semaphore_mem>>
        %dma_start3A = tpu.memref_slice %arg3[%add3A_103] : memref<131072xi32, #tpu.memory_space<hbm>> -> memref<256xi32, #tpu.memory_space<hbm>>
        %dma_start3A_104 = tpu.memref_slice %arg3[%add3A_103] : memref<131072xi32, #tpu.memory_space<hbm>> -> memref<256xi32, #tpu.memory_space<hbm>>
        tpu.enqueue_dma source(%dma_start3A_104 : memref<256xi32, #tpu.memory_space<hbm>>) target(%arg6 : memref<256xi32, #tpu.memory_space<vmem>>) target_semaphore(%run_scoped3A : memref<!tpu.dma_semaphore, #tpu.memory_space<semaphore_mem>>)
        %dma_wait3A = tpu.memref_slice %arg3[%add3A_103] : memref<131072xi32, #tpu.memory_space<hbm>> -> memref<256xi32, #tpu.memory_space<hbm>>
        %dma_wait3A_105 = tpu.memref_slice %arg3[%add3A_103] : memref<131072xi32, #tpu.memory_space<hbm>> -> memref<256xi32, #tpu.memory_space<hbm>>
        tpu.wait_dma2 semaphore(%run_scoped3A : memref<!tpu.dma_semaphore, #tpu.memory_space<semaphore_mem>>) src(%dma_wait3A_105 : memref<256xi32, #tpu.memory_space<hbm>>) dst(%arg6 : memref<256xi32, #tpu.memory_space<vmem>>)
        tpu.yield
      }) : () -> ()
      "tpu.region"() ({
        %run_scoped3A = tpu.sem_alloc : memref<!tpu.dma_semaphore, #tpu.memory_space<semaphore_mem>>
        %dma_start3A = arith.constant 0 : i32
        %dma_start3A_104 = arith.constant 0 : i32
        %dma_start3A_105 = tpu.memref_slice %arg4[%dma_start3A, %dma_start3A_104] : memref<131072x128xf32, #tpu.memory_space<hbm>> -> memref<131072x128xf32, #tpu.memory_space<hbm>>
        tpu.enqueue_indirect_dma source(%arg5 : memref<256x128xf32, #tpu.memory_space<vmem>>) target(%dma_start3A_105 : memref<131072x128xf32, #tpu.memory_space<hbm>>) offsets(%arg6 : memref<256xi32, #tpu.memory_space<vmem>>) semaphore(%run_scoped3A : memref<!tpu.dma_semaphore, #tpu.memory_space<semaphore_mem>>)
        %dma_wait3A = arith.constant 0 : i32
        %dma_wait3A_106 = arith.constant 0 : i32
        %dma_wait3A_107 = tpu.memref_slice %arg4[%dma_wait3A, %dma_wait3A_106] : memref<131072x128xf32, #tpu.memory_space<hbm>> -> memref<131072x128xf32, #tpu.memory_space<hbm>>
        tpu.wait_indirect_dma semaphore(%run_scoped3A : memref<!tpu.dma_semaphore, #tpu.memory_space<semaphore_mem>>) src(%arg5 : memref<256x128xf32, #tpu.memory_space<vmem>>) dst(%dma_wait3A_107 : memref<131072x128xf32, #tpu.memory_space<hbm>>)
        tpu.yield
      }) : () -> ()
    }
    %scan3A_34 = arith.constant 2 : i32
    return
  }
}

module attributes {stable_mosaic.version = 14 : i64} {
  func.func @_hash_dest_kernel(%arg0: i32, %arg1: memref<1x4096x64xf32, #tpu.memory_space<vmem>>, %arg2: memref<1x4096x64xf32, #tpu.memory_space<vmem>>, %arg3: memref<64x256xf32, #tpu.memory_space<vmem>>, %arg4: memref<1x8x512x8xi32, #tpu.memory_space<vmem>>, %arg5: memref<1x8x64x64xf32, #tpu.memory_space<vmem>>, %arg6: memref<1x4096x128xf32, #tpu.memory_space<vmem>>) attributes {dimension_semantics = [#tpu.dimension_semantics<arbitrary>], iteration_bounds = array<i64: 4>, scalar_prefetch = 0 : i64, scratch_operands = 0 : i64, tpu.core_type = #tpu.core_type<tc>, window_params = [{transform_indices = @transform_0, window_bounds = array<i64: 1, 4096, 64>}, {transform_indices = @transform_1, window_bounds = array<i64: 1, 4096, 64>}, {pipeline_mode = #tpu.pipeline_mode<synchronous>, transform_indices = @transform_2, window_bounds = array<i64: 64, 256>}, {transform_indices = @transform_3, window_bounds = array<i64: 1, 8, 512, 8>}, {transform_indices = @transform_4, window_bounds = array<i64: 1, 8, 64, 64>}, {transform_indices = @transform_5, window_bounds = array<i64: 1, 4096, 128>}]} {
    %get3A = arith.constant 0 : index
    %get3A_0 = arith.constant 0 : index
    %get3A_1 = arith.constant 0 : index
    %get3A_2 = vector.load %arg1[%get3A, %get3A_0, %get3A_1] : memref<1x4096x64xf32, #tpu.memory_space<vmem>>, vector<1x4096x64xf32>
    %get3A_3 = vector.shape_cast %get3A_2 : vector<1x4096x64xf32> to vector<4096x64xf32>
    %get3A_4 = arith.constant 0 : index
    %get3A_5 = arith.constant 0 : index
    %get3A_6 = vector.load %arg3[%get3A_4, %get3A_5] : memref<64x256xf32, #tpu.memory_space<vmem>>, vector<64x256xf32>
    %get3A_7 = arith.constant 0 : index
    %get3A_8 = arith.constant 0 : index
    %get3A_9 = arith.constant 0 : index
    %get3A_10 = vector.load %arg2[%get3A_7, %get3A_8, %get3A_9] : memref<1x4096x64xf32, #tpu.memory_space<vmem>>, vector<1x4096x64xf32>
    %get3A_11 = vector.shape_cast %get3A_10 : vector<1x4096x64xf32> to vector<4096x64xf32>
    %concatenate3A = tpu.concatenate %get3A_3, %get3A_11 in 1 : vector<4096x64xf32>, vector<4096x64xf32> -> vector<4096x128xf32>
    %swap3A = arith.constant 0 : index
    %swap3A_12 = arith.constant 0 : index
    %swap3A_13 = arith.constant 0 : index
    %swap3A_14 = vector.load %arg6[%swap3A, %swap3A_12, %swap3A_13] : memref<1x4096x128xf32, #tpu.memory_space<vmem>>, vector<1x4096x128xf32>
    %swap3A_15 = vector.shape_cast %swap3A_14 : vector<1x4096x128xf32> to vector<4096x128xf32>
    %swap3A_16 = vector.shape_cast %concatenate3A : vector<4096x128xf32> to vector<1x4096x128xf32>
    tpu.vector_store %arg6[%swap3A, %swap3A_12, %swap3A_13], %swap3A_16 {strides = array<i32>} : memref<1x4096x128xf32, #tpu.memory_space<vmem>>, vector<1x4096x128xf32>,
    %dot_general3A = arith.constant dense<0.000000e+00> : vector<4096x256xf32>
    %dot_general3A_17 = tpu.matmul %get3A_3, %get3A_6, %dot_general3A {dimension_numbers = #tpu.dot_dimension_numbers<[1], [0], [0], [1], [0, 0, 1, 1], [], []>, transpose_lhs_hint = false} : vector<4096x64xf32>, vector<64x256xf32>, vector<4096x256xf32> -> vector<4096x256xf32>
    %iota3A = tpu.iota {dimensions = array<i32: 0>} : vector<64x64xi32>
    %iota3A_18 = tpu.iota {dimensions = array<i32: 1>} : vector<64x64xi32>
    %lt3A = arith.cmpi slt, %iota3A, %iota3A_18 : vector<64x64xi32>
    %convert_element_type3A = arith.extui %lt3A : vector<64x64xi1> to vector<64x64xi32>
    %convert_element_type3A_19 = arith.sitofp %convert_element_type3A : vector<64x64xi32> to vector<64x64xf32>
    %iota3A_20 = tpu.iota {dimensions = array<i32: 0>} : vector<512x512xi32>
    %iota3A_21 = tpu.iota {dimensions = array<i32: 1>} : vector<512x512xi32>
    %lt3A_22 = arith.cmpi slt, %iota3A_21, %iota3A_20 : vector<512x512xi32>
    %convert_element_type3A_23 = arith.extui %lt3A_22 : vector<512x512xi1> to vector<512x512xi32>
    %convert_element_type3A_24 = arith.sitofp %convert_element_type3A_23 : vector<512x512xi32> to vector<512x512xf32>
    %iota3A_25 = tpu.iota {dimensions = array<i32: 2>} : vector<512x8x64xi32>
    %iota3A_26 = tpu.iota {dimensions = array<i32: 1>} : vector<512x8x8xi32>
    %iota3A_27 = tpu.iota {dimensions = array<i32: 2>} : vector<512x8x8xi32>
    %lt3A_28 = arith.cmpi slt, %iota3A_27, %iota3A_26 : vector<512x8x8xi32>
    %slice3A = vector.extract_strided_slice %dot_general3A_17 {offsets = [0, 0], sizes = [4096, 32], strides = [1, 1]} : vector<4096x256xf32> to vector<4096x32xf32>
    %neg3A = arith.constant 0.000000e+00 : f32
    %neg3A_29 = vector.broadcast %neg3A : f32 to vector<4096x32xf32>
    %neg3A_30 = arith.subf %neg3A_29, %slice3A : vector<4096x32xf32>
    %concatenate3A_31 = tpu.concatenate %slice3A, %neg3A_30 in 1 : vector<4096x32xf32>, vector<4096x32xf32> -> vector<4096x64xf32>
    %reshape3A = vector.shape_cast %concatenate3A_31 : vector<4096x64xf32> to vector<512x8x64xf32>
    %reduce_max3A = arith.constant dense<0xFF800000> : vector<512x8xf32>
    %reduce_max3A_32 = vector.multi_reduction <maximumf>, %reshape3A, %reduce_max3A [2] : vector<512x8x64xf32> to vector<512x8xf32>
    %broadcast_in_dim3A = vector.shape_cast %reduce_max3A_32 : vector<512x8xf32> to vector<512x8x1xf32>
    %eq3A = vector.broadcast %broadcast_in_dim3A : vector<512x8x1xf32> to vector<512x8x64xf32>
    %eq3A_33 = arith.cmpf oeq, %reshape3A, %eq3A : vector<512x8x64xf32>
    %jit3A = arith.constant 64 : i32
    %broadcast_in_dim3A_34 = vector.broadcast %jit3A : i32 to vector<512x8x64xi32>
    %select_n3A = arith.select %eq3A_33, %iota3A_25, %broadcast_in_dim3A_34 : vector<512x8x64xi1>, vector<512x8x64xi32>
    %reduce_min3A = arith.constant dense<2147483647> : vector<512x8xi32>
    %reduce_min3A_35 = vector.multi_reduction <minsi>, %select_n3A, %reduce_min3A [2] : vector<512x8x64xi32> to vector<512x8xi32>
    %broadcast_in_dim3A_36 = vector.shape_cast %reduce_min3A_35 : vector<512x8xi32> to vector<512x8x1xi32>
    %eq3A_37 = vector.broadcast %broadcast_in_dim3A_36 : vector<512x8x1xi32> to vector<512x8x64xi32>
    %eq3A_38 = arith.cmpi eq, %eq3A_37, %iota3A_25 : vector<512x8x64xi32>
    %convert_element_type3A_39 = arith.extui %eq3A_38 : vector<512x8x64xi1> to vector<512x8x64xi32>
    %convert_element_type3A_40 = arith.sitofp %convert_element_type3A_39 : vector<512x8x64xi32> to vector<512x8x64xf32>
    %reduce_sum3A = arith.constant dense<0.000000e+00> : vector<512x64xf32>
    %reduce_sum3A_41 = vector.multi_reduction <add>, %convert_element_type3A_40, %reduce_sum3A [1] : vector<512x8x64xf32> to vector<512x64xf32>
    %reduce_sum3A_42 = arith.constant dense<0.000000e+00> : vector<64xf32>
    %reduce_sum3A_43 = vector.multi_reduction <add>, %reduce_sum3A_41, %reduce_sum3A_42 [0] : vector<512x64xf32> to vector<64xf32>
    %broadcast_in_dim3A_44 = vector.shape_cast %reduce_sum3A_43 : vector<64xf32> to vector<1x64xf32>
    %dot_general3A_45 = arith.constant dense<0.000000e+00> : vector<1x64xf32>
    %dot_general3A_46 = tpu.matmul %broadcast_in_dim3A_44, %convert_element_type3A_19, %dot_general3A_45 {dimension_numbers = #tpu.dot_dimension_numbers<[1], [0], [0], [1], [0, 0, 1, 1], [], []>, transpose_lhs_hint = false} : vector<1x64xf32>, vector<64x64xf32>, vector<1x64xf32> -> vector<1x64xf32>
    %dot_general3A_47 = arith.constant dense<0.000000e+00> : vector<512x64xf32>
    %dot_general3A_48 = tpu.matmul %convert_element_type3A_24, %reduce_sum3A_41, %dot_general3A_47 {dimension_numbers = #tpu.dot_dimension_numbers<[1], [0], [0], [1], [0, 0, 1, 1], [], []>, transpose_lhs_hint = false} : vector<512x512xf32>, vector<512x64xf32>, vector<512x64xf32> -> vector<512x64xf32>
    %transpose3A = tpu.transpose %broadcast_in_dim3A_36, [0, 2, 1] : vector<512x8x1xi32> -> vector<512x1x8xi32>
    %eq3A_49 = vector.broadcast %broadcast_in_dim3A_36 : vector<512x8x1xi32> to vector<512x8x8xi32>
    %eq3A_50 = vector.broadcast %transpose3A : vector<512x1x8xi32> to vector<512x8x8xi32>
    %eq3A_51 = arith.cmpi eq, %eq3A_49, %eq3A_50 : vector<512x8x8xi32>
    %and3A = arith.andi %eq3A_51, %lt3A_28 : vector<512x8x8xi1>
    %convert_element_type3A_52 = arith.extui %and3A : vector<512x8x8xi1> to vector<512x8x8xi32>
    %convert_element_type3A_53 = arith.sitofp %convert_element_type3A_52 : vector<512x8x8xi32> to vector<512x8x8xf32>
    %reduce_sum3A_54 = arith.constant dense<0.000000e+00> : vector<512x8xf32>
    %reduce_sum3A_55 = vector.multi_reduction <add>, %convert_element_type3A_53, %reduce_sum3A_54 [2] : vector<512x8x8xf32> to vector<512x8xf32>
    %broadcast_in_dim3A_56 = vector.shape_cast %reduce_sum3A_55 : vector<512x8xf32> to vector<512x8x1xf32>
    %add3A = vector.broadcast %dot_general3A_46 : vector<1x64xf32> to vector<512x64xf32>
    %add3A_57 = arith.addf %add3A, %dot_general3A_48 : vector<512x64xf32>
    %broadcast_in_dim3A_58 = vector.shape_cast %add3A_57 : vector<512x64xf32> to vector<512x1x64xf32>
    %mul3A = vector.broadcast %broadcast_in_dim3A_58 : vector<512x1x64xf32> to vector<512x8x64xf32>
    %mul3A_59 = arith.mulf %mul3A, %convert_element_type3A_40 : vector<512x8x64xf32>
    %reduce_sum3A_60 = arith.constant dense<0.000000e+00> : vector<512x8xf32>
    %reduce_sum3A_61 = vector.multi_reduction <add>, %mul3A_59, %reduce_sum3A_60 [2] : vector<512x8x64xf32> to vector<512x8xf32>
    %broadcast_in_dim3A_62 = vector.shape_cast %reduce_sum3A_61 : vector<512x8xf32> to vector<512x8x1xf32>
    %add3A_63 = arith.addf %broadcast_in_dim3A_62, %broadcast_in_dim3A_56 : vector<512x8x1xf32>
    %convert_element_type3A_64 = arith.fptosi %add3A_63 : vector<512x8x1xf32> to vector<512x8x1xi32>
    %squeeze3A = vector.shape_cast %convert_element_type3A_64 : vector<512x8x1xi32> to vector<512x8xi32>
    %mul3A_65 = arith.constant 8 : i32
    %mul3A_66 = arith.muli %arg0, %mul3A_65 : i32
    %add3A_67 = arith.constant 0 : i32
    %add3A_68 = arith.addi %mul3A_66, %add3A_67 : i32
    %mul3A_69 = arith.constant 4096 : i32
    %mul3A_70 = arith.muli %add3A_68, %mul3A_69 : i32
    %add3A_71 = vector.broadcast %mul3A_70 : i32 to vector<512x8xi32>
    %add3A_72 = arith.addi %squeeze3A, %add3A_71 : vector<512x8xi32>
    %swap3A_73 = arith.constant 0 : index
    %swap3A_74 = arith.constant 0 : index
    %swap3A_75 = arith.constant 0 : index
    %swap3A_76 = arith.constant 0 : index
    %swap3A_77 = vector.load %arg4[%swap3A_73, %swap3A_74, %swap3A_75, %swap3A_76] : memref<1x8x512x8xi32, #tpu.memory_space<vmem>>, vector<1x1x512x8xi32>
    %swap3A_78 = vector.shape_cast %swap3A_77 : vector<1x1x512x8xi32> to vector<512x8xi32>
    %swap3A_79 = vector.shape_cast %add3A_72 : vector<512x8xi32> to vector<1x1x512x8xi32>
    tpu.vector_store %arg4[%swap3A_73, %swap3A_74, %swap3A_75, %swap3A_76], %swap3A_79 {strides = array<i32>} : memref<1x8x512x8xi32, #tpu.memory_space<vmem>>, vector<1x1x512x8xi32>,
    %slice3A_80 = vector.extract_strided_slice %dot_general3A_17 {offsets = [0, 32], sizes = [4096, 32], strides = [1, 1]} : vector<4096x256xf32> to vector<4096x32xf32>
    %neg3A_81 = arith.constant 0.000000e+00 : f32
    %neg3A_82 = vector.broadcast %neg3A_81 : f32 to vector<4096x32xf32>
    %neg3A_83 = arith.subf %neg3A_82, %slice3A_80 : vector<4096x32xf32>
    %concatenate3A_84 = tpu.concatenate %slice3A_80, %neg3A_83 in 1 : vector<4096x32xf32>, vector<4096x32xf32> -> vector<4096x64xf32>
    %reshape3A_85 = vector.shape_cast %concatenate3A_84 : vector<4096x64xf32> to vector<512x8x64xf32>
    %reduce_max3A_86 = arith.constant dense<0xFF800000> : vector<512x8xf32>
    %reduce_max3A_87 = vector.multi_reduction <maximumf>, %reshape3A_85, %reduce_max3A_86 [2] : vector<512x8x64xf32> to vector<512x8xf32>
    %broadcast_in_dim3A_88 = vector.shape_cast %reduce_max3A_87 : vector<512x8xf32> to vector<512x8x1xf32>
    %eq3A_89 = vector.broadcast %broadcast_in_dim3A_88 : vector<512x8x1xf32> to vector<512x8x64xf32>
    %eq3A_90 = arith.cmpf oeq, %reshape3A_85, %eq3A_89 : vector<512x8x64xf32>
    %jit3A_91 = arith.constant 64 : i32
    %broadcast_in_dim3A_92 = vector.broadcast %jit3A_91 : i32 to vector<512x8x64xi32>
    %select_n3A_93 = arith.select %eq3A_90, %iota3A_25, %broadcast_in_dim3A_92 : vector<512x8x64xi1>, vector<512x8x64xi32>
    %reduce_min3A_94 = arith.constant dense<2147483647> : vector<512x8xi32>
    %reduce_min3A_95 = vector.multi_reduction <minsi>, %select_n3A_93, %reduce_min3A_94 [2] : vector<512x8x64xi32> to vector<512x8xi32>
    %broadcast_in_dim3A_96 = vector.shape_cast %reduce_min3A_95 : vector<512x8xi32> to vector<512x8x1xi32>
    %eq3A_97 = vector.broadcast %broadcast_in_dim3A_96 : vector<512x8x1xi32> to vector<512x8x64xi32>
    %eq3A_98 = arith.cmpi eq, %eq3A_97, %iota3A_25 : vector<512x8x64xi32>
    %convert_element_type3A_99 = arith.extui %eq3A_98 : vector<512x8x64xi1> to vector<512x8x64xi32>
    %convert_element_type3A_100 = arith.sitofp %convert_element_type3A_99 : vector<512x8x64xi32> to vector<512x8x64xf32>
    %reduce_sum3A_101 = arith.constant dense<0.000000e+00> : vector<512x64xf32>
    %reduce_sum3A_102 = vector.multi_reduction <add>, %convert_element_type3A_100, %reduce_sum3A_101 [1] : vector<512x8x64xf32> to vector<512x64xf32>
    %reduce_sum3A_103 = arith.constant dense<0.000000e+00> : vector<64xf32>
    %reduce_sum3A_104 = vector.multi_reduction <add>, %reduce_sum3A_102, %reduce_sum3A_103 [0] : vector<512x64xf32> to vector<64xf32>
    %broadcast_in_dim3A_105 = vector.shape_cast %reduce_sum3A_104 : vector<64xf32> to vector<1x64xf32>
    %dot_general3A_106 = arith.constant dense<0.000000e+00> : vector<1x64xf32>
    %dot_general3A_107 = tpu.matmul %broadcast_in_dim3A_105, %convert_element_type3A_19, %dot_general3A_106 {dimension_numbers = #tpu.dot_dimension_numbers<[1], [0], [0], [1], [0, 0, 1, 1], [], []>, transpose_lhs_hint = false} : vector<1x64xf32>, vector<64x64xf32>, vector<1x64xf32> -> vector<1x64xf32>
    %dot_general3A_108 = arith.constant dense<0.000000e+00> : vector<512x64xf32>
    %dot_general3A_109 = tpu.matmul %convert_element_type3A_24, %reduce_sum3A_102, %dot_general3A_108 {dimension_numbers = #tpu.dot_dimension_numbers<[1], [0], [0], [1], [0, 0, 1, 1], [], []>, transpose_lhs_hint = false} : vector<512x512xf32>, vector<512x64xf32>, vector<512x64xf32> -> vector<512x64xf32>
    %transpose3A_110 = tpu.transpose %broadcast_in_dim3A_96, [0, 2, 1] : vector<512x8x1xi32> -> vector<512x1x8xi32>
    %eq3A_111 = vector.broadcast %broadcast_in_dim3A_96 : vector<512x8x1xi32> to vector<512x8x8xi32>
    %eq3A_112 = vector.broadcast %transpose3A_110 : vector<512x1x8xi32> to vector<512x8x8xi32>
    %eq3A_113 = arith.cmpi eq, %eq3A_111, %eq3A_112 : vector<512x8x8xi32>
    %and3A_114 = arith.andi %eq3A_113, %lt3A_28 : vector<512x8x8xi1>
    %convert_element_type3A_115 = arith.extui %and3A_114 : vector<512x8x8xi1> to vector<512x8x8xi32>
    %convert_element_type3A_116 = arith.sitofp %convert_element_type3A_115 : vector<512x8x8xi32> to vector<512x8x8xf32>
    %reduce_sum3A_117 = arith.constant dense<0.000000e+00> : vector<512x8xf32>
    %reduce_sum3A_118 = vector.multi_reduction <add>, %convert_element_type3A_116, %reduce_sum3A_117 [2] : vector<512x8x8xf32> to vector<512x8xf32>
    %broadcast_in_dim3A_119 = vector.shape_cast %reduce_sum3A_118 : vector<512x8xf32> to vector<512x8x1xf32>
    %add3A_120 = vector.broadcast %dot_general3A_107 : vector<1x64xf32> to vector<512x64xf32>
    %add3A_121 = arith.addf %add3A_120, %dot_general3A_109 : vector<512x64xf32>
    %broadcast_in_dim3A_122 = vector.shape_cast %add3A_121 : vector<512x64xf32> to vector<512x1x64xf32>
    %mul3A_123 = vector.broadcast %broadcast_in_dim3A_122 : vector<512x1x64xf32> to vector<512x8x64xf32>
    %mul3A_124 = arith.mulf %mul3A_123, %convert_element_type3A_100 : vector<512x8x64xf32>
    %reduce_sum3A_125 = arith.constant dense<0.000000e+00> : vector<512x8xf32>
    %reduce_sum3A_126 = vector.multi_reduction <add>, %mul3A_124, %reduce_sum3A_125 [2] : vector<512x8x64xf32> to vector<512x8xf32>
    %broadcast_in_dim3A_127 = vector.shape_cast %reduce_sum3A_126 : vector<512x8xf32> to vector<512x8x1xf32>
    %add3A_128 = arith.addf %broadcast_in_dim3A_127, %broadcast_in_dim3A_119 : vector<512x8x1xf32>
    %convert_element_type3A_129 = arith.fptosi %add3A_128 : vector<512x8x1xf32> to vector<512x8x1xi32>
    %squeeze3A_130 = vector.shape_cast %convert_element_type3A_129 : vector<512x8x1xi32> to vector<512x8xi32>
    %mul3A_131 = arith.constant 8 : i32
    %mul3A_132 = arith.muli %arg0, %mul3A_131 : i32
    %add3A_133 = arith.constant 1 : i32
    %add3A_134 = arith.addi %mul3A_132, %add3A_133 : i32
    %mul3A_135 = arith.constant 4096 : i32
    %mul3A_136 = arith.muli %add3A_134, %mul3A_135 : i32
    %add3A_137 = vector.broadcast %mul3A_136 : i32 to vector<512x8xi32>
    %add3A_138 = arith.addi %squeeze3A_130, %add3A_137 : vector<512x8xi32>
    %swap3A_139 = arith.constant 0 : index
    %swap3A_140 = arith.constant 1 : index
    %swap3A_141 = arith.constant 0 : index
    %swap3A_142 = arith.constant 0 : index
    %swap3A_143 = vector.load %arg4[%swap3A_139, %swap3A_140, %swap3A_141, %swap3A_142] : memref<1x8x512x8xi32, #tpu.memory_space<vmem>>, vector<1x1x512x8xi32>
    %swap3A_144 = vector.shape_cast %swap3A_143 : vector<1x1x512x8xi32> to vector<512x8xi32>
    %swap3A_145 = vector.shape_cast %add3A_138 : vector<512x8xi32> to vector<1x1x512x8xi32>
    tpu.vector_store %arg4[%swap3A_139, %swap3A_140, %swap3A_141, %swap3A_142], %swap3A_145 {strides = array<i32>} : memref<1x8x512x8xi32, #tpu.memory_space<vmem>>, vector<1x1x512x8xi32>,
    %slice3A_146 = vector.extract_strided_slice %dot_general3A_17 {offsets = [0, 64], sizes = [4096, 32], strides = [1, 1]} : vector<4096x256xf32> to vector<4096x32xf32>
    %neg3A_147 = arith.constant 0.000000e+00 : f32
    %neg3A_148 = vector.broadcast %neg3A_147 : f32 to vector<4096x32xf32>
    %neg3A_149 = arith.subf %neg3A_148, %slice3A_146 : vector<4096x32xf32>
    %concatenate3A_150 = tpu.concatenate %slice3A_146, %neg3A_149 in 1 : vector<4096x32xf32>, vector<4096x32xf32> -> vector<4096x64xf32>
    %reshape3A_151 = vector.shape_cast %concatenate3A_150 : vector<4096x64xf32> to vector<512x8x64xf32>
    %reduce_max3A_152 = arith.constant dense<0xFF800000> : vector<512x8xf32>
    %reduce_max3A_153 = vector.multi_reduction <maximumf>, %reshape3A_151, %reduce_max3A_152 [2] : vector<512x8x64xf32> to vector<512x8xf32>
    %broadcast_in_dim3A_154 = vector.shape_cast %reduce_max3A_153 : vector<512x8xf32> to vector<512x8x1xf32>
    %eq3A_155 = vector.broadcast %broadcast_in_dim3A_154 : vector<512x8x1xf32> to vector<512x8x64xf32>
    %eq3A_156 = arith.cmpf oeq, %reshape3A_151, %eq3A_155 : vector<512x8x64xf32>
    %jit3A_157 = arith.constant 64 : i32
    %broadcast_in_dim3A_158 = vector.broadcast %jit3A_157 : i32 to vector<512x8x64xi32>
    %select_n3A_159 = arith.select %eq3A_156, %iota3A_25, %broadcast_in_dim3A_158 : vector<512x8x64xi1>, vector<512x8x64xi32>
    %reduce_min3A_160 = arith.constant dense<2147483647> : vector<512x8xi32>
    %reduce_min3A_161 = vector.multi_reduction <minsi>, %select_n3A_159, %reduce_min3A_160 [2] : vector<512x8x64xi32> to vector<512x8xi32>
    %broadcast_in_dim3A_162 = vector.shape_cast %reduce_min3A_161 : vector<512x8xi32> to vector<512x8x1xi32>
    %eq3A_163 = vector.broadcast %broadcast_in_dim3A_162 : vector<512x8x1xi32> to vector<512x8x64xi32>
    %eq3A_164 = arith.cmpi eq, %eq3A_163, %iota3A_25 : vector<512x8x64xi32>
    %convert_element_type3A_165 = arith.extui %eq3A_164 : vector<512x8x64xi1> to vector<512x8x64xi32>
    %convert_element_type3A_166 = arith.sitofp %convert_element_type3A_165 : vector<512x8x64xi32> to vector<512x8x64xf32>
    %reduce_sum3A_167 = arith.constant dense<0.000000e+00> : vector<512x64xf32>
    %reduce_sum3A_168 = vector.multi_reduction <add>, %convert_element_type3A_166, %reduce_sum3A_167 [1] : vector<512x8x64xf32> to vector<512x64xf32>
    %reduce_sum3A_169 = arith.constant dense<0.000000e+00> : vector<64xf32>
    %reduce_sum3A_170 = vector.multi_reduction <add>, %reduce_sum3A_168, %reduce_sum3A_169 [0] : vector<512x64xf32> to vector<64xf32>
    %broadcast_in_dim3A_171 = vector.shape_cast %reduce_sum3A_170 : vector<64xf32> to vector<1x64xf32>
    %dot_general3A_172 = arith.constant dense<0.000000e+00> : vector<1x64xf32>
    %dot_general3A_173 = tpu.matmul %broadcast_in_dim3A_171, %convert_element_type3A_19, %dot_general3A_172 {dimension_numbers = #tpu.dot_dimension_numbers<[1], [0], [0], [1], [0, 0, 1, 1], [], []>, transpose_lhs_hint = false} : vector<1x64xf32>, vector<64x64xf32>, vector<1x64xf32> -> vector<1x64xf32>
    %dot_general3A_174 = arith.constant dense<0.000000e+00> : vector<512x64xf32>
    %dot_general3A_175 = tpu.matmul %convert_element_type3A_24, %reduce_sum3A_168, %dot_general3A_174 {dimension_numbers = #tpu.dot_dimension_numbers<[1], [0], [0], [1], [0, 0, 1, 1], [], []>, transpose_lhs_hint = false} : vector<512x512xf32>, vector<512x64xf32>, vector<512x64xf32> -> vector<512x64xf32>
    %transpose3A_176 = tpu.transpose %broadcast_in_dim3A_162, [0, 2, 1] : vector<512x8x1xi32> -> vector<512x1x8xi32>
    %eq3A_177 = vector.broadcast %broadcast_in_dim3A_162 : vector<512x8x1xi32> to vector<512x8x8xi32>
    %eq3A_178 = vector.broadcast %transpose3A_176 : vector<512x1x8xi32> to vector<512x8x8xi32>
    %eq3A_179 = arith.cmpi eq, %eq3A_177, %eq3A_178 : vector<512x8x8xi32>
    %and3A_180 = arith.andi %eq3A_179, %lt3A_28 : vector<512x8x8xi1>
    %convert_element_type3A_181 = arith.extui %and3A_180 : vector<512x8x8xi1> to vector<512x8x8xi32>
    %convert_element_type3A_182 = arith.sitofp %convert_element_type3A_181 : vector<512x8x8xi32> to vector<512x8x8xf32>
    %reduce_sum3A_183 = arith.constant dense<0.000000e+00> : vector<512x8xf32>
    %reduce_sum3A_184 = vector.multi_reduction <add>, %convert_element_type3A_182, %reduce_sum3A_183 [2] : vector<512x8x8xf32> to vector<512x8xf32>
    %broadcast_in_dim3A_185 = vector.shape_cast %reduce_sum3A_184 : vector<512x8xf32> to vector<512x8x1xf32>
    %add3A_186 = vector.broadcast %dot_general3A_173 : vector<1x64xf32> to vector<512x64xf32>
    %add3A_187 = arith.addf %add3A_186, %dot_general3A_175 : vector<512x64xf32>
    %broadcast_in_dim3A_188 = vector.shape_cast %add3A_187 : vector<512x64xf32> to vector<512x1x64xf32>
    %mul3A_189 = vector.broadcast %broadcast_in_dim3A_188 : vector<512x1x64xf32> to vector<512x8x64xf32>
    %mul3A_190 = arith.mulf %mul3A_189, %convert_element_type3A_166 : vector<512x8x64xf32>
    %reduce_sum3A_191 = arith.constant dense<0.000000e+00> : vector<512x8xf32>
    %reduce_sum3A_192 = vector.multi_reduction <add>, %mul3A_190, %reduce_sum3A_191 [2] : vector<512x8x64xf32> to vector<512x8xf32>
    %broadcast_in_dim3A_193 = vector.shape_cast %reduce_sum3A_192 : vector<512x8xf32> to vector<512x8x1xf32>
    %add3A_194 = arith.addf %broadcast_in_dim3A_193, %broadcast_in_dim3A_185 : vector<512x8x1xf32>
    %convert_element_type3A_195 = arith.fptosi %add3A_194 : vector<512x8x1xf32> to vector<512x8x1xi32>
    %squeeze3A_196 = vector.shape_cast %convert_element_type3A_195 : vector<512x8x1xi32> to vector<512x8xi32>
    %mul3A_197 = arith.constant 8 : i32
    %mul3A_198 = arith.muli %arg0, %mul3A_197 : i32
    %add3A_199 = arith.constant 2 : i32
    %add3A_200 = arith.addi %mul3A_198, %add3A_199 : i32
    %mul3A_201 = arith.constant 4096 : i32
    %mul3A_202 = arith.muli %add3A_200, %mul3A_201 : i32
    %add3A_203 = vector.broadcast %mul3A_202 : i32 to vector<512x8xi32>
    %add3A_204 = arith.addi %squeeze3A_196, %add3A_203 : vector<512x8xi32>
    %swap3A_205 = arith.constant 0 : index
    %swap3A_206 = arith.constant 2 : index
    %swap3A_207 = arith.constant 0 : index
    %swap3A_208 = arith.constant 0 : index
    %swap3A_209 = vector.load %arg4[%swap3A_205, %swap3A_206, %swap3A_207, %swap3A_208] : memref<1x8x512x8xi32, #tpu.memory_space<vmem>>, vector<1x1x512x8xi32>
    %swap3A_210 = vector.shape_cast %swap3A_209 : vector<1x1x512x8xi32> to vector<512x8xi32>
    %swap3A_211 = vector.shape_cast %add3A_204 : vector<512x8xi32> to vector<1x1x512x8xi32>
    tpu.vector_store %arg4[%swap3A_205, %swap3A_206, %swap3A_207, %swap3A_208], %swap3A_211 {strides = array<i32>} : memref<1x8x512x8xi32, #tpu.memory_space<vmem>>, vector<1x1x512x8xi32>,
    %slice3A_212 = vector.extract_strided_slice %dot_general3A_17 {offsets = [0, 96], sizes = [4096, 32], strides = [1, 1]} : vector<4096x256xf32> to vector<4096x32xf32>
    %neg3A_213 = arith.constant 0.000000e+00 : f32
    %neg3A_214 = vector.broadcast %neg3A_213 : f32 to vector<4096x32xf32>
    %neg3A_215 = arith.subf %neg3A_214, %slice3A_212 : vector<4096x32xf32>
    %concatenate3A_216 = tpu.concatenate %slice3A_212, %neg3A_215 in 1 : vector<4096x32xf32>, vector<4096x32xf32> -> vector<4096x64xf32>
    %reshape3A_217 = vector.shape_cast %concatenate3A_216 : vector<4096x64xf32> to vector<512x8x64xf32>
    %reduce_max3A_218 = arith.constant dense<0xFF800000> : vector<512x8xf32>
    %reduce_max3A_219 = vector.multi_reduction <maximumf>, %reshape3A_217, %reduce_max3A_218 [2] : vector<512x8x64xf32> to vector<512x8xf32>
    %broadcast_in_dim3A_220 = vector.shape_cast %reduce_max3A_219 : vector<512x8xf32> to vector<512x8x1xf32>
    %eq3A_221 = vector.broadcast %broadcast_in_dim3A_220 : vector<512x8x1xf32> to vector<512x8x64xf32>
    %eq3A_222 = arith.cmpf oeq, %reshape3A_217, %eq3A_221 : vector<512x8x64xf32>
    %jit3A_223 = arith.constant 64 : i32
    %broadcast_in_dim3A_224 = vector.broadcast %jit3A_223 : i32 to vector<512x8x64xi32>
    %select_n3A_225 = arith.select %eq3A_222, %iota3A_25, %broadcast_in_dim3A_224 : vector<512x8x64xi1>, vector<512x8x64xi32>
    %reduce_min3A_226 = arith.constant dense<2147483647> : vector<512x8xi32>
    %reduce_min3A_227 = vector.multi_reduction <minsi>, %select_n3A_225, %reduce_min3A_226 [2] : vector<512x8x64xi32> to vector<512x8xi32>
    %broadcast_in_dim3A_228 = vector.shape_cast %reduce_min3A_227 : vector<512x8xi32> to vector<512x8x1xi32>
    %eq3A_229 = vector.broadcast %broadcast_in_dim3A_228 : vector<512x8x1xi32> to vector<512x8x64xi32>
    %eq3A_230 = arith.cmpi eq, %eq3A_229, %iota3A_25 : vector<512x8x64xi32>
    %convert_element_type3A_231 = arith.extui %eq3A_230 : vector<512x8x64xi1> to vector<512x8x64xi32>
    %convert_element_type3A_232 = arith.sitofp %convert_element_type3A_231 : vector<512x8x64xi32> to vector<512x8x64xf32>
    %reduce_sum3A_233 = arith.constant dense<0.000000e+00> : vector<512x64xf32>
    %reduce_sum3A_234 = vector.multi_reduction <add>, %convert_element_type3A_232, %reduce_sum3A_233 [1] : vector<512x8x64xf32> to vector<512x64xf32>
    %reduce_sum3A_235 = arith.constant dense<0.000000e+00> : vector<64xf32>
    %reduce_sum3A_236 = vector.multi_reduction <add>, %reduce_sum3A_234, %reduce_sum3A_235 [0] : vector<512x64xf32> to vector<64xf32>
    %broadcast_in_dim3A_237 = vector.shape_cast %reduce_sum3A_236 : vector<64xf32> to vector<1x64xf32>
    %dot_general3A_238 = arith.constant dense<0.000000e+00> : vector<1x64xf32>
    %dot_general3A_239 = tpu.matmul %broadcast_in_dim3A_237, %convert_element_type3A_19, %dot_general3A_238 {dimension_numbers = #tpu.dot_dimension_numbers<[1], [0], [0], [1], [0, 0, 1, 1], [], []>, transpose_lhs_hint = false} : vector<1x64xf32>, vector<64x64xf32>, vector<1x64xf32> -> vector<1x64xf32>
    %dot_general3A_240 = arith.constant dense<0.000000e+00> : vector<512x64xf32>
    %dot_general3A_241 = tpu.matmul %convert_element_type3A_24, %reduce_sum3A_234, %dot_general3A_240 {dimension_numbers = #tpu.dot_dimension_numbers<[1], [0], [0], [1], [0, 0, 1, 1], [], []>, transpose_lhs_hint = false} : vector<512x512xf32>, vector<512x64xf32>, vector<512x64xf32> -> vector<512x64xf32>
    %transpose3A_242 = tpu.transpose %broadcast_in_dim3A_228, [0, 2, 1] : vector<512x8x1xi32> -> vector<512x1x8xi32>
    %eq3A_243 = vector.broadcast %broadcast_in_dim3A_228 : vector<512x8x1xi32> to vector<512x8x8xi32>
    %eq3A_244 = vector.broadcast %transpose3A_242 : vector<512x1x8xi32> to vector<512x8x8xi32>
    %eq3A_245 = arith.cmpi eq, %eq3A_243, %eq3A_244 : vector<512x8x8xi32>
    %and3A_246 = arith.andi %eq3A_245, %lt3A_28 : vector<512x8x8xi1>
    %convert_element_type3A_247 = arith.extui %and3A_246 : vector<512x8x8xi1> to vector<512x8x8xi32>
    %convert_element_type3A_248 = arith.sitofp %convert_element_type3A_247 : vector<512x8x8xi32> to vector<512x8x8xf32>
    %reduce_sum3A_249 = arith.constant dense<0.000000e+00> : vector<512x8xf32>
    %reduce_sum3A_250 = vector.multi_reduction <add>, %convert_element_type3A_248, %reduce_sum3A_249 [2] : vector<512x8x8xf32> to vector<512x8xf32>
    %broadcast_in_dim3A_251 = vector.shape_cast %reduce_sum3A_250 : vector<512x8xf32> to vector<512x8x1xf32>
    %add3A_252 = vector.broadcast %dot_general3A_239 : vector<1x64xf32> to vector<512x64xf32>
    %add3A_253 = arith.addf %add3A_252, %dot_general3A_241 : vector<512x64xf32>
    %broadcast_in_dim3A_254 = vector.shape_cast %add3A_253 : vector<512x64xf32> to vector<512x1x64xf32>
    %mul3A_255 = vector.broadcast %broadcast_in_dim3A_254 : vector<512x1x64xf32> to vector<512x8x64xf32>
    %mul3A_256 = arith.mulf %mul3A_255, %convert_element_type3A_232 : vector<512x8x64xf32>
    %reduce_sum3A_257 = arith.constant dense<0.000000e+00> : vector<512x8xf32>
    %reduce_sum3A_258 = vector.multi_reduction <add>, %mul3A_256, %reduce_sum3A_257 [2] : vector<512x8x64xf32> to vector<512x8xf32>
    %broadcast_in_dim3A_259 = vector.shape_cast %reduce_sum3A_258 : vector<512x8xf32> to vector<512x8x1xf32>
    %add3A_260 = arith.addf %broadcast_in_dim3A_259, %broadcast_in_dim3A_251 : vector<512x8x1xf32>
    %convert_element_type3A_261 = arith.fptosi %add3A_260 : vector<512x8x1xf32> to vector<512x8x1xi32>
    %squeeze3A_262 = vector.shape_cast %convert_element_type3A_261 : vector<512x8x1xi32> to vector<512x8xi32>
    %mul3A_263 = arith.constant 8 : i32
    %mul3A_264 = arith.muli %arg0, %mul3A_263 : i32
    %add3A_265 = arith.constant 3 : i32
    %add3A_266 = arith.addi %mul3A_264, %add3A_265 : i32
    %mul3A_267 = arith.constant 4096 : i32
    %mul3A_268 = arith.muli %add3A_266, %mul3A_267 : i32
    %add3A_269 = vector.broadcast %mul3A_268 : i32 to vector<512x8xi32>
    %add3A_270 = arith.addi %squeeze3A_262, %add3A_269 : vector<512x8xi32>
    %swap3A_271 = arith.constant 0 : index
    %swap3A_272 = arith.constant 3 : index
    %swap3A_273 = arith.constant 0 : index
    %swap3A_274 = arith.constant 0 : index
    %swap3A_275 = vector.load %arg4[%swap3A_271, %swap3A_272, %swap3A_273, %swap3A_274] : memref<1x8x512x8xi32, #tpu.memory_space<vmem>>, vector<1x1x512x8xi32>
    %swap3A_276 = vector.shape_cast %swap3A_275 : vector<1x1x512x8xi32> to vector<512x8xi32>
    %swap3A_277 = vector.shape_cast %add3A_270 : vector<512x8xi32> to vector<1x1x512x8xi32>
    tpu.vector_store %arg4[%swap3A_271, %swap3A_272, %swap3A_273, %swap3A_274], %swap3A_277 {strides = array<i32>} : memref<1x8x512x8xi32, #tpu.memory_space<vmem>>, vector<1x1x512x8xi32>,
    %slice3A_278 = vector.extract_strided_slice %dot_general3A_17 {offsets = [0, 128], sizes = [4096, 32], strides = [1, 1]} : vector<4096x256xf32> to vector<4096x32xf32>
    %neg3A_279 = arith.constant 0.000000e+00 : f32
    %neg3A_280 = vector.broadcast %neg3A_279 : f32 to vector<4096x32xf32>
    %neg3A_281 = arith.subf %neg3A_280, %slice3A_278 : vector<4096x32xf32>
    %concatenate3A_282 = tpu.concatenate %slice3A_278, %neg3A_281 in 1 : vector<4096x32xf32>, vector<4096x32xf32> -> vector<4096x64xf32>
    %reshape3A_283 = vector.shape_cast %concatenate3A_282 : vector<4096x64xf32> to vector<512x8x64xf32>
    %reduce_max3A_284 = arith.constant dense<0xFF800000> : vector<512x8xf32>
    %reduce_max3A_285 = vector.multi_reduction <maximumf>, %reshape3A_283, %reduce_max3A_284 [2] : vector<512x8x64xf32> to vector<512x8xf32>
    %broadcast_in_dim3A_286 = vector.shape_cast %reduce_max3A_285 : vector<512x8xf32> to vector<512x8x1xf32>
    %eq3A_287 = vector.broadcast %broadcast_in_dim3A_286 : vector<512x8x1xf32> to vector<512x8x64xf32>
    %eq3A_288 = arith.cmpf oeq, %reshape3A_283, %eq3A_287 : vector<512x8x64xf32>
    %jit3A_289 = arith.constant 64 : i32
    %broadcast_in_dim3A_290 = vector.broadcast %jit3A_289 : i32 to vector<512x8x64xi32>
    %select_n3A_291 = arith.select %eq3A_288, %iota3A_25, %broadcast_in_dim3A_290 : vector<512x8x64xi1>, vector<512x8x64xi32>
    %reduce_min3A_292 = arith.constant dense<2147483647> : vector<512x8xi32>
    %reduce_min3A_293 = vector.multi_reduction <minsi>, %select_n3A_291, %reduce_min3A_292 [2] : vector<512x8x64xi32> to vector<512x8xi32>
    %broadcast_in_dim3A_294 = vector.shape_cast %reduce_min3A_293 : vector<512x8xi32> to vector<512x8x1xi32>
    %eq3A_295 = vector.broadcast %broadcast_in_dim3A_294 : vector<512x8x1xi32> to vector<512x8x64xi32>
    %eq3A_296 = arith.cmpi eq, %eq3A_295, %iota3A_25 : vector<512x8x64xi32>
    %convert_element_type3A_297 = arith.extui %eq3A_296 : vector<512x8x64xi1> to vector<512x8x64xi32>
    %convert_element_type3A_298 = arith.sitofp %convert_element_type3A_297 : vector<512x8x64xi32> to vector<512x8x64xf32>
    %reduce_sum3A_299 = arith.constant dense<0.000000e+00> : vector<512x64xf32>
    %reduce_sum3A_300 = vector.multi_reduction <add>, %convert_element_type3A_298, %reduce_sum3A_299 [1] : vector<512x8x64xf32> to vector<512x64xf32>
    %reduce_sum3A_301 = arith.constant dense<0.000000e+00> : vector<64xf32>
    %reduce_sum3A_302 = vector.multi_reduction <add>, %reduce_sum3A_300, %reduce_sum3A_301 [0] : vector<512x64xf32> to vector<64xf32>
    %broadcast_in_dim3A_303 = vector.shape_cast %reduce_sum3A_302 : vector<64xf32> to vector<1x64xf32>
    %dot_general3A_304 = arith.constant dense<0.000000e+00> : vector<1x64xf32>
    %dot_general3A_305 = tpu.matmul %broadcast_in_dim3A_303, %convert_element_type3A_19, %dot_general3A_304 {dimension_numbers = #tpu.dot_dimension_numbers<[1], [0], [0], [1], [0, 0, 1, 1], [], []>, transpose_lhs_hint = false} : vector<1x64xf32>, vector<64x64xf32>, vector<1x64xf32> -> vector<1x64xf32>
    %dot_general3A_306 = arith.constant dense<0.000000e+00> : vector<512x64xf32>
    %dot_general3A_307 = tpu.matmul %convert_element_type3A_24, %reduce_sum3A_300, %dot_general3A_306 {dimension_numbers = #tpu.dot_dimension_numbers<[1], [0], [0], [1], [0, 0, 1, 1], [], []>, transpose_lhs_hint = false} : vector<512x512xf32>, vector<512x64xf32>, vector<512x64xf32> -> vector<512x64xf32>
    %transpose3A_308 = tpu.transpose %broadcast_in_dim3A_294, [0, 2, 1] : vector<512x8x1xi32> -> vector<512x1x8xi32>
    %eq3A_309 = vector.broadcast %broadcast_in_dim3A_294 : vector<512x8x1xi32> to vector<512x8x8xi32>
    %eq3A_310 = vector.broadcast %transpose3A_308 : vector<512x1x8xi32> to vector<512x8x8xi32>
    %eq3A_311 = arith.cmpi eq, %eq3A_309, %eq3A_310 : vector<512x8x8xi32>
    %and3A_312 = arith.andi %eq3A_311, %lt3A_28 : vector<512x8x8xi1>
    %convert_element_type3A_313 = arith.extui %and3A_312 : vector<512x8x8xi1> to vector<512x8x8xi32>
    %convert_element_type3A_314 = arith.sitofp %convert_element_type3A_313 : vector<512x8x8xi32> to vector<512x8x8xf32>
    %reduce_sum3A_315 = arith.constant dense<0.000000e+00> : vector<512x8xf32>
    %reduce_sum3A_316 = vector.multi_reduction <add>, %convert_element_type3A_314, %reduce_sum3A_315 [2] : vector<512x8x8xf32> to vector<512x8xf32>
    %broadcast_in_dim3A_317 = vector.shape_cast %reduce_sum3A_316 : vector<512x8xf32> to vector<512x8x1xf32>
    %add3A_318 = vector.broadcast %dot_general3A_305 : vector<1x64xf32> to vector<512x64xf32>
    %add3A_319 = arith.addf %add3A_318, %dot_general3A_307 : vector<512x64xf32>
    %broadcast_in_dim3A_320 = vector.shape_cast %add3A_319 : vector<512x64xf32> to vector<512x1x64xf32>
    %mul3A_321 = vector.broadcast %broadcast_in_dim3A_320 : vector<512x1x64xf32> to vector<512x8x64xf32>
    %mul3A_322 = arith.mulf %mul3A_321, %convert_element_type3A_298 : vector<512x8x64xf32>
    %reduce_sum3A_323 = arith.constant dense<0.000000e+00> : vector<512x8xf32>
    %reduce_sum3A_324 = vector.multi_reduction <add>, %mul3A_322, %reduce_sum3A_323 [2] : vector<512x8x64xf32> to vector<512x8xf32>
    %broadcast_in_dim3A_325 = vector.shape_cast %reduce_sum3A_324 : vector<512x8xf32> to vector<512x8x1xf32>
    %add3A_326 = arith.addf %broadcast_in_dim3A_325, %broadcast_in_dim3A_317 : vector<512x8x1xf32>
    %convert_element_type3A_327 = arith.fptosi %add3A_326 : vector<512x8x1xf32> to vector<512x8x1xi32>
    %squeeze3A_328 = vector.shape_cast %convert_element_type3A_327 : vector<512x8x1xi32> to vector<512x8xi32>
    %mul3A_329 = arith.constant 8 : i32
    %mul3A_330 = arith.muli %arg0, %mul3A_329 : i32
    %add3A_331 = arith.constant 4 : i32
    %add3A_332 = arith.addi %mul3A_330, %add3A_331 : i32
    %mul3A_333 = arith.constant 4096 : i32
    %mul3A_334 = arith.muli %add3A_332, %mul3A_333 : i32
    %add3A_335 = vector.broadcast %mul3A_334 : i32 to vector<512x8xi32>
    %add3A_336 = arith.addi %squeeze3A_328, %add3A_335 : vector<512x8xi32>
    %swap3A_337 = arith.constant 0 : index
    %swap3A_338 = arith.constant 4 : index
    %swap3A_339 = arith.constant 0 : index
    %swap3A_340 = arith.constant 0 : index
    %swap3A_341 = vector.load %arg4[%swap3A_337, %swap3A_338, %swap3A_339, %swap3A_340] : memref<1x8x512x8xi32, #tpu.memory_space<vmem>>, vector<1x1x512x8xi32>
    %swap3A_342 = vector.shape_cast %swap3A_341 : vector<1x1x512x8xi32> to vector<512x8xi32>
    %swap3A_343 = vector.shape_cast %add3A_336 : vector<512x8xi32> to vector<1x1x512x8xi32>
    tpu.vector_store %arg4[%swap3A_337, %swap3A_338, %swap3A_339, %swap3A_340], %swap3A_343 {strides = array<i32>} : memref<1x8x512x8xi32, #tpu.memory_space<vmem>>, vector<1x1x512x8xi32>,
    %slice3A_344 = vector.extract_strided_slice %dot_general3A_17 {offsets = [0, 160], sizes = [4096, 32], strides = [1, 1]} : vector<4096x256xf32> to vector<4096x32xf32>
    %neg3A_345 = arith.constant 0.000000e+00 : f32
    %neg3A_346 = vector.broadcast %neg3A_345 : f32 to vector<4096x32xf32>
    %neg3A_347 = arith.subf %neg3A_346, %slice3A_344 : vector<4096x32xf32>
    %concatenate3A_348 = tpu.concatenate %slice3A_344, %neg3A_347 in 1 : vector<4096x32xf32>, vector<4096x32xf32> -> vector<4096x64xf32>
    %reshape3A_349 = vector.shape_cast %concatenate3A_348 : vector<4096x64xf32> to vector<512x8x64xf32>
    %reduce_max3A_350 = arith.constant dense<0xFF800000> : vector<512x8xf32>
    %reduce_max3A_351 = vector.multi_reduction <maximumf>, %reshape3A_349, %reduce_max3A_350 [2] : vector<512x8x64xf32> to vector<512x8xf32>
    %broadcast_in_dim3A_352 = vector.shape_cast %reduce_max3A_351 : vector<512x8xf32> to vector<512x8x1xf32>
    %eq3A_353 = vector.broadcast %broadcast_in_dim3A_352 : vector<512x8x1xf32> to vector<512x8x64xf32>
    %eq3A_354 = arith.cmpf oeq, %reshape3A_349, %eq3A_353 : vector<512x8x64xf32>
    %jit3A_355 = arith.constant 64 : i32
    %broadcast_in_dim3A_356 = vector.broadcast %jit3A_355 : i32 to vector<512x8x64xi32>
    %select_n3A_357 = arith.select %eq3A_354, %iota3A_25, %broadcast_in_dim3A_356 : vector<512x8x64xi1>, vector<512x8x64xi32>
    %reduce_min3A_358 = arith.constant dense<2147483647> : vector<512x8xi32>
    %reduce_min3A_359 = vector.multi_reduction <minsi>, %select_n3A_357, %reduce_min3A_358 [2] : vector<512x8x64xi32> to vector<512x8xi32>
    %broadcast_in_dim3A_360 = vector.shape_cast %reduce_min3A_359 : vector<512x8xi32> to vector<512x8x1xi32>
    %eq3A_361 = vector.broadcast %broadcast_in_dim3A_360 : vector<512x8x1xi32> to vector<512x8x64xi32>
    %eq3A_362 = arith.cmpi eq, %eq3A_361, %iota3A_25 : vector<512x8x64xi32>
    %convert_element_type3A_363 = arith.extui %eq3A_362 : vector<512x8x64xi1> to vector<512x8x64xi32>
    %convert_element_type3A_364 = arith.sitofp %convert_element_type3A_363 : vector<512x8x64xi32> to vector<512x8x64xf32>
    %reduce_sum3A_365 = arith.constant dense<0.000000e+00> : vector<512x64xf32>
    %reduce_sum3A_366 = vector.multi_reduction <add>, %convert_element_type3A_364, %reduce_sum3A_365 [1] : vector<512x8x64xf32> to vector<512x64xf32>
    %reduce_sum3A_367 = arith.constant dense<0.000000e+00> : vector<64xf32>
    %reduce_sum3A_368 = vector.multi_reduction <add>, %reduce_sum3A_366, %reduce_sum3A_367 [0] : vector<512x64xf32> to vector<64xf32>
    %broadcast_in_dim3A_369 = vector.shape_cast %reduce_sum3A_368 : vector<64xf32> to vector<1x64xf32>
    %dot_general3A_370 = arith.constant dense<0.000000e+00> : vector<1x64xf32>
    %dot_general3A_371 = tpu.matmul %broadcast_in_dim3A_369, %convert_element_type3A_19, %dot_general3A_370 {dimension_numbers = #tpu.dot_dimension_numbers<[1], [0], [0], [1], [0, 0, 1, 1], [], []>, transpose_lhs_hint = false} : vector<1x64xf32>, vector<64x64xf32>, vector<1x64xf32> -> vector<1x64xf32>
    %dot_general3A_372 = arith.constant dense<0.000000e+00> : vector<512x64xf32>
    %dot_general3A_373 = tpu.matmul %convert_element_type3A_24, %reduce_sum3A_366, %dot_general3A_372 {dimension_numbers = #tpu.dot_dimension_numbers<[1], [0], [0], [1], [0, 0, 1, 1], [], []>, transpose_lhs_hint = false} : vector<512x512xf32>, vector<512x64xf32>, vector<512x64xf32> -> vector<512x64xf32>
    %transpose3A_374 = tpu.transpose %broadcast_in_dim3A_360, [0, 2, 1] : vector<512x8x1xi32> -> vector<512x1x8xi32>
    %eq3A_375 = vector.broadcast %broadcast_in_dim3A_360 : vector<512x8x1xi32> to vector<512x8x8xi32>
    %eq3A_376 = vector.broadcast %transpose3A_374 : vector<512x1x8xi32> to vector<512x8x8xi32>
    %eq3A_377 = arith.cmpi eq, %eq3A_375, %eq3A_376 : vector<512x8x8xi32>
    %and3A_378 = arith.andi %eq3A_377, %lt3A_28 : vector<512x8x8xi1>
    %convert_element_type3A_379 = arith.extui %and3A_378 : vector<512x8x8xi1> to vector<512x8x8xi32>
    %convert_element_type3A_380 = arith.sitofp %convert_element_type3A_379 : vector<512x8x8xi32> to vector<512x8x8xf32>
    %reduce_sum3A_381 = arith.constant dense<0.000000e+00> : vector<512x8xf32>
    %reduce_sum3A_382 = vector.multi_reduction <add>, %convert_element_type3A_380, %reduce_sum3A_381 [2] : vector<512x8x8xf32> to vector<512x8xf32>
    %broadcast_in_dim3A_383 = vector.shape_cast %reduce_sum3A_382 : vector<512x8xf32> to vector<512x8x1xf32>
    %add3A_384 = vector.broadcast %dot_general3A_371 : vector<1x64xf32> to vector<512x64xf32>
    %add3A_385 = arith.addf %add3A_384, %dot_general3A_373 : vector<512x64xf32>
    %broadcast_in_dim3A_386 = vector.shape_cast %add3A_385 : vector<512x64xf32> to vector<512x1x64xf32>
    %mul3A_387 = vector.broadcast %broadcast_in_dim3A_386 : vector<512x1x64xf32> to vector<512x8x64xf32>
    %mul3A_388 = arith.mulf %mul3A_387, %convert_element_type3A_364 : vector<512x8x64xf32>
    %reduce_sum3A_389 = arith.constant dense<0.000000e+00> : vector<512x8xf32>
    %reduce_sum3A_390 = vector.multi_reduction <add>, %mul3A_388, %reduce_sum3A_389 [2] : vector<512x8x64xf32> to vector<512x8xf32>
    %broadcast_in_dim3A_391 = vector.shape_cast %reduce_sum3A_390 : vector<512x8xf32> to vector<512x8x1xf32>
    %add3A_392 = arith.addf %broadcast_in_dim3A_391, %broadcast_in_dim3A_383 : vector<512x8x1xf32>
    %convert_element_type3A_393 = arith.fptosi %add3A_392 : vector<512x8x1xf32> to vector<512x8x1xi32>
    %squeeze3A_394 = vector.shape_cast %convert_element_type3A_393 : vector<512x8x1xi32> to vector<512x8xi32>
    %mul3A_395 = arith.constant 8 : i32
    %mul3A_396 = arith.muli %arg0, %mul3A_395 : i32
    %add3A_397 = arith.constant 5 : i32
    %add3A_398 = arith.addi %mul3A_396, %add3A_397 : i32
    %mul3A_399 = arith.constant 4096 : i32
    %mul3A_400 = arith.muli %add3A_398, %mul3A_399 : i32
    %add3A_401 = vector.broadcast %mul3A_400 : i32 to vector<512x8xi32>
    %add3A_402 = arith.addi %squeeze3A_394, %add3A_401 : vector<512x8xi32>
    %swap3A_403 = arith.constant 0 : index
    %swap3A_404 = arith.constant 5 : index
    %swap3A_405 = arith.constant 0 : index
    %swap3A_406 = arith.constant 0 : index
    %swap3A_407 = vector.load %arg4[%swap3A_403, %swap3A_404, %swap3A_405, %swap3A_406] : memref<1x8x512x8xi32, #tpu.memory_space<vmem>>, vector<1x1x512x8xi32>
    %swap3A_408 = vector.shape_cast %swap3A_407 : vector<1x1x512x8xi32> to vector<512x8xi32>
    %swap3A_409 = vector.shape_cast %add3A_402 : vector<512x8xi32> to vector<1x1x512x8xi32>
    tpu.vector_store %arg4[%swap3A_403, %swap3A_404, %swap3A_405, %swap3A_406], %swap3A_409 {strides = array<i32>} : memref<1x8x512x8xi32, #tpu.memory_space<vmem>>, vector<1x1x512x8xi32>,
    %slice3A_410 = vector.extract_strided_slice %dot_general3A_17 {offsets = [0, 192], sizes = [4096, 32], strides = [1, 1]} : vector<4096x256xf32> to vector<4096x32xf32>
    %neg3A_411 = arith.constant 0.000000e+00 : f32
    %neg3A_412 = vector.broadcast %neg3A_411 : f32 to vector<4096x32xf32>
    %neg3A_413 = arith.subf %neg3A_412, %slice3A_410 : vector<4096x32xf32>
    %concatenate3A_414 = tpu.concatenate %slice3A_410, %neg3A_413 in 1 : vector<4096x32xf32>, vector<4096x32xf32> -> vector<4096x64xf32>
    %reshape3A_415 = vector.shape_cast %concatenate3A_414 : vector<4096x64xf32> to vector<512x8x64xf32>
    %reduce_max3A_416 = arith.constant dense<0xFF800000> : vector<512x8xf32>
    %reduce_max3A_417 = vector.multi_reduction <maximumf>, %reshape3A_415, %reduce_max3A_416 [2] : vector<512x8x64xf32> to vector<512x8xf32>
    %broadcast_in_dim3A_418 = vector.shape_cast %reduce_max3A_417 : vector<512x8xf32> to vector<512x8x1xf32>
    %eq3A_419 = vector.broadcast %broadcast_in_dim3A_418 : vector<512x8x1xf32> to vector<512x8x64xf32>
    %eq3A_420 = arith.cmpf oeq, %reshape3A_415, %eq3A_419 : vector<512x8x64xf32>
    %jit3A_421 = arith.constant 64 : i32
    %broadcast_in_dim3A_422 = vector.broadcast %jit3A_421 : i32 to vector<512x8x64xi32>
    %select_n3A_423 = arith.select %eq3A_420, %iota3A_25, %broadcast_in_dim3A_422 : vector<512x8x64xi1>, vector<512x8x64xi32>
    %reduce_min3A_424 = arith.constant dense<2147483647> : vector<512x8xi32>
    %reduce_min3A_425 = vector.multi_reduction <minsi>, %select_n3A_423, %reduce_min3A_424 [2] : vector<512x8x64xi32> to vector<512x8xi32>
    %broadcast_in_dim3A_426 = vector.shape_cast %reduce_min3A_425 : vector<512x8xi32> to vector<512x8x1xi32>
    %eq3A_427 = vector.broadcast %broadcast_in_dim3A_426 : vector<512x8x1xi32> to vector<512x8x64xi32>
    %eq3A_428 = arith.cmpi eq, %eq3A_427, %iota3A_25 : vector<512x8x64xi32>
    %convert_element_type3A_429 = arith.extui %eq3A_428 : vector<512x8x64xi1> to vector<512x8x64xi32>
    %convert_element_type3A_430 = arith.sitofp %convert_element_type3A_429 : vector<512x8x64xi32> to vector<512x8x64xf32>
    %reduce_sum3A_431 = arith.constant dense<0.000000e+00> : vector<512x64xf32>
    %reduce_sum3A_432 = vector.multi_reduction <add>, %convert_element_type3A_430, %reduce_sum3A_431 [1] : vector<512x8x64xf32> to vector<512x64xf32>
    %reduce_sum3A_433 = arith.constant dense<0.000000e+00> : vector<64xf32>
    %reduce_sum3A_434 = vector.multi_reduction <add>, %reduce_sum3A_432, %reduce_sum3A_433 [0] : vector<512x64xf32> to vector<64xf32>
    %broadcast_in_dim3A_435 = vector.shape_cast %reduce_sum3A_434 : vector<64xf32> to vector<1x64xf32>
    %dot_general3A_436 = arith.constant dense<0.000000e+00> : vector<1x64xf32>
    %dot_general3A_437 = tpu.matmul %broadcast_in_dim3A_435, %convert_element_type3A_19, %dot_general3A_436 {dimension_numbers = #tpu.dot_dimension_numbers<[1], [0], [0], [1], [0, 0, 1, 1], [], []>, transpose_lhs_hint = false} : vector<1x64xf32>, vector<64x64xf32>, vector<1x64xf32> -> vector<1x64xf32>
    %dot_general3A_438 = arith.constant dense<0.000000e+00> : vector<512x64xf32>
    %dot_general3A_439 = tpu.matmul %convert_element_type3A_24, %reduce_sum3A_432, %dot_general3A_438 {dimension_numbers = #tpu.dot_dimension_numbers<[1], [0], [0], [1], [0, 0, 1, 1], [], []>, transpose_lhs_hint = false} : vector<512x512xf32>, vector<512x64xf32>, vector<512x64xf32> -> vector<512x64xf32>
    %transpose3A_440 = tpu.transpose %broadcast_in_dim3A_426, [0, 2, 1] : vector<512x8x1xi32> -> vector<512x1x8xi32>
    %eq3A_441 = vector.broadcast %broadcast_in_dim3A_426 : vector<512x8x1xi32> to vector<512x8x8xi32>
    %eq3A_442 = vector.broadcast %transpose3A_440 : vector<512x1x8xi32> to vector<512x8x8xi32>
    %eq3A_443 = arith.cmpi eq, %eq3A_441, %eq3A_442 : vector<512x8x8xi32>
    %and3A_444 = arith.andi %eq3A_443, %lt3A_28 : vector<512x8x8xi1>
    %convert_element_type3A_445 = arith.extui %and3A_444 : vector<512x8x8xi1> to vector<512x8x8xi32>
    %convert_element_type3A_446 = arith.sitofp %convert_element_type3A_445 : vector<512x8x8xi32> to vector<512x8x8xf32>
    %reduce_sum3A_447 = arith.constant dense<0.000000e+00> : vector<512x8xf32>
    %reduce_sum3A_448 = vector.multi_reduction <add>, %convert_element_type3A_446, %reduce_sum3A_447 [2] : vector<512x8x8xf32> to vector<512x8xf32>
    %broadcast_in_dim3A_449 = vector.shape_cast %reduce_sum3A_448 : vector<512x8xf32> to vector<512x8x1xf32>
    %add3A_450 = vector.broadcast %dot_general3A_437 : vector<1x64xf32> to vector<512x64xf32>
    %add3A_451 = arith.addf %add3A_450, %dot_general3A_439 : vector<512x64xf32>
    %broadcast_in_dim3A_452 = vector.shape_cast %add3A_451 : vector<512x64xf32> to vector<512x1x64xf32>
    %mul3A_453 = vector.broadcast %broadcast_in_dim3A_452 : vector<512x1x64xf32> to vector<512x8x64xf32>
    %mul3A_454 = arith.mulf %mul3A_453, %convert_element_type3A_430 : vector<512x8x64xf32>
    %reduce_sum3A_455 = arith.constant dense<0.000000e+00> : vector<512x8xf32>
    %reduce_sum3A_456 = vector.multi_reduction <add>, %mul3A_454, %reduce_sum3A_455 [2] : vector<512x8x64xf32> to vector<512x8xf32>
    %broadcast_in_dim3A_457 = vector.shape_cast %reduce_sum3A_456 : vector<512x8xf32> to vector<512x8x1xf32>
    %add3A_458 = arith.addf %broadcast_in_dim3A_457, %broadcast_in_dim3A_449 : vector<512x8x1xf32>
    %convert_element_type3A_459 = arith.fptosi %add3A_458 : vector<512x8x1xf32> to vector<512x8x1xi32>
    %squeeze3A_460 = vector.shape_cast %convert_element_type3A_459 : vector<512x8x1xi32> to vector<512x8xi32>
    %mul3A_461 = arith.constant 8 : i32
    %mul3A_462 = arith.muli %arg0, %mul3A_461 : i32
    %add3A_463 = arith.constant 6 : i32
    %add3A_464 = arith.addi %mul3A_462, %add3A_463 : i32
    %mul3A_465 = arith.constant 4096 : i32
    %mul3A_466 = arith.muli %add3A_464, %mul3A_465 : i32
    %add3A_467 = vector.broadcast %mul3A_466 : i32 to vector<512x8xi32>
    %add3A_468 = arith.addi %squeeze3A_460, %add3A_467 : vector<512x8xi32>
    %swap3A_469 = arith.constant 0 : index
    %swap3A_470 = arith.constant 6 : index
    %swap3A_471 = arith.constant 0 : index
    %swap3A_472 = arith.constant 0 : index
    %swap3A_473 = vector.load %arg4[%swap3A_469, %swap3A_470, %swap3A_471, %swap3A_472] : memref<1x8x512x8xi32, #tpu.memory_space<vmem>>, vector<1x1x512x8xi32>
    %swap3A_474 = vector.shape_cast %swap3A_473 : vector<1x1x512x8xi32> to vector<512x8xi32>
    %swap3A_475 = vector.shape_cast %add3A_468 : vector<512x8xi32> to vector<1x1x512x8xi32>
    tpu.vector_store %arg4[%swap3A_469, %swap3A_470, %swap3A_471, %swap3A_472], %swap3A_475 {strides = array<i32>} : memref<1x8x512x8xi32, #tpu.memory_space<vmem>>, vector<1x1x512x8xi32>,
    %slice3A_476 = vector.extract_strided_slice %dot_general3A_17 {offsets = [0, 224], sizes = [4096, 32], strides = [1, 1]} : vector<4096x256xf32> to vector<4096x32xf32>
    %neg3A_477 = arith.constant 0.000000e+00 : f32
    %neg3A_478 = vector.broadcast %neg3A_477 : f32 to vector<4096x32xf32>
    %neg3A_479 = arith.subf %neg3A_478, %slice3A_476 : vector<4096x32xf32>
    %concatenate3A_480 = tpu.concatenate %slice3A_476, %neg3A_479 in 1 : vector<4096x32xf32>, vector<4096x32xf32> -> vector<4096x64xf32>
    %reshape3A_481 = vector.shape_cast %concatenate3A_480 : vector<4096x64xf32> to vector<512x8x64xf32>
    %reduce_max3A_482 = arith.constant dense<0xFF800000> : vector<512x8xf32>
    %reduce_max3A_483 = vector.multi_reduction <maximumf>, %reshape3A_481, %reduce_max3A_482 [2] : vector<512x8x64xf32> to vector<512x8xf32>
    %broadcast_in_dim3A_484 = vector.shape_cast %reduce_max3A_483 : vector<512x8xf32> to vector<512x8x1xf32>
    %eq3A_485 = vector.broadcast %broadcast_in_dim3A_484 : vector<512x8x1xf32> to vector<512x8x64xf32>
    %eq3A_486 = arith.cmpf oeq, %reshape3A_481, %eq3A_485 : vector<512x8x64xf32>
    %jit3A_487 = arith.constant 64 : i32
    %broadcast_in_dim3A_488 = vector.broadcast %jit3A_487 : i32 to vector<512x8x64xi32>
    %select_n3A_489 = arith.select %eq3A_486, %iota3A_25, %broadcast_in_dim3A_488 : vector<512x8x64xi1>, vector<512x8x64xi32>
    %reduce_min3A_490 = arith.constant dense<2147483647> : vector<512x8xi32>
    %reduce_min3A_491 = vector.multi_reduction <minsi>, %select_n3A_489, %reduce_min3A_490 [2] : vector<512x8x64xi32> to vector<512x8xi32>
    %broadcast_in_dim3A_492 = vector.shape_cast %reduce_min3A_491 : vector<512x8xi32> to vector<512x8x1xi32>
    %eq3A_493 = vector.broadcast %broadcast_in_dim3A_492 : vector<512x8x1xi32> to vector<512x8x64xi32>
    %eq3A_494 = arith.cmpi eq, %eq3A_493, %iota3A_25 : vector<512x8x64xi32>
    %convert_element_type3A_495 = arith.extui %eq3A_494 : vector<512x8x64xi1> to vector<512x8x64xi32>
    %convert_element_type3A_496 = arith.sitofp %convert_element_type3A_495 : vector<512x8x64xi32> to vector<512x8x64xf32>
    %reduce_sum3A_497 = arith.constant dense<0.000000e+00> : vector<512x64xf32>
    %reduce_sum3A_498 = vector.multi_reduction <add>, %convert_element_type3A_496, %reduce_sum3A_497 [1] : vector<512x8x64xf32> to vector<512x64xf32>
    %reduce_sum3A_499 = arith.constant dense<0.000000e+00> : vector<64xf32>
    %reduce_sum3A_500 = vector.multi_reduction <add>, %reduce_sum3A_498, %reduce_sum3A_499 [0] : vector<512x64xf32> to vector<64xf32>
    %broadcast_in_dim3A_501 = vector.shape_cast %reduce_sum3A_500 : vector<64xf32> to vector<1x64xf32>
    %dot_general3A_502 = arith.constant dense<0.000000e+00> : vector<1x64xf32>
    %dot_general3A_503 = tpu.matmul %broadcast_in_dim3A_501, %convert_element_type3A_19, %dot_general3A_502 {dimension_numbers = #tpu.dot_dimension_numbers<[1], [0], [0], [1], [0, 0, 1, 1], [], []>, transpose_lhs_hint = false} : vector<1x64xf32>, vector<64x64xf32>, vector<1x64xf32> -> vector<1x64xf32>
    %dot_general3A_504 = arith.constant dense<0.000000e+00> : vector<512x64xf32>
    %dot_general3A_505 = tpu.matmul %convert_element_type3A_24, %reduce_sum3A_498, %dot_general3A_504 {dimension_numbers = #tpu.dot_dimension_numbers<[1], [0], [0], [1], [0, 0, 1, 1], [], []>, transpose_lhs_hint = false} : vector<512x512xf32>, vector<512x64xf32>, vector<512x64xf32> -> vector<512x64xf32>
    %transpose3A_506 = tpu.transpose %broadcast_in_dim3A_492, [0, 2, 1] : vector<512x8x1xi32> -> vector<512x1x8xi32>
    %eq3A_507 = vector.broadcast %broadcast_in_dim3A_492 : vector<512x8x1xi32> to vector<512x8x8xi32>
    %eq3A_508 = vector.broadcast %transpose3A_506 : vector<512x1x8xi32> to vector<512x8x8xi32>
    %eq3A_509 = arith.cmpi eq, %eq3A_507, %eq3A_508 : vector<512x8x8xi32>
    %and3A_510 = arith.andi %eq3A_509, %lt3A_28 : vector<512x8x8xi1>
    %convert_element_type3A_511 = arith.extui %and3A_510 : vector<512x8x8xi1> to vector<512x8x8xi32>
    %convert_element_type3A_512 = arith.sitofp %convert_element_type3A_511 : vector<512x8x8xi32> to vector<512x8x8xf32>
    %reduce_sum3A_513 = arith.constant dense<0.000000e+00> : vector<512x8xf32>
    %reduce_sum3A_514 = vector.multi_reduction <add>, %convert_element_type3A_512, %reduce_sum3A_513 [2] : vector<512x8x8xf32> to vector<512x8xf32>
    %broadcast_in_dim3A_515 = vector.shape_cast %reduce_sum3A_514 : vector<512x8xf32> to vector<512x8x1xf32>
    %add3A_516 = vector.broadcast %dot_general3A_503 : vector<1x64xf32> to vector<512x64xf32>
    %add3A_517 = arith.addf %add3A_516, %dot_general3A_505 : vector<512x64xf32>
    %broadcast_in_dim3A_518 = vector.shape_cast %add3A_517 : vector<512x64xf32> to vector<512x1x64xf32>
    %mul3A_519 = vector.broadcast %broadcast_in_dim3A_518 : vector<512x1x64xf32> to vector<512x8x64xf32>
    %mul3A_520 = arith.mulf %mul3A_519, %convert_element_type3A_496 : vector<512x8x64xf32>
    %reduce_sum3A_521 = arith.constant dense<0.000000e+00> : vector<512x8xf32>
    %reduce_sum3A_522 = vector.multi_reduction <add>, %mul3A_520, %reduce_sum3A_521 [2] : vector<512x8x64xf32> to vector<512x8xf32>
    %broadcast_in_dim3A_523 = vector.shape_cast %reduce_sum3A_522 : vector<512x8xf32> to vector<512x8x1xf32>
    %add3A_524 = arith.addf %broadcast_in_dim3A_523, %broadcast_in_dim3A_515 : vector<512x8x1xf32>
    %convert_element_type3A_525 = arith.fptosi %add3A_524 : vector<512x8x1xf32> to vector<512x8x1xi32>
    %squeeze3A_526 = vector.shape_cast %convert_element_type3A_525 : vector<512x8x1xi32> to vector<512x8xi32>
    %mul3A_527 = arith.constant 8 : i32
    %mul3A_528 = arith.muli %arg0, %mul3A_527 : i32
    %add3A_529 = arith.constant 7 : i32
    %add3A_530 = arith.addi %mul3A_528, %add3A_529 : i32
    %mul3A_531 = arith.constant 4096 : i32
    %mul3A_532 = arith.muli %add3A_530, %mul3A_531 : i32
    %add3A_533 = vector.broadcast %mul3A_532 : i32 to vector<512x8xi32>
    %add3A_534 = arith.addi %squeeze3A_526, %add3A_533 : vector<512x8xi32>
    %swap3A_535 = arith.constant 0 : index
    %swap3A_536 = arith.constant 7 : index
    %swap3A_537 = arith.constant 0 : index
    %swap3A_538 = arith.constant 0 : index
    %swap3A_539 = vector.load %arg4[%swap3A_535, %swap3A_536, %swap3A_537, %swap3A_538] : memref<1x8x512x8xi32, #tpu.memory_space<vmem>>, vector<1x1x512x8xi32>
    %swap3A_540 = vector.shape_cast %swap3A_539 : vector<1x1x512x8xi32> to vector<512x8xi32>
    %swap3A_541 = vector.shape_cast %add3A_534 : vector<512x8xi32> to vector<1x1x512x8xi32>
    tpu.vector_store %arg4[%swap3A_535, %swap3A_536, %swap3A_537, %swap3A_538], %swap3A_541 {strides = array<i32>} : memref<1x8x512x8xi32, #tpu.memory_space<vmem>>, vector<1x1x512x8xi32>,
    %eq3A_542 = vector.broadcast %convert_element_type3A_64 : vector<512x8x1xi32> to vector<512x8x64xi32>
    %eq3A_543 = arith.cmpi eq, %eq3A_542, %iota3A_25 : vector<512x8x64xi32>
    %convert_element_type3A_544 = arith.extui %eq3A_543 : vector<512x8x64xi1> to vector<512x8x64xi32>
    %convert_element_type3A_545 = arith.sitofp %convert_element_type3A_544 : vector<512x8x64xi32> to vector<512x8x64xf32>
    %reshape3A_546 = vector.shape_cast %convert_element_type3A_545 : vector<512x8x64xf32> to vector<4096x64xf32>
    %add3A_547 = arith.constant 4032 : i32
    %add3A_548 = vector.broadcast %add3A_547 : i32 to vector<512x8x64xi32>
    %add3A_549 = arith.addi %iota3A_25, %add3A_548 : vector<512x8x64xi32>
    %eq3A_550 = vector.broadcast %convert_element_type3A_525 : vector<512x8x1xi32> to vector<512x8x64xi32>
    %eq3A_551 = arith.cmpi eq, %eq3A_550, %add3A_549 : vector<512x8x64xi32>
    %convert_element_type3A_552 = arith.extui %eq3A_551 : vector<512x8x64xi1> to vector<512x8x64xi32>
    %convert_element_type3A_553 = arith.sitofp %convert_element_type3A_552 : vector<512x8x64xi32> to vector<512x8x64xf32>
    %reshape3A_554 = vector.shape_cast %convert_element_type3A_553 : vector<512x8x64xf32> to vector<4096x64xf32>
    %dot_general3A_555 = arith.constant dense<0.000000e+00> : vector<64x64xf32>
    %dot_general3A_556 = tpu.matmul %reshape3A_546, %reshape3A_554, %dot_general3A_555 {dimension_numbers = #tpu.dot_dimension_numbers<[0], [0], [1], [1], [0, 1, 1, 1], [], []>, transpose_lhs_hint = false} : vector<4096x64xf32>, vector<4096x64xf32>, vector<64x64xf32> -> vector<64x64xf32>
    %swap3A_557 = arith.constant 0 : index
    %swap3A_558 = arith.constant 0 : index
    %swap3A_559 = arith.constant 0 : index
    %swap3A_560 = arith.constant 0 : index
    %swap3A_561 = vector.load %arg5[%swap3A_557, %swap3A_558, %swap3A_559, %swap3A_560] : memref<1x8x64x64xf32, #tpu.memory_space<vmem>>, vector<1x1x64x64xf32>
    %swap3A_562 = vector.shape_cast %swap3A_561 : vector<1x1x64x64xf32> to vector<64x64xf32>
    %swap3A_563 = vector.shape_cast %dot_general3A_556 : vector<64x64xf32> to vector<1x1x64x64xf32>
    tpu.vector_store %arg5[%swap3A_557, %swap3A_558, %swap3A_559, %swap3A_560], %swap3A_563 {strides = array<i32>} : memref<1x8x64x64xf32, #tpu.memory_space<vmem>>, vector<1x1x64x64xf32>,
    %eq3A_564 = vector.broadcast %convert_element_type3A_129 : vector<512x8x1xi32> to vector<512x8x64xi32>
    %eq3A_565 = arith.cmpi eq, %eq3A_564, %iota3A_25 : vector<512x8x64xi32>
    %convert_element_type3A_566 = arith.extui %eq3A_565 : vector<512x8x64xi1> to vector<512x8x64xi32>
    %convert_element_type3A_567 = arith.sitofp %convert_element_type3A_566 : vector<512x8x64xi32> to vector<512x8x64xf32>
    %reshape3A_568 = vector.shape_cast %convert_element_type3A_567 : vector<512x8x64xf32> to vector<4096x64xf32>
    %add3A_569 = arith.constant 4032 : i32
    %add3A_570 = vector.broadcast %add3A_569 : i32 to vector<512x8x64xi32>
    %add3A_571 = arith.addi %iota3A_25, %add3A_570 : vector<512x8x64xi32>
    %eq3A_572 = vector.broadcast %convert_element_type3A_64 : vector<512x8x1xi32> to vector<512x8x64xi32>
    %eq3A_573 = arith.cmpi eq, %eq3A_572, %add3A_571 : vector<512x8x64xi32>
    %convert_element_type3A_574 = arith.extui %eq3A_573 : vector<512x8x64xi1> to vector<512x8x64xi32>
    %convert_element_type3A_575 = arith.sitofp %convert_element_type3A_574 : vector<512x8x64xi32> to vector<512x8x64xf32>
    %reshape3A_576 = vector.shape_cast %convert_element_type3A_575 : vector<512x8x64xf32> to vector<4096x64xf32>
    %dot_general3A_577 = arith.constant dense<0.000000e+00> : vector<64x64xf32>
    %dot_general3A_578 = tpu.matmul %reshape3A_568, %reshape3A_576, %dot_general3A_577 {dimension_numbers = #tpu.dot_dimension_numbers<[0], [0], [1], [1], [0, 1, 1, 1], [], []>, transpose_lhs_hint = false} : vector<4096x64xf32>, vector<4096x64xf32>, vector<64x64xf32> -> vector<64x64xf32>
    %swap3A_579 = arith.constant 0 : index
    %swap3A_580 = arith.constant 1 : index
    %swap3A_581 = arith.constant 0 : index
    %swap3A_582 = arith.constant 0 : index
    %swap3A_583 = vector.load %arg5[%swap3A_579, %swap3A_580, %swap3A_581, %swap3A_582] : memref<1x8x64x64xf32, #tpu.memory_space<vmem>>, vector<1x1x64x64xf32>
    %swap3A_584 = vector.shape_cast %swap3A_583 : vector<1x1x64x64xf32> to vector<64x64xf32>
    %swap3A_585 = vector.shape_cast %dot_general3A_578 : vector<64x64xf32> to vector<1x1x64x64xf32>
    tpu.vector_store %arg5[%swap3A_579, %swap3A_580, %swap3A_581, %swap3A_582], %swap3A_585 {strides = array<i32>} : memref<1x8x64x64xf32, #tpu.memory_space<vmem>>, vector<1x1x64x64xf32>,
    %eq3A_586 = vector.broadcast %convert_element_type3A_195 : vector<512x8x1xi32> to vector<512x8x64xi32>
    %eq3A_587 = arith.cmpi eq, %eq3A_586, %iota3A_25 : vector<512x8x64xi32>
    %convert_element_type3A_588 = arith.extui %eq3A_587 : vector<512x8x64xi1> to vector<512x8x64xi32>
    %convert_element_type3A_589 = arith.sitofp %convert_element_type3A_588 : vector<512x8x64xi32> to vector<512x8x64xf32>
    %reshape3A_590 = vector.shape_cast %convert_element_type3A_589 : vector<512x8x64xf32> to vector<4096x64xf32>
    %add3A_591 = arith.constant 4032 : i32
    %add3A_592 = vector.broadcast %add3A_591 : i32 to vector<512x8x64xi32>
    %add3A_593 = arith.addi %iota3A_25, %add3A_592 : vector<512x8x64xi32>
    %eq3A_594 = vector.broadcast %convert_element_type3A_129 : vector<512x8x1xi32> to vector<512x8x64xi32>
    %eq3A_595 = arith.cmpi eq, %eq3A_594, %add3A_593 : vector<512x8x64xi32>
    %convert_element_type3A_596 = arith.extui %eq3A_595 : vector<512x8x64xi1> to vector<512x8x64xi32>
    %convert_element_type3A_597 = arith.sitofp %convert_element_type3A_596 : vector<512x8x64xi32> to vector<512x8x64xf32>
    %reshape3A_598 = vector.shape_cast %convert_element_type3A_597 : vector<512x8x64xf32> to vector<4096x64xf32>
    %dot_general3A_599 = arith.constant dense<0.000000e+00> : vector<64x64xf32>
    %dot_general3A_600 = tpu.matmul %reshape3A_590, %reshape3A_598, %dot_general3A_599 {dimension_numbers = #tpu.dot_dimension_numbers<[0], [0], [1], [1], [0, 1, 1, 1], [], []>, transpose_lhs_hint = false} : vector<4096x64xf32>, vector<4096x64xf32>, vector<64x64xf32> -> vector<64x64xf32>
    %swap3A_601 = arith.constant 0 : index
    %swap3A_602 = arith.constant 2 : index
    %swap3A_603 = arith.constant 0 : index
    %swap3A_604 = arith.constant 0 : index
    %swap3A_605 = vector.load %arg5[%swap3A_601, %swap3A_602, %swap3A_603, %swap3A_604] : memref<1x8x64x64xf32, #tpu.memory_space<vmem>>, vector<1x1x64x64xf32>
    %swap3A_606 = vector.shape_cast %swap3A_605 : vector<1x1x64x64xf32> to vector<64x64xf32>
    %swap3A_607 = vector.shape_cast %dot_general3A_600 : vector<64x64xf32> to vector<1x1x64x64xf32>
    tpu.vector_store %arg5[%swap3A_601, %swap3A_602, %swap3A_603, %swap3A_604], %swap3A_607 {strides = array<i32>} : memref<1x8x64x64xf32, #tpu.memory_space<vmem>>, vector<1x1x64x64xf32>,
    %eq3A_608 = vector.broadcast %convert_element_type3A_261 : vector<512x8x1xi32> to vector<512x8x64xi32>
    %eq3A_609 = arith.cmpi eq, %eq3A_608, %iota3A_25 : vector<512x8x64xi32>
    %convert_element_type3A_610 = arith.extui %eq3A_609 : vector<512x8x64xi1> to vector<512x8x64xi32>
    %convert_element_type3A_611 = arith.sitofp %convert_element_type3A_610 : vector<512x8x64xi32> to vector<512x8x64xf32>
    %reshape3A_612 = vector.shape_cast %convert_element_type3A_611 : vector<512x8x64xf32> to vector<4096x64xf32>
    %add3A_613 = arith.constant 4032 : i32
    %add3A_614 = vector.broadcast %add3A_613 : i32 to vector<512x8x64xi32>
    %add3A_615 = arith.addi %iota3A_25, %add3A_614 : vector<512x8x64xi32>
    %eq3A_616 = vector.broadcast %convert_element_type3A_195 : vector<512x8x1xi32> to vector<512x8x64xi32>
    %eq3A_617 = arith.cmpi eq, %eq3A_616, %add3A_615 : vector<512x8x64xi32>
    %convert_element_type3A_618 = arith.extui %eq3A_617 : vector<512x8x64xi1> to vector<512x8x64xi32>
    %convert_element_type3A_619 = arith.sitofp %convert_element_type3A_618 : vector<512x8x64xi32> to vector<512x8x64xf32>
    %reshape3A_620 = vector.shape_cast %convert_element_type3A_619 : vector<512x8x64xf32> to vector<4096x64xf32>
    %dot_general3A_621 = arith.constant dense<0.000000e+00> : vector<64x64xf32>
    %dot_general3A_622 = tpu.matmul %reshape3A_612, %reshape3A_620, %dot_general3A_621 {dimension_numbers = #tpu.dot_dimension_numbers<[0], [0], [1], [1], [0, 1, 1, 1], [], []>, transpose_lhs_hint = false} : vector<4096x64xf32>, vector<4096x64xf32>, vector<64x64xf32> -> vector<64x64xf32>
    %swap3A_623 = arith.constant 0 : index
    %swap3A_624 = arith.constant 3 : index
    %swap3A_625 = arith.constant 0 : index
    %swap3A_626 = arith.constant 0 : index
    %swap3A_627 = vector.load %arg5[%swap3A_623, %swap3A_624, %swap3A_625, %swap3A_626] : memref<1x8x64x64xf32, #tpu.memory_space<vmem>>, vector<1x1x64x64xf32>
    %swap3A_628 = vector.shape_cast %swap3A_627 : vector<1x1x64x64xf32> to vector<64x64xf32>
    %swap3A_629 = vector.shape_cast %dot_general3A_622 : vector<64x64xf32> to vector<1x1x64x64xf32>
    tpu.vector_store %arg5[%swap3A_623, %swap3A_624, %swap3A_625, %swap3A_626], %swap3A_629 {strides = array<i32>} : memref<1x8x64x64xf32, #tpu.memory_space<vmem>>, vector<1x1x64x64xf32>,
    %eq3A_630 = vector.broadcast %convert_element_type3A_327 : vector<512x8x1xi32> to vector<512x8x64xi32>
    %eq3A_631 = arith.cmpi eq, %eq3A_630, %iota3A_25 : vector<512x8x64xi32>
    %convert_element_type3A_632 = arith.extui %eq3A_631 : vector<512x8x64xi1> to vector<512x8x64xi32>
    %convert_element_type3A_633 = arith.sitofp %convert_element_type3A_632 : vector<512x8x64xi32> to vector<512x8x64xf32>
    %reshape3A_634 = vector.shape_cast %convert_element_type3A_633 : vector<512x8x64xf32> to vector<4096x64xf32>
    %add3A_635 = arith.constant 4032 : i32
    %add3A_636 = vector.broadcast %add3A_635 : i32 to vector<512x8x64xi32>
    %add3A_637 = arith.addi %iota3A_25, %add3A_636 : vector<512x8x64xi32>
    %eq3A_638 = vector.broadcast %convert_element_type3A_261 : vector<512x8x1xi32> to vector<512x8x64xi32>
    %eq3A_639 = arith.cmpi eq, %eq3A_638, %add3A_637 : vector<512x8x64xi32>
    %convert_element_type3A_640 = arith.extui %eq3A_639 : vector<512x8x64xi1> to vector<512x8x64xi32>
    %convert_element_type3A_641 = arith.sitofp %convert_element_type3A_640 : vector<512x8x64xi32> to vector<512x8x64xf32>
    %reshape3A_642 = vector.shape_cast %convert_element_type3A_641 : vector<512x8x64xf32> to vector<4096x64xf32>
    %dot_general3A_643 = arith.constant dense<0.000000e+00> : vector<64x64xf32>
    %dot_general3A_644 = tpu.matmul %reshape3A_634, %reshape3A_642, %dot_general3A_643 {dimension_numbers = #tpu.dot_dimension_numbers<[0], [0], [1], [1], [0, 1, 1, 1], [], []>, transpose_lhs_hint = false} : vector<4096x64xf32>, vector<4096x64xf32>, vector<64x64xf32> -> vector<64x64xf32>
    %swap3A_645 = arith.constant 0 : index
    %swap3A_646 = arith.constant 4 : index
    %swap3A_647 = arith.constant 0 : index
    %swap3A_648 = arith.constant 0 : index
    %swap3A_649 = vector.load %arg5[%swap3A_645, %swap3A_646, %swap3A_647, %swap3A_648] : memref<1x8x64x64xf32, #tpu.memory_space<vmem>>, vector<1x1x64x64xf32>
    %swap3A_650 = vector.shape_cast %swap3A_649 : vector<1x1x64x64xf32> to vector<64x64xf32>
    %swap3A_651 = vector.shape_cast %dot_general3A_644 : vector<64x64xf32> to vector<1x1x64x64xf32>
    tpu.vector_store %arg5[%swap3A_645, %swap3A_646, %swap3A_647, %swap3A_648], %swap3A_651 {strides = array<i32>} : memref<1x8x64x64xf32, #tpu.memory_space<vmem>>, vector<1x1x64x64xf32>,
    %eq3A_652 = vector.broadcast %convert_element_type3A_393 : vector<512x8x1xi32> to vector<512x8x64xi32>
    %eq3A_653 = arith.cmpi eq, %eq3A_652, %iota3A_25 : vector<512x8x64xi32>
    %convert_element_type3A_654 = arith.extui %eq3A_653 : vector<512x8x64xi1> to vector<512x8x64xi32>
    %convert_element_type3A_655 = arith.sitofp %convert_element_type3A_654 : vector<512x8x64xi32> to vector<512x8x64xf32>
    %reshape3A_656 = vector.shape_cast %convert_element_type3A_655 : vector<512x8x64xf32> to vector<4096x64xf32>
    %add3A_657 = arith.constant 4032 : i32
    %add3A_658 = vector.broadcast %add3A_657 : i32 to vector<512x8x64xi32>
    %add3A_659 = arith.addi %iota3A_25, %add3A_658 : vector<512x8x64xi32>
    %eq3A_660 = vector.broadcast %convert_element_type3A_327 : vector<512x8x1xi32> to vector<512x8x64xi32>
    %eq3A_661 = arith.cmpi eq, %eq3A_660, %add3A_659 : vector<512x8x64xi32>
    %convert_element_type3A_662 = arith.extui %eq3A_661 : vector<512x8x64xi1> to vector<512x8x64xi32>
    %convert_element_type3A_663 = arith.sitofp %convert_element_type3A_662 : vector<512x8x64xi32> to vector<512x8x64xf32>
    %reshape3A_664 = vector.shape_cast %convert_element_type3A_663 : vector<512x8x64xf32> to vector<4096x64xf32>
    %dot_general3A_665 = arith.constant dense<0.000000e+00> : vector<64x64xf32>
    %dot_general3A_666 = tpu.matmul %reshape3A_656, %reshape3A_664, %dot_general3A_665 {dimension_numbers = #tpu.dot_dimension_numbers<[0], [0], [1], [1], [0, 1, 1, 1], [], []>, transpose_lhs_hint = false} : vector<4096x64xf32>, vector<4096x64xf32>, vector<64x64xf32> -> vector<64x64xf32>
    %swap3A_667 = arith.constant 0 : index
    %swap3A_668 = arith.constant 5 : index
    %swap3A_669 = arith.constant 0 : index
    %swap3A_670 = arith.constant 0 : index
    %swap3A_671 = vector.load %arg5[%swap3A_667, %swap3A_668, %swap3A_669, %swap3A_670] : memref<1x8x64x64xf32, #tpu.memory_space<vmem>>, vector<1x1x64x64xf32>
    %swap3A_672 = vector.shape_cast %swap3A_671 : vector<1x1x64x64xf32> to vector<64x64xf32>
    %swap3A_673 = vector.shape_cast %dot_general3A_666 : vector<64x64xf32> to vector<1x1x64x64xf32>
    tpu.vector_store %arg5[%swap3A_667, %swap3A_668, %swap3A_669, %swap3A_670], %swap3A_673 {strides = array<i32>} : memref<1x8x64x64xf32, #tpu.memory_space<vmem>>, vector<1x1x64x64xf32>,
    %eq3A_674 = vector.broadcast %convert_element_type3A_459 : vector<512x8x1xi32> to vector<512x8x64xi32>
    %eq3A_675 = arith.cmpi eq, %eq3A_674, %iota3A_25 : vector<512x8x64xi32>
    %convert_element_type3A_676 = arith.extui %eq3A_675 : vector<512x8x64xi1> to vector<512x8x64xi32>
    %convert_element_type3A_677 = arith.sitofp %convert_element_type3A_676 : vector<512x8x64xi32> to vector<512x8x64xf32>
    %reshape3A_678 = vector.shape_cast %convert_element_type3A_677 : vector<512x8x64xf32> to vector<4096x64xf32>
    %add3A_679 = arith.constant 4032 : i32
    %add3A_680 = vector.broadcast %add3A_679 : i32 to vector<512x8x64xi32>
    %add3A_681 = arith.addi %iota3A_25, %add3A_680 : vector<512x8x64xi32>
    %eq3A_682 = vector.broadcast %convert_element_type3A_393 : vector<512x8x1xi32> to vector<512x8x64xi32>
    %eq3A_683 = arith.cmpi eq, %eq3A_682, %add3A_681 : vector<512x8x64xi32>
    %convert_element_type3A_684 = arith.extui %eq3A_683 : vector<512x8x64xi1> to vector<512x8x64xi32>
    %convert_element_type3A_685 = arith.sitofp %convert_element_type3A_684 : vector<512x8x64xi32> to vector<512x8x64xf32>
    %reshape3A_686 = vector.shape_cast %convert_element_type3A_685 : vector<512x8x64xf32> to vector<4096x64xf32>
    %dot_general3A_687 = arith.constant dense<0.000000e+00> : vector<64x64xf32>
    %dot_general3A_688 = tpu.matmul %reshape3A_678, %reshape3A_686, %dot_general3A_687 {dimension_numbers = #tpu.dot_dimension_numbers<[0], [0], [1], [1], [0, 1, 1, 1], [], []>, transpose_lhs_hint = false} : vector<4096x64xf32>, vector<4096x64xf32>, vector<64x64xf32> -> vector<64x64xf32>
    %swap3A_689 = arith.constant 0 : index
    %swap3A_690 = arith.constant 6 : index
    %swap3A_691 = arith.constant 0 : index
    %swap3A_692 = arith.constant 0 : index
    %swap3A_693 = vector.load %arg5[%swap3A_689, %swap3A_690, %swap3A_691, %swap3A_692] : memref<1x8x64x64xf32, #tpu.memory_space<vmem>>, vector<1x1x64x64xf32>
    %swap3A_694 = vector.shape_cast %swap3A_693 : vector<1x1x64x64xf32> to vector<64x64xf32>
    %swap3A_695 = vector.shape_cast %dot_general3A_688 : vector<64x64xf32> to vector<1x1x64x64xf32>
    tpu.vector_store %arg5[%swap3A_689, %swap3A_690, %swap3A_691, %swap3A_692], %swap3A_695 {strides = array<i32>} : memref<1x8x64x64xf32, #tpu.memory_space<vmem>>, vector<1x1x64x64xf32>,
    %eq3A_696 = vector.broadcast %convert_element_type3A_525 : vector<512x8x1xi32> to vector<512x8x64xi32>
    %eq3A_697 = arith.cmpi eq, %eq3A_696, %iota3A_25 : vector<512x8x64xi32>
    %convert_element_type3A_698 = arith.extui %eq3A_697 : vector<512x8x64xi1> to vector<512x8x64xi32>
    %convert_element_type3A_699 = arith.sitofp %convert_element_type3A_698 : vector<512x8x64xi32> to vector<512x8x64xf32>
    %reshape3A_700 = vector.shape_cast %convert_element_type3A_699 : vector<512x8x64xf32> to vector<4096x64xf32>
    %add3A_701 = arith.constant 4032 : i32
    %add3A_702 = vector.broadcast %add3A_701 : i32 to vector<512x8x64xi32>
    %add3A_703 = arith.addi %iota3A_25, %add3A_702 : vector<512x8x64xi32>
    %eq3A_704 = vector.broadcast %convert_element_type3A_459 : vector<512x8x1xi32> to vector<512x8x64xi32>
    %eq3A_705 = arith.cmpi eq, %eq3A_704, %add3A_703 : vector<512x8x64xi32>
    %convert_element_type3A_706 = arith.extui %eq3A_705 : vector<512x8x64xi1> to vector<512x8x64xi32>
    %convert_element_type3A_707 = arith.sitofp %convert_element_type3A_706 : vector<512x8x64xi32> to vector<512x8x64xf32>
    %reshape3A_708 = vector.shape_cast %convert_element_type3A_707 : vector<512x8x64xf32> to vector<4096x64xf32>
    %dot_general3A_709 = arith.constant dense<0.000000e+00> : vector<64x64xf32>
    %dot_general3A_710 = tpu.matmul %reshape3A_700, %reshape3A_708, %dot_general3A_709 {dimension_numbers = #tpu.dot_dimension_numbers<[0], [0], [1], [1], [0, 1, 1, 1], [], []>, transpose_lhs_hint = false} : vector<4096x64xf32>, vector<4096x64xf32>, vector<64x64xf32> -> vector<64x64xf32>
    %swap3A_711 = arith.constant 0 : index
    %swap3A_712 = arith.constant 7 : index
    %swap3A_713 = arith.constant 0 : index
    %swap3A_714 = arith.constant 0 : index
    %swap3A_715 = vector.load %arg5[%swap3A_711, %swap3A_712, %swap3A_713, %swap3A_714] : memref<1x8x64x64xf32, #tpu.memory_space<vmem>>, vector<1x1x64x64xf32>
    %swap3A_716 = vector.shape_cast %swap3A_715 : vector<1x1x64x64xf32> to vector<64x64xf32>
    %swap3A_717 = vector.shape_cast %dot_general3A_710 : vector<64x64xf32> to vector<1x1x64x64xf32>
    tpu.vector_store %arg5[%swap3A_711, %swap3A_712, %swap3A_713, %swap3A_714], %swap3A_717 {strides = array<i32>} : memref<1x8x64x64xf32, #tpu.memory_space<vmem>>, vector<1x1x64x64xf32>,
    return
  }
  func.func @transform_0(%arg0: i32) -> (i32, i32, i32) {
    %c0_i32 = arith.constant 0 : i32
    %c0_i32_0 = arith.constant 0 : i32
    %c0_i32_1 = arith.constant 0 : i32
    return %arg0, %c0_i32, %c0_i32_0 : i32, i32, i32
  }
  func.func @transform_1(%arg0: i32) -> (i32, i32, i32) {
    %c0_i32 = arith.constant 0 : i32
    %c0_i32_0 = arith.constant 0 : i32
    %c0_i32_1 = arith.constant 0 : i32
    return %arg0, %c0_i32, %c0_i32_0 : i32, i32, i32
  }
  func.func @transform_2(%arg0: i32) -> (i32, i32) {
    %c0_i32 = arith.constant 0 : i32
    %c0_i32_0 = arith.constant 0 : i32
    %c0_i32_1 = arith.constant 0 : i32
    return %c0_i32, %c0_i32_0 : i32, i32
  }
  func.func @transform_3(%arg0: i32) -> (i32, i32, i32, i32) {
    %c0_i32 = arith.constant 0 : i32
    %c0_i32_0 = arith.constant 0 : i32
    %c0_i32_1 = arith.constant 0 : i32
    %c0_i32_2 = arith.constant 0 : i32
    return %arg0, %c0_i32, %c0_i32_0, %c0_i32_1 : i32, i32, i32, i32
  }
  func.func @transform_4(%arg0: i32) -> (i32, i32, i32, i32) {
    %c0_i32 = arith.constant 0 : i32
    %c0_i32_0 = arith.constant 0 : i32
    %c0_i32_1 = arith.constant 0 : i32
    %c0_i32_2 = arith.constant 0 : i32
    return %arg0, %c0_i32, %c0_i32_0, %c0_i32_1 : i32, i32, i32, i32
  }
  func.func @transform_5(%arg0: i32) -> (i32, i32, i32) {
    %c0_i32 = arith.constant 0 : i32
    %c0_i32_0 = arith.constant 0 : i32
    %c0_i32_1 = arith.constant 0 : i32
    return %arg0, %c0_i32, %c0_i32_0 : i32, i32, i32
  }
}

module attributes {stable_mosaic.version = 14 : i64} {
  func.func @_combine_kernel(%arg0: i32, %arg1: i32, %arg2: memref<1x8x512x128xf32, #tpu.memory_space<vmem>>, %arg3: memref<1x512x64xf32, #tpu.memory_space<vmem>>) attributes {dimension_semantics = [#tpu.dimension_semantics<arbitrary>, #tpu.dimension_semantics<arbitrary>], iteration_bounds = array<i64: 4, 8>, scalar_prefetch = 0 : i64, scratch_operands = 0 : i64, tpu.core_type = #tpu.core_type<tc>, window_params = [{transform_indices = @transform_0, window_bounds = array<i64: 1, 8, 512, 128>}, {transform_indices = @transform_1, window_bounds = array<i64: 1, 512, 64>}]} {
    %get3A = arith.constant 0 : index
    %get3A_0 = arith.constant 0 : index
    %get3A_1 = arith.constant 0 : index
    %get3A_2 = arith.constant 0 : index
    %get3A_3 = vector.load %arg2[%get3A, %get3A_0, %get3A_1, %get3A_2] : memref<1x8x512x128xf32, #tpu.memory_space<vmem>>, vector<1x8x512x128xf32>
    %get3A_4 = vector.shape_cast %get3A_3 : vector<1x8x512x128xf32> to vector<8x512x128xf32>
    %slice3A = vector.extract_strided_slice %get3A_4 {offsets = [0, 0, 0], sizes = [8, 512, 64], strides = [1, 1, 1]} : vector<8x512x128xf32> to vector<8x512x64xf32>
    %slice3A_5 = vector.extract_strided_slice %get3A_4 {offsets = [0, 0, 64], sizes = [8, 512, 1], strides = [1, 1, 1]} : vector<8x512x128xf32> to vector<8x512x1xf32>
    %reduce_max3A = arith.constant dense<0xFF800000> : vector<512x1xf32>
    %reduce_max3A_6 = vector.multi_reduction <maximumf>, %slice3A_5, %reduce_max3A [0] : vector<8x512x1xf32> to vector<512x1xf32>
    %broadcast_in_dim3A = vector.shape_cast %reduce_max3A_6 : vector<512x1xf32> to vector<1x512x1xf32>
    %sub3A = vector.broadcast %broadcast_in_dim3A : vector<1x512x1xf32> to vector<8x512x1xf32>
    %sub3A_7 = arith.subf %slice3A_5, %sub3A : vector<8x512x1xf32>
    %exp3A = math.exp %sub3A_7 : vector<8x512x1xf32>
    %reduce_sum3A = arith.constant dense<0.000000e+00> : vector<512x1xf32>
    %reduce_sum3A_8 = vector.multi_reduction <add>, %exp3A, %reduce_sum3A [0] : vector<8x512x1xf32> to vector<512x1xf32>
    %mul3A = vector.broadcast %exp3A : vector<8x512x1xf32> to vector<8x512x64xf32>
    %mul3A_9 = arith.mulf %slice3A, %mul3A : vector<8x512x64xf32>
    %reduce_sum3A_10 = arith.constant dense<0.000000e+00> : vector<512x64xf32>
    %reduce_sum3A_11 = vector.multi_reduction <add>, %mul3A_9, %reduce_sum3A_10 [0] : vector<8x512x64xf32> to vector<512x64xf32>
    %div3A = vector.broadcast %reduce_sum3A_8 : vector<512x1xf32> to vector<512x64xf32>
    %div3A_12 = arith.divf %reduce_sum3A_11, %div3A : vector<512x64xf32>
    %swap3A = arith.constant 0 : index
    %swap3A_13 = arith.constant 0 : index
    %swap3A_14 = arith.constant 0 : index
    %swap3A_15 = vector.load %arg3[%swap3A, %swap3A_13, %swap3A_14] : memref<1x512x64xf32, #tpu.memory_space<vmem>>, vector<1x512x64xf32>
    %swap3A_16 = vector.shape_cast %swap3A_15 : vector<1x512x64xf32> to vector<512x64xf32>
    %swap3A_17 = vector.shape_cast %div3A_12 : vector<512x64xf32> to vector<1x512x64xf32>
    tpu.vector_store %arg3[%swap3A, %swap3A_13, %swap3A_14], %swap3A_17 {strides = array<i32>} : memref<1x512x64xf32, #tpu.memory_space<vmem>>, vector<1x512x64xf32>,
    return
  }
  func.func @transform_0(%arg0: i32, %arg1: i32) -> (i32, i32, i32, i32) {
    %c0_i32 = arith.constant 0 : i32
    %c0_i32_0 = arith.constant 0 : i32
    %c0_i32_1 = arith.constant 0 : i32
    return %arg0, %c0_i32, %arg1, %c0_i32_0 : i32, i32, i32, i32
  }
  func.func @transform_1(%arg0: i32, %arg1: i32) -> (i32, i32, i32) {
    %c0_i32 = arith.constant 0 : i32
    %c0_i32_0 = arith.constant 0 : i32
    return %arg0, %arg1, %c0_i32 : i32, i32, i32
  }
}

module attributes {stable_mosaic.version = 14 : i64} {
  func.func @_attn_kernel(%arg0: i32, %arg1: i32, %arg2: memref<1x64x64x128xf32, #tpu.memory_space<vmem>>, %arg3: memref<1x1x64x128xf32, #tpu.memory_space<vmem>>, %arg4: memref<1x1x64x64xf32, #tpu.memory_space<vmem>>, %arg5: memref<1x64x64x128xf32, #tpu.memory_space<vmem>>, %arg6: memref<4096x64xbf16, #tpu.memory_space<vmem>>, %arg7: memref<4160x64xbf16, #tpu.memory_space<vmem>>, %arg8: memref<4160x64xbf16, #tpu.memory_space<vmem>>, %arg9: memref<4096x128xf32, #tpu.memory_space<vmem>>, %arg10: memref<4096x128xbf16, #tpu.memory_space<vmem>>) attributes {dimension_semantics = [#tpu.dimension_semantics<arbitrary>, #tpu.dimension_semantics<arbitrary>], iteration_bounds = array<i64: 4, 8>, scalar_prefetch = 0 : i64, scratch_operands = 5 : i64, tpu.core_type = #tpu.core_type<tc>, window_params = [{transform_indices = @transform_0, window_bounds = array<i64: 1, 64, 64, 128>}, {transform_indices = @transform_1, window_bounds = array<i64: 1, 1, 64, 128>}, {transform_indices = @transform_2, window_bounds = array<i64: 1, 1, 64, 64>}, {transform_indices = @transform_3, window_bounds = array<i64: 1, 64, 64, 128>}]} {
    %get3A = arith.constant 0 : index
    %get3A_0 = arith.constant 0 : index
    %get3A_1 = arith.constant 0 : index
    %get3A_2 = arith.constant 0 : index
    %get3A_3 = vector.load %arg2[%get3A, %get3A_0, %get3A_1, %get3A_2] : memref<1x64x64x128xf32, #tpu.memory_space<vmem>>, vector<1x64x64x128xf32>
    %get3A_4 = vector.shape_cast %get3A_3 : vector<1x64x64x128xf32> to vector<64x64x128xf32>
    %reshape3A = vector.shape_cast %get3A_4 : vector<64x64x128xf32> to vector<4096x128xf32>
    %get3A_5 = arith.constant 0 : index
    %get3A_6 = arith.constant 0 : index
    %get3A_7 = arith.constant 0 : index
    %get3A_8 = arith.constant 0 : index
    %get3A_9 = vector.load %arg3[%get3A_5, %get3A_6, %get3A_7, %get3A_8] : memref<1x1x64x128xf32, #tpu.memory_space<vmem>>, vector<1x1x64x128xf32>
    %get3A_10 = vector.shape_cast %get3A_9 : vector<1x1x64x128xf32> to vector<64x128xf32>
    %slice3A = vector.extract_strided_slice %reshape3A {offsets = [0, 0], sizes = [4096, 64], strides = [1, 1]} : vector<4096x128xf32> to vector<4096x64xf32>
    %convert_element_type3A = arith.truncf %slice3A : vector<4096x64xf32> to vector<4096x64xbf16>
    %swap3A = arith.constant 0 : index
    %swap3A_11 = arith.constant 0 : index
    %swap3A_12 = vector.load %arg6[%swap3A, %swap3A_11] : memref<4096x64xbf16, #tpu.memory_space<vmem>>, vector<4096x64xbf16>
    tpu.vector_store %arg6[%swap3A, %swap3A_11], %convert_element_type3A {strides = array<i32>} : memref<4096x64xbf16, #tpu.memory_space<vmem>>, vector<4096x64xbf16>,
    %slice3A_13 = vector.extract_strided_slice %get3A_10 {offsets = [0, 0], sizes = [64, 64], strides = [1, 1]} : vector<64x128xf32> to vector<64x64xf32>
    %mul3A = arith.mulf %slice3A_13, %slice3A_13 : vector<64x64xf32>
    %reduce_sum3A = arith.constant dense<0.000000e+00> : vector<64xf32>
    %reduce_sum3A_14 = vector.multi_reduction <add>, %mul3A, %reduce_sum3A [1] : vector<64x64xf32> to vector<64xf32>
    %broadcast_in_dim3A = vector.shape_cast %reduce_sum3A_14 : vector<64xf32> to vector<64x1xf32>
    %sqrt3A = math.sqrt %broadcast_in_dim3A : vector<64x1xf32>
    %max3A = arith.constant 9.99999996E-13 : f32
    %max3A_15 = vector.broadcast %max3A : f32 to vector<64x1xf32>
    %max3A_16 = arith.maximumf %sqrt3A, %max3A_15 : vector<64x1xf32>
    %div3A = vector.broadcast %max3A_16 : vector<64x1xf32> to vector<64x64xf32>
    %div3A_17 = arith.divf %slice3A_13, %div3A : vector<64x64xf32>
    %convert_element_type3A_18 = arith.truncf %div3A_17 : vector<64x64xf32> to vector<64x64xbf16>
    %swap3A_19 = arith.constant 0 : index
    %swap3A_20 = arith.constant 0 : index
    %swap3A_21 = vector.load %arg7[%swap3A_19, %swap3A_20] : memref<4160x64xbf16, #tpu.memory_space<vmem>>, vector<64x64xbf16>
    tpu.vector_store %arg7[%swap3A_19, %swap3A_20], %convert_element_type3A_18 {strides = array<i32>} : memref<4160x64xbf16, #tpu.memory_space<vmem>>, vector<64x64xbf16>,
    %mul3A_22 = arith.mulf %slice3A, %slice3A : vector<4096x64xf32>
    %reduce_sum3A_23 = arith.constant dense<0.000000e+00> : vector<4096xf32>
    %reduce_sum3A_24 = vector.multi_reduction <add>, %mul3A_22, %reduce_sum3A_23 [1] : vector<4096x64xf32> to vector<4096xf32>
    %broadcast_in_dim3A_25 = vector.shape_cast %reduce_sum3A_24 : vector<4096xf32> to vector<4096x1xf32>
    %sqrt3A_26 = math.sqrt %broadcast_in_dim3A_25 : vector<4096x1xf32>
    %max3A_27 = arith.constant 9.99999996E-13 : f32
    %max3A_28 = vector.broadcast %max3A_27 : f32 to vector<4096x1xf32>
    %max3A_29 = arith.maximumf %sqrt3A_26, %max3A_28 : vector<4096x1xf32>
    %div3A_30 = vector.broadcast %max3A_29 : vector<4096x1xf32> to vector<4096x64xf32>
    %div3A_31 = arith.divf %slice3A, %div3A_30 : vector<4096x64xf32>
    %convert_element_type3A_32 = arith.truncf %div3A_31 : vector<4096x64xf32> to vector<4096x64xbf16>
    %swap3A_33 = arith.constant 64 : index
    %swap3A_34 = arith.constant 0 : index
    %swap3A_35 = vector.load %arg7[%swap3A_33, %swap3A_34] : memref<4160x64xbf16, #tpu.memory_space<vmem>>, vector<4096x64xbf16>
    tpu.vector_store %arg7[%swap3A_33, %swap3A_34], %convert_element_type3A_32 {strides = array<i32>} : memref<4160x64xbf16, #tpu.memory_space<vmem>>, vector<4096x64xbf16>,
    %slice3A_36 = vector.extract_strided_slice %get3A_10 {offsets = [0, 64], sizes = [64, 64], strides = [1, 1]} : vector<64x128xf32> to vector<64x64xf32>
    %convert_element_type3A_37 = arith.truncf %slice3A_36 : vector<64x64xf32> to vector<64x64xbf16>
    %swap3A_38 = arith.constant 0 : index
    %swap3A_39 = arith.constant 0 : index
    %swap3A_40 = vector.load %arg8[%swap3A_38, %swap3A_39] : memref<4160x64xbf16, #tpu.memory_space<vmem>>, vector<64x64xbf16>
    tpu.vector_store %arg8[%swap3A_38, %swap3A_39], %convert_element_type3A_37 {strides = array<i32>} : memref<4160x64xbf16, #tpu.memory_space<vmem>>, vector<64x64xbf16>,
    %slice3A_41 = vector.extract_strided_slice %reshape3A {offsets = [0, 64], sizes = [4096, 64], strides = [1, 1]} : vector<4096x128xf32> to vector<4096x64xf32>
    %convert_element_type3A_42 = arith.truncf %slice3A_41 : vector<4096x64xf32> to vector<4096x64xbf16>
    %swap3A_43 = arith.constant 64 : index
    %swap3A_44 = arith.constant 0 : index
    %swap3A_45 = vector.load %arg8[%swap3A_43, %swap3A_44] : memref<4160x64xbf16, #tpu.memory_space<vmem>>, vector<4096x64xbf16>
    tpu.vector_store %arg8[%swap3A_43, %swap3A_44], %convert_element_type3A_42 {strides = array<i32>} : memref<4160x64xbf16, #tpu.memory_space<vmem>>, vector<4096x64xbf16>,
    %get3A_46 = arith.constant 0 : index
    %get3A_47 = arith.constant 0 : index
    %get3A_48 = vector.load %arg6[%get3A_46, %get3A_47] : memref<4096x64xbf16, #tpu.memory_space<vmem>>, vector<64x64xbf16>
    %get3A_49 = arith.constant 0 : index
    %get3A_50 = arith.constant 0 : index
    %get3A_51 = vector.load %arg7[%get3A_49, %get3A_50] : memref<4160x64xbf16, #tpu.memory_space<vmem>>, vector<128x64xbf16>
    %dot_general3A = arith.constant dense<0.000000e+00> : vector<64x128xf32>
    %dot_general3A_52 = tpu.matmul %get3A_48, %get3A_51, %dot_general3A {dimension_numbers = #tpu.dot_dimension_numbers<[1], [1], [0], [0], [0, 0, 1, 0], [], []>, transpose_lhs_hint = false} : vector<64x64xbf16>, vector<128x64xbf16>, vector<64x128xf32> -> vector<64x128xf32>
    %swap3A_53 = arith.constant 0 : index
    %swap3A_54 = arith.constant 0 : index
    %swap3A_55 = vector.load %arg9[%swap3A_53, %swap3A_54] : memref<4096x128xf32, #tpu.memory_space<vmem>>, vector<64x128xf32>
    tpu.vector_store %arg9[%swap3A_53, %swap3A_54], %dot_general3A_52 {strides = array<i32>} : memref<4096x128xf32, #tpu.memory_space<vmem>>, vector<64x128xf32>,
    %get3A_56 = arith.constant 64 : index
    %get3A_57 = arith.constant 0 : index
    %get3A_58 = vector.load %arg6[%get3A_56, %get3A_57] : memref<4096x64xbf16, #tpu.memory_space<vmem>>, vector<64x64xbf16>
    %get3A_59 = arith.constant 64 : index
    %get3A_60 = arith.constant 0 : index
    %get3A_61 = vector.load %arg7[%get3A_59, %get3A_60] : memref<4160x64xbf16, #tpu.memory_space<vmem>>, vector<128x64xbf16>
    %dot_general3A_62 = arith.constant dense<0.000000e+00> : vector<64x128xf32>
    %dot_general3A_63 = tpu.matmul %get3A_58, %get3A_61, %dot_general3A_62 {dimension_numbers = #tpu.dot_dimension_numbers<[1], [1], [0], [0], [0, 0, 1, 0], [], []>, transpose_lhs_hint = false} : vector<64x64xbf16>, vector<128x64xbf16>, vector<64x128xf32> -> vector<64x128xf32>
    %swap3A_64 = arith.constant 64 : index
    %swap3A_65 = arith.constant 0 : index
    %swap3A_66 = vector.load %arg9[%swap3A_64, %swap3A_65] : memref<4096x128xf32, #tpu.memory_space<vmem>>, vector<64x128xf32>
    tpu.vector_store %arg9[%swap3A_64, %swap3A_65], %dot_general3A_63 {strides = array<i32>} : memref<4096x128xf32, #tpu.memory_space<vmem>>, vector<64x128xf32>,
    %get3A_67 = arith.constant 128 : index
    %get3A_68 = arith.constant 0 : index
    %get3A_69 = vector.load %arg6[%get3A_67, %get3A_68] : memref<4096x64xbf16, #tpu.memory_space<vmem>>, vector<64x64xbf16>
    %get3A_70 = arith.constant 128 : index
    %get3A_71 = arith.constant 0 : index
    %get3A_72 = vector.load %arg7[%get3A_70, %get3A_71] : memref<4160x64xbf16, #tpu.memory_space<vmem>>, vector<128x64xbf16>
    %dot_general3A_73 = arith.constant dense<0.000000e+00> : vector<64x128xf32>
    %dot_general3A_74 = tpu.matmul %get3A_69, %get3A_72, %dot_general3A_73 {dimension_numbers = #tpu.dot_dimension_numbers<[1], [1], [0], [0], [0, 0, 1, 0], [], []>, transpose_lhs_hint = false} : vector<64x64xbf16>, vector<128x64xbf16>, vector<64x128xf32> -> vector<64x128xf32>
    %swap3A_75 = arith.constant 128 : index
    %swap3A_76 = arith.constant 0 : index
    %swap3A_77 = vector.load %arg9[%swap3A_75, %swap3A_76] : memref<4096x128xf32, #tpu.memory_space<vmem>>, vector<64x128xf32>
    tpu.vector_store %arg9[%swap3A_75, %swap3A_76], %dot_general3A_74 {strides = array<i32>} : memref<4096x128xf32, #tpu.memory_space<vmem>>, vector<64x128xf32>,
    %get3A_78 = arith.constant 192 : index
    %get3A_79 = arith.constant 0 : index
    %get3A_80 = vector.load %arg6[%get3A_78, %get3A_79] : memref<4096x64xbf16, #tpu.memory_space<vmem>>, vector<64x64xbf16>
    %get3A_81 = arith.constant 192 : index
    %get3A_82 = arith.constant 0 : index
    %get3A_83 = vector.load %arg7[%get3A_81, %get3A_82] : memref<4160x64xbf16, #tpu.memory_space<vmem>>, vector<128x64xbf16>
    %dot_general3A_84 = arith.constant dense<0.000000e+00> : vector<64x128xf32>
    %dot_general3A_85 = tpu.matmul %get3A_80, %get3A_83, %dot_general3A_84 {dimension_numbers = #tpu.dot_dimension_numbers<[1], [1], [0], [0], [0, 0, 1, 0], [], []>, transpose_lhs_hint = false} : vector<64x64xbf16>, vector<128x64xbf16>, vector<64x128xf32> -> vector<64x128xf32>
    %swap3A_86 = arith.constant 192 : index
    %swap3A_87 = arith.constant 0 : index
    %swap3A_88 = vector.load %arg9[%swap3A_86, %swap3A_87] : memref<4096x128xf32, #tpu.memory_space<vmem>>, vector<64x128xf32>
    tpu.vector_store %arg9[%swap3A_86, %swap3A_87], %dot_general3A_85 {strides = array<i32>} : memref<4096x128xf32, #tpu.memory_space<vmem>>, vector<64x128xf32>,
    %get3A_89 = arith.constant 256 : index
    %get3A_90 = arith.constant 0 : index
    %get3A_91 = vector.load %arg6[%get3A_89, %get3A_90] : memref<4096x64xbf16, #tpu.memory_space<vmem>>, vector<64x64xbf16>
    %get3A_92 = arith.constant 256 : index
    %get3A_93 = arith.constant 0 : index
    %get3A_94 = vector.load %arg7[%get3A_92, %get3A_93] : memref<4160x64xbf16, #tpu.memory_space<vmem>>, vector<128x64xbf16>
    %dot_general3A_95 = arith.constant dense<0.000000e+00> : vector<64x128xf32>
    %dot_general3A_96 = tpu.matmul %get3A_91, %get3A_94, %dot_general3A_95 {dimension_numbers = #tpu.dot_dimension_numbers<[1], [1], [0], [0], [0, 0, 1, 0], [], []>, transpose_lhs_hint = false} : vector<64x64xbf16>, vector<128x64xbf16>, vector<64x128xf32> -> vector<64x128xf32>
    %swap3A_97 = arith.constant 256 : index
    %swap3A_98 = arith.constant 0 : index
    %swap3A_99 = vector.load %arg9[%swap3A_97, %swap3A_98] : memref<4096x128xf32, #tpu.memory_space<vmem>>, vector<64x128xf32>
    tpu.vector_store %arg9[%swap3A_97, %swap3A_98], %dot_general3A_96 {strides = array<i32>} : memref<4096x128xf32, #tpu.memory_space<vmem>>, vector<64x128xf32>,
    %get3A_100 = arith.constant 320 : index
    %get3A_101 = arith.constant 0 : index
    %get3A_102 = vector.load %arg6[%get3A_100, %get3A_101] : memref<4096x64xbf16, #tpu.memory_space<vmem>>, vector<64x64xbf16>
    %get3A_103 = arith.constant 320 : index
    %get3A_104 = arith.constant 0 : index
    %get3A_105 = vector.load %arg7[%get3A_103, %get3A_104] : memref<4160x64xbf16, #tpu.memory_space<vmem>>, vector<128x64xbf16>
    %dot_general3A_106 = arith.constant dense<0.000000e+00> : vector<64x128xf32>
    %dot_general3A_107 = tpu.matmul %get3A_102, %get3A_105, %dot_general3A_106 {dimension_numbers = #tpu.dot_dimension_numbers<[1], [1], [0], [0], [0, 0, 1, 0], [], []>, transpose_lhs_hint = false} : vector<64x64xbf16>, vector<128x64xbf16>, vector<64x128xf32> -> vector<64x128xf32>
    %swap3A_108 = arith.constant 320 : index
    %swap3A_109 = arith.constant 0 : index
    %swap3A_110 = vector.load %arg9[%swap3A_108, %swap3A_109] : memref<4096x128xf32, #tpu.memory_space<vmem>>, vector<64x128xf32>
    tpu.vector_store %arg9[%swap3A_108, %swap3A_109], %dot_general3A_107 {strides = array<i32>} : memref<4096x128xf32, #tpu.memory_space<vmem>>, vector<64x128xf32>,
    %get3A_111 = arith.constant 384 : index
    %get3A_112 = arith.constant 0 : index
    %get3A_113 = vector.load %arg6[%get3A_111, %get3A_112] : memref<4096x64xbf16, #tpu.memory_space<vmem>>, vector<64x64xbf16>
    %get3A_114 = arith.constant 384 : index
    %get3A_115 = arith.constant 0 : index
    %get3A_116 = vector.load %arg7[%get3A_114, %get3A_115] : memref<4160x64xbf16, #tpu.memory_space<vmem>>, vector<128x64xbf16>
    %dot_general3A_117 = arith.constant dense<0.000000e+00> : vector<64x128xf32>
    %dot_general3A_118 = tpu.matmul %get3A_113, %get3A_116, %dot_general3A_117 {dimension_numbers = #tpu.dot_dimension_numbers<[1], [1], [0], [0], [0, 0, 1, 0], [], []>, transpose_lhs_hint = false} : vector<64x64xbf16>, vector<128x64xbf16>, vector<64x128xf32> -> vector<64x128xf32>
    %swap3A_119 = arith.constant 384 : index
    %swap3A_120 = arith.constant 0 : index
    %swap3A_121 = vector.load %arg9[%swap3A_119, %swap3A_120] : memref<4096x128xf32, #tpu.memory_space<vmem>>, vector<64x128xf32>
    tpu.vector_store %arg9[%swap3A_119, %swap3A_120], %dot_general3A_118 {strides = array<i32>} : memref<4096x128xf32, #tpu.memory_space<vmem>>, vector<64x128xf32>,
    %get3A_122 = arith.constant 448 : index
    %get3A_123 = arith.constant 0 : index
    %get3A_124 = vector.load %arg6[%get3A_122, %get3A_123] : memref<4096x64xbf16, #tpu.memory_space<vmem>>, vector<64x64xbf16>
    %get3A_125 = arith.constant 448 : index
    %get3A_126 = arith.constant 0 : index
    %get3A_127 = vector.load %arg7[%get3A_125, %get3A_126] : memref<4160x64xbf16, #tpu.memory_space<vmem>>, vector<128x64xbf16>
    %dot_general3A_128 = arith.constant dense<0.000000e+00> : vector<64x128xf32>
    %dot_general3A_129 = tpu.matmul %get3A_124, %get3A_127, %dot_general3A_128 {dimension_numbers = #tpu.dot_dimension_numbers<[1], [1], [0], [0], [0, 0, 1, 0], [], []>, transpose_lhs_hint = false} : vector<64x64xbf16>, vector<128x64xbf16>, vector<64x128xf32> -> vector<64x128xf32>
    %swap3A_130 = arith.constant 448 : index
    %swap3A_131 = arith.constant 0 : index
    %swap3A_132 = vector.load %arg9[%swap3A_130, %swap3A_131] : memref<4096x128xf32, #tpu.memory_space<vmem>>, vector<64x128xf32>
    tpu.vector_store %arg9[%swap3A_130, %swap3A_131], %dot_general3A_129 {strides = array<i32>} : memref<4096x128xf32, #tpu.memory_space<vmem>>, vector<64x128xf32>,
    %get3A_133 = arith.constant 512 : index
    %get3A_134 = arith.constant 0 : index
    %get3A_135 = vector.load %arg6[%get3A_133, %get3A_134] : memref<4096x64xbf16, #tpu.memory_space<vmem>>, vector<64x64xbf16>
    %get3A_136 = arith.constant 512 : index
    %get3A_137 = arith.constant 0 : index
    %get3A_138 = vector.load %arg7[%get3A_136, %get3A_137] : memref<4160x64xbf16, #tpu.memory_space<vmem>>, vector<128x64xbf16>
    %dot_general3A_139 = arith.constant dense<0.000000e+00> : vector<64x128xf32>
    %dot_general3A_140 = tpu.matmul %get3A_135, %get3A_138, %dot_general3A_139 {dimension_numbers = #tpu.dot_dimension_numbers<[1], [1], [0], [0], [0, 0, 1, 0], [], []>, transpose_lhs_hint = false} : vector<64x64xbf16>, vector<128x64xbf16>, vector<64x128xf32> -> vector<64x128xf32>
    %swap3A_141 = arith.constant 512 : index
    %swap3A_142 = arith.constant 0 : index
    %swap3A_143 = vector.load %arg9[%swap3A_141, %swap3A_142] : memref<4096x128xf32, #tpu.memory_space<vmem>>, vector<64x128xf32>
    tpu.vector_store %arg9[%swap3A_141, %swap3A_142], %dot_general3A_140 {strides = array<i32>} : memref<4096x128xf32, #tpu.memory_space<vmem>>, vector<64x128xf32>,
    %get3A_144 = arith.constant 576 : index
    %get3A_145 = arith.constant 0 : index
    %get3A_146 = vector.load %arg6[%get3A_144, %get3A_145] : memref<4096x64xbf16, #tpu.memory_space<vmem>>, vector<64x64xbf16>
    %get3A_147 = arith.constant 576 : index
    %get3A_148 = arith.constant 0 : index
    %get3A_149 = vector.load %arg7[%get3A_147, %get3A_148] : memref<4160x64xbf16, #tpu.memory_space<vmem>>, vector<128x64xbf16>
    %dot_general3A_150 = arith.constant dense<0.000000e+00> : vector<64x128xf32>
    %dot_general3A_151 = tpu.matmul %get3A_146, %get3A_149, %dot_general3A_150 {dimension_numbers = #tpu.dot_dimension_numbers<[1], [1], [0], [0], [0, 0, 1, 0], [], []>, transpose_lhs_hint = false} : vector<64x64xbf16>, vector<128x64xbf16>, vector<64x128xf32> -> vector<64x128xf32>
    %swap3A_152 = arith.constant 576 : index
    %swap3A_153 = arith.constant 0 : index
    %swap3A_154 = vector.load %arg9[%swap3A_152, %swap3A_153] : memref<4096x128xf32, #tpu.memory_space<vmem>>, vector<64x128xf32>
    tpu.vector_store %arg9[%swap3A_152, %swap3A_153], %dot_general3A_151 {strides = array<i32>} : memref<4096x128xf32, #tpu.memory_space<vmem>>, vector<64x128xf32>,
    %get3A_155 = arith.constant 640 : index
    %get3A_156 = arith.constant 0 : index
    %get3A_157 = vector.load %arg6[%get3A_155, %get3A_156] : memref<4096x64xbf16, #tpu.memory_space<vmem>>, vector<64x64xbf16>
    %get3A_158 = arith.constant 640 : index
    %get3A_159 = arith.constant 0 : index
    %get3A_160 = vector.load %arg7[%get3A_158, %get3A_159] : memref<4160x64xbf16, #tpu.memory_space<vmem>>, vector<128x64xbf16>
    %dot_general3A_161 = arith.constant dense<0.000000e+00> : vector<64x128xf32>
    %dot_general3A_162 = tpu.matmul %get3A_157, %get3A_160, %dot_general3A_161 {dimension_numbers = #tpu.dot_dimension_numbers<[1], [1], [0], [0], [0, 0, 1, 0], [], []>, transpose_lhs_hint = false} : vector<64x64xbf16>, vector<128x64xbf16>, vector<64x128xf32> -> vector<64x128xf32>
    %swap3A_163 = arith.constant 640 : index
    %swap3A_164 = arith.constant 0 : index
    %swap3A_165 = vector.load %arg9[%swap3A_163, %swap3A_164] : memref<4096x128xf32, #tpu.memory_space<vmem>>, vector<64x128xf32>
    tpu.vector_store %arg9[%swap3A_163, %swap3A_164], %dot_general3A_162 {strides = array<i32>} : memref<4096x128xf32, #tpu.memory_space<vmem>>, vector<64x128xf32>,
    %get3A_166 = arith.constant 704 : index
    %get3A_167 = arith.constant 0 : index
    %get3A_168 = vector.load %arg6[%get3A_166, %get3A_167] : memref<4096x64xbf16, #tpu.memory_space<vmem>>, vector<64x64xbf16>
    %get3A_169 = arith.constant 704 : index
    %get3A_170 = arith.constant 0 : index
    %get3A_171 = vector.load %arg7[%get3A_169, %get3A_170] : memref<4160x64xbf16, #tpu.memory_space<vmem>>, vector<128x64xbf16>
    %dot_general3A_172 = arith.constant dense<0.000000e+00> : vector<64x128xf32>
    %dot_general3A_173 = tpu.matmul %get3A_168, %get3A_171, %dot_general3A_172 {dimension_numbers = #tpu.dot_dimension_numbers<[1], [1], [0], [0], [0, 0, 1, 0], [], []>, transpose_lhs_hint = false} : vector<64x64xbf16>, vector<128x64xbf16>, vector<64x128xf32> -> vector<64x128xf32>
    %swap3A_174 = arith.constant 704 : index
    %swap3A_175 = arith.constant 0 : index
    %swap3A_176 = vector.load %arg9[%swap3A_174, %swap3A_175] : memref<4096x128xf32, #tpu.memory_space<vmem>>, vector<64x128xf32>
    tpu.vector_store %arg9[%swap3A_174, %swap3A_175], %dot_general3A_173 {strides = array<i32>} : memref<4096x128xf32, #tpu.memory_space<vmem>>, vector<64x128xf32>,
    %get3A_177 = arith.constant 768 : index
    %get3A_178 = arith.constant 0 : index
    %get3A_179 = vector.load %arg6[%get3A_177, %get3A_178] : memref<4096x64xbf16, #tpu.memory_space<vmem>>, vector<64x64xbf16>
    %get3A_180 = arith.constant 768 : index
    %get3A_181 = arith.constant 0 : index
    %get3A_182 = vector.load %arg7[%get3A_180, %get3A_181] : memref<4160x64xbf16, #tpu.memory_space<vmem>>, vector<128x64xbf16>
    %dot_general3A_183 = arith.constant dense<0.000000e+00> : vector<64x128xf32>
    %dot_general3A_184 = tpu.matmul %get3A_179, %get3A_182, %dot_general3A_183 {dimension_numbers = #tpu.dot_dimension_numbers<[1], [1], [0], [0], [0, 0, 1, 0], [], []>, transpose_lhs_hint = false} : vector<64x64xbf16>, vector<128x64xbf16>, vector<64x128xf32> -> vector<64x128xf32>
    %swap3A_185 = arith.constant 768 : index
    %swap3A_186 = arith.constant 0 : index
    %swap3A_187 = vector.load %arg9[%swap3A_185, %swap3A_186] : memref<4096x128xf32, #tpu.memory_space<vmem>>, vector<64x128xf32>
    tpu.vector_store %arg9[%swap3A_185, %swap3A_186], %dot_general3A_184 {strides = array<i32>} : memref<4096x128xf32, #tpu.memory_space<vmem>>, vector<64x128xf32>,
    %get3A_188 = arith.constant 832 : index
    %get3A_189 = arith.constant 0 : index
    %get3A_190 = vector.load %arg6[%get3A_188, %get3A_189] : memref<4096x64xbf16, #tpu.memory_space<vmem>>, vector<64x64xbf16>
    %get3A_191 = arith.constant 832 : index
    %get3A_192 = arith.constant 0 : index
    %get3A_193 = vector.load %arg7[%get3A_191, %get3A_192] : memref<4160x64xbf16, #tpu.memory_space<vmem>>, vector<128x64xbf16>
    %dot_general3A_194 = arith.constant dense<0.000000e+00> : vector<64x128xf32>
    %dot_general3A_195 = tpu.matmul %get3A_190, %get3A_193, %dot_general3A_194 {dimension_numbers = #tpu.dot_dimension_numbers<[1], [1], [0], [0], [0, 0, 1, 0], [], []>, transpose_lhs_hint = false} : vector<64x64xbf16>, vector<128x64xbf16>, vector<64x128xf32> -> vector<64x128xf32>
    %swap3A_196 = arith.constant 832 : index
    %swap3A_197 = arith.constant 0 : index
    %swap3A_198 = vector.load %arg9[%swap3A_196, %swap3A_197] : memref<4096x128xf32, #tpu.memory_space<vmem>>, vector<64x128xf32>
    tpu.vector_store %arg9[%swap3A_196, %swap3A_197], %dot_general3A_195 {strides = array<i32>} : memref<4096x128xf32, #tpu.memory_space<vmem>>, vector<64x128xf32>,
    %get3A_199 = arith.constant 896 : index
    %get3A_200 = arith.constant 0 : index
    %get3A_201 = vector.load %arg6[%get3A_199, %get3A_200] : memref<4096x64xbf16, #tpu.memory_space<vmem>>, vector<64x64xbf16>
    %get3A_202 = arith.constant 896 : index
    %get3A_203 = arith.constant 0 : index
    %get3A_204 = vector.load %arg7[%get3A_202, %get3A_203] : memref<4160x64xbf16, #tpu.memory_space<vmem>>, vector<128x64xbf16>
    %dot_general3A_205 = arith.constant dense<0.000000e+00> : vector<64x128xf32>
    %dot_general3A_206 = tpu.matmul %get3A_201, %get3A_204, %dot_general3A_205 {dimension_numbers = #tpu.dot_dimension_numbers<[1], [1], [0], [0], [0, 0, 1, 0], [], []>, transpose_lhs_hint = false} : vector<64x64xbf16>, vector<128x64xbf16>, vector<64x128xf32> -> vector<64x128xf32>
    %swap3A_207 = arith.constant 896 : index
    %swap3A_208 = arith.constant 0 : index
    %swap3A_209 = vector.load %arg9[%swap3A_207, %swap3A_208] : memref<4096x128xf32, #tpu.memory_space<vmem>>, vector<64x128xf32>
    tpu.vector_store %arg9[%swap3A_207, %swap3A_208], %dot_general3A_206 {strides = array<i32>} : memref<4096x128xf32, #tpu.memory_space<vmem>>, vector<64x128xf32>,
    %get3A_210 = arith.constant 960 : index
    %get3A_211 = arith.constant 0 : index
    %get3A_212 = vector.load %arg6[%get3A_210, %get3A_211] : memref<4096x64xbf16, #tpu.memory_space<vmem>>, vector<64x64xbf16>
    %get3A_213 = arith.constant 960 : index
    %get3A_214 = arith.constant 0 : index
    %get3A_215 = vector.load %arg7[%get3A_213, %get3A_214] : memref<4160x64xbf16, #tpu.memory_space<vmem>>, vector<128x64xbf16>
    %dot_general3A_216 = arith.constant dense<0.000000e+00> : vector<64x128xf32>
    %dot_general3A_217 = tpu.matmul %get3A_212, %get3A_215, %dot_general3A_216 {dimension_numbers = #tpu.dot_dimension_numbers<[1], [1], [0], [0], [0, 0, 1, 0], [], []>, transpose_lhs_hint = false} : vector<64x64xbf16>, vector<128x64xbf16>, vector<64x128xf32> -> vector<64x128xf32>
    %swap3A_218 = arith.constant 960 : index
    %swap3A_219 = arith.constant 0 : index
    %swap3A_220 = vector.load %arg9[%swap3A_218, %swap3A_219] : memref<4096x128xf32, #tpu.memory_space<vmem>>, vector<64x128xf32>
    tpu.vector_store %arg9[%swap3A_218, %swap3A_219], %dot_general3A_217 {strides = array<i32>} : memref<4096x128xf32, #tpu.memory_space<vmem>>, vector<64x128xf32>,
    %get3A_221 = arith.constant 1024 : index
    %get3A_222 = arith.constant 0 : index
    %get3A_223 = vector.load %arg6[%get3A_221, %get3A_222] : memref<4096x64xbf16, #tpu.memory_space<vmem>>, vector<64x64xbf16>
    %get3A_224 = arith.constant 1024 : index
    %get3A_225 = arith.constant 0 : index
    %get3A_226 = vector.load %arg7[%get3A_224, %get3A_225] : memref<4160x64xbf16, #tpu.memory_space<vmem>>, vector<128x64xbf16>
    %dot_general3A_227 = arith.constant dense<0.000000e+00> : vector<64x128xf32>
    %dot_general3A_228 = tpu.matmul %get3A_223, %get3A_226, %dot_general3A_227 {dimension_numbers = #tpu.dot_dimension_numbers<[1], [1], [0], [0], [0, 0, 1, 0], [], []>, transpose_lhs_hint = false} : vector<64x64xbf16>, vector<128x64xbf16>, vector<64x128xf32> -> vector<64x128xf32>
    %swap3A_229 = arith.constant 1024 : index
    %swap3A_230 = arith.constant 0 : index
    %swap3A_231 = vector.load %arg9[%swap3A_229, %swap3A_230] : memref<4096x128xf32, #tpu.memory_space<vmem>>, vector<64x128xf32>
    tpu.vector_store %arg9[%swap3A_229, %swap3A_230], %dot_general3A_228 {strides = array<i32>} : memref<4096x128xf32, #tpu.memory_space<vmem>>, vector<64x128xf32>,
    %get3A_232 = arith.constant 1088 : index
    %get3A_233 = arith.constant 0 : index
    %get3A_234 = vector.load %arg6[%get3A_232, %get3A_233] : memref<4096x64xbf16, #tpu.memory_space<vmem>>, vector<64x64xbf16>
    %get3A_235 = arith.constant 1088 : index
    %get3A_236 = arith.constant 0 : index
    %get3A_237 = vector.load %arg7[%get3A_235, %get3A_236] : memref<4160x64xbf16, #tpu.memory_space<vmem>>, vector<128x64xbf16>
    %dot_general3A_238 = arith.constant dense<0.000000e+00> : vector<64x128xf32>
    %dot_general3A_239 = tpu.matmul %get3A_234, %get3A_237, %dot_general3A_238 {dimension_numbers = #tpu.dot_dimension_numbers<[1], [1], [0], [0], [0, 0, 1, 0], [], []>, transpose_lhs_hint = false} : vector<64x64xbf16>, vector<128x64xbf16>, vector<64x128xf32> -> vector<64x128xf32>
    %swap3A_240 = arith.constant 1088 : index
    %swap3A_241 = arith.constant 0 : index
    %swap3A_242 = vector.load %arg9[%swap3A_240, %swap3A_241] : memref<4096x128xf32, #tpu.memory_space<vmem>>, vector<64x128xf32>
    tpu.vector_store %arg9[%swap3A_240, %swap3A_241], %dot_general3A_239 {strides = array<i32>} : memref<4096x128xf32, #tpu.memory_space<vmem>>, vector<64x128xf32>,
    %get3A_243 = arith.constant 1152 : index
    %get3A_244 = arith.constant 0 : index
    %get3A_245 = vector.load %arg6[%get3A_243, %get3A_244] : memref<4096x64xbf16, #tpu.memory_space<vmem>>, vector<64x64xbf16>
    %get3A_246 = arith.constant 1152 : index
    %get3A_247 = arith.constant 0 : index
    %get3A_248 = vector.load %arg7[%get3A_246, %get3A_247] : memref<4160x64xbf16, #tpu.memory_space<vmem>>, vector<128x64xbf16>
    %dot_general3A_249 = arith.constant dense<0.000000e+00> : vector<64x128xf32>
    %dot_general3A_250 = tpu.matmul %get3A_245, %get3A_248, %dot_general3A_249 {dimension_numbers = #tpu.dot_dimension_numbers<[1], [1], [0], [0], [0, 0, 1, 0], [], []>, transpose_lhs_hint = false} : vector<64x64xbf16>, vector<128x64xbf16>, vector<64x128xf32> -> vector<64x128xf32>
    %swap3A_251 = arith.constant 1152 : index
    %swap3A_252 = arith.constant 0 : index
    %swap3A_253 = vector.load %arg9[%swap3A_251, %swap3A_252] : memref<4096x128xf32, #tpu.memory_space<vmem>>, vector<64x128xf32>
    tpu.vector_store %arg9[%swap3A_251, %swap3A_252], %dot_general3A_250 {strides = array<i32>} : memref<4096x128xf32, #tpu.memory_space<vmem>>, vector<64x128xf32>,
    %get3A_254 = arith.constant 1216 : index
    %get3A_255 = arith.constant 0 : index
    %get3A_256 = vector.load %arg6[%get3A_254, %get3A_255] : memref<4096x64xbf16, #tpu.memory_space<vmem>>, vector<64x64xbf16>
    %get3A_257 = arith.constant 1216 : index
    %get3A_258 = arith.constant 0 : index
    %get3A_259 = vector.load %arg7[%get3A_257, %get3A_258] : memref<4160x64xbf16, #tpu.memory_space<vmem>>, vector<128x64xbf16>
    %dot_general3A_260 = arith.constant dense<0.000000e+00> : vector<64x128xf32>
    %dot_general3A_261 = tpu.matmul %get3A_256, %get3A_259, %dot_general3A_260 {dimension_numbers = #tpu.dot_dimension_numbers<[1], [1], [0], [0], [0, 0, 1, 0], [], []>, transpose_lhs_hint = false} : vector<64x64xbf16>, vector<128x64xbf16>, vector<64x128xf32> -> vector<64x128xf32>
    %swap3A_262 = arith.constant 1216 : index
    %swap3A_263 = arith.constant 0 : index
    %swap3A_264 = vector.load %arg9[%swap3A_262, %swap3A_263] : memref<4096x128xf32, #tpu.memory_space<vmem>>, vector<64x128xf32>
    tpu.vector_store %arg9[%swap3A_262, %swap3A_263], %dot_general3A_261 {strides = array<i32>} : memref<4096x128xf32, #tpu.memory_space<vmem>>, vector<64x128xf32>,
    %get3A_265 = arith.constant 1280 : index
    %get3A_266 = arith.constant 0 : index
    %get3A_267 = vector.load %arg6[%get3A_265, %get3A_266] : memref<4096x64xbf16, #tpu.memory_space<vmem>>, vector<64x64xbf16>
    %get3A_268 = arith.constant 1280 : index
    %get3A_269 = arith.constant 0 : index
    %get3A_270 = vector.load %arg7[%get3A_268, %get3A_269] : memref<4160x64xbf16, #tpu.memory_space<vmem>>, vector<128x64xbf16>
    %dot_general3A_271 = arith.constant dense<0.000000e+00> : vector<64x128xf32>
    %dot_general3A_272 = tpu.matmul %get3A_267, %get3A_270, %dot_general3A_271 {dimension_numbers = #tpu.dot_dimension_numbers<[1], [1], [0], [0], [0, 0, 1, 0], [], []>, transpose_lhs_hint = false} : vector<64x64xbf16>, vector<128x64xbf16>, vector<64x128xf32> -> vector<64x128xf32>
    %swap3A_273 = arith.constant 1280 : index
    %swap3A_274 = arith.constant 0 : index
    %swap3A_275 = vector.load %arg9[%swap3A_273, %swap3A_274] : memref<4096x128xf32, #tpu.memory_space<vmem>>, vector<64x128xf32>
    tpu.vector_store %arg9[%swap3A_273, %swap3A_274], %dot_general3A_272 {strides = array<i32>} : memref<4096x128xf32, #tpu.memory_space<vmem>>, vector<64x128xf32>,
    %get3A_276 = arith.constant 1344 : index
    %get3A_277 = arith.constant 0 : index
    %get3A_278 = vector.load %arg6[%get3A_276, %get3A_277] : memref<4096x64xbf16, #tpu.memory_space<vmem>>, vector<64x64xbf16>
    %get3A_279 = arith.constant 1344 : index
    %get3A_280 = arith.constant 0 : index
    %get3A_281 = vector.load %arg7[%get3A_279, %get3A_280] : memref<4160x64xbf16, #tpu.memory_space<vmem>>, vector<128x64xbf16>
    %dot_general3A_282 = arith.constant dense<0.000000e+00> : vector<64x128xf32>
    %dot_general3A_283 = tpu.matmul %get3A_278, %get3A_281, %dot_general3A_282 {dimension_numbers = #tpu.dot_dimension_numbers<[1], [1], [0], [0], [0, 0, 1, 0], [], []>, transpose_lhs_hint = false} : vector<64x64xbf16>, vector<128x64xbf16>, vector<64x128xf32> -> vector<64x128xf32>
    %swap3A_284 = arith.constant 1344 : index
    %swap3A_285 = arith.constant 0 : index
    %swap3A_286 = vector.load %arg9[%swap3A_284, %swap3A_285] : memref<4096x128xf32, #tpu.memory_space<vmem>>, vector<64x128xf32>
    tpu.vector_store %arg9[%swap3A_284, %swap3A_285], %dot_general3A_283 {strides = array<i32>} : memref<4096x128xf32, #tpu.memory_space<vmem>>, vector<64x128xf32>,
    %get3A_287 = arith.constant 1408 : index
    %get3A_288 = arith.constant 0 : index
    %get3A_289 = vector.load %arg6[%get3A_287, %get3A_288] : memref<4096x64xbf16, #tpu.memory_space<vmem>>, vector<64x64xbf16>
    %get3A_290 = arith.constant 1408 : index
    %get3A_291 = arith.constant 0 : index
    %get3A_292 = vector.load %arg7[%get3A_290, %get3A_291] : memref<4160x64xbf16, #tpu.memory_space<vmem>>, vector<128x64xbf16>
    %dot_general3A_293 = arith.constant dense<0.000000e+00> : vector<64x128xf32>
    %dot_general3A_294 = tpu.matmul %get3A_289, %get3A_292, %dot_general3A_293 {dimension_numbers = #tpu.dot_dimension_numbers<[1], [1], [0], [0], [0, 0, 1, 0], [], []>, transpose_lhs_hint = false} : vector<64x64xbf16>, vector<128x64xbf16>, vector<64x128xf32> -> vector<64x128xf32>
    %swap3A_295 = arith.constant 1408 : index
    %swap3A_296 = arith.constant 0 : index
    %swap3A_297 = vector.load %arg9[%swap3A_295, %swap3A_296] : memref<4096x128xf32, #tpu.memory_space<vmem>>, vector<64x128xf32>
    tpu.vector_store %arg9[%swap3A_295, %swap3A_296], %dot_general3A_294 {strides = array<i32>} : memref<4096x128xf32, #tpu.memory_space<vmem>>, vector<64x128xf32>,
    %get3A_298 = arith.constant 1472 : index
    %get3A_299 = arith.constant 0 : index
    %get3A_300 = vector.load %arg6[%get3A_298, %get3A_299] : memref<4096x64xbf16, #tpu.memory_space<vmem>>, vector<64x64xbf16>
    %get3A_301 = arith.constant 1472 : index
    %get3A_302 = arith.constant 0 : index
    %get3A_303 = vector.load %arg7[%get3A_301, %get3A_302] : memref<4160x64xbf16, #tpu.memory_space<vmem>>, vector<128x64xbf16>
    %dot_general3A_304 = arith.constant dense<0.000000e+00> : vector<64x128xf32>
    %dot_general3A_305 = tpu.matmul %get3A_300, %get3A_303, %dot_general3A_304 {dimension_numbers = #tpu.dot_dimension_numbers<[1], [1], [0], [0], [0, 0, 1, 0], [], []>, transpose_lhs_hint = false} : vector<64x64xbf16>, vector<128x64xbf16>, vector<64x128xf32> -> vector<64x128xf32>
    %swap3A_306 = arith.constant 1472 : index
    %swap3A_307 = arith.constant 0 : index
    %swap3A_308 = vector.load %arg9[%swap3A_306, %swap3A_307] : memref<4096x128xf32, #tpu.memory_space<vmem>>, vector<64x128xf32>
    tpu.vector_store %arg9[%swap3A_306, %swap3A_307], %dot_general3A_305 {strides = array<i32>} : memref<4096x128xf32, #tpu.memory_space<vmem>>, vector<64x128xf32>,
    %get3A_309 = arith.constant 1536 : index
    %get3A_310 = arith.constant 0 : index
    %get3A_311 = vector.load %arg6[%get3A_309, %get3A_310] : memref<4096x64xbf16, #tpu.memory_space<vmem>>, vector<64x64xbf16>
    %get3A_312 = arith.constant 1536 : index
    %get3A_313 = arith.constant 0 : index
    %get3A_314 = vector.load %arg7[%get3A_312, %get3A_313] : memref<4160x64xbf16, #tpu.memory_space<vmem>>, vector<128x64xbf16>
    %dot_general3A_315 = arith.constant dense<0.000000e+00> : vector<64x128xf32>
    %dot_general3A_316 = tpu.matmul %get3A_311, %get3A_314, %dot_general3A_315 {dimension_numbers = #tpu.dot_dimension_numbers<[1], [1], [0], [0], [0, 0, 1, 0], [], []>, transpose_lhs_hint = false} : vector<64x64xbf16>, vector<128x64xbf16>, vector<64x128xf32> -> vector<64x128xf32>
    %swap3A_317 = arith.constant 1536 : index
    %swap3A_318 = arith.constant 0 : index
    %swap3A_319 = vector.load %arg9[%swap3A_317, %swap3A_318] : memref<4096x128xf32, #tpu.memory_space<vmem>>, vector<64x128xf32>
    tpu.vector_store %arg9[%swap3A_317, %swap3A_318], %dot_general3A_316 {strides = array<i32>} : memref<4096x128xf32, #tpu.memory_space<vmem>>, vector<64x128xf32>,
    %get3A_320 = arith.constant 1600 : index
    %get3A_321 = arith.constant 0 : index
    %get3A_322 = vector.load %arg6[%get3A_320, %get3A_321] : memref<4096x64xbf16, #tpu.memory_space<vmem>>, vector<64x64xbf16>
    %get3A_323 = arith.constant 1600 : index
    %get3A_324 = arith.constant 0 : index
    %get3A_325 = vector.load %arg7[%get3A_323, %get3A_324] : memref<4160x64xbf16, #tpu.memory_space<vmem>>, vector<128x64xbf16>
    %dot_general3A_326 = arith.constant dense<0.000000e+00> : vector<64x128xf32>
    %dot_general3A_327 = tpu.matmul %get3A_322, %get3A_325, %dot_general3A_326 {dimension_numbers = #tpu.dot_dimension_numbers<[1], [1], [0], [0], [0, 0, 1, 0], [], []>, transpose_lhs_hint = false} : vector<64x64xbf16>, vector<128x64xbf16>, vector<64x128xf32> -> vector<64x128xf32>
    %swap3A_328 = arith.constant 1600 : index
    %swap3A_329 = arith.constant 0 : index
    %swap3A_330 = vector.load %arg9[%swap3A_328, %swap3A_329] : memref<4096x128xf32, #tpu.memory_space<vmem>>, vector<64x128xf32>
    tpu.vector_store %arg9[%swap3A_328, %swap3A_329], %dot_general3A_327 {strides = array<i32>} : memref<4096x128xf32, #tpu.memory_space<vmem>>, vector<64x128xf32>,
    %get3A_331 = arith.constant 1664 : index
    %get3A_332 = arith.constant 0 : index
    %get3A_333 = vector.load %arg6[%get3A_331, %get3A_332] : memref<4096x64xbf16, #tpu.memory_space<vmem>>, vector<64x64xbf16>
    %get3A_334 = arith.constant 1664 : index
    %get3A_335 = arith.constant 0 : index
    %get3A_336 = vector.load %arg7[%get3A_334, %get3A_335] : memref<4160x64xbf16, #tpu.memory_space<vmem>>, vector<128x64xbf16>
    %dot_general3A_337 = arith.constant dense<0.000000e+00> : vector<64x128xf32>
    %dot_general3A_338 = tpu.matmul %get3A_333, %get3A_336, %dot_general3A_337 {dimension_numbers = #tpu.dot_dimension_numbers<[1], [1], [0], [0], [0, 0, 1, 0], [], []>, transpose_lhs_hint = false} : vector<64x64xbf16>, vector<128x64xbf16>, vector<64x128xf32> -> vector<64x128xf32>
    %swap3A_339 = arith.constant 1664 : index
    %swap3A_340 = arith.constant 0 : index
    %swap3A_341 = vector.load %arg9[%swap3A_339, %swap3A_340] : memref<4096x128xf32, #tpu.memory_space<vmem>>, vector<64x128xf32>
    tpu.vector_store %arg9[%swap3A_339, %swap3A_340], %dot_general3A_338 {strides = array<i32>} : memref<4096x128xf32, #tpu.memory_space<vmem>>, vector<64x128xf32>,
    %get3A_342 = arith.constant 1728 : index
    %get3A_343 = arith.constant 0 : index
    %get3A_344 = vector.load %arg6[%get3A_342, %get3A_343] : memref<4096x64xbf16, #tpu.memory_space<vmem>>, vector<64x64xbf16>
    %get3A_345 = arith.constant 1728 : index
    %get3A_346 = arith.constant 0 : index
    %get3A_347 = vector.load %arg7[%get3A_345, %get3A_346] : memref<4160x64xbf16, #tpu.memory_space<vmem>>, vector<128x64xbf16>
    %dot_general3A_348 = arith.constant dense<0.000000e+00> : vector<64x128xf32>
    %dot_general3A_349 = tpu.matmul %get3A_344, %get3A_347, %dot_general3A_348 {dimension_numbers = #tpu.dot_dimension_numbers<[1], [1], [0], [0], [0, 0, 1, 0], [], []>, transpose_lhs_hint = false} : vector<64x64xbf16>, vector<128x64xbf16>, vector<64x128xf32> -> vector<64x128xf32>
    %swap3A_350 = arith.constant 1728 : index
    %swap3A_351 = arith.constant 0 : index
    %swap3A_352 = vector.load %arg9[%swap3A_350, %swap3A_351] : memref<4096x128xf32, #tpu.memory_space<vmem>>, vector<64x128xf32>
    tpu.vector_store %arg9[%swap3A_350, %swap3A_351], %dot_general3A_349 {strides = array<i32>} : memref<4096x128xf32, #tpu.memory_space<vmem>>, vector<64x128xf32>,
    %get3A_353 = arith.constant 1792 : index
    %get3A_354 = arith.constant 0 : index
    %get3A_355 = vector.load %arg6[%get3A_353, %get3A_354] : memref<4096x64xbf16, #tpu.memory_space<vmem>>, vector<64x64xbf16>
    %get3A_356 = arith.constant 1792 : index
    %get3A_357 = arith.constant 0 : index
    %get3A_358 = vector.load %arg7[%get3A_356, %get3A_357] : memref<4160x64xbf16, #tpu.memory_space<vmem>>, vector<128x64xbf16>
    %dot_general3A_359 = arith.constant dense<0.000000e+00> : vector<64x128xf32>
    %dot_general3A_360 = tpu.matmul %get3A_355, %get3A_358, %dot_general3A_359 {dimension_numbers = #tpu.dot_dimension_numbers<[1], [1], [0], [0], [0, 0, 1, 0], [], []>, transpose_lhs_hint = false} : vector<64x64xbf16>, vector<128x64xbf16>, vector<64x128xf32> -> vector<64x128xf32>
    %swap3A_361 = arith.constant 1792 : index
    %swap3A_362 = arith.constant 0 : index
    %swap3A_363 = vector.load %arg9[%swap3A_361, %swap3A_362] : memref<4096x128xf32, #tpu.memory_space<vmem>>, vector<64x128xf32>
    tpu.vector_store %arg9[%swap3A_361, %swap3A_362], %dot_general3A_360 {strides = array<i32>} : memref<4096x128xf32, #tpu.memory_space<vmem>>, vector<64x128xf32>,
    %get3A_364 = arith.constant 1856 : index
    %get3A_365 = arith.constant 0 : index
    %get3A_366 = vector.load %arg6[%get3A_364, %get3A_365] : memref<4096x64xbf16, #tpu.memory_space<vmem>>, vector<64x64xbf16>
    %get3A_367 = arith.constant 1856 : index
    %get3A_368 = arith.constant 0 : index
    %get3A_369 = vector.load %arg7[%get3A_367, %get3A_368] : memref<4160x64xbf16, #tpu.memory_space<vmem>>, vector<128x64xbf16>
    %dot_general3A_370 = arith.constant dense<0.000000e+00> : vector<64x128xf32>
    %dot_general3A_371 = tpu.matmul %get3A_366, %get3A_369, %dot_general3A_370 {dimension_numbers = #tpu.dot_dimension_numbers<[1], [1], [0], [0], [0, 0, 1, 0], [], []>, transpose_lhs_hint = false} : vector<64x64xbf16>, vector<128x64xbf16>, vector<64x128xf32> -> vector<64x128xf32>
    %swap3A_372 = arith.constant 1856 : index
    %swap3A_373 = arith.constant 0 : index
    %swap3A_374 = vector.load %arg9[%swap3A_372, %swap3A_373] : memref<4096x128xf32, #tpu.memory_space<vmem>>, vector<64x128xf32>
    tpu.vector_store %arg9[%swap3A_372, %swap3A_373], %dot_general3A_371 {strides = array<i32>} : memref<4096x128xf32, #tpu.memory_space<vmem>>, vector<64x128xf32>,
    %get3A_375 = arith.constant 1920 : index
    %get3A_376 = arith.constant 0 : index
    %get3A_377 = vector.load %arg6[%get3A_375, %get3A_376] : memref<4096x64xbf16, #tpu.memory_space<vmem>>, vector<64x64xbf16>
    %get3A_378 = arith.constant 1920 : index
    %get3A_379 = arith.constant 0 : index
    %get3A_380 = vector.load %arg7[%get3A_378, %get3A_379] : memref<4160x64xbf16, #tpu.memory_space<vmem>>, vector<128x64xbf16>
    %dot_general3A_381 = arith.constant dense<0.000000e+00> : vector<64x128xf32>
    %dot_general3A_382 = tpu.matmul %get3A_377, %get3A_380, %dot_general3A_381 {dimension_numbers = #tpu.dot_dimension_numbers<[1], [1], [0], [0], [0, 0, 1, 0], [], []>, transpose_lhs_hint = false} : vector<64x64xbf16>, vector<128x64xbf16>, vector<64x128xf32> -> vector<64x128xf32>
    %swap3A_383 = arith.constant 1920 : index
    %swap3A_384 = arith.constant 0 : index
    %swap3A_385 = vector.load %arg9[%swap3A_383, %swap3A_384] : memref<4096x128xf32, #tpu.memory_space<vmem>>, vector<64x128xf32>
    tpu.vector_store %arg9[%swap3A_383, %swap3A_384], %dot_general3A_382 {strides = array<i32>} : memref<4096x128xf32, #tpu.memory_space<vmem>>, vector<64x128xf32>,
    %get3A_386 = arith.constant 1984 : index
    %get3A_387 = arith.constant 0 : index
    %get3A_388 = vector.load %arg6[%get3A_386, %get3A_387] : memref<4096x64xbf16, #tpu.memory_space<vmem>>, vector<64x64xbf16>
    %get3A_389 = arith.constant 1984 : index
    %get3A_390 = arith.constant 0 : index
    %get3A_391 = vector.load %arg7[%get3A_389, %get3A_390] : memref<4160x64xbf16, #tpu.memory_space<vmem>>, vector<128x64xbf16>
    %dot_general3A_392 = arith.constant dense<0.000000e+00> : vector<64x128xf32>
    %dot_general3A_393 = tpu.matmul %get3A_388, %get3A_391, %dot_general3A_392 {dimension_numbers = #tpu.dot_dimension_numbers<[1], [1], [0], [0], [0, 0, 1, 0], [], []>, transpose_lhs_hint = false} : vector<64x64xbf16>, vector<128x64xbf16>, vector<64x128xf32> -> vector<64x128xf32>
    %swap3A_394 = arith.constant 1984 : index
    %swap3A_395 = arith.constant 0 : index
    %swap3A_396 = vector.load %arg9[%swap3A_394, %swap3A_395] : memref<4096x128xf32, #tpu.memory_space<vmem>>, vector<64x128xf32>
    tpu.vector_store %arg9[%swap3A_394, %swap3A_395], %dot_general3A_393 {strides = array<i32>} : memref<4096x128xf32, #tpu.memory_space<vmem>>, vector<64x128xf32>,
    %get3A_397 = arith.constant 2048 : index
    %get3A_398 = arith.constant 0 : index
    %get3A_399 = vector.load %arg6[%get3A_397, %get3A_398] : memref<4096x64xbf16, #tpu.memory_space<vmem>>, vector<64x64xbf16>
    %get3A_400 = arith.constant 2048 : index
    %get3A_401 = arith.constant 0 : index
    %get3A_402 = vector.load %arg7[%get3A_400, %get3A_401] : memref<4160x64xbf16, #tpu.memory_space<vmem>>, vector<128x64xbf16>
    %dot_general3A_403 = arith.constant dense<0.000000e+00> : vector<64x128xf32>
    %dot_general3A_404 = tpu.matmul %get3A_399, %get3A_402, %dot_general3A_403 {dimension_numbers = #tpu.dot_dimension_numbers<[1], [1], [0], [0], [0, 0, 1, 0], [], []>, transpose_lhs_hint = false} : vector<64x64xbf16>, vector<128x64xbf16>, vector<64x128xf32> -> vector<64x128xf32>
    %swap3A_405 = arith.constant 2048 : index
    %swap3A_406 = arith.constant 0 : index
    %swap3A_407 = vector.load %arg9[%swap3A_405, %swap3A_406] : memref<4096x128xf32, #tpu.memory_space<vmem>>, vector<64x128xf32>
    tpu.vector_store %arg9[%swap3A_405, %swap3A_406], %dot_general3A_404 {strides = array<i32>} : memref<4096x128xf32, #tpu.memory_space<vmem>>, vector<64x128xf32>,
    %get3A_408 = arith.constant 2112 : index
    %get3A_409 = arith.constant 0 : index
    %get3A_410 = vector.load %arg6[%get3A_408, %get3A_409] : memref<4096x64xbf16, #tpu.memory_space<vmem>>, vector<64x64xbf16>
    %get3A_411 = arith.constant 2112 : index
    %get3A_412 = arith.constant 0 : index
    %get3A_413 = vector.load %arg7[%get3A_411, %get3A_412] : memref<4160x64xbf16, #tpu.memory_space<vmem>>, vector<128x64xbf16>
    %dot_general3A_414 = arith.constant dense<0.000000e+00> : vector<64x128xf32>
    %dot_general3A_415 = tpu.matmul %get3A_410, %get3A_413, %dot_general3A_414 {dimension_numbers = #tpu.dot_dimension_numbers<[1], [1], [0], [0], [0, 0, 1, 0], [], []>, transpose_lhs_hint = false} : vector<64x64xbf16>, vector<128x64xbf16>, vector<64x128xf32> -> vector<64x128xf32>
    %swap3A_416 = arith.constant 2112 : index
    %swap3A_417 = arith.constant 0 : index
    %swap3A_418 = vector.load %arg9[%swap3A_416, %swap3A_417] : memref<4096x128xf32, #tpu.memory_space<vmem>>, vector<64x128xf32>
    tpu.vector_store %arg9[%swap3A_416, %swap3A_417], %dot_general3A_415 {strides = array<i32>} : memref<4096x128xf32, #tpu.memory_space<vmem>>, vector<64x128xf32>,
    %get3A_419 = arith.constant 2176 : index
    %get3A_420 = arith.constant 0 : index
    %get3A_421 = vector.load %arg6[%get3A_419, %get3A_420] : memref<4096x64xbf16, #tpu.memory_space<vmem>>, vector<64x64xbf16>
    %get3A_422 = arith.constant 2176 : index
    %get3A_423 = arith.constant 0 : index
    %get3A_424 = vector.load %arg7[%get3A_422, %get3A_423] : memref<4160x64xbf16, #tpu.memory_space<vmem>>, vector<128x64xbf16>
    %dot_general3A_425 = arith.constant dense<0.000000e+00> : vector<64x128xf32>
    %dot_general3A_426 = tpu.matmul %get3A_421, %get3A_424, %dot_general3A_425 {dimension_numbers = #tpu.dot_dimension_numbers<[1], [1], [0], [0], [0, 0, 1, 0], [], []>, transpose_lhs_hint = false} : vector<64x64xbf16>, vector<128x64xbf16>, vector<64x128xf32> -> vector<64x128xf32>
    %swap3A_427 = arith.constant 2176 : index
    %swap3A_428 = arith.constant 0 : index
    %swap3A_429 = vector.load %arg9[%swap3A_427, %swap3A_428] : memref<4096x128xf32, #tpu.memory_space<vmem>>, vector<64x128xf32>
    tpu.vector_store %arg9[%swap3A_427, %swap3A_428], %dot_general3A_426 {strides = array<i32>} : memref<4096x128xf32, #tpu.memory_space<vmem>>, vector<64x128xf32>,
    %get3A_430 = arith.constant 2240 : index
    %get3A_431 = arith.constant 0 : index
    %get3A_432 = vector.load %arg6[%get3A_430, %get3A_431] : memref<4096x64xbf16, #tpu.memory_space<vmem>>, vector<64x64xbf16>
    %get3A_433 = arith.constant 2240 : index
    %get3A_434 = arith.constant 0 : index
    %get3A_435 = vector.load %arg7[%get3A_433, %get3A_434] : memref<4160x64xbf16, #tpu.memory_space<vmem>>, vector<128x64xbf16>
    %dot_general3A_436 = arith.constant dense<0.000000e+00> : vector<64x128xf32>
    %dot_general3A_437 = tpu.matmul %get3A_432, %get3A_435, %dot_general3A_436 {dimension_numbers = #tpu.dot_dimension_numbers<[1], [1], [0], [0], [0, 0, 1, 0], [], []>, transpose_lhs_hint = false} : vector<64x64xbf16>, vector<128x64xbf16>, vector<64x128xf32> -> vector<64x128xf32>
    %swap3A_438 = arith.constant 2240 : index
    %swap3A_439 = arith.constant 0 : index
    %swap3A_440 = vector.load %arg9[%swap3A_438, %swap3A_439] : memref<4096x128xf32, #tpu.memory_space<vmem>>, vector<64x128xf32>
    tpu.vector_store %arg9[%swap3A_438, %swap3A_439], %dot_general3A_437 {strides = array<i32>} : memref<4096x128xf32, #tpu.memory_space<vmem>>, vector<64x128xf32>,
    %get3A_441 = arith.constant 2304 : index
    %get3A_442 = arith.constant 0 : index
    %get3A_443 = vector.load %arg6[%get3A_441, %get3A_442] : memref<4096x64xbf16, #tpu.memory_space<vmem>>, vector<64x64xbf16>
    %get3A_444 = arith.constant 2304 : index
    %get3A_445 = arith.constant 0 : index
    %get3A_446 = vector.load %arg7[%get3A_444, %get3A_445] : memref<4160x64xbf16, #tpu.memory_space<vmem>>, vector<128x64xbf16>
    %dot_general3A_447 = arith.constant dense<0.000000e+00> : vector<64x128xf32>
    %dot_general3A_448 = tpu.matmul %get3A_443, %get3A_446, %dot_general3A_447 {dimension_numbers = #tpu.dot_dimension_numbers<[1], [1], [0], [0], [0, 0, 1, 0], [], []>, transpose_lhs_hint = false} : vector<64x64xbf16>, vector<128x64xbf16>, vector<64x128xf32> -> vector<64x128xf32>
    %swap3A_449 = arith.constant 2304 : index
    %swap3A_450 = arith.constant 0 : index
    %swap3A_451 = vector.load %arg9[%swap3A_449, %swap3A_450] : memref<4096x128xf32, #tpu.memory_space<vmem>>, vector<64x128xf32>
    tpu.vector_store %arg9[%swap3A_449, %swap3A_450], %dot_general3A_448 {strides = array<i32>} : memref<4096x128xf32, #tpu.memory_space<vmem>>, vector<64x128xf32>,
    %get3A_452 = arith.constant 2368 : index
    %get3A_453 = arith.constant 0 : index
    %get3A_454 = vector.load %arg6[%get3A_452, %get3A_453] : memref<4096x64xbf16, #tpu.memory_space<vmem>>, vector<64x64xbf16>
    %get3A_455 = arith.constant 2368 : index
    %get3A_456 = arith.constant 0 : index
    %get3A_457 = vector.load %arg7[%get3A_455, %get3A_456] : memref<4160x64xbf16, #tpu.memory_space<vmem>>, vector<128x64xbf16>
    %dot_general3A_458 = arith.constant dense<0.000000e+00> : vector<64x128xf32>
    %dot_general3A_459 = tpu.matmul %get3A_454, %get3A_457, %dot_general3A_458 {dimension_numbers = #tpu.dot_dimension_numbers<[1], [1], [0], [0], [0, 0, 1, 0], [], []>, transpose_lhs_hint = false} : vector<64x64xbf16>, vector<128x64xbf16>, vector<64x128xf32> -> vector<64x128xf32>
    %swap3A_460 = arith.constant 2368 : index
    %swap3A_461 = arith.constant 0 : index
    %swap3A_462 = vector.load %arg9[%swap3A_460, %swap3A_461] : memref<4096x128xf32, #tpu.memory_space<vmem>>, vector<64x128xf32>
    tpu.vector_store %arg9[%swap3A_460, %swap3A_461], %dot_general3A_459 {strides = array<i32>} : memref<4096x128xf32, #tpu.memory_space<vmem>>, vector<64x128xf32>,
    %get3A_463 = arith.constant 2432 : index
    %get3A_464 = arith.constant 0 : index
    %get3A_465 = vector.load %arg6[%get3A_463, %get3A_464] : memref<4096x64xbf16, #tpu.memory_space<vmem>>, vector<64x64xbf16>
    %get3A_466 = arith.constant 2432 : index
    %get3A_467 = arith.constant 0 : index
    %get3A_468 = vector.load %arg7[%get3A_466, %get3A_467] : memref<4160x64xbf16, #tpu.memory_space<vmem>>, vector<128x64xbf16>
    %dot_general3A_469 = arith.constant dense<0.000000e+00> : vector<64x128xf32>
    %dot_general3A_470 = tpu.matmul %get3A_465, %get3A_468, %dot_general3A_469 {dimension_numbers = #tpu.dot_dimension_numbers<[1], [1], [0], [0], [0, 0, 1, 0], [], []>, transpose_lhs_hint = false} : vector<64x64xbf16>, vector<128x64xbf16>, vector<64x128xf32> -> vector<64x128xf32>
    %swap3A_471 = arith.constant 2432 : index
    %swap3A_472 = arith.constant 0 : index
    %swap3A_473 = vector.load %arg9[%swap3A_471, %swap3A_472] : memref<4096x128xf32, #tpu.memory_space<vmem>>, vector<64x128xf32>
    tpu.vector_store %arg9[%swap3A_471, %swap3A_472], %dot_general3A_470 {strides = array<i32>} : memref<4096x128xf32, #tpu.memory_space<vmem>>, vector<64x128xf32>,
    %get3A_474 = arith.constant 2496 : index
    %get3A_475 = arith.constant 0 : index
    %get3A_476 = vector.load %arg6[%get3A_474, %get3A_475] : memref<4096x64xbf16, #tpu.memory_space<vmem>>, vector<64x64xbf16>
    %get3A_477 = arith.constant 2496 : index
    %get3A_478 = arith.constant 0 : index
    %get3A_479 = vector.load %arg7[%get3A_477, %get3A_478] : memref<4160x64xbf16, #tpu.memory_space<vmem>>, vector<128x64xbf16>
    %dot_general3A_480 = arith.constant dense<0.000000e+00> : vector<64x128xf32>
    %dot_general3A_481 = tpu.matmul %get3A_476, %get3A_479, %dot_general3A_480 {dimension_numbers = #tpu.dot_dimension_numbers<[1], [1], [0], [0], [0, 0, 1, 0], [], []>, transpose_lhs_hint = false} : vector<64x64xbf16>, vector<128x64xbf16>, vector<64x128xf32> -> vector<64x128xf32>
    %swap3A_482 = arith.constant 2496 : index
    %swap3A_483 = arith.constant 0 : index
    %swap3A_484 = vector.load %arg9[%swap3A_482, %swap3A_483] : memref<4096x128xf32, #tpu.memory_space<vmem>>, vector<64x128xf32>
    tpu.vector_store %arg9[%swap3A_482, %swap3A_483], %dot_general3A_481 {strides = array<i32>} : memref<4096x128xf32, #tpu.memory_space<vmem>>, vector<64x128xf32>,
    %get3A_485 = arith.constant 2560 : index
    %get3A_486 = arith.constant 0 : index
    %get3A_487 = vector.load %arg6[%get3A_485, %get3A_486] : memref<4096x64xbf16, #tpu.memory_space<vmem>>, vector<64x64xbf16>
    %get3A_488 = arith.constant 2560 : index
    %get3A_489 = arith.constant 0 : index
    %get3A_490 = vector.load %arg7[%get3A_488, %get3A_489] : memref<4160x64xbf16, #tpu.memory_space<vmem>>, vector<128x64xbf16>
    %dot_general3A_491 = arith.constant dense<0.000000e+00> : vector<64x128xf32>
    %dot_general3A_492 = tpu.matmul %get3A_487, %get3A_490, %dot_general3A_491 {dimension_numbers = #tpu.dot_dimension_numbers<[1], [1], [0], [0], [0, 0, 1, 0], [], []>, transpose_lhs_hint = false} : vector<64x64xbf16>, vector<128x64xbf16>, vector<64x128xf32> -> vector<64x128xf32>
    %swap3A_493 = arith.constant 2560 : index
    %swap3A_494 = arith.constant 0 : index
    %swap3A_495 = vector.load %arg9[%swap3A_493, %swap3A_494] : memref<4096x128xf32, #tpu.memory_space<vmem>>, vector<64x128xf32>
    tpu.vector_store %arg9[%swap3A_493, %swap3A_494], %dot_general3A_492 {strides = array<i32>} : memref<4096x128xf32, #tpu.memory_space<vmem>>, vector<64x128xf32>,
    %get3A_496 = arith.constant 2624 : index
    %get3A_497 = arith.constant 0 : index
    %get3A_498 = vector.load %arg6[%get3A_496, %get3A_497] : memref<4096x64xbf16, #tpu.memory_space<vmem>>, vector<64x64xbf16>
    %get3A_499 = arith.constant 2624 : index
    %get3A_500 = arith.constant 0 : index
    %get3A_501 = vector.load %arg7[%get3A_499, %get3A_500] : memref<4160x64xbf16, #tpu.memory_space<vmem>>, vector<128x64xbf16>
    %dot_general3A_502 = arith.constant dense<0.000000e+00> : vector<64x128xf32>
    %dot_general3A_503 = tpu.matmul %get3A_498, %get3A_501, %dot_general3A_502 {dimension_numbers = #tpu.dot_dimension_numbers<[1], [1], [0], [0], [0, 0, 1, 0], [], []>, transpose_lhs_hint = false} : vector<64x64xbf16>, vector<128x64xbf16>, vector<64x128xf32> -> vector<64x128xf32>
    %swap3A_504 = arith.constant 2624 : index
    %swap3A_505 = arith.constant 0 : index
    %swap3A_506 = vector.load %arg9[%swap3A_504, %swap3A_505] : memref<4096x128xf32, #tpu.memory_space<vmem>>, vector<64x128xf32>
    tpu.vector_store %arg9[%swap3A_504, %swap3A_505], %dot_general3A_503 {strides = array<i32>} : memref<4096x128xf32, #tpu.memory_space<vmem>>, vector<64x128xf32>,
    %get3A_507 = arith.constant 2688 : index
    %get3A_508 = arith.constant 0 : index
    %get3A_509 = vector.load %arg6[%get3A_507, %get3A_508] : memref<4096x64xbf16, #tpu.memory_space<vmem>>, vector<64x64xbf16>
    %get3A_510 = arith.constant 2688 : index
    %get3A_511 = arith.constant 0 : index
    %get3A_512 = vector.load %arg7[%get3A_510, %get3A_511] : memref<4160x64xbf16, #tpu.memory_space<vmem>>, vector<128x64xbf16>
    %dot_general3A_513 = arith.constant dense<0.000000e+00> : vector<64x128xf32>
    %dot_general3A_514 = tpu.matmul %get3A_509, %get3A_512, %dot_general3A_513 {dimension_numbers = #tpu.dot_dimension_numbers<[1], [1], [0], [0], [0, 0, 1, 0], [], []>, transpose_lhs_hint = false} : vector<64x64xbf16>, vector<128x64xbf16>, vector<64x128xf32> -> vector<64x128xf32>
    %swap3A_515 = arith.constant 2688 : index
    %swap3A_516 = arith.constant 0 : index
    %swap3A_517 = vector.load %arg9[%swap3A_515, %swap3A_516] : memref<4096x128xf32, #tpu.memory_space<vmem>>, vector<64x128xf32>
    tpu.vector_store %arg9[%swap3A_515, %swap3A_516], %dot_general3A_514 {strides = array<i32>} : memref<4096x128xf32, #tpu.memory_space<vmem>>, vector<64x128xf32>,
    %get3A_518 = arith.constant 2752 : index
    %get3A_519 = arith.constant 0 : index
    %get3A_520 = vector.load %arg6[%get3A_518, %get3A_519] : memref<4096x64xbf16, #tpu.memory_space<vmem>>, vector<64x64xbf16>
    %get3A_521 = arith.constant 2752 : index
    %get3A_522 = arith.constant 0 : index
    %get3A_523 = vector.load %arg7[%get3A_521, %get3A_522] : memref<4160x64xbf16, #tpu.memory_space<vmem>>, vector<128x64xbf16>
    %dot_general3A_524 = arith.constant dense<0.000000e+00> : vector<64x128xf32>
    %dot_general3A_525 = tpu.matmul %get3A_520, %get3A_523, %dot_general3A_524 {dimension_numbers = #tpu.dot_dimension_numbers<[1], [1], [0], [0], [0, 0, 1, 0], [], []>, transpose_lhs_hint = false} : vector<64x64xbf16>, vector<128x64xbf16>, vector<64x128xf32> -> vector<64x128xf32>
    %swap3A_526 = arith.constant 2752 : index
    %swap3A_527 = arith.constant 0 : index
    %swap3A_528 = vector.load %arg9[%swap3A_526, %swap3A_527] : memref<4096x128xf32, #tpu.memory_space<vmem>>, vector<64x128xf32>
    tpu.vector_store %arg9[%swap3A_526, %swap3A_527], %dot_general3A_525 {strides = array<i32>} : memref<4096x128xf32, #tpu.memory_space<vmem>>, vector<64x128xf32>,
    %get3A_529 = arith.constant 2816 : index
    %get3A_530 = arith.constant 0 : index
    %get3A_531 = vector.load %arg6[%get3A_529, %get3A_530] : memref<4096x64xbf16, #tpu.memory_space<vmem>>, vector<64x64xbf16>
    %get3A_532 = arith.constant 2816 : index
    %get3A_533 = arith.constant 0 : index
    %get3A_534 = vector.load %arg7[%get3A_532, %get3A_533] : memref<4160x64xbf16, #tpu.memory_space<vmem>>, vector<128x64xbf16>
    %dot_general3A_535 = arith.constant dense<0.000000e+00> : vector<64x128xf32>
    %dot_general3A_536 = tpu.matmul %get3A_531, %get3A_534, %dot_general3A_535 {dimension_numbers = #tpu.dot_dimension_numbers<[1], [1], [0], [0], [0, 0, 1, 0], [], []>, transpose_lhs_hint = false} : vector<64x64xbf16>, vector<128x64xbf16>, vector<64x128xf32> -> vector<64x128xf32>
    %swap3A_537 = arith.constant 2816 : index
    %swap3A_538 = arith.constant 0 : index
    %swap3A_539 = vector.load %arg9[%swap3A_537, %swap3A_538] : memref<4096x128xf32, #tpu.memory_space<vmem>>, vector<64x128xf32>
    tpu.vector_store %arg9[%swap3A_537, %swap3A_538], %dot_general3A_536 {strides = array<i32>} : memref<4096x128xf32, #tpu.memory_space<vmem>>, vector<64x128xf32>,
    %get3A_540 = arith.constant 2880 : index
    %get3A_541 = arith.constant 0 : index
    %get3A_542 = vector.load %arg6[%get3A_540, %get3A_541] : memref<4096x64xbf16, #tpu.memory_space<vmem>>, vector<64x64xbf16>
    %get3A_543 = arith.constant 2880 : index
    %get3A_544 = arith.constant 0 : index
    %get3A_545 = vector.load %arg7[%get3A_543, %get3A_544] : memref<4160x64xbf16, #tpu.memory_space<vmem>>, vector<128x64xbf16>
    %dot_general3A_546 = arith.constant dense<0.000000e+00> : vector<64x128xf32>
    %dot_general3A_547 = tpu.matmul %get3A_542, %get3A_545, %dot_general3A_546 {dimension_numbers = #tpu.dot_dimension_numbers<[1], [1], [0], [0], [0, 0, 1, 0], [], []>, transpose_lhs_hint = false} : vector<64x64xbf16>, vector<128x64xbf16>, vector<64x128xf32> -> vector<64x128xf32>
    %swap3A_548 = arith.constant 2880 : index
    %swap3A_549 = arith.constant 0 : index
    %swap3A_550 = vector.load %arg9[%swap3A_548, %swap3A_549] : memref<4096x128xf32, #tpu.memory_space<vmem>>, vector<64x128xf32>
    tpu.vector_store %arg9[%swap3A_548, %swap3A_549], %dot_general3A_547 {strides = array<i32>} : memref<4096x128xf32, #tpu.memory_space<vmem>>, vector<64x128xf32>,
    %get3A_551 = arith.constant 2944 : index
    %get3A_552 = arith.constant 0 : index
    %get3A_553 = vector.load %arg6[%get3A_551, %get3A_552] : memref<4096x64xbf16, #tpu.memory_space<vmem>>, vector<64x64xbf16>
    %get3A_554 = arith.constant 2944 : index
    %get3A_555 = arith.constant 0 : index
    %get3A_556 = vector.load %arg7[%get3A_554, %get3A_555] : memref<4160x64xbf16, #tpu.memory_space<vmem>>, vector<128x64xbf16>
    %dot_general3A_557 = arith.constant dense<0.000000e+00> : vector<64x128xf32>
    %dot_general3A_558 = tpu.matmul %get3A_553, %get3A_556, %dot_general3A_557 {dimension_numbers = #tpu.dot_dimension_numbers<[1], [1], [0], [0], [0, 0, 1, 0], [], []>, transpose_lhs_hint = false} : vector<64x64xbf16>, vector<128x64xbf16>, vector<64x128xf32> -> vector<64x128xf32>
    %swap3A_559 = arith.constant 2944 : index
    %swap3A_560 = arith.constant 0 : index
    %swap3A_561 = vector.load %arg9[%swap3A_559, %swap3A_560] : memref<4096x128xf32, #tpu.memory_space<vmem>>, vector<64x128xf32>
    tpu.vector_store %arg9[%swap3A_559, %swap3A_560], %dot_general3A_558 {strides = array<i32>} : memref<4096x128xf32, #tpu.memory_space<vmem>>, vector<64x128xf32>,
    %get3A_562 = arith.constant 3008 : index
    %get3A_563 = arith.constant 0 : index
    %get3A_564 = vector.load %arg6[%get3A_562, %get3A_563] : memref<4096x64xbf16, #tpu.memory_space<vmem>>, vector<64x64xbf16>
    %get3A_565 = arith.constant 3008 : index
    %get3A_566 = arith.constant 0 : index
    %get3A_567 = vector.load %arg7[%get3A_565, %get3A_566] : memref<4160x64xbf16, #tpu.memory_space<vmem>>, vector<128x64xbf16>
    %dot_general3A_568 = arith.constant dense<0.000000e+00> : vector<64x128xf32>
    %dot_general3A_569 = tpu.matmul %get3A_564, %get3A_567, %dot_general3A_568 {dimension_numbers = #tpu.dot_dimension_numbers<[1], [1], [0], [0], [0, 0, 1, 0], [], []>, transpose_lhs_hint = false} : vector<64x64xbf16>, vector<128x64xbf16>, vector<64x128xf32> -> vector<64x128xf32>
    %swap3A_570 = arith.constant 3008 : index
    %swap3A_571 = arith.constant 0 : index
    %swap3A_572 = vector.load %arg9[%swap3A_570, %swap3A_571] : memref<4096x128xf32, #tpu.memory_space<vmem>>, vector<64x128xf32>
    tpu.vector_store %arg9[%swap3A_570, %swap3A_571], %dot_general3A_569 {strides = array<i32>} : memref<4096x128xf32, #tpu.memory_space<vmem>>, vector<64x128xf32>,
    %get3A_573 = arith.constant 3072 : index
    %get3A_574 = arith.constant 0 : index
    %get3A_575 = vector.load %arg6[%get3A_573, %get3A_574] : memref<4096x64xbf16, #tpu.memory_space<vmem>>, vector<64x64xbf16>
    %get3A_576 = arith.constant 3072 : index
    %get3A_577 = arith.constant 0 : index
    %get3A_578 = vector.load %arg7[%get3A_576, %get3A_577] : memref<4160x64xbf16, #tpu.memory_space<vmem>>, vector<128x64xbf16>
    %dot_general3A_579 = arith.constant dense<0.000000e+00> : vector<64x128xf32>
    %dot_general3A_580 = tpu.matmul %get3A_575, %get3A_578, %dot_general3A_579 {dimension_numbers = #tpu.dot_dimension_numbers<[1], [1], [0], [0], [0, 0, 1, 0], [], []>, transpose_lhs_hint = false} : vector<64x64xbf16>, vector<128x64xbf16>, vector<64x128xf32> -> vector<64x128xf32>
    %swap3A_581 = arith.constant 3072 : index
    %swap3A_582 = arith.constant 0 : index
    %swap3A_583 = vector.load %arg9[%swap3A_581, %swap3A_582] : memref<4096x128xf32, #tpu.memory_space<vmem>>, vector<64x128xf32>
    tpu.vector_store %arg9[%swap3A_581, %swap3A_582], %dot_general3A_580 {strides = array<i32>} : memref<4096x128xf32, #tpu.memory_space<vmem>>, vector<64x128xf32>,
    %get3A_584 = arith.constant 3136 : index
    %get3A_585 = arith.constant 0 : index
    %get3A_586 = vector.load %arg6[%get3A_584, %get3A_585] : memref<4096x64xbf16, #tpu.memory_space<vmem>>, vector<64x64xbf16>
    %get3A_587 = arith.constant 3136 : index
    %get3A_588 = arith.constant 0 : index
    %get3A_589 = vector.load %arg7[%get3A_587, %get3A_588] : memref<4160x64xbf16, #tpu.memory_space<vmem>>, vector<128x64xbf16>
    %dot_general3A_590 = arith.constant dense<0.000000e+00> : vector<64x128xf32>
    %dot_general3A_591 = tpu.matmul %get3A_586, %get3A_589, %dot_general3A_590 {dimension_numbers = #tpu.dot_dimension_numbers<[1], [1], [0], [0], [0, 0, 1, 0], [], []>, transpose_lhs_hint = false} : vector<64x64xbf16>, vector<128x64xbf16>, vector<64x128xf32> -> vector<64x128xf32>
    %swap3A_592 = arith.constant 3136 : index
    %swap3A_593 = arith.constant 0 : index
    %swap3A_594 = vector.load %arg9[%swap3A_592, %swap3A_593] : memref<4096x128xf32, #tpu.memory_space<vmem>>, vector<64x128xf32>
    tpu.vector_store %arg9[%swap3A_592, %swap3A_593], %dot_general3A_591 {strides = array<i32>} : memref<4096x128xf32, #tpu.memory_space<vmem>>, vector<64x128xf32>,
    %get3A_595 = arith.constant 3200 : index
    %get3A_596 = arith.constant 0 : index
    %get3A_597 = vector.load %arg6[%get3A_595, %get3A_596] : memref<4096x64xbf16, #tpu.memory_space<vmem>>, vector<64x64xbf16>
    %get3A_598 = arith.constant 3200 : index
    %get3A_599 = arith.constant 0 : index
    %get3A_600 = vector.load %arg7[%get3A_598, %get3A_599] : memref<4160x64xbf16, #tpu.memory_space<vmem>>, vector<128x64xbf16>
    %dot_general3A_601 = arith.constant dense<0.000000e+00> : vector<64x128xf32>
    %dot_general3A_602 = tpu.matmul %get3A_597, %get3A_600, %dot_general3A_601 {dimension_numbers = #tpu.dot_dimension_numbers<[1], [1], [0], [0], [0, 0, 1, 0], [], []>, transpose_lhs_hint = false} : vector<64x64xbf16>, vector<128x64xbf16>, vector<64x128xf32> -> vector<64x128xf32>
    %swap3A_603 = arith.constant 3200 : index
    %swap3A_604 = arith.constant 0 : index
    %swap3A_605 = vector.load %arg9[%swap3A_603, %swap3A_604] : memref<4096x128xf32, #tpu.memory_space<vmem>>, vector<64x128xf32>
    tpu.vector_store %arg9[%swap3A_603, %swap3A_604], %dot_general3A_602 {strides = array<i32>} : memref<4096x128xf32, #tpu.memory_space<vmem>>, vector<64x128xf32>,
    %get3A_606 = arith.constant 3264 : index
    %get3A_607 = arith.constant 0 : index
    %get3A_608 = vector.load %arg6[%get3A_606, %get3A_607] : memref<4096x64xbf16, #tpu.memory_space<vmem>>, vector<64x64xbf16>
    %get3A_609 = arith.constant 3264 : index
    %get3A_610 = arith.constant 0 : index
    %get3A_611 = vector.load %arg7[%get3A_609, %get3A_610] : memref<4160x64xbf16, #tpu.memory_space<vmem>>, vector<128x64xbf16>
    %dot_general3A_612 = arith.constant dense<0.000000e+00> : vector<64x128xf32>
    %dot_general3A_613 = tpu.matmul %get3A_608, %get3A_611, %dot_general3A_612 {dimension_numbers = #tpu.dot_dimension_numbers<[1], [1], [0], [0], [0, 0, 1, 0], [], []>, transpose_lhs_hint = false} : vector<64x64xbf16>, vector<128x64xbf16>, vector<64x128xf32> -> vector<64x128xf32>
    %swap3A_614 = arith.constant 3264 : index
    %swap3A_615 = arith.constant 0 : index
    %swap3A_616 = vector.load %arg9[%swap3A_614, %swap3A_615] : memref<4096x128xf32, #tpu.memory_space<vmem>>, vector<64x128xf32>
    tpu.vector_store %arg9[%swap3A_614, %swap3A_615], %dot_general3A_613 {strides = array<i32>} : memref<4096x128xf32, #tpu.memory_space<vmem>>, vector<64x128xf32>,
    %get3A_617 = arith.constant 3328 : index
    %get3A_618 = arith.constant 0 : index
    %get3A_619 = vector.load %arg6[%get3A_617, %get3A_618] : memref<4096x64xbf16, #tpu.memory_space<vmem>>, vector<64x64xbf16>
    %get3A_620 = arith.constant 3328 : index
    %get3A_621 = arith.constant 0 : index
    %get3A_622 = vector.load %arg7[%get3A_620, %get3A_621] : memref<4160x64xbf16, #tpu.memory_space<vmem>>, vector<128x64xbf16>
    %dot_general3A_623 = arith.constant dense<0.000000e+00> : vector<64x128xf32>
    %dot_general3A_624 = tpu.matmul %get3A_619, %get3A_622, %dot_general3A_623 {dimension_numbers = #tpu.dot_dimension_numbers<[1], [1], [0], [0], [0, 0, 1, 0], [], []>, transpose_lhs_hint = false} : vector<64x64xbf16>, vector<128x64xbf16>, vector<64x128xf32> -> vector<64x128xf32>
    %swap3A_625 = arith.constant 3328 : index
    %swap3A_626 = arith.constant 0 : index
    %swap3A_627 = vector.load %arg9[%swap3A_625, %swap3A_626] : memref<4096x128xf32, #tpu.memory_space<vmem>>, vector<64x128xf32>
    tpu.vector_store %arg9[%swap3A_625, %swap3A_626], %dot_general3A_624 {strides = array<i32>} : memref<4096x128xf32, #tpu.memory_space<vmem>>, vector<64x128xf32>,
    %get3A_628 = arith.constant 3392 : index
    %get3A_629 = arith.constant 0 : index
    %get3A_630 = vector.load %arg6[%get3A_628, %get3A_629] : memref<4096x64xbf16, #tpu.memory_space<vmem>>, vector<64x64xbf16>
    %get3A_631 = arith.constant 3392 : index
    %get3A_632 = arith.constant 0 : index
    %get3A_633 = vector.load %arg7[%get3A_631, %get3A_632] : memref<4160x64xbf16, #tpu.memory_space<vmem>>, vector<128x64xbf16>
    %dot_general3A_634 = arith.constant dense<0.000000e+00> : vector<64x128xf32>
    %dot_general3A_635 = tpu.matmul %get3A_630, %get3A_633, %dot_general3A_634 {dimension_numbers = #tpu.dot_dimension_numbers<[1], [1], [0], [0], [0, 0, 1, 0], [], []>, transpose_lhs_hint = false} : vector<64x64xbf16>, vector<128x64xbf16>, vector<64x128xf32> -> vector<64x128xf32>
    %swap3A_636 = arith.constant 3392 : index
    %swap3A_637 = arith.constant 0 : index
    %swap3A_638 = vector.load %arg9[%swap3A_636, %swap3A_637] : memref<4096x128xf32, #tpu.memory_space<vmem>>, vector<64x128xf32>
    tpu.vector_store %arg9[%swap3A_636, %swap3A_637], %dot_general3A_635 {strides = array<i32>} : memref<4096x128xf32, #tpu.memory_space<vmem>>, vector<64x128xf32>,
    %get3A_639 = arith.constant 3456 : index
    %get3A_640 = arith.constant 0 : index
    %get3A_641 = vector.load %arg6[%get3A_639, %get3A_640] : memref<4096x64xbf16, #tpu.memory_space<vmem>>, vector<64x64xbf16>
    %get3A_642 = arith.constant 3456 : index
    %get3A_643 = arith.constant 0 : index
    %get3A_644 = vector.load %arg7[%get3A_642, %get3A_643] : memref<4160x64xbf16, #tpu.memory_space<vmem>>, vector<128x64xbf16>
    %dot_general3A_645 = arith.constant dense<0.000000e+00> : vector<64x128xf32>
    %dot_general3A_646 = tpu.matmul %get3A_641, %get3A_644, %dot_general3A_645 {dimension_numbers = #tpu.dot_dimension_numbers<[1], [1], [0], [0], [0, 0, 1, 0], [], []>, transpose_lhs_hint = false} : vector<64x64xbf16>, vector<128x64xbf16>, vector<64x128xf32> -> vector<64x128xf32>
    %swap3A_647 = arith.constant 3456 : index
    %swap3A_648 = arith.constant 0 : index
    %swap3A_649 = vector.load %arg9[%swap3A_647, %swap3A_648] : memref<4096x128xf32, #tpu.memory_space<vmem>>, vector<64x128xf32>
    tpu.vector_store %arg9[%swap3A_647, %swap3A_648], %dot_general3A_646 {strides = array<i32>} : memref<4096x128xf32, #tpu.memory_space<vmem>>, vector<64x128xf32>,
    %get3A_650 = arith.constant 3520 : index
    %get3A_651 = arith.constant 0 : index
    %get3A_652 = vector.load %arg6[%get3A_650, %get3A_651] : memref<4096x64xbf16, #tpu.memory_space<vmem>>, vector<64x64xbf16>
    %get3A_653 = arith.constant 3520 : index
    %get3A_654 = arith.constant 0 : index
    %get3A_655 = vector.load %arg7[%get3A_653, %get3A_654] : memref<4160x64xbf16, #tpu.memory_space<vmem>>, vector<128x64xbf16>
    %dot_general3A_656 = arith.constant dense<0.000000e+00> : vector<64x128xf32>
    %dot_general3A_657 = tpu.matmul %get3A_652, %get3A_655, %dot_general3A_656 {dimension_numbers = #tpu.dot_dimension_numbers<[1], [1], [0], [0], [0, 0, 1, 0], [], []>, transpose_lhs_hint = false} : vector<64x64xbf16>, vector<128x64xbf16>, vector<64x128xf32> -> vector<64x128xf32>
    %swap3A_658 = arith.constant 3520 : index
    %swap3A_659 = arith.constant 0 : index
    %swap3A_660 = vector.load %arg9[%swap3A_658, %swap3A_659] : memref<4096x128xf32, #tpu.memory_space<vmem>>, vector<64x128xf32>
    tpu.vector_store %arg9[%swap3A_658, %swap3A_659], %dot_general3A_657 {strides = array<i32>} : memref<4096x128xf32, #tpu.memory_space<vmem>>, vector<64x128xf32>,
    %get3A_661 = arith.constant 3584 : index
    %get3A_662 = arith.constant 0 : index
    %get3A_663 = vector.load %arg6[%get3A_661, %get3A_662] : memref<4096x64xbf16, #tpu.memory_space<vmem>>, vector<64x64xbf16>
    %get3A_664 = arith.constant 3584 : index
    %get3A_665 = arith.constant 0 : index
    %get3A_666 = vector.load %arg7[%get3A_664, %get3A_665] : memref<4160x64xbf16, #tpu.memory_space<vmem>>, vector<128x64xbf16>
    %dot_general3A_667 = arith.constant dense<0.000000e+00> : vector<64x128xf32>
    %dot_general3A_668 = tpu.matmul %get3A_663, %get3A_666, %dot_general3A_667 {dimension_numbers = #tpu.dot_dimension_numbers<[1], [1], [0], [0], [0, 0, 1, 0], [], []>, transpose_lhs_hint = false} : vector<64x64xbf16>, vector<128x64xbf16>, vector<64x128xf32> -> vector<64x128xf32>
    %swap3A_669 = arith.constant 3584 : index
    %swap3A_670 = arith.constant 0 : index
    %swap3A_671 = vector.load %arg9[%swap3A_669, %swap3A_670] : memref<4096x128xf32, #tpu.memory_space<vmem>>, vector<64x128xf32>
    tpu.vector_store %arg9[%swap3A_669, %swap3A_670], %dot_general3A_668 {strides = array<i32>} : memref<4096x128xf32, #tpu.memory_space<vmem>>, vector<64x128xf32>,
    %get3A_672 = arith.constant 3648 : index
    %get3A_673 = arith.constant 0 : index
    %get3A_674 = vector.load %arg6[%get3A_672, %get3A_673] : memref<4096x64xbf16, #tpu.memory_space<vmem>>, vector<64x64xbf16>
    %get3A_675 = arith.constant 3648 : index
    %get3A_676 = arith.constant 0 : index
    %get3A_677 = vector.load %arg7[%get3A_675, %get3A_676] : memref<4160x64xbf16, #tpu.memory_space<vmem>>, vector<128x64xbf16>
    %dot_general3A_678 = arith.constant dense<0.000000e+00> : vector<64x128xf32>
    %dot_general3A_679 = tpu.matmul %get3A_674, %get3A_677, %dot_general3A_678 {dimension_numbers = #tpu.dot_dimension_numbers<[1], [1], [0], [0], [0, 0, 1, 0], [], []>, transpose_lhs_hint = false} : vector<64x64xbf16>, vector<128x64xbf16>, vector<64x128xf32> -> vector<64x128xf32>
    %swap3A_680 = arith.constant 3648 : index
    %swap3A_681 = arith.constant 0 : index
    %swap3A_682 = vector.load %arg9[%swap3A_680, %swap3A_681] : memref<4096x128xf32, #tpu.memory_space<vmem>>, vector<64x128xf32>
    tpu.vector_store %arg9[%swap3A_680, %swap3A_681], %dot_general3A_679 {strides = array<i32>} : memref<4096x128xf32, #tpu.memory_space<vmem>>, vector<64x128xf32>,
    %get3A_683 = arith.constant 3712 : index
    %get3A_684 = arith.constant 0 : index
    %get3A_685 = vector.load %arg6[%get3A_683, %get3A_684] : memref<4096x64xbf16, #tpu.memory_space<vmem>>, vector<64x64xbf16>
    %get3A_686 = arith.constant 3712 : index
    %get3A_687 = arith.constant 0 : index
    %get3A_688 = vector.load %arg7[%get3A_686, %get3A_687] : memref<4160x64xbf16, #tpu.memory_space<vmem>>, vector<128x64xbf16>
    %dot_general3A_689 = arith.constant dense<0.000000e+00> : vector<64x128xf32>
    %dot_general3A_690 = tpu.matmul %get3A_685, %get3A_688, %dot_general3A_689 {dimension_numbers = #tpu.dot_dimension_numbers<[1], [1], [0], [0], [0, 0, 1, 0], [], []>, transpose_lhs_hint = false} : vector<64x64xbf16>, vector<128x64xbf16>, vector<64x128xf32> -> vector<64x128xf32>
    %swap3A_691 = arith.constant 3712 : index
    %swap3A_692 = arith.constant 0 : index
    %swap3A_693 = vector.load %arg9[%swap3A_691, %swap3A_692] : memref<4096x128xf32, #tpu.memory_space<vmem>>, vector<64x128xf32>
    tpu.vector_store %arg9[%swap3A_691, %swap3A_692], %dot_general3A_690 {strides = array<i32>} : memref<4096x128xf32, #tpu.memory_space<vmem>>, vector<64x128xf32>,
    %get3A_694 = arith.constant 3776 : index
    %get3A_695 = arith.constant 0 : index
    %get3A_696 = vector.load %arg6[%get3A_694, %get3A_695] : memref<4096x64xbf16, #tpu.memory_space<vmem>>, vector<64x64xbf16>
    %get3A_697 = arith.constant 3776 : index
    %get3A_698 = arith.constant 0 : index
    %get3A_699 = vector.load %arg7[%get3A_697, %get3A_698] : memref<4160x64xbf16, #tpu.memory_space<vmem>>, vector<128x64xbf16>
    %dot_general3A_700 = arith.constant dense<0.000000e+00> : vector<64x128xf32>
    %dot_general3A_701 = tpu.matmul %get3A_696, %get3A_699, %dot_general3A_700 {dimension_numbers = #tpu.dot_dimension_numbers<[1], [1], [0], [0], [0, 0, 1, 0], [], []>, transpose_lhs_hint = false} : vector<64x64xbf16>, vector<128x64xbf16>, vector<64x128xf32> -> vector<64x128xf32>
    %swap3A_702 = arith.constant 3776 : index
    %swap3A_703 = arith.constant 0 : index
    %swap3A_704 = vector.load %arg9[%swap3A_702, %swap3A_703] : memref<4096x128xf32, #tpu.memory_space<vmem>>, vector<64x128xf32>
    tpu.vector_store %arg9[%swap3A_702, %swap3A_703], %dot_general3A_701 {strides = array<i32>} : memref<4096x128xf32, #tpu.memory_space<vmem>>, vector<64x128xf32>,
    %get3A_705 = arith.constant 3840 : index
    %get3A_706 = arith.constant 0 : index
    %get3A_707 = vector.load %arg6[%get3A_705, %get3A_706] : memref<4096x64xbf16, #tpu.memory_space<vmem>>, vector<64x64xbf16>
    %get3A_708 = arith.constant 3840 : index
    %get3A_709 = arith.constant 0 : index
    %get3A_710 = vector.load %arg7[%get3A_708, %get3A_709] : memref<4160x64xbf16, #tpu.memory_space<vmem>>, vector<128x64xbf16>
    %dot_general3A_711 = arith.constant dense<0.000000e+00> : vector<64x128xf32>
    %dot_general3A_712 = tpu.matmul %get3A_707, %get3A_710, %dot_general3A_711 {dimension_numbers = #tpu.dot_dimension_numbers<[1], [1], [0], [0], [0, 0, 1, 0], [], []>, transpose_lhs_hint = false} : vector<64x64xbf16>, vector<128x64xbf16>, vector<64x128xf32> -> vector<64x128xf32>
    %swap3A_713 = arith.constant 3840 : index
    %swap3A_714 = arith.constant 0 : index
    %swap3A_715 = vector.load %arg9[%swap3A_713, %swap3A_714] : memref<4096x128xf32, #tpu.memory_space<vmem>>, vector<64x128xf32>
    tpu.vector_store %arg9[%swap3A_713, %swap3A_714], %dot_general3A_712 {strides = array<i32>} : memref<4096x128xf32, #tpu.memory_space<vmem>>, vector<64x128xf32>,
    %get3A_716 = arith.constant 3904 : index
    %get3A_717 = arith.constant 0 : index
    %get3A_718 = vector.load %arg6[%get3A_716, %get3A_717] : memref<4096x64xbf16, #tpu.memory_space<vmem>>, vector<64x64xbf16>
    %get3A_719 = arith.constant 3904 : index
    %get3A_720 = arith.constant 0 : index
    %get3A_721 = vector.load %arg7[%get3A_719, %get3A_720] : memref<4160x64xbf16, #tpu.memory_space<vmem>>, vector<128x64xbf16>
    %dot_general3A_722 = arith.constant dense<0.000000e+00> : vector<64x128xf32>
    %dot_general3A_723 = tpu.matmul %get3A_718, %get3A_721, %dot_general3A_722 {dimension_numbers = #tpu.dot_dimension_numbers<[1], [1], [0], [0], [0, 0, 1, 0], [], []>, transpose_lhs_hint = false} : vector<64x64xbf16>, vector<128x64xbf16>, vector<64x128xf32> -> vector<64x128xf32>
    %swap3A_724 = arith.constant 3904 : index
    %swap3A_725 = arith.constant 0 : index
    %swap3A_726 = vector.load %arg9[%swap3A_724, %swap3A_725] : memref<4096x128xf32, #tpu.memory_space<vmem>>, vector<64x128xf32>
    tpu.vector_store %arg9[%swap3A_724, %swap3A_725], %dot_general3A_723 {strides = array<i32>} : memref<4096x128xf32, #tpu.memory_space<vmem>>, vector<64x128xf32>,
    %get3A_727 = arith.constant 3968 : index
    %get3A_728 = arith.constant 0 : index
    %get3A_729 = vector.load %arg6[%get3A_727, %get3A_728] : memref<4096x64xbf16, #tpu.memory_space<vmem>>, vector<64x64xbf16>
    %get3A_730 = arith.constant 3968 : index
    %get3A_731 = arith.constant 0 : index
    %get3A_732 = vector.load %arg7[%get3A_730, %get3A_731] : memref<4160x64xbf16, #tpu.memory_space<vmem>>, vector<128x64xbf16>
    %dot_general3A_733 = arith.constant dense<0.000000e+00> : vector<64x128xf32>
    %dot_general3A_734 = tpu.matmul %get3A_729, %get3A_732, %dot_general3A_733 {dimension_numbers = #tpu.dot_dimension_numbers<[1], [1], [0], [0], [0, 0, 1, 0], [], []>, transpose_lhs_hint = false} : vector<64x64xbf16>, vector<128x64xbf16>, vector<64x128xf32> -> vector<64x128xf32>
    %swap3A_735 = arith.constant 3968 : index
    %swap3A_736 = arith.constant 0 : index
    %swap3A_737 = vector.load %arg9[%swap3A_735, %swap3A_736] : memref<4096x128xf32, #tpu.memory_space<vmem>>, vector<64x128xf32>
    tpu.vector_store %arg9[%swap3A_735, %swap3A_736], %dot_general3A_734 {strides = array<i32>} : memref<4096x128xf32, #tpu.memory_space<vmem>>, vector<64x128xf32>,
    %get3A_738 = arith.constant 4032 : index
    %get3A_739 = arith.constant 0 : index
    %get3A_740 = vector.load %arg6[%get3A_738, %get3A_739] : memref<4096x64xbf16, #tpu.memory_space<vmem>>, vector<64x64xbf16>
    %get3A_741 = arith.constant 4032 : index
    %get3A_742 = arith.constant 0 : index
    %get3A_743 = vector.load %arg7[%get3A_741, %get3A_742] : memref<4160x64xbf16, #tpu.memory_space<vmem>>, vector<128x64xbf16>
    %dot_general3A_744 = arith.constant dense<0.000000e+00> : vector<64x128xf32>
    %dot_general3A_745 = tpu.matmul %get3A_740, %get3A_743, %dot_general3A_744 {dimension_numbers = #tpu.dot_dimension_numbers<[1], [1], [0], [0], [0, 0, 1, 0], [], []>, transpose_lhs_hint = false} : vector<64x64xbf16>, vector<128x64xbf16>, vector<64x128xf32> -> vector<64x128xf32>
    %swap3A_746 = arith.constant 4032 : index
    %swap3A_747 = arith.constant 0 : index
    %swap3A_748 = vector.load %arg9[%swap3A_746, %swap3A_747] : memref<4096x128xf32, #tpu.memory_space<vmem>>, vector<64x128xf32>
    tpu.vector_store %arg9[%swap3A_746, %swap3A_747], %dot_general3A_745 {strides = array<i32>} : memref<4096x128xf32, #tpu.memory_space<vmem>>, vector<64x128xf32>,
    %get3A_749 = arith.constant 0 : index
    %get3A_750 = arith.constant 0 : index
    %get3A_751 = vector.load %arg9[%get3A_749, %get3A_750] : memref<4096x128xf32, #tpu.memory_space<vmem>>, vector<4096x128xf32>
    %mul3A_752 = arith.constant 1.250000e-01 : f32
    %mul3A_753 = vector.broadcast %mul3A_752 : f32 to vector<4096x128xf32>
    %mul3A_754 = arith.mulf %get3A_751, %mul3A_753 : vector<4096x128xf32>
    %iota3A = tpu.iota {dimensions = array<i32: 0>} : vector<4096x128xi32>
    %iota3A_755 = tpu.iota {dimensions = array<i32: 1>} : vector<4096x128xi32>
    %jit3A = arith.constant 64 : i32
    %eq3A = arith.constant 0 : i32
    %eq3A_756 = arith.cmpi eq, %jit3A, %eq3A : i32
    %jit3A_757 = arith.constant 1 : i32
    %select_n3A = arith.select %eq3A_756, %jit3A_757, %jit3A : i32
    %rem3A = vector.broadcast %select_n3A : i32 to vector<4096x128xi32>
    %rem3A_758 = arith.remsi %iota3A, %rem3A : vector<4096x128xi32>
    %ne3A = arith.constant 0 : i32
    %ne3A_759 = vector.broadcast %ne3A : i32 to vector<4096x128xi32>
    %ne3A_760 = arith.cmpi ne, %rem3A_758, %ne3A_759 : vector<4096x128xi32>
    %lt3A = arith.constant 0 : i32
    %lt3A_761 = vector.broadcast %lt3A : i32 to vector<4096x128xi32>
    %lt3A_762 = arith.cmpi slt, %rem3A_758, %lt3A_761 : vector<4096x128xi32>
    %lt3A_763 = arith.constant 0 : i32
    %lt3A_764 = arith.cmpi slt, %select_n3A, %lt3A_763 : i32
    %ne3A_765 = vector.broadcast %lt3A_764 : i1 to vector<4096x128xi1>
    %ne3A_766 = vector.broadcast %ne3A_765 : vector<4096x128xi1> to vector<4096x128xi1>
    %ne3A_767 = arith.xori %lt3A_762, %ne3A_766 : vector<4096x128xi1>
    %and3A = arith.andi %ne3A_767, %ne3A_760 : vector<4096x128xi1>
    %add3A = vector.broadcast %select_n3A : i32 to vector<4096x128xi32>
    %add3A_768 = arith.addi %rem3A_758, %add3A : vector<4096x128xi32>
    %select_n3A_769 = arith.select %and3A, %add3A_768, %rem3A_758 : vector<4096x128xi1>, vector<4096x128xi32>
    %add3A_770 = arith.constant 64 : i32
    %add3A_771 = vector.broadcast %add3A_770 : i32 to vector<4096x128xi32>
    %add3A_772 = arith.addi %select_n3A_769, %add3A_771 : vector<4096x128xi32>
    %eq3A_773 = arith.cmpi eq, %iota3A_755, %add3A_772 : vector<4096x128xi32>
    %jit3A_774 = arith.constant -5.000000e+04 : f32
    %broadcast_in_dim3A_775 = vector.broadcast %jit3A_774 : f32 to vector<4096x128xf32>
    %select_n3A_776 = arith.select %eq3A_773, %broadcast_in_dim3A_775, %mul3A_754 : vector<4096x128xi1>, vector<4096x128xf32>
    %get3A_777 = arith.constant 0 : index
    %get3A_778 = arith.constant 0 : index
    %get3A_779 = arith.constant 0 : index
    %get3A_780 = arith.constant 0 : index
    %get3A_781 = vector.load %arg4[%get3A_777, %get3A_778, %get3A_779, %get3A_780] : memref<1x1x64x64xf32, #tpu.memory_space<vmem>>, vector<1x1x64x64xf32>
    %get3A_782 = vector.shape_cast %get3A_781 : vector<1x1x64x64xf32> to vector<64x64xf32>
    %jit3A_783 = arith.constant 0 : i32
    %convert_element_type3A_784 = arith.sitofp %jit3A_783 : i32 to f32
    %pad3A = vector.broadcast %convert_element_type3A_784 : f32 to vector<4032x64xf32>
    %pad3A_785 = tpu.concatenate %get3A_782, %pad3A in 0 : vector<64x64xf32>, vector<4032x64xf32> -> vector<4096x64xf32>
    %pad3A_786 = vector.broadcast %convert_element_type3A_784 : f32 to vector<4096x64xf32>
    %pad3A_787 = tpu.concatenate %pad3A_785, %pad3A_786 in 1 : vector<4096x64xf32>, vector<4096x64xf32> -> vector<4096x128xf32>
    %gt3A = arith.constant 5.000000e-01 : f32
    %gt3A_788 = vector.broadcast %gt3A : f32 to vector<4096x128xf32>
    %gt3A_789 = arith.cmpf ogt, %pad3A_787, %gt3A_788 : vector<4096x128xf32>
    %jit3A_790 = arith.constant -5.000000e+04 : f32
    %broadcast_in_dim3A_791 = vector.broadcast %jit3A_790 : f32 to vector<4096x128xf32>
    %select_n3A_792 = arith.select %gt3A_789, %broadcast_in_dim3A_791, %select_n3A_776 : vector<4096x128xi1>, vector<4096x128xf32>
    %reduce_max3A = arith.constant dense<0xFF800000> : vector<4096xf32>
    %reduce_max3A_793 = vector.multi_reduction <maximumf>, %select_n3A_792, %reduce_max3A [1] : vector<4096x128xf32> to vector<4096xf32>
    %broadcast_in_dim3A_794 = vector.shape_cast %reduce_max3A_793 : vector<4096xf32> to vector<4096x1xf32>
    %sub3A = vector.broadcast %broadcast_in_dim3A_794 : vector<4096x1xf32> to vector<4096x128xf32>
    %sub3A_795 = arith.subf %select_n3A_792, %sub3A : vector<4096x128xf32>
    %exp3A = math.exp %sub3A_795 : vector<4096x128xf32>
    %reduce_sum3A_796 = arith.constant dense<0.000000e+00> : vector<4096xf32>
    %reduce_sum3A_797 = vector.multi_reduction <add>, %exp3A, %reduce_sum3A_796 [1] : vector<4096x128xf32> to vector<4096xf32>
    %broadcast_in_dim3A_798 = vector.shape_cast %reduce_sum3A_797 : vector<4096xf32> to vector<4096x1xf32>
    %log3A = math.log %broadcast_in_dim3A_798 : vector<4096x1xf32>
    %add3A_799 = arith.addf %broadcast_in_dim3A_794, %log3A : vector<4096x1xf32>
    %div3A_800 = vector.broadcast %broadcast_in_dim3A_798 : vector<4096x1xf32> to vector<4096x128xf32>
    %div3A_801 = arith.divf %exp3A, %div3A_800 : vector<4096x128xf32>
    %convert_element_type3A_802 = arith.truncf %div3A_801 : vector<4096x128xf32> to vector<4096x128xbf16>
    %swap3A_803 = arith.constant 0 : index
    %swap3A_804 = arith.constant 0 : index
    %swap3A_805 = vector.load %arg10[%swap3A_803, %swap3A_804] : memref<4096x128xbf16, #tpu.memory_space<vmem>>, vector<4096x128xbf16>
    tpu.vector_store %arg10[%swap3A_803, %swap3A_804], %convert_element_type3A_802 {strides = array<i32>} : memref<4096x128xbf16, #tpu.memory_space<vmem>>, vector<4096x128xbf16>,
    %reshape3A_806 = vector.shape_cast %add3A_799 : vector<4096x1xf32> to vector<64x64x1xf32>
    %broadcast_in_dim3A_807 = vector.shape_cast %reshape3A_806 : vector<64x64x1xf32> to vector<64x64x1xf32>
    %broadcast_in_dim3A_808 = vector.broadcast %broadcast_in_dim3A_807 : vector<64x64x1xf32> to vector<64x64x64xf32>
    %swap3A_809 = arith.constant 0 : index
    %swap3A_810 = arith.constant 0 : index
    %swap3A_811 = arith.constant 0 : index
    %swap3A_812 = arith.constant 64 : index
    %swap3A_813 = vector.load %arg5[%swap3A_809, %swap3A_810, %swap3A_811, %swap3A_812] : memref<1x64x64x128xf32, #tpu.memory_space<vmem>>, vector<1x64x64x64xf32>
    %swap3A_814 = vector.shape_cast %swap3A_813 : vector<1x64x64x64xf32> to vector<64x64x64xf32>
    %swap3A_815 = vector.shape_cast %broadcast_in_dim3A_808 : vector<64x64x64xf32> to vector<1x64x64x64xf32>
    tpu.vector_store %arg5[%swap3A_809, %swap3A_810, %swap3A_811, %swap3A_812], %swap3A_815 {strides = array<i32>} : memref<1x64x64x128xf32, #tpu.memory_space<vmem>>, vector<1x64x64x64xf32>,
    %get3A_816 = arith.constant 0 : index
    %get3A_817 = arith.constant 0 : index
    %get3A_818 = vector.load %arg10[%get3A_816, %get3A_817] : memref<4096x128xbf16, #tpu.memory_space<vmem>>, vector<64x128xbf16>
    %get3A_819 = arith.constant 0 : index
    %get3A_820 = arith.constant 0 : index
    %get3A_821 = vector.load %arg8[%get3A_819, %get3A_820] : memref<4160x64xbf16, #tpu.memory_space<vmem>>, vector<128x64xbf16>
    %dot_general3A_822 = arith.constant dense<0.000000e+00> : vector<64x64xf32>
    %dot_general3A_823 = tpu.matmul %get3A_818, %get3A_821, %dot_general3A_822 {dimension_numbers = #tpu.dot_dimension_numbers<[1], [0], [0], [1], [0, 0, 1, 1], [], []>, transpose_lhs_hint = false} : vector<64x128xbf16>, vector<128x64xbf16>, vector<64x64xf32> -> vector<64x64xf32>
    %swap3A_824 = arith.constant 0 : index
    %swap3A_825 = arith.constant 0 : index
    %swap3A_826 = arith.constant 0 : index
    %swap3A_827 = arith.constant 0 : index
    %swap3A_828 = vector.load %arg5[%swap3A_824, %swap3A_825, %swap3A_826, %swap3A_827] : memref<1x64x64x128xf32, #tpu.memory_space<vmem>>, vector<1x1x64x64xf32>
    %swap3A_829 = vector.shape_cast %swap3A_828 : vector<1x1x64x64xf32> to vector<64x64xf32>
    %swap3A_830 = vector.shape_cast %dot_general3A_823 : vector<64x64xf32> to vector<1x1x64x64xf32>
    tpu.vector_store %arg5[%swap3A_824, %swap3A_825, %swap3A_826, %swap3A_827], %swap3A_830 {strides = array<i32>} : memref<1x64x64x128xf32, #tpu.memory_space<vmem>>, vector<1x1x64x64xf32>,
    %get3A_831 = arith.constant 64 : index
    %get3A_832 = arith.constant 0 : index
    %get3A_833 = vector.load %arg10[%get3A_831, %get3A_832] : memref<4096x128xbf16, #tpu.memory_space<vmem>>, vector<64x128xbf16>
    %get3A_834 = arith.constant 64 : index
    %get3A_835 = arith.constant 0 : index
    %get3A_836 = vector.load %arg8[%get3A_834, %get3A_835] : memref<4160x64xbf16, #tpu.memory_space<vmem>>, vector<128x64xbf16>
    %dot_general3A_837 = arith.constant dense<0.000000e+00> : vector<64x64xf32>
    %dot_general3A_838 = tpu.matmul %get3A_833, %get3A_836, %dot_general3A_837 {dimension_numbers = #tpu.dot_dimension_numbers<[1], [0], [0], [1], [0, 0, 1, 1], [], []>, transpose_lhs_hint = false} : vector<64x128xbf16>, vector<128x64xbf16>, vector<64x64xf32> -> vector<64x64xf32>
    %swap3A_839 = arith.constant 0 : index
    %swap3A_840 = arith.constant 1 : index
    %swap3A_841 = arith.constant 0 : index
    %swap3A_842 = arith.constant 0 : index
    %swap3A_843 = vector.load %arg5[%swap3A_839, %swap3A_840, %swap3A_841, %swap3A_842] : memref<1x64x64x128xf32, #tpu.memory_space<vmem>>, vector<1x1x64x64xf32>
    %swap3A_844 = vector.shape_cast %swap3A_843 : vector<1x1x64x64xf32> to vector<64x64xf32>
    %swap3A_845 = vector.shape_cast %dot_general3A_838 : vector<64x64xf32> to vector<1x1x64x64xf32>
    tpu.vector_store %arg5[%swap3A_839, %swap3A_840, %swap3A_841, %swap3A_842], %swap3A_845 {strides = array<i32>} : memref<1x64x64x128xf32, #tpu.memory_space<vmem>>, vector<1x1x64x64xf32>,
    %get3A_846 = arith.constant 128 : index
    %get3A_847 = arith.constant 0 : index
    %get3A_848 = vector.load %arg10[%get3A_846, %get3A_847] : memref<4096x128xbf16, #tpu.memory_space<vmem>>, vector<64x128xbf16>
    %get3A_849 = arith.constant 128 : index
    %get3A_850 = arith.constant 0 : index
    %get3A_851 = vector.load %arg8[%get3A_849, %get3A_850] : memref<4160x64xbf16, #tpu.memory_space<vmem>>, vector<128x64xbf16>
    %dot_general3A_852 = arith.constant dense<0.000000e+00> : vector<64x64xf32>
    %dot_general3A_853 = tpu.matmul %get3A_848, %get3A_851, %dot_general3A_852 {dimension_numbers = #tpu.dot_dimension_numbers<[1], [0], [0], [1], [0, 0, 1, 1], [], []>, transpose_lhs_hint = false} : vector<64x128xbf16>, vector<128x64xbf16>, vector<64x64xf32> -> vector<64x64xf32>
    %swap3A_854 = arith.constant 0 : index
    %swap3A_855 = arith.constant 2 : index
    %swap3A_856 = arith.constant 0 : index
    %swap3A_857 = arith.constant 0 : index
    %swap3A_858 = vector.load %arg5[%swap3A_854, %swap3A_855, %swap3A_856, %swap3A_857] : memref<1x64x64x128xf32, #tpu.memory_space<vmem>>, vector<1x1x64x64xf32>
    %swap3A_859 = vector.shape_cast %swap3A_858 : vector<1x1x64x64xf32> to vector<64x64xf32>
    %swap3A_860 = vector.shape_cast %dot_general3A_853 : vector<64x64xf32> to vector<1x1x64x64xf32>
    tpu.vector_store %arg5[%swap3A_854, %swap3A_855, %swap3A_856, %swap3A_857], %swap3A_860 {strides = array<i32>} : memref<1x64x64x128xf32, #tpu.memory_space<vmem>>, vector<1x1x64x64xf32>,
    %get3A_861 = arith.constant 192 : index
    %get3A_862 = arith.constant 0 : index
    %get3A_863 = vector.load %arg10[%get3A_861, %get3A_862] : memref<4096x128xbf16, #tpu.memory_space<vmem>>, vector<64x128xbf16>
    %get3A_864 = arith.constant 192 : index
    %get3A_865 = arith.constant 0 : index
    %get3A_866 = vector.load %arg8[%get3A_864, %get3A_865] : memref<4160x64xbf16, #tpu.memory_space<vmem>>, vector<128x64xbf16>
    %dot_general3A_867 = arith.constant dense<0.000000e+00> : vector<64x64xf32>
    %dot_general3A_868 = tpu.matmul %get3A_863, %get3A_866, %dot_general3A_867 {dimension_numbers = #tpu.dot_dimension_numbers<[1], [0], [0], [1], [0, 0, 1, 1], [], []>, transpose_lhs_hint = false} : vector<64x128xbf16>, vector<128x64xbf16>, vector<64x64xf32> -> vector<64x64xf32>
    %swap3A_869 = arith.constant 0 : index
    %swap3A_870 = arith.constant 3 : index
    %swap3A_871 = arith.constant 0 : index
    %swap3A_872 = arith.constant 0 : index
    %swap3A_873 = vector.load %arg5[%swap3A_869, %swap3A_870, %swap3A_871, %swap3A_872] : memref<1x64x64x128xf32, #tpu.memory_space<vmem>>, vector<1x1x64x64xf32>
    %swap3A_874 = vector.shape_cast %swap3A_873 : vector<1x1x64x64xf32> to vector<64x64xf32>
    %swap3A_875 = vector.shape_cast %dot_general3A_868 : vector<64x64xf32> to vector<1x1x64x64xf32>
    tpu.vector_store %arg5[%swap3A_869, %swap3A_870, %swap3A_871, %swap3A_872], %swap3A_875 {strides = array<i32>} : memref<1x64x64x128xf32, #tpu.memory_space<vmem>>, vector<1x1x64x64xf32>,
    %get3A_876 = arith.constant 256 : index
    %get3A_877 = arith.constant 0 : index
    %get3A_878 = vector.load %arg10[%get3A_876, %get3A_877] : memref<4096x128xbf16, #tpu.memory_space<vmem>>, vector<64x128xbf16>
    %get3A_879 = arith.constant 256 : index
    %get3A_880 = arith.constant 0 : index
    %get3A_881 = vector.load %arg8[%get3A_879, %get3A_880] : memref<4160x64xbf16, #tpu.memory_space<vmem>>, vector<128x64xbf16>
    %dot_general3A_882 = arith.constant dense<0.000000e+00> : vector<64x64xf32>
    %dot_general3A_883 = tpu.matmul %get3A_878, %get3A_881, %dot_general3A_882 {dimension_numbers = #tpu.dot_dimension_numbers<[1], [0], [0], [1], [0, 0, 1, 1], [], []>, transpose_lhs_hint = false} : vector<64x128xbf16>, vector<128x64xbf16>, vector<64x64xf32> -> vector<64x64xf32>
    %swap3A_884 = arith.constant 0 : index
    %swap3A_885 = arith.constant 4 : index
    %swap3A_886 = arith.constant 0 : index
    %swap3A_887 = arith.constant 0 : index
    %swap3A_888 = vector.load %arg5[%swap3A_884, %swap3A_885, %swap3A_886, %swap3A_887] : memref<1x64x64x128xf32, #tpu.memory_space<vmem>>, vector<1x1x64x64xf32>
    %swap3A_889 = vector.shape_cast %swap3A_888 : vector<1x1x64x64xf32> to vector<64x64xf32>
    %swap3A_890 = vector.shape_cast %dot_general3A_883 : vector<64x64xf32> to vector<1x1x64x64xf32>
    tpu.vector_store %arg5[%swap3A_884, %swap3A_885, %swap3A_886, %swap3A_887], %swap3A_890 {strides = array<i32>} : memref<1x64x64x128xf32, #tpu.memory_space<vmem>>, vector<1x1x64x64xf32>,
    %get3A_891 = arith.constant 320 : index
    %get3A_892 = arith.constant 0 : index
    %get3A_893 = vector.load %arg10[%get3A_891, %get3A_892] : memref<4096x128xbf16, #tpu.memory_space<vmem>>, vector<64x128xbf16>
    %get3A_894 = arith.constant 320 : index
    %get3A_895 = arith.constant 0 : index
    %get3A_896 = vector.load %arg8[%get3A_894, %get3A_895] : memref<4160x64xbf16, #tpu.memory_space<vmem>>, vector<128x64xbf16>
    %dot_general3A_897 = arith.constant dense<0.000000e+00> : vector<64x64xf32>
    %dot_general3A_898 = tpu.matmul %get3A_893, %get3A_896, %dot_general3A_897 {dimension_numbers = #tpu.dot_dimension_numbers<[1], [0], [0], [1], [0, 0, 1, 1], [], []>, transpose_lhs_hint = false} : vector<64x128xbf16>, vector<128x64xbf16>, vector<64x64xf32> -> vector<64x64xf32>
    %swap3A_899 = arith.constant 0 : index
    %swap3A_900 = arith.constant 5 : index
    %swap3A_901 = arith.constant 0 : index
    %swap3A_902 = arith.constant 0 : index
    %swap3A_903 = vector.load %arg5[%swap3A_899, %swap3A_900, %swap3A_901, %swap3A_902] : memref<1x64x64x128xf32, #tpu.memory_space<vmem>>, vector<1x1x64x64xf32>
    %swap3A_904 = vector.shape_cast %swap3A_903 : vector<1x1x64x64xf32> to vector<64x64xf32>
    %swap3A_905 = vector.shape_cast %dot_general3A_898 : vector<64x64xf32> to vector<1x1x64x64xf32>
    tpu.vector_store %arg5[%swap3A_899, %swap3A_900, %swap3A_901, %swap3A_902], %swap3A_905 {strides = array<i32>} : memref<1x64x64x128xf32, #tpu.memory_space<vmem>>, vector<1x1x64x64xf32>,
    %get3A_906 = arith.constant 384 : index
    %get3A_907 = arith.constant 0 : index
    %get3A_908 = vector.load %arg10[%get3A_906, %get3A_907] : memref<4096x128xbf16, #tpu.memory_space<vmem>>, vector<64x128xbf16>
    %get3A_909 = arith.constant 384 : index
    %get3A_910 = arith.constant 0 : index
    %get3A_911 = vector.load %arg8[%get3A_909, %get3A_910] : memref<4160x64xbf16, #tpu.memory_space<vmem>>, vector<128x64xbf16>
    %dot_general3A_912 = arith.constant dense<0.000000e+00> : vector<64x64xf32>
    %dot_general3A_913 = tpu.matmul %get3A_908, %get3A_911, %dot_general3A_912 {dimension_numbers = #tpu.dot_dimension_numbers<[1], [0], [0], [1], [0, 0, 1, 1], [], []>, transpose_lhs_hint = false} : vector<64x128xbf16>, vector<128x64xbf16>, vector<64x64xf32> -> vector<64x64xf32>
    %swap3A_914 = arith.constant 0 : index
    %swap3A_915 = arith.constant 6 : index
    %swap3A_916 = arith.constant 0 : index
    %swap3A_917 = arith.constant 0 : index
    %swap3A_918 = vector.load %arg5[%swap3A_914, %swap3A_915, %swap3A_916, %swap3A_917] : memref<1x64x64x128xf32, #tpu.memory_space<vmem>>, vector<1x1x64x64xf32>
    %swap3A_919 = vector.shape_cast %swap3A_918 : vector<1x1x64x64xf32> to vector<64x64xf32>
    %swap3A_920 = vector.shape_cast %dot_general3A_913 : vector<64x64xf32> to vector<1x1x64x64xf32>
    tpu.vector_store %arg5[%swap3A_914, %swap3A_915, %swap3A_916, %swap3A_917], %swap3A_920 {strides = array<i32>} : memref<1x64x64x128xf32, #tpu.memory_space<vmem>>, vector<1x1x64x64xf32>,
    %get3A_921 = arith.constant 448 : index
    %get3A_922 = arith.constant 0 : index
    %get3A_923 = vector.load %arg10[%get3A_921, %get3A_922] : memref<4096x128xbf16, #tpu.memory_space<vmem>>, vector<64x128xbf16>
    %get3A_924 = arith.constant 448 : index
    %get3A_925 = arith.constant 0 : index
    %get3A_926 = vector.load %arg8[%get3A_924, %get3A_925] : memref<4160x64xbf16, #tpu.memory_space<vmem>>, vector<128x64xbf16>
    %dot_general3A_927 = arith.constant dense<0.000000e+00> : vector<64x64xf32>
    %dot_general3A_928 = tpu.matmul %get3A_923, %get3A_926, %dot_general3A_927 {dimension_numbers = #tpu.dot_dimension_numbers<[1], [0], [0], [1], [0, 0, 1, 1], [], []>, transpose_lhs_hint = false} : vector<64x128xbf16>, vector<128x64xbf16>, vector<64x64xf32> -> vector<64x64xf32>
    %swap3A_929 = arith.constant 0 : index
    %swap3A_930 = arith.constant 7 : index
    %swap3A_931 = arith.constant 0 : index
    %swap3A_932 = arith.constant 0 : index
    %swap3A_933 = vector.load %arg5[%swap3A_929, %swap3A_930, %swap3A_931, %swap3A_932] : memref<1x64x64x128xf32, #tpu.memory_space<vmem>>, vector<1x1x64x64xf32>
    %swap3A_934 = vector.shape_cast %swap3A_933 : vector<1x1x64x64xf32> to vector<64x64xf32>
    %swap3A_935 = vector.shape_cast %dot_general3A_928 : vector<64x64xf32> to vector<1x1x64x64xf32>
    tpu.vector_store %arg5[%swap3A_929, %swap3A_930, %swap3A_931, %swap3A_932], %swap3A_935 {strides = array<i32>} : memref<1x64x64x128xf32, #tpu.memory_space<vmem>>, vector<1x1x64x64xf32>,
    %get3A_936 = arith.constant 512 : index
    %get3A_937 = arith.constant 0 : index
    %get3A_938 = vector.load %arg10[%get3A_936, %get3A_937] : memref<4096x128xbf16, #tpu.memory_space<vmem>>, vector<64x128xbf16>
    %get3A_939 = arith.constant 512 : index
    %get3A_940 = arith.constant 0 : index
    %get3A_941 = vector.load %arg8[%get3A_939, %get3A_940] : memref<4160x64xbf16, #tpu.memory_space<vmem>>, vector<128x64xbf16>
    %dot_general3A_942 = arith.constant dense<0.000000e+00> : vector<64x64xf32>
    %dot_general3A_943 = tpu.matmul %get3A_938, %get3A_941, %dot_general3A_942 {dimension_numbers = #tpu.dot_dimension_numbers<[1], [0], [0], [1], [0, 0, 1, 1], [], []>, transpose_lhs_hint = false} : vector<64x128xbf16>, vector<128x64xbf16>, vector<64x64xf32> -> vector<64x64xf32>
    %swap3A_944 = arith.constant 0 : index
    %swap3A_945 = arith.constant 8 : index
    %swap3A_946 = arith.constant 0 : index
    %swap3A_947 = arith.constant 0 : index
    %swap3A_948 = vector.load %arg5[%swap3A_944, %swap3A_945, %swap3A_946, %swap3A_947] : memref<1x64x64x128xf32, #tpu.memory_space<vmem>>, vector<1x1x64x64xf32>
    %swap3A_949 = vector.shape_cast %swap3A_948 : vector<1x1x64x64xf32> to vector<64x64xf32>
    %swap3A_950 = vector.shape_cast %dot_general3A_943 : vector<64x64xf32> to vector<1x1x64x64xf32>
    tpu.vector_store %arg5[%swap3A_944, %swap3A_945, %swap3A_946, %swap3A_947], %swap3A_950 {strides = array<i32>} : memref<1x64x64x128xf32, #tpu.memory_space<vmem>>, vector<1x1x64x64xf32>,
    %get3A_951 = arith.constant 576 : index
    %get3A_952 = arith.constant 0 : index
    %get3A_953 = vector.load %arg10[%get3A_951, %get3A_952] : memref<4096x128xbf16, #tpu.memory_space<vmem>>, vector<64x128xbf16>
    %get3A_954 = arith.constant 576 : index
    %get3A_955 = arith.constant 0 : index
    %get3A_956 = vector.load %arg8[%get3A_954, %get3A_955] : memref<4160x64xbf16, #tpu.memory_space<vmem>>, vector<128x64xbf16>
    %dot_general3A_957 = arith.constant dense<0.000000e+00> : vector<64x64xf32>
    %dot_general3A_958 = tpu.matmul %get3A_953, %get3A_956, %dot_general3A_957 {dimension_numbers = #tpu.dot_dimension_numbers<[1], [0], [0], [1], [0, 0, 1, 1], [], []>, transpose_lhs_hint = false} : vector<64x128xbf16>, vector<128x64xbf16>, vector<64x64xf32> -> vector<64x64xf32>
    %swap3A_959 = arith.constant 0 : index
    %swap3A_960 = arith.constant 9 : index
    %swap3A_961 = arith.constant 0 : index
    %swap3A_962 = arith.constant 0 : index
    %swap3A_963 = vector.load %arg5[%swap3A_959, %swap3A_960, %swap3A_961, %swap3A_962] : memref<1x64x64x128xf32, #tpu.memory_space<vmem>>, vector<1x1x64x64xf32>
    %swap3A_964 = vector.shape_cast %swap3A_963 : vector<1x1x64x64xf32> to vector<64x64xf32>
    %swap3A_965 = vector.shape_cast %dot_general3A_958 : vector<64x64xf32> to vector<1x1x64x64xf32>
    tpu.vector_store %arg5[%swap3A_959, %swap3A_960, %swap3A_961, %swap3A_962], %swap3A_965 {strides = array<i32>} : memref<1x64x64x128xf32, #tpu.memory_space<vmem>>, vector<1x1x64x64xf32>,
    %get3A_966 = arith.constant 640 : index
    %get3A_967 = arith.constant 0 : index
    %get3A_968 = vector.load %arg10[%get3A_966, %get3A_967] : memref<4096x128xbf16, #tpu.memory_space<vmem>>, vector<64x128xbf16>
    %get3A_969 = arith.constant 640 : index
    %get3A_970 = arith.constant 0 : index
    %get3A_971 = vector.load %arg8[%get3A_969, %get3A_970] : memref<4160x64xbf16, #tpu.memory_space<vmem>>, vector<128x64xbf16>
    %dot_general3A_972 = arith.constant dense<0.000000e+00> : vector<64x64xf32>
    %dot_general3A_973 = tpu.matmul %get3A_968, %get3A_971, %dot_general3A_972 {dimension_numbers = #tpu.dot_dimension_numbers<[1], [0], [0], [1], [0, 0, 1, 1], [], []>, transpose_lhs_hint = false} : vector<64x128xbf16>, vector<128x64xbf16>, vector<64x64xf32> -> vector<64x64xf32>
    %swap3A_974 = arith.constant 0 : index
    %swap3A_975 = arith.constant 10 : index
    %swap3A_976 = arith.constant 0 : index
    %swap3A_977 = arith.constant 0 : index
    %swap3A_978 = vector.load %arg5[%swap3A_974, %swap3A_975, %swap3A_976, %swap3A_977] : memref<1x64x64x128xf32, #tpu.memory_space<vmem>>, vector<1x1x64x64xf32>
    %swap3A_979 = vector.shape_cast %swap3A_978 : vector<1x1x64x64xf32> to vector<64x64xf32>
    %swap3A_980 = vector.shape_cast %dot_general3A_973 : vector<64x64xf32> to vector<1x1x64x64xf32>
    tpu.vector_store %arg5[%swap3A_974, %swap3A_975, %swap3A_976, %swap3A_977], %swap3A_980 {strides = array<i32>} : memref<1x64x64x128xf32, #tpu.memory_space<vmem>>, vector<1x1x64x64xf32>,
    %get3A_981 = arith.constant 704 : index
    %get3A_982 = arith.constant 0 : index
    %get3A_983 = vector.load %arg10[%get3A_981, %get3A_982] : memref<4096x128xbf16, #tpu.memory_space<vmem>>, vector<64x128xbf16>
    %get3A_984 = arith.constant 704 : index
    %get3A_985 = arith.constant 0 : index
    %get3A_986 = vector.load %arg8[%get3A_984, %get3A_985] : memref<4160x64xbf16, #tpu.memory_space<vmem>>, vector<128x64xbf16>
    %dot_general3A_987 = arith.constant dense<0.000000e+00> : vector<64x64xf32>
    %dot_general3A_988 = tpu.matmul %get3A_983, %get3A_986, %dot_general3A_987 {dimension_numbers = #tpu.dot_dimension_numbers<[1], [0], [0], [1], [0, 0, 1, 1], [], []>, transpose_lhs_hint = false} : vector<64x128xbf16>, vector<128x64xbf16>, vector<64x64xf32> -> vector<64x64xf32>
    %swap3A_989 = arith.constant 0 : index
    %swap3A_990 = arith.constant 11 : index
    %swap3A_991 = arith.constant 0 : index
    %swap3A_992 = arith.constant 0 : index
    %swap3A_993 = vector.load %arg5[%swap3A_989, %swap3A_990, %swap3A_991, %swap3A_992] : memref<1x64x64x128xf32, #tpu.memory_space<vmem>>, vector<1x1x64x64xf32>
    %swap3A_994 = vector.shape_cast %swap3A_993 : vector<1x1x64x64xf32> to vector<64x64xf32>
    %swap3A_995 = vector.shape_cast %dot_general3A_988 : vector<64x64xf32> to vector<1x1x64x64xf32>
    tpu.vector_store %arg5[%swap3A_989, %swap3A_990, %swap3A_991, %swap3A_992], %swap3A_995 {strides = array<i32>} : memref<1x64x64x128xf32, #tpu.memory_space<vmem>>, vector<1x1x64x64xf32>,
    %get3A_996 = arith.constant 768 : index
    %get3A_997 = arith.constant 0 : index
    %get3A_998 = vector.load %arg10[%get3A_996, %get3A_997] : memref<4096x128xbf16, #tpu.memory_space<vmem>>, vector<64x128xbf16>
    %get3A_999 = arith.constant 768 : index
    %get3A_1000 = arith.constant 0 : index
    %get3A_1001 = vector.load %arg8[%get3A_999, %get3A_1000] : memref<4160x64xbf16, #tpu.memory_space<vmem>>, vector<128x64xbf16>
    %dot_general3A_1002 = arith.constant dense<0.000000e+00> : vector<64x64xf32>
    %dot_general3A_1003 = tpu.matmul %get3A_998, %get3A_1001, %dot_general3A_1002 {dimension_numbers = #tpu.dot_dimension_numbers<[1], [0], [0], [1], [0, 0, 1, 1], [], []>, transpose_lhs_hint = false} : vector<64x128xbf16>, vector<128x64xbf16>, vector<64x64xf32> -> vector<64x64xf32>
    %swap3A_1004 = arith.constant 0 : index
    %swap3A_1005 = arith.constant 12 : index
    %swap3A_1006 = arith.constant 0 : index
    %swap3A_1007 = arith.constant 0 : index
    %swap3A_1008 = vector.load %arg5[%swap3A_1004, %swap3A_1005, %swap3A_1006, %swap3A_1007] : memref<1x64x64x128xf32, #tpu.memory_space<vmem>>, vector<1x1x64x64xf32>
    %swap3A_1009 = vector.shape_cast %swap3A_1008 : vector<1x1x64x64xf32> to vector<64x64xf32>
    %swap3A_1010 = vector.shape_cast %dot_general3A_1003 : vector<64x64xf32> to vector<1x1x64x64xf32>
    tpu.vector_store %arg5[%swap3A_1004, %swap3A_1005, %swap3A_1006, %swap3A_1007], %swap3A_1010 {strides = array<i32>} : memref<1x64x64x128xf32, #tpu.memory_space<vmem>>, vector<1x1x64x64xf32>,
    %get3A_1011 = arith.constant 832 : index
    %get3A_1012 = arith.constant 0 : index
    %get3A_1013 = vector.load %arg10[%get3A_1011, %get3A_1012] : memref<4096x128xbf16, #tpu.memory_space<vmem>>, vector<64x128xbf16>
    %get3A_1014 = arith.constant 832 : index
    %get3A_1015 = arith.constant 0 : index
    %get3A_1016 = vector.load %arg8[%get3A_1014, %get3A_1015] : memref<4160x64xbf16, #tpu.memory_space<vmem>>, vector<128x64xbf16>
    %dot_general3A_1017 = arith.constant dense<0.000000e+00> : vector<64x64xf32>
    %dot_general3A_1018 = tpu.matmul %get3A_1013, %get3A_1016, %dot_general3A_1017 {dimension_numbers = #tpu.dot_dimension_numbers<[1], [0], [0], [1], [0, 0, 1, 1], [], []>, transpose_lhs_hint = false} : vector<64x128xbf16>, vector<128x64xbf16>, vector<64x64xf32> -> vector<64x64xf32>
    %swap3A_1019 = arith.constant 0 : index
    %swap3A_1020 = arith.constant 13 : index
    %swap3A_1021 = arith.constant 0 : index
    %swap3A_1022 = arith.constant 0 : index
    %swap3A_1023 = vector.load %arg5[%swap3A_1019, %swap3A_1020, %swap3A_1021, %swap3A_1022] : memref<1x64x64x128xf32, #tpu.memory_space<vmem>>, vector<1x1x64x64xf32>
    %swap3A_1024 = vector.shape_cast %swap3A_1023 : vector<1x1x64x64xf32> to vector<64x64xf32>
    %swap3A_1025 = vector.shape_cast %dot_general3A_1018 : vector<64x64xf32> to vector<1x1x64x64xf32>
    tpu.vector_store %arg5[%swap3A_1019, %swap3A_1020, %swap3A_1021, %swap3A_1022], %swap3A_1025 {strides = array<i32>} : memref<1x64x64x128xf32, #tpu.memory_space<vmem>>, vector<1x1x64x64xf32>,
    %get3A_1026 = arith.constant 896 : index
    %get3A_1027 = arith.constant 0 : index
    %get3A_1028 = vector.load %arg10[%get3A_1026, %get3A_1027] : memref<4096x128xbf16, #tpu.memory_space<vmem>>, vector<64x128xbf16>
    %get3A_1029 = arith.constant 896 : index
    %get3A_1030 = arith.constant 0 : index
    %get3A_1031 = vector.load %arg8[%get3A_1029, %get3A_1030] : memref<4160x64xbf16, #tpu.memory_space<vmem>>, vector<128x64xbf16>
    %dot_general3A_1032 = arith.constant dense<0.000000e+00> : vector<64x64xf32>
    %dot_general3A_1033 = tpu.matmul %get3A_1028, %get3A_1031, %dot_general3A_1032 {dimension_numbers = #tpu.dot_dimension_numbers<[1], [0], [0], [1], [0, 0, 1, 1], [], []>, transpose_lhs_hint = false} : vector<64x128xbf16>, vector<128x64xbf16>, vector<64x64xf32> -> vector<64x64xf32>
    %swap3A_1034 = arith.constant 0 : index
    %swap3A_1035 = arith.constant 14 : index
    %swap3A_1036 = arith.constant 0 : index
    %swap3A_1037 = arith.constant 0 : index
    %swap3A_1038 = vector.load %arg5[%swap3A_1034, %swap3A_1035, %swap3A_1036, %swap3A_1037] : memref<1x64x64x128xf32, #tpu.memory_space<vmem>>, vector<1x1x64x64xf32>
    %swap3A_1039 = vector.shape_cast %swap3A_1038 : vector<1x1x64x64xf32> to vector<64x64xf32>
    %swap3A_1040 = vector.shape_cast %dot_general3A_1033 : vector<64x64xf32> to vector<1x1x64x64xf32>
    tpu.vector_store %arg5[%swap3A_1034, %swap3A_1035, %swap3A_1036, %swap3A_1037], %swap3A_1040 {strides = array<i32>} : memref<1x64x64x128xf32, #tpu.memory_space<vmem>>, vector<1x1x64x64xf32>,
    %get3A_1041 = arith.constant 960 : index
    %get3A_1042 = arith.constant 0 : index
    %get3A_1043 = vector.load %arg10[%get3A_1041, %get3A_1042] : memref<4096x128xbf16, #tpu.memory_space<vmem>>, vector<64x128xbf16>
    %get3A_1044 = arith.constant 960 : index
    %get3A_1045 = arith.constant 0 : index
    %get3A_1046 = vector.load %arg8[%get3A_1044, %get3A_1045] : memref<4160x64xbf16, #tpu.memory_space<vmem>>, vector<128x64xbf16>
    %dot_general3A_1047 = arith.constant dense<0.000000e+00> : vector<64x64xf32>
    %dot_general3A_1048 = tpu.matmul %get3A_1043, %get3A_1046, %dot_general3A_1047 {dimension_numbers = #tpu.dot_dimension_numbers<[1], [0], [0], [1], [0, 0, 1, 1], [], []>, transpose_lhs_hint = false} : vector<64x128xbf16>, vector<128x64xbf16>, vector<64x64xf32> -> vector<64x64xf32>
    %swap3A_1049 = arith.constant 0 : index
    %swap3A_1050 = arith.constant 15 : index
    %swap3A_1051 = arith.constant 0 : index
    %swap3A_1052 = arith.constant 0 : index
    %swap3A_1053 = vector.load %arg5[%swap3A_1049, %swap3A_1050, %swap3A_1051, %swap3A_1052] : memref<1x64x64x128xf32, #tpu.memory_space<vmem>>, vector<1x1x64x64xf32>
    %swap3A_1054 = vector.shape_cast %swap3A_1053 : vector<1x1x64x64xf32> to vector<64x64xf32>
    %swap3A_1055 = vector.shape_cast %dot_general3A_1048 : vector<64x64xf32> to vector<1x1x64x64xf32>
    tpu.vector_store %arg5[%swap3A_1049, %swap3A_1050, %swap3A_1051, %swap3A_1052], %swap3A_1055 {strides = array<i32>} : memref<1x64x64x128xf32, #tpu.memory_space<vmem>>, vector<1x1x64x64xf32>,
    %get3A_1056 = arith.constant 1024 : index
    %get3A_1057 = arith.constant 0 : index
    %get3A_1058 = vector.load %arg10[%get3A_1056, %get3A_1057] : memref<4096x128xbf16, #tpu.memory_space<vmem>>, vector<64x128xbf16>
    %get3A_1059 = arith.constant 1024 : index
    %get3A_1060 = arith.constant 0 : index
    %get3A_1061 = vector.load %arg8[%get3A_1059, %get3A_1060] : memref<4160x64xbf16, #tpu.memory_space<vmem>>, vector<128x64xbf16>
    %dot_general3A_1062 = arith.constant dense<0.000000e+00> : vector<64x64xf32>
    %dot_general3A_1063 = tpu.matmul %get3A_1058, %get3A_1061, %dot_general3A_1062 {dimension_numbers = #tpu.dot_dimension_numbers<[1], [0], [0], [1], [0, 0, 1, 1], [], []>, transpose_lhs_hint = false} : vector<64x128xbf16>, vector<128x64xbf16>, vector<64x64xf32> -> vector<64x64xf32>
    %swap3A_1064 = arith.constant 0 : index
    %swap3A_1065 = arith.constant 16 : index
    %swap3A_1066 = arith.constant 0 : index
    %swap3A_1067 = arith.constant 0 : index
    %swap3A_1068 = vector.load %arg5[%swap3A_1064, %swap3A_1065, %swap3A_1066, %swap3A_1067] : memref<1x64x64x128xf32, #tpu.memory_space<vmem>>, vector<1x1x64x64xf32>
    %swap3A_1069 = vector.shape_cast %swap3A_1068 : vector<1x1x64x64xf32> to vector<64x64xf32>
    %swap3A_1070 = vector.shape_cast %dot_general3A_1063 : vector<64x64xf32> to vector<1x1x64x64xf32>
    tpu.vector_store %arg5[%swap3A_1064, %swap3A_1065, %swap3A_1066, %swap3A_1067], %swap3A_1070 {strides = array<i32>} : memref<1x64x64x128xf32, #tpu.memory_space<vmem>>, vector<1x1x64x64xf32>,
    %get3A_1071 = arith.constant 1088 : index
    %get3A_1072 = arith.constant 0 : index
    %get3A_1073 = vector.load %arg10[%get3A_1071, %get3A_1072] : memref<4096x128xbf16, #tpu.memory_space<vmem>>, vector<64x128xbf16>
    %get3A_1074 = arith.constant 1088 : index
    %get3A_1075 = arith.constant 0 : index
    %get3A_1076 = vector.load %arg8[%get3A_1074, %get3A_1075] : memref<4160x64xbf16, #tpu.memory_space<vmem>>, vector<128x64xbf16>
    %dot_general3A_1077 = arith.constant dense<0.000000e+00> : vector<64x64xf32>
    %dot_general3A_1078 = tpu.matmul %get3A_1073, %get3A_1076, %dot_general3A_1077 {dimension_numbers = #tpu.dot_dimension_numbers<[1], [0], [0], [1], [0, 0, 1, 1], [], []>, transpose_lhs_hint = false} : vector<64x128xbf16>, vector<128x64xbf16>, vector<64x64xf32> -> vector<64x64xf32>
    %swap3A_1079 = arith.constant 0 : index
    %swap3A_1080 = arith.constant 17 : index
    %swap3A_1081 = arith.constant 0 : index
    %swap3A_1082 = arith.constant 0 : index
    %swap3A_1083 = vector.load %arg5[%swap3A_1079, %swap3A_1080, %swap3A_1081, %swap3A_1082] : memref<1x64x64x128xf32, #tpu.memory_space<vmem>>, vector<1x1x64x64xf32>
    %swap3A_1084 = vector.shape_cast %swap3A_1083 : vector<1x1x64x64xf32> to vector<64x64xf32>
    %swap3A_1085 = vector.shape_cast %dot_general3A_1078 : vector<64x64xf32> to vector<1x1x64x64xf32>
    tpu.vector_store %arg5[%swap3A_1079, %swap3A_1080, %swap3A_1081, %swap3A_1082], %swap3A_1085 {strides = array<i32>} : memref<1x64x64x128xf32, #tpu.memory_space<vmem>>, vector<1x1x64x64xf32>,
    %get3A_1086 = arith.constant 1152 : index
    %get3A_1087 = arith.constant 0 : index
    %get3A_1088 = vector.load %arg10[%get3A_1086, %get3A_1087] : memref<4096x128xbf16, #tpu.memory_space<vmem>>, vector<64x128xbf16>
    %get3A_1089 = arith.constant 1152 : index
    %get3A_1090 = arith.constant 0 : index
    %get3A_1091 = vector.load %arg8[%get3A_1089, %get3A_1090] : memref<4160x64xbf16, #tpu.memory_space<vmem>>, vector<128x64xbf16>
    %dot_general3A_1092 = arith.constant dense<0.000000e+00> : vector<64x64xf32>
    %dot_general3A_1093 = tpu.matmul %get3A_1088, %get3A_1091, %dot_general3A_1092 {dimension_numbers = #tpu.dot_dimension_numbers<[1], [0], [0], [1], [0, 0, 1, 1], [], []>, transpose_lhs_hint = false} : vector<64x128xbf16>, vector<128x64xbf16>, vector<64x64xf32> -> vector<64x64xf32>
    %swap3A_1094 = arith.constant 0 : index
    %swap3A_1095 = arith.constant 18 : index
    %swap3A_1096 = arith.constant 0 : index
    %swap3A_1097 = arith.constant 0 : index
    %swap3A_1098 = vector.load %arg5[%swap3A_1094, %swap3A_1095, %swap3A_1096, %swap3A_1097] : memref<1x64x64x128xf32, #tpu.memory_space<vmem>>, vector<1x1x64x64xf32>
    %swap3A_1099 = vector.shape_cast %swap3A_1098 : vector<1x1x64x64xf32> to vector<64x64xf32>
    %swap3A_1100 = vector.shape_cast %dot_general3A_1093 : vector<64x64xf32> to vector<1x1x64x64xf32>
    tpu.vector_store %arg5[%swap3A_1094, %swap3A_1095, %swap3A_1096, %swap3A_1097], %swap3A_1100 {strides = array<i32>} : memref<1x64x64x128xf32, #tpu.memory_space<vmem>>, vector<1x1x64x64xf32>,
    %get3A_1101 = arith.constant 1216 : index
    %get3A_1102 = arith.constant 0 : index
    %get3A_1103 = vector.load %arg10[%get3A_1101, %get3A_1102] : memref<4096x128xbf16, #tpu.memory_space<vmem>>, vector<64x128xbf16>
    %get3A_1104 = arith.constant 1216 : index
    %get3A_1105 = arith.constant 0 : index
    %get3A_1106 = vector.load %arg8[%get3A_1104, %get3A_1105] : memref<4160x64xbf16, #tpu.memory_space<vmem>>, vector<128x64xbf16>
    %dot_general3A_1107 = arith.constant dense<0.000000e+00> : vector<64x64xf32>
    %dot_general3A_1108 = tpu.matmul %get3A_1103, %get3A_1106, %dot_general3A_1107 {dimension_numbers = #tpu.dot_dimension_numbers<[1], [0], [0], [1], [0, 0, 1, 1], [], []>, transpose_lhs_hint = false} : vector<64x128xbf16>, vector<128x64xbf16>, vector<64x64xf32> -> vector<64x64xf32>
    %swap3A_1109 = arith.constant 0 : index
    %swap3A_1110 = arith.constant 19 : index
    %swap3A_1111 = arith.constant 0 : index
    %swap3A_1112 = arith.constant 0 : index
    %swap3A_1113 = vector.load %arg5[%swap3A_1109, %swap3A_1110, %swap3A_1111, %swap3A_1112] : memref<1x64x64x128xf32, #tpu.memory_space<vmem>>, vector<1x1x64x64xf32>
    %swap3A_1114 = vector.shape_cast %swap3A_1113 : vector<1x1x64x64xf32> to vector<64x64xf32>
    %swap3A_1115 = vector.shape_cast %dot_general3A_1108 : vector<64x64xf32> to vector<1x1x64x64xf32>
    tpu.vector_store %arg5[%swap3A_1109, %swap3A_1110, %swap3A_1111, %swap3A_1112], %swap3A_1115 {strides = array<i32>} : memref<1x64x64x128xf32, #tpu.memory_space<vmem>>, vector<1x1x64x64xf32>,
    %get3A_1116 = arith.constant 1280 : index
    %get3A_1117 = arith.constant 0 : index
    %get3A_1118 = vector.load %arg10[%get3A_1116, %get3A_1117] : memref<4096x128xbf16, #tpu.memory_space<vmem>>, vector<64x128xbf16>
    %get3A_1119 = arith.constant 1280 : index
    %get3A_1120 = arith.constant 0 : index
    %get3A_1121 = vector.load %arg8[%get3A_1119, %get3A_1120] : memref<4160x64xbf16, #tpu.memory_space<vmem>>, vector<128x64xbf16>
    %dot_general3A_1122 = arith.constant dense<0.000000e+00> : vector<64x64xf32>
    %dot_general3A_1123 = tpu.matmul %get3A_1118, %get3A_1121, %dot_general3A_1122 {dimension_numbers = #tpu.dot_dimension_numbers<[1], [0], [0], [1], [0, 0, 1, 1], [], []>, transpose_lhs_hint = false} : vector<64x128xbf16>, vector<128x64xbf16>, vector<64x64xf32> -> vector<64x64xf32>
    %swap3A_1124 = arith.constant 0 : index
    %swap3A_1125 = arith.constant 20 : index
    %swap3A_1126 = arith.constant 0 : index
    %swap3A_1127 = arith.constant 0 : index
    %swap3A_1128 = vector.load %arg5[%swap3A_1124, %swap3A_1125, %swap3A_1126, %swap3A_1127] : memref<1x64x64x128xf32, #tpu.memory_space<vmem>>, vector<1x1x64x64xf32>
    %swap3A_1129 = vector.shape_cast %swap3A_1128 : vector<1x1x64x64xf32> to vector<64x64xf32>
    %swap3A_1130 = vector.shape_cast %dot_general3A_1123 : vector<64x64xf32> to vector<1x1x64x64xf32>
    tpu.vector_store %arg5[%swap3A_1124, %swap3A_1125, %swap3A_1126, %swap3A_1127], %swap3A_1130 {strides = array<i32>} : memref<1x64x64x128xf32, #tpu.memory_space<vmem>>, vector<1x1x64x64xf32>,
    %get3A_1131 = arith.constant 1344 : index
    %get3A_1132 = arith.constant 0 : index
    %get3A_1133 = vector.load %arg10[%get3A_1131, %get3A_1132] : memref<4096x128xbf16, #tpu.memory_space<vmem>>, vector<64x128xbf16>
    %get3A_1134 = arith.constant 1344 : index
    %get3A_1135 = arith.constant 0 : index
    %get3A_1136 = vector.load %arg8[%get3A_1134, %get3A_1135] : memref<4160x64xbf16, #tpu.memory_space<vmem>>, vector<128x64xbf16>
    %dot_general3A_1137 = arith.constant dense<0.000000e+00> : vector<64x64xf32>
    %dot_general3A_1138 = tpu.matmul %get3A_1133, %get3A_1136, %dot_general3A_1137 {dimension_numbers = #tpu.dot_dimension_numbers<[1], [0], [0], [1], [0, 0, 1, 1], [], []>, transpose_lhs_hint = false} : vector<64x128xbf16>, vector<128x64xbf16>, vector<64x64xf32> -> vector<64x64xf32>
    %swap3A_1139 = arith.constant 0 : index
    %swap3A_1140 = arith.constant 21 : index
    %swap3A_1141 = arith.constant 0 : index
    %swap3A_1142 = arith.constant 0 : index
    %swap3A_1143 = vector.load %arg5[%swap3A_1139, %swap3A_1140, %swap3A_1141, %swap3A_1142] : memref<1x64x64x128xf32, #tpu.memory_space<vmem>>, vector<1x1x64x64xf32>
    %swap3A_1144 = vector.shape_cast %swap3A_1143 : vector<1x1x64x64xf32> to vector<64x64xf32>
    %swap3A_1145 = vector.shape_cast %dot_general3A_1138 : vector<64x64xf32> to vector<1x1x64x64xf32>
    tpu.vector_store %arg5[%swap3A_1139, %swap3A_1140, %swap3A_1141, %swap3A_1142], %swap3A_1145 {strides = array<i32>} : memref<1x64x64x128xf32, #tpu.memory_space<vmem>>, vector<1x1x64x64xf32>,
    %get3A_1146 = arith.constant 1408 : index
    %get3A_1147 = arith.constant 0 : index
    %get3A_1148 = vector.load %arg10[%get3A_1146, %get3A_1147] : memref<4096x128xbf16, #tpu.memory_space<vmem>>, vector<64x128xbf16>
    %get3A_1149 = arith.constant 1408 : index
    %get3A_1150 = arith.constant 0 : index
    %get3A_1151 = vector.load %arg8[%get3A_1149, %get3A_1150] : memref<4160x64xbf16, #tpu.memory_space<vmem>>, vector<128x64xbf16>
    %dot_general3A_1152 = arith.constant dense<0.000000e+00> : vector<64x64xf32>
    %dot_general3A_1153 = tpu.matmul %get3A_1148, %get3A_1151, %dot_general3A_1152 {dimension_numbers = #tpu.dot_dimension_numbers<[1], [0], [0], [1], [0, 0, 1, 1], [], []>, transpose_lhs_hint = false} : vector<64x128xbf16>, vector<128x64xbf16>, vector<64x64xf32> -> vector<64x64xf32>
    %swap3A_1154 = arith.constant 0 : index
    %swap3A_1155 = arith.constant 22 : index
    %swap3A_1156 = arith.constant 0 : index
    %swap3A_1157 = arith.constant 0 : index
    %swap3A_1158 = vector.load %arg5[%swap3A_1154, %swap3A_1155, %swap3A_1156, %swap3A_1157] : memref<1x64x64x128xf32, #tpu.memory_space<vmem>>, vector<1x1x64x64xf32>
    %swap3A_1159 = vector.shape_cast %swap3A_1158 : vector<1x1x64x64xf32> to vector<64x64xf32>
    %swap3A_1160 = vector.shape_cast %dot_general3A_1153 : vector<64x64xf32> to vector<1x1x64x64xf32>
    tpu.vector_store %arg5[%swap3A_1154, %swap3A_1155, %swap3A_1156, %swap3A_1157], %swap3A_1160 {strides = array<i32>} : memref<1x64x64x128xf32, #tpu.memory_space<vmem>>, vector<1x1x64x64xf32>,
    %get3A_1161 = arith.constant 1472 : index
    %get3A_1162 = arith.constant 0 : index
    %get3A_1163 = vector.load %arg10[%get3A_1161, %get3A_1162] : memref<4096x128xbf16, #tpu.memory_space<vmem>>, vector<64x128xbf16>
    %get3A_1164 = arith.constant 1472 : index
    %get3A_1165 = arith.constant 0 : index
    %get3A_1166 = vector.load %arg8[%get3A_1164, %get3A_1165] : memref<4160x64xbf16, #tpu.memory_space<vmem>>, vector<128x64xbf16>
    %dot_general3A_1167 = arith.constant dense<0.000000e+00> : vector<64x64xf32>
    %dot_general3A_1168 = tpu.matmul %get3A_1163, %get3A_1166, %dot_general3A_1167 {dimension_numbers = #tpu.dot_dimension_numbers<[1], [0], [0], [1], [0, 0, 1, 1], [], []>, transpose_lhs_hint = false} : vector<64x128xbf16>, vector<128x64xbf16>, vector<64x64xf32> -> vector<64x64xf32>
    %swap3A_1169 = arith.constant 0 : index
    %swap3A_1170 = arith.constant 23 : index
    %swap3A_1171 = arith.constant 0 : index
    %swap3A_1172 = arith.constant 0 : index
    %swap3A_1173 = vector.load %arg5[%swap3A_1169, %swap3A_1170, %swap3A_1171, %swap3A_1172] : memref<1x64x64x128xf32, #tpu.memory_space<vmem>>, vector<1x1x64x64xf32>
    %swap3A_1174 = vector.shape_cast %swap3A_1173 : vector<1x1x64x64xf32> to vector<64x64xf32>
    %swap3A_1175 = vector.shape_cast %dot_general3A_1168 : vector<64x64xf32> to vector<1x1x64x64xf32>
    tpu.vector_store %arg5[%swap3A_1169, %swap3A_1170, %swap3A_1171, %swap3A_1172], %swap3A_1175 {strides = array<i32>} : memref<1x64x64x128xf32, #tpu.memory_space<vmem>>, vector<1x1x64x64xf32>,
    %get3A_1176 = arith.constant 1536 : index
    %get3A_1177 = arith.constant 0 : index
    %get3A_1178 = vector.load %arg10[%get3A_1176, %get3A_1177] : memref<4096x128xbf16, #tpu.memory_space<vmem>>, vector<64x128xbf16>
    %get3A_1179 = arith.constant 1536 : index
    %get3A_1180 = arith.constant 0 : index
    %get3A_1181 = vector.load %arg8[%get3A_1179, %get3A_1180] : memref<4160x64xbf16, #tpu.memory_space<vmem>>, vector<128x64xbf16>
    %dot_general3A_1182 = arith.constant dense<0.000000e+00> : vector<64x64xf32>
    %dot_general3A_1183 = tpu.matmul %get3A_1178, %get3A_1181, %dot_general3A_1182 {dimension_numbers = #tpu.dot_dimension_numbers<[1], [0], [0], [1], [0, 0, 1, 1], [], []>, transpose_lhs_hint = false} : vector<64x128xbf16>, vector<128x64xbf16>, vector<64x64xf32> -> vector<64x64xf32>
    %swap3A_1184 = arith.constant 0 : index
    %swap3A_1185 = arith.constant 24 : index
    %swap3A_1186 = arith.constant 0 : index
    %swap3A_1187 = arith.constant 0 : index
    %swap3A_1188 = vector.load %arg5[%swap3A_1184, %swap3A_1185, %swap3A_1186, %swap3A_1187] : memref<1x64x64x128xf32, #tpu.memory_space<vmem>>, vector<1x1x64x64xf32>
    %swap3A_1189 = vector.shape_cast %swap3A_1188 : vector<1x1x64x64xf32> to vector<64x64xf32>
    %swap3A_1190 = vector.shape_cast %dot_general3A_1183 : vector<64x64xf32> to vector<1x1x64x64xf32>
    tpu.vector_store %arg5[%swap3A_1184, %swap3A_1185, %swap3A_1186, %swap3A_1187], %swap3A_1190 {strides = array<i32>} : memref<1x64x64x128xf32, #tpu.memory_space<vmem>>, vector<1x1x64x64xf32>,
    %get3A_1191 = arith.constant 1600 : index
    %get3A_1192 = arith.constant 0 : index
    %get3A_1193 = vector.load %arg10[%get3A_1191, %get3A_1192] : memref<4096x128xbf16, #tpu.memory_space<vmem>>, vector<64x128xbf16>
    %get3A_1194 = arith.constant 1600 : index
    %get3A_1195 = arith.constant 0 : index
    %get3A_1196 = vector.load %arg8[%get3A_1194, %get3A_1195] : memref<4160x64xbf16, #tpu.memory_space<vmem>>, vector<128x64xbf16>
    %dot_general3A_1197 = arith.constant dense<0.000000e+00> : vector<64x64xf32>
    %dot_general3A_1198 = tpu.matmul %get3A_1193, %get3A_1196, %dot_general3A_1197 {dimension_numbers = #tpu.dot_dimension_numbers<[1], [0], [0], [1], [0, 0, 1, 1], [], []>, transpose_lhs_hint = false} : vector<64x128xbf16>, vector<128x64xbf16>, vector<64x64xf32> -> vector<64x64xf32>
    %swap3A_1199 = arith.constant 0 : index
    %swap3A_1200 = arith.constant 25 : index
    %swap3A_1201 = arith.constant 0 : index
    %swap3A_1202 = arith.constant 0 : index
    %swap3A_1203 = vector.load %arg5[%swap3A_1199, %swap3A_1200, %swap3A_1201, %swap3A_1202] : memref<1x64x64x128xf32, #tpu.memory_space<vmem>>, vector<1x1x64x64xf32>
    %swap3A_1204 = vector.shape_cast %swap3A_1203 : vector<1x1x64x64xf32> to vector<64x64xf32>
    %swap3A_1205 = vector.shape_cast %dot_general3A_1198 : vector<64x64xf32> to vector<1x1x64x64xf32>
    tpu.vector_store %arg5[%swap3A_1199, %swap3A_1200, %swap3A_1201, %swap3A_1202], %swap3A_1205 {strides = array<i32>} : memref<1x64x64x128xf32, #tpu.memory_space<vmem>>, vector<1x1x64x64xf32>,
    %get3A_1206 = arith.constant 1664 : index
    %get3A_1207 = arith.constant 0 : index
    %get3A_1208 = vector.load %arg10[%get3A_1206, %get3A_1207] : memref<4096x128xbf16, #tpu.memory_space<vmem>>, vector<64x128xbf16>
    %get3A_1209 = arith.constant 1664 : index
    %get3A_1210 = arith.constant 0 : index
    %get3A_1211 = vector.load %arg8[%get3A_1209, %get3A_1210] : memref<4160x64xbf16, #tpu.memory_space<vmem>>, vector<128x64xbf16>
    %dot_general3A_1212 = arith.constant dense<0.000000e+00> : vector<64x64xf32>
    %dot_general3A_1213 = tpu.matmul %get3A_1208, %get3A_1211, %dot_general3A_1212 {dimension_numbers = #tpu.dot_dimension_numbers<[1], [0], [0], [1], [0, 0, 1, 1], [], []>, transpose_lhs_hint = false} : vector<64x128xbf16>, vector<128x64xbf16>, vector<64x64xf32> -> vector<64x64xf32>
    %swap3A_1214 = arith.constant 0 : index
    %swap3A_1215 = arith.constant 26 : index
    %swap3A_1216 = arith.constant 0 : index
    %swap3A_1217 = arith.constant 0 : index
    %swap3A_1218 = vector.load %arg5[%swap3A_1214, %swap3A_1215, %swap3A_1216, %swap3A_1217] : memref<1x64x64x128xf32, #tpu.memory_space<vmem>>, vector<1x1x64x64xf32>
    %swap3A_1219 = vector.shape_cast %swap3A_1218 : vector<1x1x64x64xf32> to vector<64x64xf32>
    %swap3A_1220 = vector.shape_cast %dot_general3A_1213 : vector<64x64xf32> to vector<1x1x64x64xf32>
    tpu.vector_store %arg5[%swap3A_1214, %swap3A_1215, %swap3A_1216, %swap3A_1217], %swap3A_1220 {strides = array<i32>} : memref<1x64x64x128xf32, #tpu.memory_space<vmem>>, vector<1x1x64x64xf32>,
    %get3A_1221 = arith.constant 1728 : index
    %get3A_1222 = arith.constant 0 : index
    %get3A_1223 = vector.load %arg10[%get3A_1221, %get3A_1222] : memref<4096x128xbf16, #tpu.memory_space<vmem>>, vector<64x128xbf16>
    %get3A_1224 = arith.constant 1728 : index
    %get3A_1225 = arith.constant 0 : index
    %get3A_1226 = vector.load %arg8[%get3A_1224, %get3A_1225] : memref<4160x64xbf16, #tpu.memory_space<vmem>>, vector<128x64xbf16>
    %dot_general3A_1227 = arith.constant dense<0.000000e+00> : vector<64x64xf32>
    %dot_general3A_1228 = tpu.matmul %get3A_1223, %get3A_1226, %dot_general3A_1227 {dimension_numbers = #tpu.dot_dimension_numbers<[1], [0], [0], [1], [0, 0, 1, 1], [], []>, transpose_lhs_hint = false} : vector<64x128xbf16>, vector<128x64xbf16>, vector<64x64xf32> -> vector<64x64xf32>
    %swap3A_1229 = arith.constant 0 : index
    %swap3A_1230 = arith.constant 27 : index
    %swap3A_1231 = arith.constant 0 : index
    %swap3A_1232 = arith.constant 0 : index
    %swap3A_1233 = vector.load %arg5[%swap3A_1229, %swap3A_1230, %swap3A_1231, %swap3A_1232] : memref<1x64x64x128xf32, #tpu.memory_space<vmem>>, vector<1x1x64x64xf32>
    %swap3A_1234 = vector.shape_cast %swap3A_1233 : vector<1x1x64x64xf32> to vector<64x64xf32>
    %swap3A_1235 = vector.shape_cast %dot_general3A_1228 : vector<64x64xf32> to vector<1x1x64x64xf32>
    tpu.vector_store %arg5[%swap3A_1229, %swap3A_1230, %swap3A_1231, %swap3A_1232], %swap3A_1235 {strides = array<i32>} : memref<1x64x64x128xf32, #tpu.memory_space<vmem>>, vector<1x1x64x64xf32>,
    %get3A_1236 = arith.constant 1792 : index
    %get3A_1237 = arith.constant 0 : index
    %get3A_1238 = vector.load %arg10[%get3A_1236, %get3A_1237] : memref<4096x128xbf16, #tpu.memory_space<vmem>>, vector<64x128xbf16>
    %get3A_1239 = arith.constant 1792 : index
    %get3A_1240 = arith.constant 0 : index
    %get3A_1241 = vector.load %arg8[%get3A_1239, %get3A_1240] : memref<4160x64xbf16, #tpu.memory_space<vmem>>, vector<128x64xbf16>
    %dot_general3A_1242 = arith.constant dense<0.000000e+00> : vector<64x64xf32>
    %dot_general3A_1243 = tpu.matmul %get3A_1238, %get3A_1241, %dot_general3A_1242 {dimension_numbers = #tpu.dot_dimension_numbers<[1], [0], [0], [1], [0, 0, 1, 1], [], []>, transpose_lhs_hint = false} : vector<64x128xbf16>, vector<128x64xbf16>, vector<64x64xf32> -> vector<64x64xf32>
    %swap3A_1244 = arith.constant 0 : index
    %swap3A_1245 = arith.constant 28 : index
    %swap3A_1246 = arith.constant 0 : index
    %swap3A_1247 = arith.constant 0 : index
    %swap3A_1248 = vector.load %arg5[%swap3A_1244, %swap3A_1245, %swap3A_1246, %swap3A_1247] : memref<1x64x64x128xf32, #tpu.memory_space<vmem>>, vector<1x1x64x64xf32>
    %swap3A_1249 = vector.shape_cast %swap3A_1248 : vector<1x1x64x64xf32> to vector<64x64xf32>
    %swap3A_1250 = vector.shape_cast %dot_general3A_1243 : vector<64x64xf32> to vector<1x1x64x64xf32>
    tpu.vector_store %arg5[%swap3A_1244, %swap3A_1245, %swap3A_1246, %swap3A_1247], %swap3A_1250 {strides = array<i32>} : memref<1x64x64x128xf32, #tpu.memory_space<vmem>>, vector<1x1x64x64xf32>,
    %get3A_1251 = arith.constant 1856 : index
    %get3A_1252 = arith.constant 0 : index
    %get3A_1253 = vector.load %arg10[%get3A_1251, %get3A_1252] : memref<4096x128xbf16, #tpu.memory_space<vmem>>, vector<64x128xbf16>
    %get3A_1254 = arith.constant 1856 : index
    %get3A_1255 = arith.constant 0 : index
    %get3A_1256 = vector.load %arg8[%get3A_1254, %get3A_1255] : memref<4160x64xbf16, #tpu.memory_space<vmem>>, vector<128x64xbf16>
    %dot_general3A_1257 = arith.constant dense<0.000000e+00> : vector<64x64xf32>
    %dot_general3A_1258 = tpu.matmul %get3A_1253, %get3A_1256, %dot_general3A_1257 {dimension_numbers = #tpu.dot_dimension_numbers<[1], [0], [0], [1], [0, 0, 1, 1], [], []>, transpose_lhs_hint = false} : vector<64x128xbf16>, vector<128x64xbf16>, vector<64x64xf32> -> vector<64x64xf32>
    %swap3A_1259 = arith.constant 0 : index
    %swap3A_1260 = arith.constant 29 : index
    %swap3A_1261 = arith.constant 0 : index
    %swap3A_1262 = arith.constant 0 : index
    %swap3A_1263 = vector.load %arg5[%swap3A_1259, %swap3A_1260, %swap3A_1261, %swap3A_1262] : memref<1x64x64x128xf32, #tpu.memory_space<vmem>>, vector<1x1x64x64xf32>
    %swap3A_1264 = vector.shape_cast %swap3A_1263 : vector<1x1x64x64xf32> to vector<64x64xf32>
    %swap3A_1265 = vector.shape_cast %dot_general3A_1258 : vector<64x64xf32> to vector<1x1x64x64xf32>
    tpu.vector_store %arg5[%swap3A_1259, %swap3A_1260, %swap3A_1261, %swap3A_1262], %swap3A_1265 {strides = array<i32>} : memref<1x64x64x128xf32, #tpu.memory_space<vmem>>, vector<1x1x64x64xf32>,
    %get3A_1266 = arith.constant 1920 : index
    %get3A_1267 = arith.constant 0 : index
    %get3A_1268 = vector.load %arg10[%get3A_1266, %get3A_1267] : memref<4096x128xbf16, #tpu.memory_space<vmem>>, vector<64x128xbf16>
    %get3A_1269 = arith.constant 1920 : index
    %get3A_1270 = arith.constant 0 : index
    %get3A_1271 = vector.load %arg8[%get3A_1269, %get3A_1270] : memref<4160x64xbf16, #tpu.memory_space<vmem>>, vector<128x64xbf16>
    %dot_general3A_1272 = arith.constant dense<0.000000e+00> : vector<64x64xf32>
    %dot_general3A_1273 = tpu.matmul %get3A_1268, %get3A_1271, %dot_general3A_1272 {dimension_numbers = #tpu.dot_dimension_numbers<[1], [0], [0], [1], [0, 0, 1, 1], [], []>, transpose_lhs_hint = false} : vector<64x128xbf16>, vector<128x64xbf16>, vector<64x64xf32> -> vector<64x64xf32>
    %swap3A_1274 = arith.constant 0 : index
    %swap3A_1275 = arith.constant 30 : index
    %swap3A_1276 = arith.constant 0 : index
    %swap3A_1277 = arith.constant 0 : index
    %swap3A_1278 = vector.load %arg5[%swap3A_1274, %swap3A_1275, %swap3A_1276, %swap3A_1277] : memref<1x64x64x128xf32, #tpu.memory_space<vmem>>, vector<1x1x64x64xf32>
    %swap3A_1279 = vector.shape_cast %swap3A_1278 : vector<1x1x64x64xf32> to vector<64x64xf32>
    %swap3A_1280 = vector.shape_cast %dot_general3A_1273 : vector<64x64xf32> to vector<1x1x64x64xf32>
    tpu.vector_store %arg5[%swap3A_1274, %swap3A_1275, %swap3A_1276, %swap3A_1277], %swap3A_1280 {strides = array<i32>} : memref<1x64x64x128xf32, #tpu.memory_space<vmem>>, vector<1x1x64x64xf32>,
    %get3A_1281 = arith.constant 1984 : index
    %get3A_1282 = arith.constant 0 : index
    %get3A_1283 = vector.load %arg10[%get3A_1281, %get3A_1282] : memref<4096x128xbf16, #tpu.memory_space<vmem>>, vector<64x128xbf16>
    %get3A_1284 = arith.constant 1984 : index
    %get3A_1285 = arith.constant 0 : index
    %get3A_1286 = vector.load %arg8[%get3A_1284, %get3A_1285] : memref<4160x64xbf16, #tpu.memory_space<vmem>>, vector<128x64xbf16>
    %dot_general3A_1287 = arith.constant dense<0.000000e+00> : vector<64x64xf32>
    %dot_general3A_1288 = tpu.matmul %get3A_1283, %get3A_1286, %dot_general3A_1287 {dimension_numbers = #tpu.dot_dimension_numbers<[1], [0], [0], [1], [0, 0, 1, 1], [], []>, transpose_lhs_hint = false} : vector<64x128xbf16>, vector<128x64xbf16>, vector<64x64xf32> -> vector<64x64xf32>
    %swap3A_1289 = arith.constant 0 : index
    %swap3A_1290 = arith.constant 31 : index
    %swap3A_1291 = arith.constant 0 : index
    %swap3A_1292 = arith.constant 0 : index
    %swap3A_1293 = vector.load %arg5[%swap3A_1289, %swap3A_1290, %swap3A_1291, %swap3A_1292] : memref<1x64x64x128xf32, #tpu.memory_space<vmem>>, vector<1x1x64x64xf32>
    %swap3A_1294 = vector.shape_cast %swap3A_1293 : vector<1x1x64x64xf32> to vector<64x64xf32>
    %swap3A_1295 = vector.shape_cast %dot_general3A_1288 : vector<64x64xf32> to vector<1x1x64x64xf32>
    tpu.vector_store %arg5[%swap3A_1289, %swap3A_1290, %swap3A_1291, %swap3A_1292], %swap3A_1295 {strides = array<i32>} : memref<1x64x64x128xf32, #tpu.memory_space<vmem>>, vector<1x1x64x64xf32>,
    %get3A_1296 = arith.constant 2048 : index
    %get3A_1297 = arith.constant 0 : index
    %get3A_1298 = vector.load %arg10[%get3A_1296, %get3A_1297] : memref<4096x128xbf16, #tpu.memory_space<vmem>>, vector<64x128xbf16>
    %get3A_1299 = arith.constant 2048 : index
    %get3A_1300 = arith.constant 0 : index
    %get3A_1301 = vector.load %arg8[%get3A_1299, %get3A_1300] : memref<4160x64xbf16, #tpu.memory_space<vmem>>, vector<128x64xbf16>
    %dot_general3A_1302 = arith.constant dense<0.000000e+00> : vector<64x64xf32>
    %dot_general3A_1303 = tpu.matmul %get3A_1298, %get3A_1301, %dot_general3A_1302 {dimension_numbers = #tpu.dot_dimension_numbers<[1], [0], [0], [1], [0, 0, 1, 1], [], []>, transpose_lhs_hint = false} : vector<64x128xbf16>, vector<128x64xbf16>, vector<64x64xf32> -> vector<64x64xf32>
    %swap3A_1304 = arith.constant 0 : index
    %swap3A_1305 = arith.constant 32 : index
    %swap3A_1306 = arith.constant 0 : index
    %swap3A_1307 = arith.constant 0 : index
    %swap3A_1308 = vector.load %arg5[%swap3A_1304, %swap3A_1305, %swap3A_1306, %swap3A_1307] : memref<1x64x64x128xf32, #tpu.memory_space<vmem>>, vector<1x1x64x64xf32>
    %swap3A_1309 = vector.shape_cast %swap3A_1308 : vector<1x1x64x64xf32> to vector<64x64xf32>
    %swap3A_1310 = vector.shape_cast %dot_general3A_1303 : vector<64x64xf32> to vector<1x1x64x64xf32>
    tpu.vector_store %arg5[%swap3A_1304, %swap3A_1305, %swap3A_1306, %swap3A_1307], %swap3A_1310 {strides = array<i32>} : memref<1x64x64x128xf32, #tpu.memory_space<vmem>>, vector<1x1x64x64xf32>,
    %get3A_1311 = arith.constant 2112 : index
    %get3A_1312 = arith.constant 0 : index
    %get3A_1313 = vector.load %arg10[%get3A_1311, %get3A_1312] : memref<4096x128xbf16, #tpu.memory_space<vmem>>, vector<64x128xbf16>
    %get3A_1314 = arith.constant 2112 : index
    %get3A_1315 = arith.constant 0 : index
    %get3A_1316 = vector.load %arg8[%get3A_1314, %get3A_1315] : memref<4160x64xbf16, #tpu.memory_space<vmem>>, vector<128x64xbf16>
    %dot_general3A_1317 = arith.constant dense<0.000000e+00> : vector<64x64xf32>
    %dot_general3A_1318 = tpu.matmul %get3A_1313, %get3A_1316, %dot_general3A_1317 {dimension_numbers = #tpu.dot_dimension_numbers<[1], [0], [0], [1], [0, 0, 1, 1], [], []>, transpose_lhs_hint = false} : vector<64x128xbf16>, vector<128x64xbf16>, vector<64x64xf32> -> vector<64x64xf32>
    %swap3A_1319 = arith.constant 0 : index
    %swap3A_1320 = arith.constant 33 : index
    %swap3A_1321 = arith.constant 0 : index
    %swap3A_1322 = arith.constant 0 : index
    %swap3A_1323 = vector.load %arg5[%swap3A_1319, %swap3A_1320, %swap3A_1321, %swap3A_1322] : memref<1x64x64x128xf32, #tpu.memory_space<vmem>>, vector<1x1x64x64xf32>
    %swap3A_1324 = vector.shape_cast %swap3A_1323 : vector<1x1x64x64xf32> to vector<64x64xf32>
    %swap3A_1325 = vector.shape_cast %dot_general3A_1318 : vector<64x64xf32> to vector<1x1x64x64xf32>
    tpu.vector_store %arg5[%swap3A_1319, %swap3A_1320, %swap3A_1321, %swap3A_1322], %swap3A_1325 {strides = array<i32>} : memref<1x64x64x128xf32, #tpu.memory_space<vmem>>, vector<1x1x64x64xf32>,
    %get3A_1326 = arith.constant 2176 : index
    %get3A_1327 = arith.constant 0 : index
    %get3A_1328 = vector.load %arg10[%get3A_1326, %get3A_1327] : memref<4096x128xbf16, #tpu.memory_space<vmem>>, vector<64x128xbf16>
    %get3A_1329 = arith.constant 2176 : index
    %get3A_1330 = arith.constant 0 : index
    %get3A_1331 = vector.load %arg8[%get3A_1329, %get3A_1330] : memref<4160x64xbf16, #tpu.memory_space<vmem>>, vector<128x64xbf16>
    %dot_general3A_1332 = arith.constant dense<0.000000e+00> : vector<64x64xf32>
    %dot_general3A_1333 = tpu.matmul %get3A_1328, %get3A_1331, %dot_general3A_1332 {dimension_numbers = #tpu.dot_dimension_numbers<[1], [0], [0], [1], [0, 0, 1, 1], [], []>, transpose_lhs_hint = false} : vector<64x128xbf16>, vector<128x64xbf16>, vector<64x64xf32> -> vector<64x64xf32>
    %swap3A_1334 = arith.constant 0 : index
    %swap3A_1335 = arith.constant 34 : index
    %swap3A_1336 = arith.constant 0 : index
    %swap3A_1337 = arith.constant 0 : index
    %swap3A_1338 = vector.load %arg5[%swap3A_1334, %swap3A_1335, %swap3A_1336, %swap3A_1337] : memref<1x64x64x128xf32, #tpu.memory_space<vmem>>, vector<1x1x64x64xf32>
    %swap3A_1339 = vector.shape_cast %swap3A_1338 : vector<1x1x64x64xf32> to vector<64x64xf32>
    %swap3A_1340 = vector.shape_cast %dot_general3A_1333 : vector<64x64xf32> to vector<1x1x64x64xf32>
    tpu.vector_store %arg5[%swap3A_1334, %swap3A_1335, %swap3A_1336, %swap3A_1337], %swap3A_1340 {strides = array<i32>} : memref<1x64x64x128xf32, #tpu.memory_space<vmem>>, vector<1x1x64x64xf32>,
    %get3A_1341 = arith.constant 2240 : index
    %get3A_1342 = arith.constant 0 : index
    %get3A_1343 = vector.load %arg10[%get3A_1341, %get3A_1342] : memref<4096x128xbf16, #tpu.memory_space<vmem>>, vector<64x128xbf16>
    %get3A_1344 = arith.constant 2240 : index
    %get3A_1345 = arith.constant 0 : index
    %get3A_1346 = vector.load %arg8[%get3A_1344, %get3A_1345] : memref<4160x64xbf16, #tpu.memory_space<vmem>>, vector<128x64xbf16>
    %dot_general3A_1347 = arith.constant dense<0.000000e+00> : vector<64x64xf32>
    %dot_general3A_1348 = tpu.matmul %get3A_1343, %get3A_1346, %dot_general3A_1347 {dimension_numbers = #tpu.dot_dimension_numbers<[1], [0], [0], [1], [0, 0, 1, 1], [], []>, transpose_lhs_hint = false} : vector<64x128xbf16>, vector<128x64xbf16>, vector<64x64xf32> -> vector<64x64xf32>
    %swap3A_1349 = arith.constant 0 : index
    %swap3A_1350 = arith.constant 35 : index
    %swap3A_1351 = arith.constant 0 : index
    %swap3A_1352 = arith.constant 0 : index
    %swap3A_1353 = vector.load %arg5[%swap3A_1349, %swap3A_1350, %swap3A_1351, %swap3A_1352] : memref<1x64x64x128xf32, #tpu.memory_space<vmem>>, vector<1x1x64x64xf32>
    %swap3A_1354 = vector.shape_cast %swap3A_1353 : vector<1x1x64x64xf32> to vector<64x64xf32>
    %swap3A_1355 = vector.shape_cast %dot_general3A_1348 : vector<64x64xf32> to vector<1x1x64x64xf32>
    tpu.vector_store %arg5[%swap3A_1349, %swap3A_1350, %swap3A_1351, %swap3A_1352], %swap3A_1355 {strides = array<i32>} : memref<1x64x64x128xf32, #tpu.memory_space<vmem>>, vector<1x1x64x64xf32>,
    %get3A_1356 = arith.constant 2304 : index
    %get3A_1357 = arith.constant 0 : index
    %get3A_1358 = vector.load %arg10[%get3A_1356, %get3A_1357] : memref<4096x128xbf16, #tpu.memory_space<vmem>>, vector<64x128xbf16>
    %get3A_1359 = arith.constant 2304 : index
    %get3A_1360 = arith.constant 0 : index
    %get3A_1361 = vector.load %arg8[%get3A_1359, %get3A_1360] : memref<4160x64xbf16, #tpu.memory_space<vmem>>, vector<128x64xbf16>
    %dot_general3A_1362 = arith.constant dense<0.000000e+00> : vector<64x64xf32>
    %dot_general3A_1363 = tpu.matmul %get3A_1358, %get3A_1361, %dot_general3A_1362 {dimension_numbers = #tpu.dot_dimension_numbers<[1], [0], [0], [1], [0, 0, 1, 1], [], []>, transpose_lhs_hint = false} : vector<64x128xbf16>, vector<128x64xbf16>, vector<64x64xf32> -> vector<64x64xf32>
    %swap3A_1364 = arith.constant 0 : index
    %swap3A_1365 = arith.constant 36 : index
    %swap3A_1366 = arith.constant 0 : index
    %swap3A_1367 = arith.constant 0 : index
    %swap3A_1368 = vector.load %arg5[%swap3A_1364, %swap3A_1365, %swap3A_1366, %swap3A_1367] : memref<1x64x64x128xf32, #tpu.memory_space<vmem>>, vector<1x1x64x64xf32>
    %swap3A_1369 = vector.shape_cast %swap3A_1368 : vector<1x1x64x64xf32> to vector<64x64xf32>
    %swap3A_1370 = vector.shape_cast %dot_general3A_1363 : vector<64x64xf32> to vector<1x1x64x64xf32>
    tpu.vector_store %arg5[%swap3A_1364, %swap3A_1365, %swap3A_1366, %swap3A_1367], %swap3A_1370 {strides = array<i32>} : memref<1x64x64x128xf32, #tpu.memory_space<vmem>>, vector<1x1x64x64xf32>,
    %get3A_1371 = arith.constant 2368 : index
    %get3A_1372 = arith.constant 0 : index
    %get3A_1373 = vector.load %arg10[%get3A_1371, %get3A_1372] : memref<4096x128xbf16, #tpu.memory_space<vmem>>, vector<64x128xbf16>
    %get3A_1374 = arith.constant 2368 : index
    %get3A_1375 = arith.constant 0 : index
    %get3A_1376 = vector.load %arg8[%get3A_1374, %get3A_1375] : memref<4160x64xbf16, #tpu.memory_space<vmem>>, vector<128x64xbf16>
    %dot_general3A_1377 = arith.constant dense<0.000000e+00> : vector<64x64xf32>
    %dot_general3A_1378 = tpu.matmul %get3A_1373, %get3A_1376, %dot_general3A_1377 {dimension_numbers = #tpu.dot_dimension_numbers<[1], [0], [0], [1], [0, 0, 1, 1], [], []>, transpose_lhs_hint = false} : vector<64x128xbf16>, vector<128x64xbf16>, vector<64x64xf32> -> vector<64x64xf32>
    %swap3A_1379 = arith.constant 0 : index
    %swap3A_1380 = arith.constant 37 : index
    %swap3A_1381 = arith.constant 0 : index
    %swap3A_1382 = arith.constant 0 : index
    %swap3A_1383 = vector.load %arg5[%swap3A_1379, %swap3A_1380, %swap3A_1381, %swap3A_1382] : memref<1x64x64x128xf32, #tpu.memory_space<vmem>>, vector<1x1x64x64xf32>
    %swap3A_1384 = vector.shape_cast %swap3A_1383 : vector<1x1x64x64xf32> to vector<64x64xf32>
    %swap3A_1385 = vector.shape_cast %dot_general3A_1378 : vector<64x64xf32> to vector<1x1x64x64xf32>
    tpu.vector_store %arg5[%swap3A_1379, %swap3A_1380, %swap3A_1381, %swap3A_1382], %swap3A_1385 {strides = array<i32>} : memref<1x64x64x128xf32, #tpu.memory_space<vmem>>, vector<1x1x64x64xf32>,
    %get3A_1386 = arith.constant 2432 : index
    %get3A_1387 = arith.constant 0 : index
    %get3A_1388 = vector.load %arg10[%get3A_1386, %get3A_1387] : memref<4096x128xbf16, #tpu.memory_space<vmem>>, vector<64x128xbf16>
    %get3A_1389 = arith.constant 2432 : index
    %get3A_1390 = arith.constant 0 : index
    %get3A_1391 = vector.load %arg8[%get3A_1389, %get3A_1390] : memref<4160x64xbf16, #tpu.memory_space<vmem>>, vector<128x64xbf16>
    %dot_general3A_1392 = arith.constant dense<0.000000e+00> : vector<64x64xf32>
    %dot_general3A_1393 = tpu.matmul %get3A_1388, %get3A_1391, %dot_general3A_1392 {dimension_numbers = #tpu.dot_dimension_numbers<[1], [0], [0], [1], [0, 0, 1, 1], [], []>, transpose_lhs_hint = false} : vector<64x128xbf16>, vector<128x64xbf16>, vector<64x64xf32> -> vector<64x64xf32>
    %swap3A_1394 = arith.constant 0 : index
    %swap3A_1395 = arith.constant 38 : index
    %swap3A_1396 = arith.constant 0 : index
    %swap3A_1397 = arith.constant 0 : index
    %swap3A_1398 = vector.load %arg5[%swap3A_1394, %swap3A_1395, %swap3A_1396, %swap3A_1397] : memref<1x64x64x128xf32, #tpu.memory_space<vmem>>, vector<1x1x64x64xf32>
    %swap3A_1399 = vector.shape_cast %swap3A_1398 : vector<1x1x64x64xf32> to vector<64x64xf32>
    %swap3A_1400 = vector.shape_cast %dot_general3A_1393 : vector<64x64xf32> to vector<1x1x64x64xf32>
    tpu.vector_store %arg5[%swap3A_1394, %swap3A_1395, %swap3A_1396, %swap3A_1397], %swap3A_1400 {strides = array<i32>} : memref<1x64x64x128xf32, #tpu.memory_space<vmem>>, vector<1x1x64x64xf32>,
    %get3A_1401 = arith.constant 2496 : index
    %get3A_1402 = arith.constant 0 : index
    %get3A_1403 = vector.load %arg10[%get3A_1401, %get3A_1402] : memref<4096x128xbf16, #tpu.memory_space<vmem>>, vector<64x128xbf16>
    %get3A_1404 = arith.constant 2496 : index
    %get3A_1405 = arith.constant 0 : index
    %get3A_1406 = vector.load %arg8[%get3A_1404, %get3A_1405] : memref<4160x64xbf16, #tpu.memory_space<vmem>>, vector<128x64xbf16>
    %dot_general3A_1407 = arith.constant dense<0.000000e+00> : vector<64x64xf32>
    %dot_general3A_1408 = tpu.matmul %get3A_1403, %get3A_1406, %dot_general3A_1407 {dimension_numbers = #tpu.dot_dimension_numbers<[1], [0], [0], [1], [0, 0, 1, 1], [], []>, transpose_lhs_hint = false} : vector<64x128xbf16>, vector<128x64xbf16>, vector<64x64xf32> -> vector<64x64xf32>
    %swap3A_1409 = arith.constant 0 : index
    %swap3A_1410 = arith.constant 39 : index
    %swap3A_1411 = arith.constant 0 : index
    %swap3A_1412 = arith.constant 0 : index
    %swap3A_1413 = vector.load %arg5[%swap3A_1409, %swap3A_1410, %swap3A_1411, %swap3A_1412] : memref<1x64x64x128xf32, #tpu.memory_space<vmem>>, vector<1x1x64x64xf32>
    %swap3A_1414 = vector.shape_cast %swap3A_1413 : vector<1x1x64x64xf32> to vector<64x64xf32>
    %swap3A_1415 = vector.shape_cast %dot_general3A_1408 : vector<64x64xf32> to vector<1x1x64x64xf32>
    tpu.vector_store %arg5[%swap3A_1409, %swap3A_1410, %swap3A_1411, %swap3A_1412], %swap3A_1415 {strides = array<i32>} : memref<1x64x64x128xf32, #tpu.memory_space<vmem>>, vector<1x1x64x64xf32>,
    %get3A_1416 = arith.constant 2560 : index
    %get3A_1417 = arith.constant 0 : index
    %get3A_1418 = vector.load %arg10[%get3A_1416, %get3A_1417] : memref<4096x128xbf16, #tpu.memory_space<vmem>>, vector<64x128xbf16>
    %get3A_1419 = arith.constant 2560 : index
    %get3A_1420 = arith.constant 0 : index
    %get3A_1421 = vector.load %arg8[%get3A_1419, %get3A_1420] : memref<4160x64xbf16, #tpu.memory_space<vmem>>, vector<128x64xbf16>
    %dot_general3A_1422 = arith.constant dense<0.000000e+00> : vector<64x64xf32>
    %dot_general3A_1423 = tpu.matmul %get3A_1418, %get3A_1421, %dot_general3A_1422 {dimension_numbers = #tpu.dot_dimension_numbers<[1], [0], [0], [1], [0, 0, 1, 1], [], []>, transpose_lhs_hint = false} : vector<64x128xbf16>, vector<128x64xbf16>, vector<64x64xf32> -> vector<64x64xf32>
    %swap3A_1424 = arith.constant 0 : index
    %swap3A_1425 = arith.constant 40 : index
    %swap3A_1426 = arith.constant 0 : index
    %swap3A_1427 = arith.constant 0 : index
    %swap3A_1428 = vector.load %arg5[%swap3A_1424, %swap3A_1425, %swap3A_1426, %swap3A_1427] : memref<1x64x64x128xf32, #tpu.memory_space<vmem>>, vector<1x1x64x64xf32>
    %swap3A_1429 = vector.shape_cast %swap3A_1428 : vector<1x1x64x64xf32> to vector<64x64xf32>
    %swap3A_1430 = vector.shape_cast %dot_general3A_1423 : vector<64x64xf32> to vector<1x1x64x64xf32>
    tpu.vector_store %arg5[%swap3A_1424, %swap3A_1425, %swap3A_1426, %swap3A_1427], %swap3A_1430 {strides = array<i32>} : memref<1x64x64x128xf32, #tpu.memory_space<vmem>>, vector<1x1x64x64xf32>,
    %get3A_1431 = arith.constant 2624 : index
    %get3A_1432 = arith.constant 0 : index
    %get3A_1433 = vector.load %arg10[%get3A_1431, %get3A_1432] : memref<4096x128xbf16, #tpu.memory_space<vmem>>, vector<64x128xbf16>
    %get3A_1434 = arith.constant 2624 : index
    %get3A_1435 = arith.constant 0 : index
    %get3A_1436 = vector.load %arg8[%get3A_1434, %get3A_1435] : memref<4160x64xbf16, #tpu.memory_space<vmem>>, vector<128x64xbf16>
    %dot_general3A_1437 = arith.constant dense<0.000000e+00> : vector<64x64xf32>
    %dot_general3A_1438 = tpu.matmul %get3A_1433, %get3A_1436, %dot_general3A_1437 {dimension_numbers = #tpu.dot_dimension_numbers<[1], [0], [0], [1], [0, 0, 1, 1], [], []>, transpose_lhs_hint = false} : vector<64x128xbf16>, vector<128x64xbf16>, vector<64x64xf32> -> vector<64x64xf32>
    %swap3A_1439 = arith.constant 0 : index
    %swap3A_1440 = arith.constant 41 : index
    %swap3A_1441 = arith.constant 0 : index
    %swap3A_1442 = arith.constant 0 : index
    %swap3A_1443 = vector.load %arg5[%swap3A_1439, %swap3A_1440, %swap3A_1441, %swap3A_1442] : memref<1x64x64x128xf32, #tpu.memory_space<vmem>>, vector<1x1x64x64xf32>
    %swap3A_1444 = vector.shape_cast %swap3A_1443 : vector<1x1x64x64xf32> to vector<64x64xf32>
    %swap3A_1445 = vector.shape_cast %dot_general3A_1438 : vector<64x64xf32> to vector<1x1x64x64xf32>
    tpu.vector_store %arg5[%swap3A_1439, %swap3A_1440, %swap3A_1441, %swap3A_1442], %swap3A_1445 {strides = array<i32>} : memref<1x64x64x128xf32, #tpu.memory_space<vmem>>, vector<1x1x64x64xf32>,
    %get3A_1446 = arith.constant 2688 : index
    %get3A_1447 = arith.constant 0 : index
    %get3A_1448 = vector.load %arg10[%get3A_1446, %get3A_1447] : memref<4096x128xbf16, #tpu.memory_space<vmem>>, vector<64x128xbf16>
    %get3A_1449 = arith.constant 2688 : index
    %get3A_1450 = arith.constant 0 : index
    %get3A_1451 = vector.load %arg8[%get3A_1449, %get3A_1450] : memref<4160x64xbf16, #tpu.memory_space<vmem>>, vector<128x64xbf16>
    %dot_general3A_1452 = arith.constant dense<0.000000e+00> : vector<64x64xf32>
    %dot_general3A_1453 = tpu.matmul %get3A_1448, %get3A_1451, %dot_general3A_1452 {dimension_numbers = #tpu.dot_dimension_numbers<[1], [0], [0], [1], [0, 0, 1, 1], [], []>, transpose_lhs_hint = false} : vector<64x128xbf16>, vector<128x64xbf16>, vector<64x64xf32> -> vector<64x64xf32>
    %swap3A_1454 = arith.constant 0 : index
    %swap3A_1455 = arith.constant 42 : index
    %swap3A_1456 = arith.constant 0 : index
    %swap3A_1457 = arith.constant 0 : index
    %swap3A_1458 = vector.load %arg5[%swap3A_1454, %swap3A_1455, %swap3A_1456, %swap3A_1457] : memref<1x64x64x128xf32, #tpu.memory_space<vmem>>, vector<1x1x64x64xf32>
    %swap3A_1459 = vector.shape_cast %swap3A_1458 : vector<1x1x64x64xf32> to vector<64x64xf32>
    %swap3A_1460 = vector.shape_cast %dot_general3A_1453 : vector<64x64xf32> to vector<1x1x64x64xf32>
    tpu.vector_store %arg5[%swap3A_1454, %swap3A_1455, %swap3A_1456, %swap3A_1457], %swap3A_1460 {strides = array<i32>} : memref<1x64x64x128xf32, #tpu.memory_space<vmem>>, vector<1x1x64x64xf32>,
    %get3A_1461 = arith.constant 2752 : index
    %get3A_1462 = arith.constant 0 : index
    %get3A_1463 = vector.load %arg10[%get3A_1461, %get3A_1462] : memref<4096x128xbf16, #tpu.memory_space<vmem>>, vector<64x128xbf16>
    %get3A_1464 = arith.constant 2752 : index
    %get3A_1465 = arith.constant 0 : index
    %get3A_1466 = vector.load %arg8[%get3A_1464, %get3A_1465] : memref<4160x64xbf16, #tpu.memory_space<vmem>>, vector<128x64xbf16>
    %dot_general3A_1467 = arith.constant dense<0.000000e+00> : vector<64x64xf32>
    %dot_general3A_1468 = tpu.matmul %get3A_1463, %get3A_1466, %dot_general3A_1467 {dimension_numbers = #tpu.dot_dimension_numbers<[1], [0], [0], [1], [0, 0, 1, 1], [], []>, transpose_lhs_hint = false} : vector<64x128xbf16>, vector<128x64xbf16>, vector<64x64xf32> -> vector<64x64xf32>
    %swap3A_1469 = arith.constant 0 : index
    %swap3A_1470 = arith.constant 43 : index
    %swap3A_1471 = arith.constant 0 : index
    %swap3A_1472 = arith.constant 0 : index
    %swap3A_1473 = vector.load %arg5[%swap3A_1469, %swap3A_1470, %swap3A_1471, %swap3A_1472] : memref<1x64x64x128xf32, #tpu.memory_space<vmem>>, vector<1x1x64x64xf32>
    %swap3A_1474 = vector.shape_cast %swap3A_1473 : vector<1x1x64x64xf32> to vector<64x64xf32>
    %swap3A_1475 = vector.shape_cast %dot_general3A_1468 : vector<64x64xf32> to vector<1x1x64x64xf32>
    tpu.vector_store %arg5[%swap3A_1469, %swap3A_1470, %swap3A_1471, %swap3A_1472], %swap3A_1475 {strides = array<i32>} : memref<1x64x64x128xf32, #tpu.memory_space<vmem>>, vector<1x1x64x64xf32>,
    %get3A_1476 = arith.constant 2816 : index
    %get3A_1477 = arith.constant 0 : index
    %get3A_1478 = vector.load %arg10[%get3A_1476, %get3A_1477] : memref<4096x128xbf16, #tpu.memory_space<vmem>>, vector<64x128xbf16>
    %get3A_1479 = arith.constant 2816 : index
    %get3A_1480 = arith.constant 0 : index
    %get3A_1481 = vector.load %arg8[%get3A_1479, %get3A_1480] : memref<4160x64xbf16, #tpu.memory_space<vmem>>, vector<128x64xbf16>
    %dot_general3A_1482 = arith.constant dense<0.000000e+00> : vector<64x64xf32>
    %dot_general3A_1483 = tpu.matmul %get3A_1478, %get3A_1481, %dot_general3A_1482 {dimension_numbers = #tpu.dot_dimension_numbers<[1], [0], [0], [1], [0, 0, 1, 1], [], []>, transpose_lhs_hint = false} : vector<64x128xbf16>, vector<128x64xbf16>, vector<64x64xf32> -> vector<64x64xf32>
    %swap3A_1484 = arith.constant 0 : index
    %swap3A_1485 = arith.constant 44 : index
    %swap3A_1486 = arith.constant 0 : index
    %swap3A_1487 = arith.constant 0 : index
    %swap3A_1488 = vector.load %arg5[%swap3A_1484, %swap3A_1485, %swap3A_1486, %swap3A_1487] : memref<1x64x64x128xf32, #tpu.memory_space<vmem>>, vector<1x1x64x64xf32>
    %swap3A_1489 = vector.shape_cast %swap3A_1488 : vector<1x1x64x64xf32> to vector<64x64xf32>
    %swap3A_1490 = vector.shape_cast %dot_general3A_1483 : vector<64x64xf32> to vector<1x1x64x64xf32>
    tpu.vector_store %arg5[%swap3A_1484, %swap3A_1485, %swap3A_1486, %swap3A_1487], %swap3A_1490 {strides = array<i32>} : memref<1x64x64x128xf32, #tpu.memory_space<vmem>>, vector<1x1x64x64xf32>,
    %get3A_1491 = arith.constant 2880 : index
    %get3A_1492 = arith.constant 0 : index
    %get3A_1493 = vector.load %arg10[%get3A_1491, %get3A_1492] : memref<4096x128xbf16, #tpu.memory_space<vmem>>, vector<64x128xbf16>
    %get3A_1494 = arith.constant 2880 : index
    %get3A_1495 = arith.constant 0 : index
    %get3A_1496 = vector.load %arg8[%get3A_1494, %get3A_1495] : memref<4160x64xbf16, #tpu.memory_space<vmem>>, vector<128x64xbf16>
    %dot_general3A_1497 = arith.constant dense<0.000000e+00> : vector<64x64xf32>
    %dot_general3A_1498 = tpu.matmul %get3A_1493, %get3A_1496, %dot_general3A_1497 {dimension_numbers = #tpu.dot_dimension_numbers<[1], [0], [0], [1], [0, 0, 1, 1], [], []>, transpose_lhs_hint = false} : vector<64x128xbf16>, vector<128x64xbf16>, vector<64x64xf32> -> vector<64x64xf32>
    %swap3A_1499 = arith.constant 0 : index
    %swap3A_1500 = arith.constant 45 : index
    %swap3A_1501 = arith.constant 0 : index
    %swap3A_1502 = arith.constant 0 : index
    %swap3A_1503 = vector.load %arg5[%swap3A_1499, %swap3A_1500, %swap3A_1501, %swap3A_1502] : memref<1x64x64x128xf32, #tpu.memory_space<vmem>>, vector<1x1x64x64xf32>
    %swap3A_1504 = vector.shape_cast %swap3A_1503 : vector<1x1x64x64xf32> to vector<64x64xf32>
    %swap3A_1505 = vector.shape_cast %dot_general3A_1498 : vector<64x64xf32> to vector<1x1x64x64xf32>
    tpu.vector_store %arg5[%swap3A_1499, %swap3A_1500, %swap3A_1501, %swap3A_1502], %swap3A_1505 {strides = array<i32>} : memref<1x64x64x128xf32, #tpu.memory_space<vmem>>, vector<1x1x64x64xf32>,
    %get3A_1506 = arith.constant 2944 : index
    %get3A_1507 = arith.constant 0 : index
    %get3A_1508 = vector.load %arg10[%get3A_1506, %get3A_1507] : memref<4096x128xbf16, #tpu.memory_space<vmem>>, vector<64x128xbf16>
    %get3A_1509 = arith.constant 2944 : index
    %get3A_1510 = arith.constant 0 : index
    %get3A_1511 = vector.load %arg8[%get3A_1509, %get3A_1510] : memref<4160x64xbf16, #tpu.memory_space<vmem>>, vector<128x64xbf16>
    %dot_general3A_1512 = arith.constant dense<0.000000e+00> : vector<64x64xf32>
    %dot_general3A_1513 = tpu.matmul %get3A_1508, %get3A_1511, %dot_general3A_1512 {dimension_numbers = #tpu.dot_dimension_numbers<[1], [0], [0], [1], [0, 0, 1, 1], [], []>, transpose_lhs_hint = false} : vector<64x128xbf16>, vector<128x64xbf16>, vector<64x64xf32> -> vector<64x64xf32>
    %swap3A_1514 = arith.constant 0 : index
    %swap3A_1515 = arith.constant 46 : index
    %swap3A_1516 = arith.constant 0 : index
    %swap3A_1517 = arith.constant 0 : index
    %swap3A_1518 = vector.load %arg5[%swap3A_1514, %swap3A_1515, %swap3A_1516, %swap3A_1517] : memref<1x64x64x128xf32, #tpu.memory_space<vmem>>, vector<1x1x64x64xf32>
    %swap3A_1519 = vector.shape_cast %swap3A_1518 : vector<1x1x64x64xf32> to vector<64x64xf32>
    %swap3A_1520 = vector.shape_cast %dot_general3A_1513 : vector<64x64xf32> to vector<1x1x64x64xf32>
    tpu.vector_store %arg5[%swap3A_1514, %swap3A_1515, %swap3A_1516, %swap3A_1517], %swap3A_1520 {strides = array<i32>} : memref<1x64x64x128xf32, #tpu.memory_space<vmem>>, vector<1x1x64x64xf32>,
    %get3A_1521 = arith.constant 3008 : index
    %get3A_1522 = arith.constant 0 : index
    %get3A_1523 = vector.load %arg10[%get3A_1521, %get3A_1522] : memref<4096x128xbf16, #tpu.memory_space<vmem>>, vector<64x128xbf16>
    %get3A_1524 = arith.constant 3008 : index
    %get3A_1525 = arith.constant 0 : index
    %get3A_1526 = vector.load %arg8[%get3A_1524, %get3A_1525] : memref<4160x64xbf16, #tpu.memory_space<vmem>>, vector<128x64xbf16>
    %dot_general3A_1527 = arith.constant dense<0.000000e+00> : vector<64x64xf32>
    %dot_general3A_1528 = tpu.matmul %get3A_1523, %get3A_1526, %dot_general3A_1527 {dimension_numbers = #tpu.dot_dimension_numbers<[1], [0], [0], [1], [0, 0, 1, 1], [], []>, transpose_lhs_hint = false} : vector<64x128xbf16>, vector<128x64xbf16>, vector<64x64xf32> -> vector<64x64xf32>
    %swap3A_1529 = arith.constant 0 : index
    %swap3A_1530 = arith.constant 47 : index
    %swap3A_1531 = arith.constant 0 : index
    %swap3A_1532 = arith.constant 0 : index
    %swap3A_1533 = vector.load %arg5[%swap3A_1529, %swap3A_1530, %swap3A_1531, %swap3A_1532] : memref<1x64x64x128xf32, #tpu.memory_space<vmem>>, vector<1x1x64x64xf32>
    %swap3A_1534 = vector.shape_cast %swap3A_1533 : vector<1x1x64x64xf32> to vector<64x64xf32>
    %swap3A_1535 = vector.shape_cast %dot_general3A_1528 : vector<64x64xf32> to vector<1x1x64x64xf32>
    tpu.vector_store %arg5[%swap3A_1529, %swap3A_1530, %swap3A_1531, %swap3A_1532], %swap3A_1535 {strides = array<i32>} : memref<1x64x64x128xf32, #tpu.memory_space<vmem>>, vector<1x1x64x64xf32>,
    %get3A_1536 = arith.constant 3072 : index
    %get3A_1537 = arith.constant 0 : index
    %get3A_1538 = vector.load %arg10[%get3A_1536, %get3A_1537] : memref<4096x128xbf16, #tpu.memory_space<vmem>>, vector<64x128xbf16>
    %get3A_1539 = arith.constant 3072 : index
    %get3A_1540 = arith.constant 0 : index
    %get3A_1541 = vector.load %arg8[%get3A_1539, %get3A_1540] : memref<4160x64xbf16, #tpu.memory_space<vmem>>, vector<128x64xbf16>
    %dot_general3A_1542 = arith.constant dense<0.000000e+00> : vector<64x64xf32>
    %dot_general3A_1543 = tpu.matmul %get3A_1538, %get3A_1541, %dot_general3A_1542 {dimension_numbers = #tpu.dot_dimension_numbers<[1], [0], [0], [1], [0, 0, 1, 1], [], []>, transpose_lhs_hint = false} : vector<64x128xbf16>, vector<128x64xbf16>, vector<64x64xf32> -> vector<64x64xf32>
    %swap3A_1544 = arith.constant 0 : index
    %swap3A_1545 = arith.constant 48 : index
    %swap3A_1546 = arith.constant 0 : index
    %swap3A_1547 = arith.constant 0 : index
    %swap3A_1548 = vector.load %arg5[%swap3A_1544, %swap3A_1545, %swap3A_1546, %swap3A_1547] : memref<1x64x64x128xf32, #tpu.memory_space<vmem>>, vector<1x1x64x64xf32>
    %swap3A_1549 = vector.shape_cast %swap3A_1548 : vector<1x1x64x64xf32> to vector<64x64xf32>
    %swap3A_1550 = vector.shape_cast %dot_general3A_1543 : vector<64x64xf32> to vector<1x1x64x64xf32>
    tpu.vector_store %arg5[%swap3A_1544, %swap3A_1545, %swap3A_1546, %swap3A_1547], %swap3A_1550 {strides = array<i32>} : memref<1x64x64x128xf32, #tpu.memory_space<vmem>>, vector<1x1x64x64xf32>,
    %get3A_1551 = arith.constant 3136 : index
    %get3A_1552 = arith.constant 0 : index
    %get3A_1553 = vector.load %arg10[%get3A_1551, %get3A_1552] : memref<4096x128xbf16, #tpu.memory_space<vmem>>, vector<64x128xbf16>
    %get3A_1554 = arith.constant 3136 : index
    %get3A_1555 = arith.constant 0 : index
    %get3A_1556 = vector.load %arg8[%get3A_1554, %get3A_1555] : memref<4160x64xbf16, #tpu.memory_space<vmem>>, vector<128x64xbf16>
    %dot_general3A_1557 = arith.constant dense<0.000000e+00> : vector<64x64xf32>
    %dot_general3A_1558 = tpu.matmul %get3A_1553, %get3A_1556, %dot_general3A_1557 {dimension_numbers = #tpu.dot_dimension_numbers<[1], [0], [0], [1], [0, 0, 1, 1], [], []>, transpose_lhs_hint = false} : vector<64x128xbf16>, vector<128x64xbf16>, vector<64x64xf32> -> vector<64x64xf32>
    %swap3A_1559 = arith.constant 0 : index
    %swap3A_1560 = arith.constant 49 : index
    %swap3A_1561 = arith.constant 0 : index
    %swap3A_1562 = arith.constant 0 : index
    %swap3A_1563 = vector.load %arg5[%swap3A_1559, %swap3A_1560, %swap3A_1561, %swap3A_1562] : memref<1x64x64x128xf32, #tpu.memory_space<vmem>>, vector<1x1x64x64xf32>
    %swap3A_1564 = vector.shape_cast %swap3A_1563 : vector<1x1x64x64xf32> to vector<64x64xf32>
    %swap3A_1565 = vector.shape_cast %dot_general3A_1558 : vector<64x64xf32> to vector<1x1x64x64xf32>
    tpu.vector_store %arg5[%swap3A_1559, %swap3A_1560, %swap3A_1561, %swap3A_1562], %swap3A_1565 {strides = array<i32>} : memref<1x64x64x128xf32, #tpu.memory_space<vmem>>, vector<1x1x64x64xf32>,
    %get3A_1566 = arith.constant 3200 : index
    %get3A_1567 = arith.constant 0 : index
    %get3A_1568 = vector.load %arg10[%get3A_1566, %get3A_1567] : memref<4096x128xbf16, #tpu.memory_space<vmem>>, vector<64x128xbf16>
    %get3A_1569 = arith.constant 3200 : index
    %get3A_1570 = arith.constant 0 : index
    %get3A_1571 = vector.load %arg8[%get3A_1569, %get3A_1570] : memref<4160x64xbf16, #tpu.memory_space<vmem>>, vector<128x64xbf16>
    %dot_general3A_1572 = arith.constant dense<0.000000e+00> : vector<64x64xf32>
    %dot_general3A_1573 = tpu.matmul %get3A_1568, %get3A_1571, %dot_general3A_1572 {dimension_numbers = #tpu.dot_dimension_numbers<[1], [0], [0], [1], [0, 0, 1, 1], [], []>, transpose_lhs_hint = false} : vector<64x128xbf16>, vector<128x64xbf16>, vector<64x64xf32> -> vector<64x64xf32>
    %swap3A_1574 = arith.constant 0 : index
    %swap3A_1575 = arith.constant 50 : index
    %swap3A_1576 = arith.constant 0 : index
    %swap3A_1577 = arith.constant 0 : index
    %swap3A_1578 = vector.load %arg5[%swap3A_1574, %swap3A_1575, %swap3A_1576, %swap3A_1577] : memref<1x64x64x128xf32, #tpu.memory_space<vmem>>, vector<1x1x64x64xf32>
    %swap3A_1579 = vector.shape_cast %swap3A_1578 : vector<1x1x64x64xf32> to vector<64x64xf32>
    %swap3A_1580 = vector.shape_cast %dot_general3A_1573 : vector<64x64xf32> to vector<1x1x64x64xf32>
    tpu.vector_store %arg5[%swap3A_1574, %swap3A_1575, %swap3A_1576, %swap3A_1577], %swap3A_1580 {strides = array<i32>} : memref<1x64x64x128xf32, #tpu.memory_space<vmem>>, vector<1x1x64x64xf32>,
    %get3A_1581 = arith.constant 3264 : index
    %get3A_1582 = arith.constant 0 : index
    %get3A_1583 = vector.load %arg10[%get3A_1581, %get3A_1582] : memref<4096x128xbf16, #tpu.memory_space<vmem>>, vector<64x128xbf16>
    %get3A_1584 = arith.constant 3264 : index
    %get3A_1585 = arith.constant 0 : index
    %get3A_1586 = vector.load %arg8[%get3A_1584, %get3A_1585] : memref<4160x64xbf16, #tpu.memory_space<vmem>>, vector<128x64xbf16>
    %dot_general3A_1587 = arith.constant dense<0.000000e+00> : vector<64x64xf32>
    %dot_general3A_1588 = tpu.matmul %get3A_1583, %get3A_1586, %dot_general3A_1587 {dimension_numbers = #tpu.dot_dimension_numbers<[1], [0], [0], [1], [0, 0, 1, 1], [], []>, transpose_lhs_hint = false} : vector<64x128xbf16>, vector<128x64xbf16>, vector<64x64xf32> -> vector<64x64xf32>
    %swap3A_1589 = arith.constant 0 : index
    %swap3A_1590 = arith.constant 51 : index
    %swap3A_1591 = arith.constant 0 : index
    %swap3A_1592 = arith.constant 0 : index
    %swap3A_1593 = vector.load %arg5[%swap3A_1589, %swap3A_1590, %swap3A_1591, %swap3A_1592] : memref<1x64x64x128xf32, #tpu.memory_space<vmem>>, vector<1x1x64x64xf32>
    %swap3A_1594 = vector.shape_cast %swap3A_1593 : vector<1x1x64x64xf32> to vector<64x64xf32>
    %swap3A_1595 = vector.shape_cast %dot_general3A_1588 : vector<64x64xf32> to vector<1x1x64x64xf32>
    tpu.vector_store %arg5[%swap3A_1589, %swap3A_1590, %swap3A_1591, %swap3A_1592], %swap3A_1595 {strides = array<i32>} : memref<1x64x64x128xf32, #tpu.memory_space<vmem>>, vector<1x1x64x64xf32>,
    %get3A_1596 = arith.constant 3328 : index
    %get3A_1597 = arith.constant 0 : index
    %get3A_1598 = vector.load %arg10[%get3A_1596, %get3A_1597] : memref<4096x128xbf16, #tpu.memory_space<vmem>>, vector<64x128xbf16>
    %get3A_1599 = arith.constant 3328 : index
    %get3A_1600 = arith.constant 0 : index
    %get3A_1601 = vector.load %arg8[%get3A_1599, %get3A_1600] : memref<4160x64xbf16, #tpu.memory_space<vmem>>, vector<128x64xbf16>
    %dot_general3A_1602 = arith.constant dense<0.000000e+00> : vector<64x64xf32>
    %dot_general3A_1603 = tpu.matmul %get3A_1598, %get3A_1601, %dot_general3A_1602 {dimension_numbers = #tpu.dot_dimension_numbers<[1], [0], [0], [1], [0, 0, 1, 1], [], []>, transpose_lhs_hint = false} : vector<64x128xbf16>, vector<128x64xbf16>, vector<64x64xf32> -> vector<64x64xf32>
    %swap3A_1604 = arith.constant 0 : index
    %swap3A_1605 = arith.constant 52 : index
    %swap3A_1606 = arith.constant 0 : index
    %swap3A_1607 = arith.constant 0 : index
    %swap3A_1608 = vector.load %arg5[%swap3A_1604, %swap3A_1605, %swap3A_1606, %swap3A_1607] : memref<1x64x64x128xf32, #tpu.memory_space<vmem>>, vector<1x1x64x64xf32>
    %swap3A_1609 = vector.shape_cast %swap3A_1608 : vector<1x1x64x64xf32> to vector<64x64xf32>
    %swap3A_1610 = vector.shape_cast %dot_general3A_1603 : vector<64x64xf32> to vector<1x1x64x64xf32>
    tpu.vector_store %arg5[%swap3A_1604, %swap3A_1605, %swap3A_1606, %swap3A_1607], %swap3A_1610 {strides = array<i32>} : memref<1x64x64x128xf32, #tpu.memory_space<vmem>>, vector<1x1x64x64xf32>,
    %get3A_1611 = arith.constant 3392 : index
    %get3A_1612 = arith.constant 0 : index
    %get3A_1613 = vector.load %arg10[%get3A_1611, %get3A_1612] : memref<4096x128xbf16, #tpu.memory_space<vmem>>, vector<64x128xbf16>
    %get3A_1614 = arith.constant 3392 : index
    %get3A_1615 = arith.constant 0 : index
    %get3A_1616 = vector.load %arg8[%get3A_1614, %get3A_1615] : memref<4160x64xbf16, #tpu.memory_space<vmem>>, vector<128x64xbf16>
    %dot_general3A_1617 = arith.constant dense<0.000000e+00> : vector<64x64xf32>
    %dot_general3A_1618 = tpu.matmul %get3A_1613, %get3A_1616, %dot_general3A_1617 {dimension_numbers = #tpu.dot_dimension_numbers<[1], [0], [0], [1], [0, 0, 1, 1], [], []>, transpose_lhs_hint = false} : vector<64x128xbf16>, vector<128x64xbf16>, vector<64x64xf32> -> vector<64x64xf32>
    %swap3A_1619 = arith.constant 0 : index
    %swap3A_1620 = arith.constant 53 : index
    %swap3A_1621 = arith.constant 0 : index
    %swap3A_1622 = arith.constant 0 : index
    %swap3A_1623 = vector.load %arg5[%swap3A_1619, %swap3A_1620, %swap3A_1621, %swap3A_1622] : memref<1x64x64x128xf32, #tpu.memory_space<vmem>>, vector<1x1x64x64xf32>
    %swap3A_1624 = vector.shape_cast %swap3A_1623 : vector<1x1x64x64xf32> to vector<64x64xf32>
    %swap3A_1625 = vector.shape_cast %dot_general3A_1618 : vector<64x64xf32> to vector<1x1x64x64xf32>
    tpu.vector_store %arg5[%swap3A_1619, %swap3A_1620, %swap3A_1621, %swap3A_1622], %swap3A_1625 {strides = array<i32>} : memref<1x64x64x128xf32, #tpu.memory_space<vmem>>, vector<1x1x64x64xf32>,
    %get3A_1626 = arith.constant 3456 : index
    %get3A_1627 = arith.constant 0 : index
    %get3A_1628 = vector.load %arg10[%get3A_1626, %get3A_1627] : memref<4096x128xbf16, #tpu.memory_space<vmem>>, vector<64x128xbf16>
    %get3A_1629 = arith.constant 3456 : index
    %get3A_1630 = arith.constant 0 : index
    %get3A_1631 = vector.load %arg8[%get3A_1629, %get3A_1630] : memref<4160x64xbf16, #tpu.memory_space<vmem>>, vector<128x64xbf16>
    %dot_general3A_1632 = arith.constant dense<0.000000e+00> : vector<64x64xf32>
    %dot_general3A_1633 = tpu.matmul %get3A_1628, %get3A_1631, %dot_general3A_1632 {dimension_numbers = #tpu.dot_dimension_numbers<[1], [0], [0], [1], [0, 0, 1, 1], [], []>, transpose_lhs_hint = false} : vector<64x128xbf16>, vector<128x64xbf16>, vector<64x64xf32> -> vector<64x64xf32>
    %swap3A_1634 = arith.constant 0 : index
    %swap3A_1635 = arith.constant 54 : index
    %swap3A_1636 = arith.constant 0 : index
    %swap3A_1637 = arith.constant 0 : index
    %swap3A_1638 = vector.load %arg5[%swap3A_1634, %swap3A_1635, %swap3A_1636, %swap3A_1637] : memref<1x64x64x128xf32, #tpu.memory_space<vmem>>, vector<1x1x64x64xf32>
    %swap3A_1639 = vector.shape_cast %swap3A_1638 : vector<1x1x64x64xf32> to vector<64x64xf32>
    %swap3A_1640 = vector.shape_cast %dot_general3A_1633 : vector<64x64xf32> to vector<1x1x64x64xf32>
    tpu.vector_store %arg5[%swap3A_1634, %swap3A_1635, %swap3A_1636, %swap3A_1637], %swap3A_1640 {strides = array<i32>} : memref<1x64x64x128xf32, #tpu.memory_space<vmem>>, vector<1x1x64x64xf32>,
    %get3A_1641 = arith.constant 3520 : index
    %get3A_1642 = arith.constant 0 : index
    %get3A_1643 = vector.load %arg10[%get3A_1641, %get3A_1642] : memref<4096x128xbf16, #tpu.memory_space<vmem>>, vector<64x128xbf16>
    %get3A_1644 = arith.constant 3520 : index
    %get3A_1645 = arith.constant 0 : index
    %get3A_1646 = vector.load %arg8[%get3A_1644, %get3A_1645] : memref<4160x64xbf16, #tpu.memory_space<vmem>>, vector<128x64xbf16>
    %dot_general3A_1647 = arith.constant dense<0.000000e+00> : vector<64x64xf32>
    %dot_general3A_1648 = tpu.matmul %get3A_1643, %get3A_1646, %dot_general3A_1647 {dimension_numbers = #tpu.dot_dimension_numbers<[1], [0], [0], [1], [0, 0, 1, 1], [], []>, transpose_lhs_hint = false} : vector<64x128xbf16>, vector<128x64xbf16>, vector<64x64xf32> -> vector<64x64xf32>
    %swap3A_1649 = arith.constant 0 : index
    %swap3A_1650 = arith.constant 55 : index
    %swap3A_1651 = arith.constant 0 : index
    %swap3A_1652 = arith.constant 0 : index
    %swap3A_1653 = vector.load %arg5[%swap3A_1649, %swap3A_1650, %swap3A_1651, %swap3A_1652] : memref<1x64x64x128xf32, #tpu.memory_space<vmem>>, vector<1x1x64x64xf32>
    %swap3A_1654 = vector.shape_cast %swap3A_1653 : vector<1x1x64x64xf32> to vector<64x64xf32>
    %swap3A_1655 = vector.shape_cast %dot_general3A_1648 : vector<64x64xf32> to vector<1x1x64x64xf32>
    tpu.vector_store %arg5[%swap3A_1649, %swap3A_1650, %swap3A_1651, %swap3A_1652], %swap3A_1655 {strides = array<i32>} : memref<1x64x64x128xf32, #tpu.memory_space<vmem>>, vector<1x1x64x64xf32>,
    %get3A_1656 = arith.constant 3584 : index
    %get3A_1657 = arith.constant 0 : index
    %get3A_1658 = vector.load %arg10[%get3A_1656, %get3A_1657] : memref<4096x128xbf16, #tpu.memory_space<vmem>>, vector<64x128xbf16>
    %get3A_1659 = arith.constant 3584 : index
    %get3A_1660 = arith.constant 0 : index
    %get3A_1661 = vector.load %arg8[%get3A_1659, %get3A_1660] : memref<4160x64xbf16, #tpu.memory_space<vmem>>, vector<128x64xbf16>
    %dot_general3A_1662 = arith.constant dense<0.000000e+00> : vector<64x64xf32>
    %dot_general3A_1663 = tpu.matmul %get3A_1658, %get3A_1661, %dot_general3A_1662 {dimension_numbers = #tpu.dot_dimension_numbers<[1], [0], [0], [1], [0, 0, 1, 1], [], []>, transpose_lhs_hint = false} : vector<64x128xbf16>, vector<128x64xbf16>, vector<64x64xf32> -> vector<64x64xf32>
    %swap3A_1664 = arith.constant 0 : index
    %swap3A_1665 = arith.constant 56 : index
    %swap3A_1666 = arith.constant 0 : index
    %swap3A_1667 = arith.constant 0 : index
    %swap3A_1668 = vector.load %arg5[%swap3A_1664, %swap3A_1665, %swap3A_1666, %swap3A_1667] : memref<1x64x64x128xf32, #tpu.memory_space<vmem>>, vector<1x1x64x64xf32>
    %swap3A_1669 = vector.shape_cast %swap3A_1668 : vector<1x1x64x64xf32> to vector<64x64xf32>
    %swap3A_1670 = vector.shape_cast %dot_general3A_1663 : vector<64x64xf32> to vector<1x1x64x64xf32>
    tpu.vector_store %arg5[%swap3A_1664, %swap3A_1665, %swap3A_1666, %swap3A_1667], %swap3A_1670 {strides = array<i32>} : memref<1x64x64x128xf32, #tpu.memory_space<vmem>>, vector<1x1x64x64xf32>,
    %get3A_1671 = arith.constant 3648 : index
    %get3A_1672 = arith.constant 0 : index
    %get3A_1673 = vector.load %arg10[%get3A_1671, %get3A_1672] : memref<4096x128xbf16, #tpu.memory_space<vmem>>, vector<64x128xbf16>
    %get3A_1674 = arith.constant 3648 : index
    %get3A_1675 = arith.constant 0 : index
    %get3A_1676 = vector.load %arg8[%get3A_1674, %get3A_1675] : memref<4160x64xbf16, #tpu.memory_space<vmem>>, vector<128x64xbf16>
    %dot_general3A_1677 = arith.constant dense<0.000000e+00> : vector<64x64xf32>
    %dot_general3A_1678 = tpu.matmul %get3A_1673, %get3A_1676, %dot_general3A_1677 {dimension_numbers = #tpu.dot_dimension_numbers<[1], [0], [0], [1], [0, 0, 1, 1], [], []>, transpose_lhs_hint = false} : vector<64x128xbf16>, vector<128x64xbf16>, vector<64x64xf32> -> vector<64x64xf32>
    %swap3A_1679 = arith.constant 0 : index
    %swap3A_1680 = arith.constant 57 : index
    %swap3A_1681 = arith.constant 0 : index
    %swap3A_1682 = arith.constant 0 : index
    %swap3A_1683 = vector.load %arg5[%swap3A_1679, %swap3A_1680, %swap3A_1681, %swap3A_1682] : memref<1x64x64x128xf32, #tpu.memory_space<vmem>>, vector<1x1x64x64xf32>
    %swap3A_1684 = vector.shape_cast %swap3A_1683 : vector<1x1x64x64xf32> to vector<64x64xf32>
    %swap3A_1685 = vector.shape_cast %dot_general3A_1678 : vector<64x64xf32> to vector<1x1x64x64xf32>
    tpu.vector_store %arg5[%swap3A_1679, %swap3A_1680, %swap3A_1681, %swap3A_1682], %swap3A_1685 {strides = array<i32>} : memref<1x64x64x128xf32, #tpu.memory_space<vmem>>, vector<1x1x64x64xf32>,
    %get3A_1686 = arith.constant 3712 : index
    %get3A_1687 = arith.constant 0 : index
    %get3A_1688 = vector.load %arg10[%get3A_1686, %get3A_1687] : memref<4096x128xbf16, #tpu.memory_space<vmem>>, vector<64x128xbf16>
    %get3A_1689 = arith.constant 3712 : index
    %get3A_1690 = arith.constant 0 : index
    %get3A_1691 = vector.load %arg8[%get3A_1689, %get3A_1690] : memref<4160x64xbf16, #tpu.memory_space<vmem>>, vector<128x64xbf16>
    %dot_general3A_1692 = arith.constant dense<0.000000e+00> : vector<64x64xf32>
    %dot_general3A_1693 = tpu.matmul %get3A_1688, %get3A_1691, %dot_general3A_1692 {dimension_numbers = #tpu.dot_dimension_numbers<[1], [0], [0], [1], [0, 0, 1, 1], [], []>, transpose_lhs_hint = false} : vector<64x128xbf16>, vector<128x64xbf16>, vector<64x64xf32> -> vector<64x64xf32>
    %swap3A_1694 = arith.constant 0 : index
    %swap3A_1695 = arith.constant 58 : index
    %swap3A_1696 = arith.constant 0 : index
    %swap3A_1697 = arith.constant 0 : index
    %swap3A_1698 = vector.load %arg5[%swap3A_1694, %swap3A_1695, %swap3A_1696, %swap3A_1697] : memref<1x64x64x128xf32, #tpu.memory_space<vmem>>, vector<1x1x64x64xf32>
    %swap3A_1699 = vector.shape_cast %swap3A_1698 : vector<1x1x64x64xf32> to vector<64x64xf32>
    %swap3A_1700 = vector.shape_cast %dot_general3A_1693 : vector<64x64xf32> to vector<1x1x64x64xf32>
    tpu.vector_store %arg5[%swap3A_1694, %swap3A_1695, %swap3A_1696, %swap3A_1697], %swap3A_1700 {strides = array<i32>} : memref<1x64x64x128xf32, #tpu.memory_space<vmem>>, vector<1x1x64x64xf32>,
    %get3A_1701 = arith.constant 3776 : index
    %get3A_1702 = arith.constant 0 : index
    %get3A_1703 = vector.load %arg10[%get3A_1701, %get3A_1702] : memref<4096x128xbf16, #tpu.memory_space<vmem>>, vector<64x128xbf16>
    %get3A_1704 = arith.constant 3776 : index
    %get3A_1705 = arith.constant 0 : index
    %get3A_1706 = vector.load %arg8[%get3A_1704, %get3A_1705] : memref<4160x64xbf16, #tpu.memory_space<vmem>>, vector<128x64xbf16>
    %dot_general3A_1707 = arith.constant dense<0.000000e+00> : vector<64x64xf32>
    %dot_general3A_1708 = tpu.matmul %get3A_1703, %get3A_1706, %dot_general3A_1707 {dimension_numbers = #tpu.dot_dimension_numbers<[1], [0], [0], [1], [0, 0, 1, 1], [], []>, transpose_lhs_hint = false} : vector<64x128xbf16>, vector<128x64xbf16>, vector<64x64xf32> -> vector<64x64xf32>
    %swap3A_1709 = arith.constant 0 : index
    %swap3A_1710 = arith.constant 59 : index
    %swap3A_1711 = arith.constant 0 : index
    %swap3A_1712 = arith.constant 0 : index
    %swap3A_1713 = vector.load %arg5[%swap3A_1709, %swap3A_1710, %swap3A_1711, %swap3A_1712] : memref<1x64x64x128xf32, #tpu.memory_space<vmem>>, vector<1x1x64x64xf32>
    %swap3A_1714 = vector.shape_cast %swap3A_1713 : vector<1x1x64x64xf32> to vector<64x64xf32>
    %swap3A_1715 = vector.shape_cast %dot_general3A_1708 : vector<64x64xf32> to vector<1x1x64x64xf32>
    tpu.vector_store %arg5[%swap3A_1709, %swap3A_1710, %swap3A_1711, %swap3A_1712], %swap3A_1715 {strides = array<i32>} : memref<1x64x64x128xf32, #tpu.memory_space<vmem>>, vector<1x1x64x64xf32>,
    %get3A_1716 = arith.constant 3840 : index
    %get3A_1717 = arith.constant 0 : index
    %get3A_1718 = vector.load %arg10[%get3A_1716, %get3A_1717] : memref<4096x128xbf16, #tpu.memory_space<vmem>>, vector<64x128xbf16>
    %get3A_1719 = arith.constant 3840 : index
    %get3A_1720 = arith.constant 0 : index
    %get3A_1721 = vector.load %arg8[%get3A_1719, %get3A_1720] : memref<4160x64xbf16, #tpu.memory_space<vmem>>, vector<128x64xbf16>
    %dot_general3A_1722 = arith.constant dense<0.000000e+00> : vector<64x64xf32>
    %dot_general3A_1723 = tpu.matmul %get3A_1718, %get3A_1721, %dot_general3A_1722 {dimension_numbers = #tpu.dot_dimension_numbers<[1], [0], [0], [1], [0, 0, 1, 1], [], []>, transpose_lhs_hint = false} : vector<64x128xbf16>, vector<128x64xbf16>, vector<64x64xf32> -> vector<64x64xf32>
    %swap3A_1724 = arith.constant 0 : index
    %swap3A_1725 = arith.constant 60 : index
    %swap3A_1726 = arith.constant 0 : index
    %swap3A_1727 = arith.constant 0 : index
    %swap3A_1728 = vector.load %arg5[%swap3A_1724, %swap3A_1725, %swap3A_1726, %swap3A_1727] : memref<1x64x64x128xf32, #tpu.memory_space<vmem>>, vector<1x1x64x64xf32>
    %swap3A_1729 = vector.shape_cast %swap3A_1728 : vector<1x1x64x64xf32> to vector<64x64xf32>
    %swap3A_1730 = vector.shape_cast %dot_general3A_1723 : vector<64x64xf32> to vector<1x1x64x64xf32>
    tpu.vector_store %arg5[%swap3A_1724, %swap3A_1725, %swap3A_1726, %swap3A_1727], %swap3A_1730 {strides = array<i32>} : memref<1x64x64x128xf32, #tpu.memory_space<vmem>>, vector<1x1x64x64xf32>,
    %get3A_1731 = arith.constant 3904 : index
    %get3A_1732 = arith.constant 0 : index
    %get3A_1733 = vector.load %arg10[%get3A_1731, %get3A_1732] : memref<4096x128xbf16, #tpu.memory_space<vmem>>, vector<64x128xbf16>
    %get3A_1734 = arith.constant 3904 : index
    %get3A_1735 = arith.constant 0 : index
    %get3A_1736 = vector.load %arg8[%get3A_1734, %get3A_1735] : memref<4160x64xbf16, #tpu.memory_space<vmem>>, vector<128x64xbf16>
    %dot_general3A_1737 = arith.constant dense<0.000000e+00> : vector<64x64xf32>
    %dot_general3A_1738 = tpu.matmul %get3A_1733, %get3A_1736, %dot_general3A_1737 {dimension_numbers = #tpu.dot_dimension_numbers<[1], [0], [0], [1], [0, 0, 1, 1], [], []>, transpose_lhs_hint = false} : vector<64x128xbf16>, vector<128x64xbf16>, vector<64x64xf32> -> vector<64x64xf32>
    %swap3A_1739 = arith.constant 0 : index
    %swap3A_1740 = arith.constant 61 : index
    %swap3A_1741 = arith.constant 0 : index
    %swap3A_1742 = arith.constant 0 : index
    %swap3A_1743 = vector.load %arg5[%swap3A_1739, %swap3A_1740, %swap3A_1741, %swap3A_1742] : memref<1x64x64x128xf32, #tpu.memory_space<vmem>>, vector<1x1x64x64xf32>
    %swap3A_1744 = vector.shape_cast %swap3A_1743 : vector<1x1x64x64xf32> to vector<64x64xf32>
    %swap3A_1745 = vector.shape_cast %dot_general3A_1738 : vector<64x64xf32> to vector<1x1x64x64xf32>
    tpu.vector_store %arg5[%swap3A_1739, %swap3A_1740, %swap3A_1741, %swap3A_1742], %swap3A_1745 {strides = array<i32>} : memref<1x64x64x128xf32, #tpu.memory_space<vmem>>, vector<1x1x64x64xf32>,
    %get3A_1746 = arith.constant 3968 : index
    %get3A_1747 = arith.constant 0 : index
    %get3A_1748 = vector.load %arg10[%get3A_1746, %get3A_1747] : memref<4096x128xbf16, #tpu.memory_space<vmem>>, vector<64x128xbf16>
    %get3A_1749 = arith.constant 3968 : index
    %get3A_1750 = arith.constant 0 : index
    %get3A_1751 = vector.load %arg8[%get3A_1749, %get3A_1750] : memref<4160x64xbf16, #tpu.memory_space<vmem>>, vector<128x64xbf16>
    %dot_general3A_1752 = arith.constant dense<0.000000e+00> : vector<64x64xf32>
    %dot_general3A_1753 = tpu.matmul %get3A_1748, %get3A_1751, %dot_general3A_1752 {dimension_numbers = #tpu.dot_dimension_numbers<[1], [0], [0], [1], [0, 0, 1, 1], [], []>, transpose_lhs_hint = false} : vector<64x128xbf16>, vector<128x64xbf16>, vector<64x64xf32> -> vector<64x64xf32>
    %swap3A_1754 = arith.constant 0 : index
    %swap3A_1755 = arith.constant 62 : index
    %swap3A_1756 = arith.constant 0 : index
    %swap3A_1757 = arith.constant 0 : index
    %swap3A_1758 = vector.load %arg5[%swap3A_1754, %swap3A_1755, %swap3A_1756, %swap3A_1757] : memref<1x64x64x128xf32, #tpu.memory_space<vmem>>, vector<1x1x64x64xf32>
    %swap3A_1759 = vector.shape_cast %swap3A_1758 : vector<1x1x64x64xf32> to vector<64x64xf32>
    %swap3A_1760 = vector.shape_cast %dot_general3A_1753 : vector<64x64xf32> to vector<1x1x64x64xf32>
    tpu.vector_store %arg5[%swap3A_1754, %swap3A_1755, %swap3A_1756, %swap3A_1757], %swap3A_1760 {strides = array<i32>} : memref<1x64x64x128xf32, #tpu.memory_space<vmem>>, vector<1x1x64x64xf32>,
    %get3A_1761 = arith.constant 4032 : index
    %get3A_1762 = arith.constant 0 : index
    %get3A_1763 = vector.load %arg10[%get3A_1761, %get3A_1762] : memref<4096x128xbf16, #tpu.memory_space<vmem>>, vector<64x128xbf16>
    %get3A_1764 = arith.constant 4032 : index
    %get3A_1765 = arith.constant 0 : index
    %get3A_1766 = vector.load %arg8[%get3A_1764, %get3A_1765] : memref<4160x64xbf16, #tpu.memory_space<vmem>>, vector<128x64xbf16>
    %dot_general3A_1767 = arith.constant dense<0.000000e+00> : vector<64x64xf32>
    %dot_general3A_1768 = tpu.matmul %get3A_1763, %get3A_1766, %dot_general3A_1767 {dimension_numbers = #tpu.dot_dimension_numbers<[1], [0], [0], [1], [0, 0, 1, 1], [], []>, transpose_lhs_hint = false} : vector<64x128xbf16>, vector<128x64xbf16>, vector<64x64xf32> -> vector<64x64xf32>
    %swap3A_1769 = arith.constant 0 : index
    %swap3A_1770 = arith.constant 63 : index
    %swap3A_1771 = arith.constant 0 : index
    %swap3A_1772 = arith.constant 0 : index
    %swap3A_1773 = vector.load %arg5[%swap3A_1769, %swap3A_1770, %swap3A_1771, %swap3A_1772] : memref<1x64x64x128xf32, #tpu.memory_space<vmem>>, vector<1x1x64x64xf32>
    %swap3A_1774 = vector.shape_cast %swap3A_1773 : vector<1x1x64x64xf32> to vector<64x64xf32>
    %swap3A_1775 = vector.shape_cast %dot_general3A_1768 : vector<64x64xf32> to vector<1x1x64x64xf32>
    tpu.vector_store %arg5[%swap3A_1769, %swap3A_1770, %swap3A_1771, %swap3A_1772], %swap3A_1775 {strides = array<i32>} : memref<1x64x64x128xf32, #tpu.memory_space<vmem>>, vector<1x1x64x64xf32>,
    return
  }
  func.func @transform_0(%arg0: i32, %arg1: i32) -> (i32, i32, i32, i32) {
    %c0_i32 = arith.constant 0 : i32
    %c0_i32_0 = arith.constant 0 : i32
    %c0_i32_1 = arith.constant 0 : i32
    return %arg0, %arg1, %c0_i32, %c0_i32_0 : i32, i32, i32, i32
  }
  func.func @transform_1(%arg0: i32, %arg1: i32) -> (i32, i32, i32, i32) {
    %mul3A = arith.constant 64 : i32
    %mul3A_0 = arith.muli %arg1, %mul3A : i32
    %sub3A = arith.constant 1 : i32
    %sub3A_1 = arith.subi %mul3A_0, %sub3A : i32
    %jit3A = arith.constant 512 : i32
    %eq3A = arith.constant 0 : i32
    %eq3A_2 = arith.cmpi eq, %jit3A, %eq3A : i32
    %jit3A_3 = arith.constant 1 : i32
    %select_n3A = arith.select %eq3A_2, %jit3A_3, %jit3A : i32
    %rem3A = arith.remsi %sub3A_1, %select_n3A : i32
    %ne3A = arith.constant 0 : i32
    %ne3A_4 = arith.cmpi ne, %rem3A, %ne3A : i32
    %lt3A = arith.constant 0 : i32
    %lt3A_5 = arith.cmpi slt, %rem3A, %lt3A : i32
    %lt3A_6 = arith.constant 0 : i32
    %lt3A_7 = arith.cmpi slt, %select_n3A, %lt3A_6 : i32
    %ne3A_8 = arith.xori %lt3A_5, %lt3A_7 : i1
    %and3A = arith.andi %ne3A_8, %ne3A_4 : i1
    %add3A = arith.addi %rem3A, %select_n3A : i32
    %select_n3A_9 = arith.select %and3A, %add3A, %rem3A : i32
    %c0_i32 = arith.constant 0 : i32
    %c0_i32_10 = arith.constant 0 : i32
    %c0_i32_11 = arith.constant 0 : i32
    return %arg0, %select_n3A_9, %c0_i32, %c0_i32_10 : i32, i32, i32, i32
  }
  func.func @transform_2(%arg0: i32, %arg1: i32) -> (i32, i32, i32, i32) {
    %c0_i32 = arith.constant 0 : i32
    %c0_i32_0 = arith.constant 0 : i32
    %c0_i32_1 = arith.constant 0 : i32
    return %arg0, %arg1, %c0_i32, %c0_i32_0 : i32, i32, i32, i32
  }
  func.func @transform_3(%arg0: i32, %arg1: i32) -> (i32, i32, i32, i32) {
    %c0_i32 = arith.constant 0 : i32
    %c0_i32_0 = arith.constant 0 : i32
    %c0_i32_1 = arith.constant 0 : i32
    return %arg0, %arg1, %c0_i32, %c0_i32_0 : i32, i32, i32, i32
  }
}

</mosaic_0001>

<sc_bundles>
// kernel: kernel.12.cloned.1.call-start
scs
__scs_entry_jumppad:
0x0: {  	(pc) =	sbr.rel $0x88, $3  }
0x1: {  	(tag) =	ssettag $0x0;
	lr =	simm.s32 $0x1  }
0x2: {  	[smem:$0x3F9E] =	sst lr;
	_ =	strace $0xD0000000  }
0x3: {  	_ = 	snop  }
0x4: {  	_ = 	snop  }
0x5: {  	_ = 	snop  }
0x6: {  	_ = 	snop  }
0x7: {  	_ = 	snop  }
__scs_overlays_trampoline_lowered:
0x8: {  	[smem:$0x3FAD] =	sst s0  }
0x9: {  	[smem:$0x3FAE] =	sst s1  }
0xa: {  	[smem:$0x3FAF] =	sst s2  }
0xb: {  	[smem:$0x3FB0] =	sst s3  }
0xc: {  	[smem:$0x3FB1] =	sst s4  }
0xd: {  	[smem:$0x3FB2] =	sst s5  }
0xe: {  	[smem:$0x3FB3] =	sst s6  }
0xf: {  	[smem:$0x3FB4] =	sst s7  }
0x10: {  	[smem:$0x3FB5] =	sst s8  }
0x11: {  	[smem:$0x3FB6] =	sst s9;
	s0 =	simm.s32 @!p0 $0x0  }
0x12: {  	s1 =	sld [smem:$0x3F9C];
	s0 =	simm.s32 @p0 $0x1  }
0x13: {  	[smem:$0x3FB7] =	sst s0;
	s0 =	simm.s32 @!p1 $0x0  }
0x14: {  	s2 =	sld [smem:$0x3F9B];
	s0 =	simm.s32 @p1 $0x1  }
0x15: {  	[smem:$0x3FB8] =	sst s0;
	s0 =	simm.s32 @!p2 $0x0  }
0x16: {  	s3 =	sld [smem:$0x3FDB];
	s0 =	simm.s32 @p2 $0x1  }
0x17: {  	s4 =	simm.s32 $0x1BF5;
	[smem:$0x3FBA] =	sst s0  }
0x18: {  	s0 =	sld [smem:$0x3F9D];
	_ =	swait.ge [sflag:s4], $0x0  }
0x19: {  	s7 =	sld [smem:$0x3F9E]  }
0x1a: {  	s8 =	sadd.s32 $0xFFFFE003, lr  }
0x1b: {  	s9 =	sadd.s32 $0xFFFFFEF7, lr;
	s5 =	simm.s32 $0xFFFFFFFF;
	p2 =	slt.u32 s8, $0xFFFFF086  }
0x1c: {  	p1 =	slt.u32 s9, $0xF7A;
	s5 =	simm.s32 @!p2 $0x0  }
0x1d: {  	s5 =	simm.s32 @p1 $0x1;
	p0 =	seq.s32 s7, s2  }
0x1e: {  	s7 =	smul.u32 @!p0 $0xF7A, s2;
	p2 =	seq.s32 @!p0 s5, $0x0  }
0x1f: {  	s9 =	smul.u32 $0xF7A, s1;
	s8 =	simm.s32 @!p0 $0x1BF5;
	p2 =	por !p2, p0  }
0x20: {  	[sflag:s8] =	ssyncset.s32 @!p0 $0xFFFFF086;
	s6 =	sadd.s32 @!p0 s3, s7;
	s7 =	simm.s32 @!p0 $0x108  }
0x21: {  	s3 =	sadd.s32 s3, s9;
	s6 =	sadd.s32 @!p0 $0x88, s6;
	s7 =	simm.s32 @p2 $0x1082  }
0x22: {  	[simem:s7], [sflag:s8] =	dma.local @!p0 [hbm:s6], $0xF7A  }
0x23: {  	s9 =	sor.u32 $0xD0000000, s2;
	s6 =	simm.s32 $0x108;
	_ =	swait.ge @!p0 [sflag:s8], $0x0  }
0x24: {  	s3 =	sadd.s32 $0x88, s3;
	s6 =	simm.s32 @!p1 $0x1082;
	[sflag:s4] =	ssyncset.s32 $0xFFFFF086  }
0x25: {  	[simem:s6], [sflag:s4] =	dma.local [hbm:s3], $0xF7A  }
0x26: {  	[smem:$0x3F9E] =	sst s1;
	(tag) =	ssettag s2;
	_ =	strace s9  }
0x27: {  	s1 =	sld [smem:$0x3FAE]  }
0x28: {  	s2 =	sld [smem:$0x3FAF]  }
0x29: {  	s4 =	sld [smem:$0x3FB1]  }
0x2a: {  	p0 =	seq.s32 s5, $0x0;
	s5 =	sld [smem:$0x3FB2]  }
0x2b: {  	s6 =	sld [smem:$0x3FB3]  }
0x2c: {  	s7 =	sld [smem:$0x3FB4]  }
0x2d: {  	s3 =	simm.s32 $0x108;
	s8 =	sld [smem:$0x3FB5]  }
0x2e: {  	s3 =	simm.s32 @!p0 $0x1082;
	s9 =	sld [smem:$0x3FB6]  }
0x2f: {  	lr =	sadd.s32 s0, s3;
	s0 =	sld [smem:$0x3FAD]  }
0x30: {  	s3 =	sld [smem:$0x3FB0]  }
0x31: {  	[smem:$0x3FB9] =	sst s10  }
0x32: {  	s10 =	sld [smem:$0x3FB7];
	_ =	sdelay $0x3  }
0x33: {  	p0 =	seq.s32 s10, $0x1;
	s10 =	sld [smem:$0x3FB9];
	_ =	sdelay $0x3  }
0x34: {  	[smem:$0x3FB9] =	sst s10  }
0x35: {  	s10 =	sld [smem:$0x3FB8];
	_ =	sdelay $0x3  }
0x36: {  	p1 =	seq.s32 s10, $0x1;
	s10 =	sld [smem:$0x3FB9];
	_ =	sdelay $0x3  }
0x37: {  	[smem:$0x3FB9] =	sst s10  }
0x38: {  	s10 =	sld [smem:$0x3FBA]  }
0x39: {  	_ = 	snop;
	(pc) =	sbr.ind lr, $3  }
0x3a: {  	_ = 	snop  }
0x3b: {  	_ = 	snop  }
0x3c: {  	p2 =	seq.s32 s10, $0x1;
	s10 =	sld [smem:$0x3FB9]  }
0x3d: {  	_ =	shalt  }
0x3e: {  	_ =	shalt  }
0x3f: {  	_ =	shalt  }
0x40: {  	_ =	shalt  }
0x41: {  	_ =	shalt  }
0x42: {  	_ =	shalt  }
0x43: {  	_ =	shalt  }
0x44: {  	_ =	shalt  }
0x45: {  	_ =	shalt  }
0x46: {  	_ =	shalt  }
0x47: {  	_ =	shalt  }
0x48: {  	_ =	shalt  }
0x49: {  	_ =	shalt  }
0x4a: {  	_ =	shalt  }
0x4b: {  	_ =	shalt  }
0x4c: {  	_ =	shalt  }
0x4d: {  	_ =	shalt  }
0x4e: {  	_ =	shalt  }
0x4f: {  	_ =	shalt  }
0x50: {  	_ =	shalt  }
0x51: {  	_ =	shalt  }
0x52: {  	_ =	shalt  }
0x53: {  	_ =	shalt  }
0x54: {  	_ =	shalt  }
0x55: {  	_ =	shalt  }
0x56: {  	_ =	shalt  }
0x57: {  	_ =	shalt  }
0x58: {  	_ =	shalt  }
0x59: {  	_ =	shalt  }
0x5a: {  	_ =	shalt  }
0x5b: {  	_ =	shalt  }
0x5c: {  	_ =	shalt  }
0x5d: {  	_ =	shalt  }
0x5e: {  	_ =	shalt  }
0x5f: {  	_ =	shalt  }
0x60: {  	_ =	shalt  }
0x61: {  	_ =	shalt  }
0x62: {  	_ =	shalt  }
0x63: {  	_ =	shalt  }
0x64: {  	_ =	shalt  }
0x65: {  	_ =	shalt  }
0x66: {  	_ =	shalt  }
0x67: {  	_ =	shalt  }
0x68: {  	_ =	shalt  }
0x69: {  	_ =	shalt  }
0x6a: {  	_ =	shalt  }
0x6b: {  	_ =	shalt  }
0x6c: {  	_ =	shalt  }
0x6d: {  	_ =	shalt  }
0x6e: {  	_ =	shalt  }
0x6f: {  	_ =	shalt  }
0x70: {  	_ =	shalt  }
0x71: {  	_ =	shalt  }
0x72: {  	_ =	shalt  }
0x73: {  	_ =	shalt  }
0x74: {  	_ =	shalt  }
0x75: {  	_ =	shalt  }
0x76: {  	_ =	shalt  }
0x77: {  	_ =	shalt  }
0x78: {  	_ =	shalt  }
0x79: {  	_ =	shalt  }
0x7a: {  	_ =	shalt  }
0x7b: {  	_ =	shalt  }
0x7c: {  	_ =	shalt  }
0x7d: {  	_ =	shalt  }
0x7e: {  	_ =	shalt  }
0x7f: {  	_ =	shalt  }
0x80: {  	_ =	shalt  }
0x81: {  	_ =	shalt  }
0x82: {  	_ =	shalt  }
0x83: {  	_ =	shalt  }
0x84: {  	_ =	shalt  }
0x85: {  	_ =	shalt  }
0x86: {  	_ =	shalt  }
0x87: {  	_ =	shalt  }
.Lfunc_end0:
.L_simem_size_0:
called_computation_lowered:
.L_overlay_start_0:
0x88: {  	s2 =	sld [smem:$0x3FD9]  }
0x89: {  	s3 =	sld [smem:$0x3FFE];
	_ =	sdelay $0x1  }
0x8a: {  	s1 =	srdreg.scid  }
0x8b: {  	s0 =	sand.u32 $0x1, s1  }
0x8c: {  	s16 =	sshll.u32 s0, $0xA;
	s2 =	sadd.s32 s3, s2  }
0x8d: {  	s2 =	sadd.s32 s2, s16  }
0x8e: {  	[smem:$0x3FC5] =	sst s2  }
0x8f: {  	_ = 	snop  }
0x90: {  	(tm) =	ssettm $0x1  }
0x91: {  	s17 =	sld [smem:$0x3FFB];
	_ =	sdelay $0x3  }
0x92: {  	_ =	strace s17  }
0x93: {  	s2 =	sld [smem:$0x3FFC];
	_ =	sdelay $0x3  }
0x94: {  	_ =	strace s2  }
0x95: {  	s2 =	sld [smem:$0x3FFD];
	_ =	sdelay $0x3  }
0x96: {  	_ =	strace s2  }
0x97: {  	_ =	strace $0x8FFFFFFF  }
0x98: {  	s18 =	sld [smem:$0x3FDB];
	_ =	sdelay $0x1  }
0x99: {  	s19 =	simm.s32 $_scs_section_size  }
0x9a: {  	s4 =	simm.s32 $_size__tile_overlayer_lowered;
	s5 =	simm.s32 $_tile_overlayer_lowered  }
0x9b: {  	s22 =	simm.s32 $0x1BFF;
	s21 =	sshll.u32 s5, $0x1;
	s2 =	sadd.s32 s19, s18  }
0x9c: {  	s6 =	simm.s32 $0x0;
	s20 =	sshll.u32 s4, $0x1;
	s4 =	sadd.s32 s21, s2  }
0x9d: {  	[timem:s6], [sflag:s22] =	dma.local [hbm:s4], s20  }
0x9e: {  	_ =	swait.ge [sflag:s22], s20  }
0x9f: {  	s3 =	ssub.s32 $0x0, s20;
	[sflag:s22] =	ssyncset.done $0x0  }
0xa0: {  	[sflag:s22] =	ssyncadd.s32 s3;
	_ =	sdelay $0x1  }
0xa1: {  	s23 =	simm.s32 $0x1B8B  }
0xa2: {  	_ =	swait.ge [sflag:s23], $0x1  }
0xa3: {  	[sflag:s23] =	ssyncset.done $0x0  }
0xa4: {  	s25 =	simm.s32 $0x1B8E;
	s24 =	sld [smem:$0x3FFE];
	[sflag:s23] =	ssyncadd.s32 $0xFFFFFFFF  }
0xa5: {  	s26 =	simm.s32 $execute0_lowered;
	[smem:$0x3FD2] =	sst s25  }
0xa6: {  	s4 =	sshll.u32 s26, $0x1;
	_ =	strace $0x80000046;
	[dreg:$0x1] =	wrdreg $0xFFFFFFFF  }
0xa7: {  	s28 =	simm.s32 $_size_execute0_lowered;
	s2 =	sadd.s32 s2, s4;
	[dreg:$0x0] =	wrdreg $0x0  }
0xa8: {  	s4 =	sshll.u32 s28, $0x1;
	[dreg:$0x2] =	wrdreg s2  }
0xa9: {  	[dreg:$0x3] =	wrdreg s4  }
0xaa: {  	[dreg:$0x4] =	wrdreg $0xC0  }
0xab: {  	_ =	task [dreg:s6], $0x5FFFF  }
0xac: {  	[dreg:$0x1] =	wrdreg $0xFFFFFFFF  }
0xad: {  	[dreg:$0x0] =	wrdreg $0x60  }
0xae: {  	[dreg:$0x2] =	wrdreg s24  }
0xaf: {  	[dreg:$0x3] =	wrdreg $0xA  }
0xb0: {  	_ =	task.clear_ibuf [dreg:s6], $0x4FFFF;
	_ =	strace $0x90000046  }
0xb1: {  	s29 =	simm.s32 $0xA;
	_ =	strace $0x80000048  }
0xb2: {  	_ =	swait.ge [sflag:s29], $0x1  }
0xb3: {  	[sflag:s29] =	ssyncadd.s32 $0xFFFFFFFF  }
0xb4: {  	_ =	strace $0x90000048  }
0xb5: {  	_ =	sfence  }
0xb6: {  	s30 =	sld [smem:$0x0];
	_ =	sdelay $0x2  }
0xb7: {  	s31 =	sshll.u32 s1, $0xD;
	s1 =	sshrl.u32 s1, $0x2  }
0xb8: {  	s3 =	sand.u32 $0x4000, s31;
	s1 =	sadd.s32 s1, s30  }
0xb9: {  	s0 =	sor.u32 s3, s0;
	s1 =	sshll.u32 s1, $0x11  }
0xba: {  	s0 =	sor.u32 s1, s0  }
0xbb: {  	s0 =	sadd.s32 $0x8F2B, s0  }
0xbc: {  	[sflag:s0] =	ssyncadd.remote.s32 $0x1  }
0xbd: {  	_ =	sfence.sel $0xFFFF  }
0xbe: {  	[dreg:$0x0] =	wrdreg $0xFFFFFFFF;
	(pc) =	sbr.abs _section_cstart, $3  }
0xbf: {  	[dreg:$0x1] =	wrdreg $0xFFFFFFFF  }
0xc0: {  	_ =	task.clear_ibuf [dreg:s6], $0x2FFFF;
	_ =	strace $0x9FFFFFFF  }
0xc1: {  	(tm) =	ssettm $0x7FFFFFFF  }
tec
execute0_lowered:
.L_overlay_start_1:
0x0: {  	(tag) =	ssettag $0x1  }
0x1: {  	s4 =	rddreg [dreg:$0x0];
	s1 =	stileid.u32  }
0x2: {  	s0 =	rddreg [dreg:$0x1];
	s2 =	simm.s32 $0x0;
	s5 =	srdreg.scid  }
0x3: {  	s11 =	simm.s32 $0x0;
	s7 =	sshrl.u32 s1, $0x2;
	[smem:$0x7FF] =	sst s2  }
0x4: {  	s5 =	sand.u32 $0x1, s5;
	s9 =	sshll.u32 s1, $0xA;
	s3 =	sshll.u32 s7, $0x10  }
0x5: {  	_ =	strace $0x80000047;
	s8 =	ssub.s32 $0x2, s5;
	s5 =	sshll.u32 s5, $0x9  }
0x6: {  	s9 =	sand.u32 $0xC00, s9;
	s7 =	sshll.u32 s7, $0xF;
	s6 =	sadd.s32 s3, s4  }
0x7: {  	s3 =	sadd.s32 $0x4A800, s4;
	s10 =	sshrl.u32 s8, $0x1;
	s4 =	sadd.s32 $0x4E800, s4  }
0x8: {  	s5 =	sor.u32 s5, s9;
	s9 =	simm.s32 $0x1;
	s8 =	ssub.s32 s8, s10  }
0x9: {  	s6 =	sadd.s32 $0x2800, s6;
	s10 =	simm.s32 $0x8000;
	s8 =	smax.u32 s8, $0x1  }
.LBB2_1:
0xa: {  	p0 =	por $0x1, $0x1;
	s12 =	simm.s32 $0x0  }
.LBB2_2:
0xb: {  	s12 =	sor.u32 s5, s12  }
0xc: {  	s13 =	sshll.u32 s12, $0x4  }
0xd: {  	s13 =	sadd.s32 s13, s6  }
0xe: {  	[tilespmem:s2], [sflag:$0x1] =	stream.linear.gather [hbm4b:s13+s2], $0x8000, $0x38;
	[tilespmem:$0x8100] =	vst v63  }
0xf: {  	s12 =	sor.u32 s7, s12;
	_ =	swait.ge [sflag:s9], $0x8000  }
0x10: {  	s25 =	sshrl.u32 s12, $0x3;
	[sflag:s9] =	ssyncset.done $0x0  }
0x11: {  	s12 =	sadd.s32 s3, s25;
	[sflag:s9] =	ssyncadd.s32 $0xFFFF8000  }
0x12: {  	[tilespmem:s10], [sflag:$0x1] =	stream.linear.gather [hbm4b:s12+s2], $0x100, $0x38;
	[tilespmem:$0x8100] =	vst v63  }
0x13: {  	_ =	swait.ge [sflag:s9], $0x100  }
0x14: {  	[sflag:s9] =	ssyncset.done $0x0  }
0x15: {  	s12 =	simm.s32 $0x100;
	[sflag:s9] =	ssyncadd.s32 $0xFFFFFF00  }
0x16: {  	[hbm4b:s4+s12] =	stream.indirect.scatter [tilespmem:s2], [sflag:$0x1], $0x80, s10, s12, $0xb8;
	[tilespmem:$0x8100] =	vst v63  }
0x17: {  	_ =	swait.ge [sflag:s9], $0x8000  }
0x18: {  	s14 =	sor.u32 $0x200, s25;
	[sflag:s9] =	ssyncset.done $0x0  }
0x19: {  	s14 =	sadd.s32 s3, s14;
	[sflag:s9] =	ssyncadd.s32 $0xFFFF8000  }
0x1a: {  	[tilespmem:s10], [sflag:$0x1] =	stream.linear.gather [hbm4b:s14+s2], $0x100, $0x38;
	[tilespmem:$0x8100] =	vst v63  }
0x1b: {  	_ =	swait.ge [sflag:s9], $0x100  }
0x1c: {  	[sflag:s9] =	ssyncset.done $0x0  }
0x1d: {  	[sflag:s9] =	ssyncadd.s32 $0xFFFFFF00  }
0x1e: {  	[hbm4b:s4+s12] =	stream.indirect.scatter [tilespmem:s2], [sflag:$0x1], $0x80, s10, s12, $0xb8;
	[tilespmem:$0x8100] =	vst v63  }
0x1f: {  	_ =	swait.ge [sflag:s9], $0x8000  }
0x20: {  	s26 =	sor.u32 $0x400, s25;
	[sflag:s9] =	ssyncset.done $0x0  }
0x21: {  	s14 =	sadd.s32 s3, s26;
	[sflag:s9] =	ssyncadd.s32 $0xFFFF8000  }
0x22: {  	[tilespmem:s10], [sflag:$0x1] =	stream.linear.gather [hbm4b:s14+s2], $0x100, $0x38;
	[tilespmem:$0x8100] =	vst v63  }
0x23: {  	_ =	swait.ge [sflag:s9], $0x100  }
0x24: {  	[sflag:s9] =	ssyncset.done $0x0  }
0x25: {  	[sflag:s9] =	ssyncadd.s32 $0xFFFFFF00  }
0x26: {  	[hbm4b:s4+s12] =	stream.indirect.scatter [tilespmem:s2], [sflag:$0x1], $0x80, s10, s12, $0xb8;
	[tilespmem:$0x8100] =	vst v63  }
0x27: {  	_ =	swait.ge [sflag:s9], $0x8000  }
0x28: {  	s28 =	sor.u32 $0x600, s25;
	[sflag:s9] =	ssyncset.done $0x0  }
0x29: {  	s14 =	sadd.s32 s3, s28;
	[sflag:s9] =	ssyncadd.s32 $0xFFFF8000  }
0x2a: {  	[tilespmem:s10], [sflag:$0x1] =	stream.linear.gather [hbm4b:s14+s2], $0x100, $0x38;
	[tilespmem:$0x8100] =	vst v63  }
0x2b: {  	_ =	swait.ge [sflag:s9], $0x100  }
0x2c: {  	[sflag:s9] =	ssyncset.done $0x0  }
0x2d: {  	[sflag:s9] =	ssyncadd.s32 $0xFFFFFF00  }
0x2e: {  	[hbm4b:s4+s12] =	stream.indirect.scatter [tilespmem:s2], [sflag:$0x1], $0x80, s10, s12, $0xb8;
	[tilespmem:$0x8100] =	vst v63  }
0x2f: {  	_ =	swait.ge [sflag:s9], $0x8000  }
0x30: {  	s29 =	sor.u32 $0x800, s25;
	[sflag:s9] =	ssyncset.done $0x0  }
0x31: {  	s14 =	sadd.s32 s3, s29;
	[sflag:s9] =	ssyncadd.s32 $0xFFFF8000  }
0x32: {  	[tilespmem:s10], [sflag:$0x1] =	stream.linear.gather [hbm4b:s14+s2], $0x100, $0x38;
	[tilespmem:$0x8100] =	vst v63  }
0x33: {  	_ =	swait.ge [sflag:s9], $0x100  }
0x34: {  	[sflag:s9] =	ssyncset.done $0x0  }
0x35: {  	[sflag:s9] =	ssyncadd.s32 $0xFFFFFF00  }
0x36: {  	[hbm4b:s4+s12] =	stream.indirect.scatter [tilespmem:s2], [sflag:$0x1], $0x80, s10, s12, $0xb8;
	[tilespmem:$0x8100] =	vst v63  }
0x37: {  	_ =	swait.ge [sflag:s9], $0x8000  }
0x38: {  	s30 =	sor.u32 $0xA00, s25;
	[sflag:s9] =	ssyncset.done $0x0  }
0x39: {  	s14 =	sadd.s32 s3, s30;
	[sflag:s9] =	ssyncadd.s32 $0xFFFF8000  }
0x3a: {  	[tilespmem:s10], [sflag:$0x1] =	stream.linear.gather [hbm4b:s14+s2], $0x100, $0x38;
	[tilespmem:$0x8100] =	vst v63  }
0x3b: {  	_ =	swait.ge [sflag:s9], $0x100  }
0x3c: {  	[sflag:s9] =	ssyncset.done $0x0  }
0x3d: {  	[sflag:s9] =	ssyncadd.s32 $0xFFFFFF00  }
0x3e: {  	[hbm4b:s4+s12] =	stream.indirect.scatter [tilespmem:s2], [sflag:$0x1], $0x80, s10, s12, $0xb8;
	[tilespmem:$0x8100] =	vst v63  }
0x3f: {  	_ =	swait.ge [sflag:s9], $0x8000  }
0x40: {  	s31 =	sor.u32 $0xC00, s25;
	[sflag:s9] =	ssyncset.done $0x0  }
0x41: {  	s14 =	sadd.s32 s3, s31;
	[sflag:s9] =	ssyncadd.s32 $0xFFFF8000  }
0x42: {  	[tilespmem:s10], [sflag:$0x1] =	stream.linear.gather [hbm4b:s14+s2], $0x100, $0x38;
	[tilespmem:$0x8100] =	vst v63  }
0x43: {  	_ =	swait.ge [sflag:s9], $0x100  }
0x44: {  	[sflag:s9] =	ssyncset.done $0x0  }
0x45: {  	[sflag:s9] =	ssyncadd.s32 $0xFFFFFF00  }
0x46: {  	[hbm4b:s4+s12] =	stream.indirect.scatter [tilespmem:s2], [sflag:$0x1], $0x80, s10, s12, $0xb8;
	[tilespmem:$0x8100] =	vst v63  }
0x47: {  	_ =	swait.ge [sflag:s9], $0x8000  }
0x48: {  	s13 =	sor.u32 $0xE00, s25;
	[sflag:s9] =	ssyncset.done $0x0  }
0x49: {  	s13 =	sadd.s32 s3, s13;
	[sflag:s9] =	ssyncadd.s32 $0xFFFF8000  }
0x4a: {  	[tilespmem:s10], [sflag:$0x1] =	stream.linear.gather [hbm4b:s13+s2], $0x100, $0x38;
	[tilespmem:$0x8100] =	vst v63  }
0x4b: {  	_ =	swait.ge [sflag:s9], $0x100  }
0x4c: {  	p1 =	por p0, p0;
	[sflag:s9] =	ssyncset.done $0x0  }
.Ltmp0:
0x4d: {  	[sflag:s9] =	ssyncadd.s32 $0xFFFFFF00;
	(pc) =	sbr.rel @p1 .LBB2_2-.Ltmp0, $4  }
0x4e: {  	[hbm4b:s4+s12] =	stream.indirect.scatter [tilespmem:s2], [sflag:$0x1], $0x80, s10, s12, $0xb8;
	[tilespmem:$0x8100] =	vst v63  }
0x4f: {  	_ =	swait.ge [sflag:s9], $0x8000  }
0x50: {  	[sflag:s9] =	ssyncset.done $0x0  }
0x51: {  	p0 =	por $0x0, $0x0;
	[sflag:s9] =	ssyncadd.s32 $0xFFFF8000  }
0x52: {  	s11 =	sadd.s32 $0x1, s11  }
0x53: {  	p0 =	sne.s32 s11, s8  }
.Ltmp1:
0x54: {  	_ = 	snop;
	(pc) =	sbr.rel @p0 .LBB2_1-.Ltmp1, $1  }
0x55: {  	_ =	sdelay $0x3  }
0x56: {  	_ =	sfence.sel $0x180000  }
0x57: {  	[bflag:$0x0] =	sbarrier.arrive $0xFFFF  }
0x58: {  	p0 =	sne.s32 s1, $0x0;
	_ =	strace $0x90000047  }
0x59: {  	s0 =	sadd.s32 @!p0 $0x100000, s0;
	[bflag:$0x2] =	sbarrier.arrive $0xFFFF  }
0x5a: {  	[sflag:s0] =	ssyncadd.tile.s32 @!p0 $0x1;
	_ =	shalt  }
.Lfunc_end2:
_tile_overlayer_lowered:
.L_overlay_start_2:
0x5b: {  	(tag) =	ssettag $0x2  }
0x5c: {  	s0 =	rddreg [dreg:$0x0];
	s2 =	stileid.u32  }
0x5d: {  	s1 =	rddreg [dreg:$0x1];
	p0 =	sne.s32 s2, $0x0  }
0x5e: {  	s3 =	rddreg [dreg:$0x2];
	[bflag:$0x3] =	sbarrier.arrive $0xFFFF;
	s2 =	simm.s32 @!p0 $0x1C01  }
0x5f: {  	[timem:s3], [sflag:s2] =	dma.local @!p0 [hbm:s0], s1  }
0x60: {  	s0 =	simm.s32 @!p0 $0x1  }
0x61: {  	_ =	swait.ge @!p0 [sflag:s0], s1  }
0x62: {  	s1 =	ssub.s32 @!p0 $0x0, s1;
	[sflag:s0] =	ssyncset.done @!p0 $0x0  }
0x63: {  	[sflag:s0] =	ssyncadd.s32 @!p0 s1  }
0x64: {  	[bflag:$0x3] =	sbarrier.arrive $0xFFFF  }
0x65: {  	_ =	shalt  }

// kernel: kernel.15.cloned.1.call-start
scs
__scs_entry_jumppad:
0x0: {  	(pc) =	sbr.rel $0x88, $3  }
0x1: {  	(tag) =	ssettag $0x0;
	lr =	simm.s32 $0x1  }
0x2: {  	[smem:$0x3F9E] =	sst lr;
	_ =	strace $0xD0000000  }
0x3: {  	_ = 	snop  }
0x4: {  	_ = 	snop  }
0x5: {  	_ = 	snop  }
0x6: {  	_ = 	snop  }
0x7: {  	_ = 	snop  }
__scs_overlays_trampoline_lowered:
0x8: {  	[smem:$0x3FAD] =	sst s0  }
0x9: {  	[smem:$0x3FAE] =	sst s1  }
0xa: {  	[smem:$0x3FAF] =	sst s2  }
0xb: {  	[smem:$0x3FB0] =	sst s3  }
0xc: {  	[smem:$0x3FB1] =	sst s4  }
0xd: {  	[smem:$0x3FB2] =	sst s5  }
0xe: {  	[smem:$0x3FB3] =	sst s6  }
0xf: {  	[smem:$0x3FB4] =	sst s7  }
0x10: {  	[smem:$0x3FB5] =	sst s8  }
0x11: {  	[smem:$0x3FB6] =	sst s9;
	s0 =	simm.s32 @!p0 $0x0  }
0x12: {  	s1 =	sld [smem:$0x3F9C];
	s0 =	simm.s32 @p0 $0x1  }
0x13: {  	[smem:$0x3FB7] =	sst s0;
	s0 =	simm.s32 @!p1 $0x0  }
0x14: {  	s2 =	sld [smem:$0x3F9B];
	s0 =	simm.s32 @p1 $0x1  }
0x15: {  	[smem:$0x3FB8] =	sst s0;
	s0 =	simm.s32 @!p2 $0x0  }
0x16: {  	s3 =	sld [smem:$0x3FDB];
	s0 =	simm.s32 @p2 $0x1  }
0x17: {  	s4 =	simm.s32 $0x1BF5;
	[smem:$0x3FBA] =	sst s0  }
0x18: {  	s0 =	sld [smem:$0x3F9D];
	_ =	swait.ge [sflag:s4], $0x0  }
0x19: {  	s7 =	sld [smem:$0x3F9E]  }
0x1a: {  	s8 =	sadd.s32 $0xFFFFE003, lr  }
0x1b: {  	s9 =	sadd.s32 $0xFFFFFEF7, lr;
	s5 =	simm.s32 $0xFFFFFFFF;
	p2 =	slt.u32 s8, $0xFFFFF086  }
0x1c: {  	p1 =	slt.u32 s9, $0xF7A;
	s5 =	simm.s32 @!p2 $0x0  }
0x1d: {  	s5 =	simm.s32 @p1 $0x1;
	p0 =	seq.s32 s7, s2  }
0x1e: {  	s7 =	smul.u32 @!p0 $0xF7A, s2;
	p2 =	seq.s32 @!p0 s5, $0x0  }
0x1f: {  	s9 =	smul.u32 $0xF7A, s1;
	s8 =	simm.s32 @!p0 $0x1BF5;
	p2 =	por !p2, p0  }
0x20: {  	[sflag:s8] =	ssyncset.s32 @!p0 $0xFFFFF086;
	s6 =	sadd.s32 @!p0 s3, s7;
	s7 =	simm.s32 @!p0 $0x108  }
0x21: {  	s3 =	sadd.s32 s3, s9;
	s6 =	sadd.s32 @!p0 $0x88, s6;
	s7 =	simm.s32 @p2 $0x1082  }
0x22: {  	[simem:s7], [sflag:s8] =	dma.local @!p0 [hbm:s6], $0xF7A  }
0x23: {  	s9 =	sor.u32 $0xD0000000, s2;
	s6 =	simm.s32 $0x108;
	_ =	swait.ge @!p0 [sflag:s8], $0x0  }
0x24: {  	s3 =	sadd.s32 $0x88, s3;
	s6 =	simm.s32 @!p1 $0x1082;
	[sflag:s4] =	ssyncset.s32 $0xFFFFF086  }
0x25: {  	[simem:s6], [sflag:s4] =	dma.local [hbm:s3], $0xF7A  }
0x26: {  	[smem:$0x3F9E] =	sst s1;
	(tag) =	ssettag s2;
	_ =	strace s9  }
0x27: {  	s1 =	sld [smem:$0x3FAE]  }
0x28: {  	s2 =	sld [smem:$0x3FAF]  }
0x29: {  	s4 =	sld [smem:$0x3FB1]  }
0x2a: {  	p0 =	seq.s32 s5, $0x0;
	s5 =	sld [smem:$0x3FB2]  }
0x2b: {  	s6 =	sld [smem:$0x3FB3]  }
0x2c: {  	s7 =	sld [smem:$0x3FB4]  }
0x2d: {  	s3 =	simm.s32 $0x108;
	s8 =	sld [smem:$0x3FB5]  }
0x2e: {  	s3 =	simm.s32 @!p0 $0x1082;
	s9 =	sld [smem:$0x3FB6]  }
0x2f: {  	lr =	sadd.s32 s0, s3;
	s0 =	sld [smem:$0x3FAD]  }
0x30: {  	s3 =	sld [smem:$0x3FB0]  }
0x31: {  	[smem:$0x3FB9] =	sst s10  }
0x32: {  	s10 =	sld [smem:$0x3FB7];
	_ =	sdelay $0x3  }
0x33: {  	p0 =	seq.s32 s10, $0x1;
	s10 =	sld [smem:$0x3FB9];
	_ =	sdelay $0x3  }
0x34: {  	[smem:$0x3FB9] =	sst s10  }
0x35: {  	s10 =	sld [smem:$0x3FB8];
	_ =	sdelay $0x3  }
0x36: {  	p1 =	seq.s32 s10, $0x1;
	s10 =	sld [smem:$0x3FB9];
	_ =	sdelay $0x3  }
0x37: {  	[smem:$0x3FB9] =	sst s10  }
0x38: {  	s10 =	sld [smem:$0x3FBA]  }
0x39: {  	_ = 	snop;
	(pc) =	sbr.ind lr, $3  }
0x3a: {  	_ = 	snop  }
0x3b: {  	_ = 	snop  }
0x3c: {  	p2 =	seq.s32 s10, $0x1;
	s10 =	sld [smem:$0x3FB9]  }
0x3d: {  	_ =	shalt  }
0x3e: {  	_ =	shalt  }
0x3f: {  	_ =	shalt  }
0x40: {  	_ =	shalt  }
0x41: {  	_ =	shalt  }
0x42: {  	_ =	shalt  }
0x43: {  	_ =	shalt  }
0x44: {  	_ =	shalt  }
0x45: {  	_ =	shalt  }
0x46: {  	_ =	shalt  }
0x47: {  	_ =	shalt  }
0x48: {  	_ =	shalt  }
0x49: {  	_ =	shalt  }
0x4a: {  	_ =	shalt  }
0x4b: {  	_ =	shalt  }
0x4c: {  	_ =	shalt  }
0x4d: {  	_ =	shalt  }
0x4e: {  	_ =	shalt  }
0x4f: {  	_ =	shalt  }
0x50: {  	_ =	shalt  }
0x51: {  	_ =	shalt  }
0x52: {  	_ =	shalt  }
0x53: {  	_ =	shalt  }
0x54: {  	_ =	shalt  }
0x55: {  	_ =	shalt  }
0x56: {  	_ =	shalt  }
0x57: {  	_ =	shalt  }
0x58: {  	_ =	shalt  }
0x59: {  	_ =	shalt  }
0x5a: {  	_ =	shalt  }
0x5b: {  	_ =	shalt  }
0x5c: {  	_ =	shalt  }
0x5d: {  	_ =	shalt  }
0x5e: {  	_ =	shalt  }
0x5f: {  	_ =	shalt  }
0x60: {  	_ =	shalt  }
0x61: {  	_ =	shalt  }
0x62: {  	_ =	shalt  }
0x63: {  	_ =	shalt  }
0x64: {  	_ =	shalt  }
0x65: {  	_ =	shalt  }
0x66: {  	_ =	shalt  }
0x67: {  	_ =	shalt  }
0x68: {  	_ =	shalt  }
0x69: {  	_ =	shalt  }
0x6a: {  	_ =	shalt  }
0x6b: {  	_ =	shalt  }
0x6c: {  	_ =	shalt  }
0x6d: {  	_ =	shalt  }
0x6e: {  	_ =	shalt  }
0x6f: {  	_ =	shalt  }
0x70: {  	_ =	shalt  }
0x71: {  	_ =	shalt  }
0x72: {  	_ =	shalt  }
0x73: {  	_ =	shalt  }
0x74: {  	_ =	shalt  }
0x75: {  	_ =	shalt  }
0x76: {  	_ =	shalt  }
0x77: {  	_ =	shalt  }
0x78: {  	_ =	shalt  }
0x79: {  	_ =	shalt  }
0x7a: {  	_ =	shalt  }
0x7b: {  	_ =	shalt  }
0x7c: {  	_ =	shalt  }
0x7d: {  	_ =	shalt  }
0x7e: {  	_ =	shalt  }
0x7f: {  	_ =	shalt  }
0x80: {  	_ =	shalt  }
0x81: {  	_ =	shalt  }
0x82: {  	_ =	shalt  }
0x83: {  	_ =	shalt  }
0x84: {  	_ =	shalt  }
0x85: {  	_ =	shalt  }
0x86: {  	_ =	shalt  }
0x87: {  	_ =	shalt  }
.Lfunc_end0:
.L_simem_size_0:
called_computation.1_lowered:
.L_overlay_start_0:
0x88: {  	s2 =	sld [smem:$0x3FD9]  }
0x89: {  	s3 =	sld [smem:$0x3FFE];
	_ =	sdelay $0x1  }
0x8a: {  	s1 =	srdreg.scid  }
0x8b: {  	s0 =	sand.u32 $0x1, s1  }
0x8c: {  	s17 =	sshll.u32 s0, $0xA;
	s2 =	sadd.s32 s3, s2  }
0x8d: {  	s2 =	sadd.s32 s2, s17  }
0x8e: {  	[smem:$0x3FC5] =	sst s2  }
0x8f: {  	_ = 	snop  }
0x90: {  	s18 =	sld [smem:$0x3FD0];
	(tm) =	ssettm $0x1  }
0x91: {  	s19 =	sld [smem:$0x3FFB];
	_ =	sdelay $0x3  }
0x92: {  	_ =	strace s19  }
0x93: {  	s2 =	sld [smem:$0x3FFC];
	_ =	sdelay $0x3  }
0x94: {  	_ =	strace s2  }
0x95: {  	s2 =	sld [smem:$0x3FFD];
	_ =	sdelay $0x3  }
0x96: {  	_ =	strace s2  }
0x97: {  	_ =	strace $0x8FFFFFFF  }
0x98: {  	s20 =	sld [smem:$0x3FDB];
	_ =	sdelay $0x1  }
0x99: {  	s4 =	simm.s32 $_scs_section_size  }
0x9a: {  	s5 =	simm.s32 $_size__tile_overlayer_lowered;
	s6 =	simm.s32 $_tile_overlayer_lowered  }
0x9b: {  	s7 =	simm.s32 $0x1BFF;
	s21 =	sshll.u32 s6, $0x1;
	s4 =	sadd.s32 s4, s20  }
0x9c: {  	s22 =	simm.s32 $0x0;
	s5 =	sshll.u32 s5, $0x1;
	s6 =	sadd.s32 s21, s4  }
0x9d: {  	[timem:s22], [sflag:s7] =	dma.local [hbm:s6], s5  }
0x9e: {  	_ =	swait.ge [sflag:s7], s5  }
0x9f: {  	s5 =	ssub.s32 $0x0, s5;
	[sflag:s7] =	ssyncset.done $0x0  }
0xa0: {  	[sflag:s7] =	ssyncadd.s32 s5;
	_ =	sdelay $0x1  }
0xa1: {  	s23 =	simm.s32 $0x1B8B  }
0xa2: {  	_ =	swait.ge [sflag:s23], $0x1  }
0xa3: {  	[sflag:s23] =	ssyncset.done $0x0  }
0xa4: {  	[sflag:s23] =	ssyncadd.s32 $0xFFFFFFFF  }
0xa5: {  	s5 =	sld [smem:$0x0]  }
0xa6: {  	s6 =	sand.u32 $0xFFFFFFFE, s1  }
0xa7: {  	p0 =	sne.s32 s1, s6  }
0xa8: {  	s6 =	sshll.u32 @p0 s6, $0xE  }
0xa9: {  	s6 =	sadd.s32 @p0 $0x11B8D, s6;
	s7 =	sshll.u32 @p0 s5, $0x11  }
0xaa: {  	s6 =	sor.u32 @p0 s7, s6  }
0xab: {  	[sflag:s6] =	ssyncadd.remote.s32 @p0 $0x1;
	_ =	sdelay $0x1  }
0xac: {  	s6 =	simm.s32 @p0 $0x1B8D  }
0xad: {  	_ =	swait.eq @p0 [sflag:s6], $0x1  }
0xae: {  	[sflag:s6] =	ssyncadd.s32 @p0 $0xFFFFFFFF  }
0xaf: {  	s7 =	sshll.u32 @!p0 s1, $0xE  }
0xb0: {  	s7 =	sor.u32 @!p0 $0x4000, s7;
	s6 =	simm.s32 @!p0 $0x1B8D  }
0xb1: {  	s5 =	sshll.u32 @!p0 s5, $0x11;
	s7 =	sadd.s32 @!p0 $0x11B8D, s7;
	_ =	swait.eq @!p0 [sflag:s6], $0x1  }
0xb2: {  	s5 =	sor.u32 @!p0 s5, s7;
	[sflag:s6] =	ssyncadd.s32 @!p0 $0xFFFFFFFF  }
0xb3: {  	s25 =	simm.s32 $0x1B8E;
	s24 =	sld [smem:$0x3FFE];
	[sflag:s5] =	ssyncadd.remote.s32 @!p0 $0x1  }
0xb4: {  	s26 =	simm.s32 $execute0_lowered;
	[smem:$0x3FD2] =	sst s25  }
0xb5: {  	s6 =	sshll.u32 s26, $0x1;
	_ =	strace $0x80000049;
	[dreg:$0x1] =	wrdreg $0xFFFFFFFF  }
0xb6: {  	s28 =	simm.s32 $_size_execute0_lowered;
	s4 =	sadd.s32 s4, s6;
	[dreg:$0x0] =	wrdreg $0x0  }
0xb7: {  	s6 =	sshll.u32 s28, $0x1;
	[dreg:$0x2] =	wrdreg s4  }
0xb8: {  	[dreg:$0x3] =	wrdreg s6  }
0xb9: {  	[dreg:$0x4] =	wrdreg $0xC0  }
0xba: {  	_ =	task [dreg:s22], $0x5FFFF  }
0xbb: {  	[dreg:$0x1] =	wrdreg $0xFFFFFFFF  }
0xbc: {  	[dreg:$0x0] =	wrdreg $0x60  }
0xbd: {  	[dreg:$0x2] =	wrdreg s18  }
0xbe: {  	[dreg:$0x3] =	wrdreg s24  }
0xbf: {  	[dreg:$0x4] =	wrdreg $0x9  }
0xc0: {  	_ =	task.clear_ibuf [dreg:s22], $0x5FFFF;
	_ =	strace $0x90000049  }
0xc1: {  	s29 =	simm.s32 $0x9;
	_ =	strace $0x8000004B  }
0xc2: {  	_ =	swait.ge [sflag:s29], $0x1  }
0xc3: {  	[sflag:s29] =	ssyncadd.s32 $0xFFFFFFFF  }
0xc4: {  	_ =	strace $0x9000004B  }
0xc5: {  	_ =	sfence  }
0xc6: {  	s30 =	sld [smem:$0x0];
	_ =	sdelay $0x2  }
0xc7: {  	s31 =	sshll.u32 s1, $0xD;
	s1 =	sshrl.u32 s1, $0x2  }
0xc8: {  	s4 =	sand.u32 $0x4000, s31;
	s1 =	sadd.s32 s1, s30  }
0xc9: {  	s0 =	sor.u32 s4, s0;
	s1 =	sshll.u32 s1, $0x11  }
0xca: {  	s0 =	sor.u32 s1, s0  }
0xcb: {  	s0 =	sadd.s32 $0x8F2B, s0  }
0xcc: {  	[sflag:s0] =	ssyncadd.remote.s32 $0x1  }
0xcd: {  	_ =	sfence.sel $0xFFFF  }
0xce: {  	[dreg:$0x0] =	wrdreg $0xFFFFFFFF;
	(pc) =	sbr.abs _section_cstart, $3  }
0xcf: {  	[dreg:$0x1] =	wrdreg $0xFFFFFFFF  }
0xd0: {  	_ =	task.clear_ibuf [dreg:s22], $0x2FFFF;
	_ =	strace $0x9FFFFFFF  }
0xd1: {  	(tm) =	ssettm $0x7FFFFFFF  }
tec
execute0_lowered:
.L_overlay_start_1:
0x0: {  	(tag) =	ssettag $0x1  }
0x1: {  	s6 =	rddreg [dreg:$0x0]  }
0x2: {  	s4 =	rddreg [dreg:$0x1]  }
0x3: {  	s0 =	rddreg [dreg:$0x2];
	s1 =	simm.s32 $0x0;
	s2 =	srdreg.scid  }
0x4: {  	s11 =	simm.s32 $0x0;
	[smem:$0x7FF] =	sst s1;
	s5 =	sand.u32 $0x1, s2  }
0x5: {  	s3 =	sadd.s32 $0x256800, s4;
	s2 =	stileid.u32;
	s4 =	sadd.s32 $0x25A800, s4  }
0x6: {  	_ =	strace $0x8000004A;
	s7 =	ssub.s32 $0x2, s5;
	s9 =	sshll.u32 s2, $0xA  }
0x7: {  	s10 =	sshrl.u32 s2, $0x2;
	s5 =	sshll.u32 s5, $0x9;
	s8 =	sshrl.u32 s7, $0x1  }
0x8: {  	s9 =	sand.u32 $0xC00, s9;
	s31 =	sshll.u32 s10, $0x10;
	s8 =	ssub.s32 s7, s8  }
0x9: {  	s5 =	sor.u32 s5, s9;
	s6 =	sadd.s32 s6, s31;
	s7 =	sshll.u32 s10, $0xF  }
0xa: {  	s9 =	simm.s32 $0x1;
	s10 =	simm.s32 $0x8000;
	s8 =	smax.u32 s8, $0x1  }
.LBB2_1:
0xb: {  	p0 =	por $0x1, $0x1;
	s12 =	simm.s32 $0x0  }
.LBB2_2:
0xc: {  	s12 =	sor.u32 s5, s12  }
0xd: {  	s13 =	sshll.u32 s12, $0x4  }
0xe: {  	s13 =	sadd.s32 s13, s6  }
0xf: {  	[tilespmem:s1], [sflag:$0x1] =	stream.linear.gather [hbm4b:s13+s1], $0x8000, $0x38;
	[tilespmem:$0x8100] =	vst v63  }
0x10: {  	s12 =	sor.u32 s7, s12;
	_ =	swait.ge [sflag:s9], $0x8000  }
0x11: {  	s25 =	sshrl.u32 s12, $0x3;
	[sflag:s9] =	ssyncset.done $0x0  }
0x12: {  	s12 =	sadd.s32 s3, s25;
	[sflag:s9] =	ssyncadd.s32 $0xFFFF8000  }
0x13: {  	[tilespmem:s10], [sflag:$0x1] =	stream.linear.gather [hbm4b:s12+s1], $0x100, $0x38;
	[tilespmem:$0x8100] =	vst v63  }
0x14: {  	_ =	swait.ge [sflag:s9], $0x100  }
0x15: {  	[sflag:s9] =	ssyncset.done $0x0  }
0x16: {  	s12 =	simm.s32 $0x100;
	[sflag:s9] =	ssyncadd.s32 $0xFFFFFF00  }
0x17: {  	[hbm4b:s4+s12] =	stream.indirect.scatter [tilespmem:s1], [sflag:$0x1], $0x80, s10, s12, $0xb8;
	[tilespmem:$0x8100] =	vst v63  }
0x18: {  	_ =	swait.ge [sflag:s9], $0x8000  }
0x19: {  	s14 =	sor.u32 $0x200, s25;
	[sflag:s9] =	ssyncset.done $0x0  }
0x1a: {  	s14 =	sadd.s32 s3, s14;
	[sflag:s9] =	ssyncadd.s32 $0xFFFF8000  }
0x1b: {  	[tilespmem:s10], [sflag:$0x1] =	stream.linear.gather [hbm4b:s14+s1], $0x100, $0x38;
	[tilespmem:$0x8100] =	vst v63  }
0x1c: {  	_ =	swait.ge [sflag:s9], $0x100  }
0x1d: {  	[sflag:s9] =	ssyncset.done $0x0  }
0x1e: {  	[sflag:s9] =	ssyncadd.s32 $0xFFFFFF00  }
0x1f: {  	[hbm4b:s4+s12] =	stream.indirect.scatter [tilespmem:s1], [sflag:$0x1], $0x80, s10, s12, $0xb8;
	[tilespmem:$0x8100] =	vst v63  }
0x20: {  	_ =	swait.ge [sflag:s9], $0x8000  }
0x21: {  	s26 =	sor.u32 $0x400, s25;
	[sflag:s9] =	ssyncset.done $0x0  }
0x22: {  	s14 =	sadd.s32 s3, s26;
	[sflag:s9] =	ssyncadd.s32 $0xFFFF8000  }
0x23: {  	[tilespmem:s10], [sflag:$0x1] =	stream.linear.gather [hbm4b:s14+s1], $0x100, $0x38;
	[tilespmem:$0x8100] =	vst v63  }
0x24: {  	_ =	swait.ge [sflag:s9], $0x100  }
0x25: {  	[sflag:s9] =	ssyncset.done $0x0  }
0x26: {  	[sflag:s9] =	ssyncadd.s32 $0xFFFFFF00  }
0x27: {  	[hbm4b:s4+s12] =	stream.indirect.scatter [tilespmem:s1], [sflag:$0x1], $0x80, s10, s12, $0xb8;
	[tilespmem:$0x8100] =	vst v63  }
0x28: {  	_ =	swait.ge [sflag:s9], $0x8000  }
0x29: {  	s28 =	sor.u32 $0x600, s25;
	[sflag:s9] =	ssyncset.done $0x0  }
0x2a: {  	s14 =	sadd.s32 s3, s28;
	[sflag:s9] =	ssyncadd.s32 $0xFFFF8000  }
0x2b: {  	[tilespmem:s10], [sflag:$0x1] =	stream.linear.gather [hbm4b:s14+s1], $0x100, $0x38;
	[tilespmem:$0x8100] =	vst v63  }
0x2c: {  	_ =	swait.ge [sflag:s9], $0x100  }
0x2d: {  	[sflag:s9] =	ssyncset.done $0x0  }
0x2e: {  	[sflag:s9] =	ssyncadd.s32 $0xFFFFFF00  }
0x2f: {  	[hbm4b:s4+s12] =	stream.indirect.scatter [tilespmem:s1], [sflag:$0x1], $0x80, s10, s12, $0xb8;
	[tilespmem:$0x8100] =	vst v63  }
0x30: {  	_ =	swait.ge [sflag:s9], $0x8000  }
0x31: {  	s29 =	sor.u32 $0x800, s25;
	[sflag:s9] =	ssyncset.done $0x0  }
0x32: {  	s14 =	sadd.s32 s3, s29;
	[sflag:s9] =	ssyncadd.s32 $0xFFFF8000  }
0x33: {  	[tilespmem:s10], [sflag:$0x1] =	stream.linear.gather [hbm4b:s14+s1], $0x100, $0x38;
	[tilespmem:$0x8100] =	vst v63  }
0x34: {  	_ =	swait.ge [sflag:s9], $0x100  }
0x35: {  	[sflag:s9] =	ssyncset.done $0x0  }
0x36: {  	[sflag:s9] =	ssyncadd.s32 $0xFFFFFF00  }
0x37: {  	[hbm4b:s4+s12] =	stream.indirect.scatter [tilespmem:s1], [sflag:$0x1], $0x80, s10, s12, $0xb8;
	[tilespmem:$0x8100] =	vst v63  }
0x38: {  	_ =	swait.ge [sflag:s9], $0x8000  }
0x39: {  	s30 =	sor.u32 $0xA00, s25;
	[sflag:s9] =	ssyncset.done $0x0  }
0x3a: {  	s14 =	sadd.s32 s3, s30;
	[sflag:s9] =	ssyncadd.s32 $0xFFFF8000  }
0x3b: {  	[tilespmem:s10], [sflag:$0x1] =	stream.linear.gather [hbm4b:s14+s1], $0x100, $0x38;
	[tilespmem:$0x8100] =	vst v63  }
0x3c: {  	_ =	swait.ge [sflag:s9], $0x100  }
0x3d: {  	[sflag:s9] =	ssyncset.done $0x0  }
0x3e: {  	[sflag:s9] =	ssyncadd.s32 $0xFFFFFF00  }
0x3f: {  	[hbm4b:s4+s12] =	stream.indirect.scatter [tilespmem:s1], [sflag:$0x1], $0x80, s10, s12, $0xb8;
	[tilespmem:$0x8100] =	vst v63  }
0x40: {  	_ =	swait.ge [sflag:s9], $0x8000  }
0x41: {  	s31 =	sor.u32 $0xC00, s25;
	[sflag:s9] =	ssyncset.done $0x0  }
0x42: {  	s14 =	sadd.s32 s3, s31;
	[sflag:s9] =	ssyncadd.s32 $0xFFFF8000  }
0x43: {  	[tilespmem:s10], [sflag:$0x1] =	stream.linear.gather [hbm4b:s14+s1], $0x100, $0x38;
	[tilespmem:$0x8100] =	vst v63  }
0x44: {  	_ =	swait.ge [sflag:s9], $0x100  }
0x45: {  	[sflag:s9] =	ssyncset.done $0x0  }
0x46: {  	[sflag:s9] =	ssyncadd.s32 $0xFFFFFF00  }
0x47: {  	[hbm4b:s4+s12] =	stream.indirect.scatter [tilespmem:s1], [sflag:$0x1], $0x80, s10, s12, $0xb8;
	[tilespmem:$0x8100] =	vst v63  }
0x48: {  	_ =	swait.ge [sflag:s9], $0x8000  }
0x49: {  	s13 =	sor.u32 $0xE00, s25;
	[sflag:s9] =	ssyncset.done $0x0  }
0x4a: {  	s13 =	sadd.s32 s3, s13;
	[sflag:s9] =	ssyncadd.s32 $0xFFFF8000  }
0x4b: {  	[tilespmem:s10], [sflag:$0x1] =	stream.linear.gather [hbm4b:s13+s1], $0x100, $0x38;
	[tilespmem:$0x8100] =	vst v63  }
0x4c: {  	_ =	swait.ge [sflag:s9], $0x100  }
0x4d: {  	p1 =	por p0, p0;
	[sflag:s9] =	ssyncset.done $0x0  }
.Ltmp0:
0x4e: {  	[sflag:s9] =	ssyncadd.s32 $0xFFFFFF00;
	(pc) =	sbr.rel @p1 .LBB2_2-.Ltmp0, $4  }
0x4f: {  	[hbm4b:s4+s12] =	stream.indirect.scatter [tilespmem:s1], [sflag:$0x1], $0x80, s10, s12, $0xb8;
	[tilespmem:$0x8100] =	vst v63  }
0x50: {  	_ =	swait.ge [sflag:s9], $0x8000  }
0x51: {  	[sflag:s9] =	ssyncset.done $0x0  }
0x52: {  	p0 =	por $0x0, $0x0;
	[sflag:s9] =	ssyncadd.s32 $0xFFFF8000  }
0x53: {  	s11 =	sadd.s32 $0x1, s11  }
0x54: {  	p0 =	sne.s32 s11, s8  }
.Ltmp1:
0x55: {  	_ = 	snop;
	(pc) =	sbr.rel @p0 .LBB2_1-.Ltmp1, $1  }
0x56: {  	_ =	sdelay $0x3  }
0x57: {  	_ =	sfence.sel $0x180000  }
0x58: {  	[bflag:$0x0] =	sbarrier.arrive $0xFFFF  }
0x59: {  	p0 =	sne.s32 s2, $0x0;
	_ =	strace $0x9000004A  }
0x5a: {  	s0 =	sadd.s32 @!p0 $0x100000, s0;
	[bflag:$0x2] =	sbarrier.arrive $0xFFFF  }
0x5b: {  	[sflag:s0] =	ssyncadd.tile.s32 @!p0 $0x1;
	_ =	shalt  }
.Lfunc_end2:
_tile_overlayer_lowered:
.L_overlay_start_2:
0x5c: {  	(tag) =	ssettag $0x2  }
0x5d: {  	s0 =	rddreg [dreg:$0x0];
	s2 =	stileid.u32  }
0x5e: {  	s1 =	rddreg [dreg:$0x1];
	p0 =	sne.s32 s2, $0x0  }
0x5f: {  	s3 =	rddreg [dreg:$0x2];
	[bflag:$0x3] =	sbarrier.arrive $0xFFFF;
	s2 =	simm.s32 @!p0 $0x1C01  }
0x60: {  	[timem:s3], [sflag:s2] =	dma.local @!p0 [hbm:s0], s1  }
0x61: {  	s0 =	simm.s32 @!p0 $0x1  }
0x62: {  	_ =	swait.ge @!p0 [sflag:s0], s1  }
0x63: {  	s1 =	ssub.s32 @!p0 $0x0, s1;
	[sflag:s0] =	ssyncset.done @!p0 $0x0  }
0x64: {  	[sflag:s0] =	ssyncadd.s32 @!p0 s1  }
0x65: {  	[bflag:$0x3] =	sbarrier.arrive $0xFFFF  }
0x66: {  	_ =	shalt  }

// kernel: kernel.18.cloned.1.call-start
scs
__scs_entry_jumppad:
0x0: {  	(pc) =	sbr.rel $0x88, $3  }
0x1: {  	(tag) =	ssettag $0x0;
	lr =	simm.s32 $0x1  }
0x2: {  	[smem:$0x3F9E] =	sst lr;
	_ =	strace $0xD0000000  }
0x3: {  	_ = 	snop  }
0x4: {  	_ = 	snop  }
0x5: {  	_ = 	snop  }
0x6: {  	_ = 	snop  }
0x7: {  	_ = 	snop  }
__scs_overlays_trampoline_lowered:
0x8: {  	[smem:$0x3FAD] =	sst s0  }
0x9: {  	[smem:$0x3FAE] =	sst s1  }
0xa: {  	[smem:$0x3FAF] =	sst s2  }
0xb: {  	[smem:$0x3FB0] =	sst s3  }
0xc: {  	[smem:$0x3FB1] =	sst s4  }
0xd: {  	[smem:$0x3FB2] =	sst s5  }
0xe: {  	[smem:$0x3FB3] =	sst s6  }
0xf: {  	[smem:$0x3FB4] =	sst s7  }
0x10: {  	[smem:$0x3FB5] =	sst s8  }
0x11: {  	[smem:$0x3FB6] =	sst s9;
	s0 =	simm.s32 @!p0 $0x0  }
0x12: {  	s1 =	sld [smem:$0x3F9C];
	s0 =	simm.s32 @p0 $0x1  }
0x13: {  	[smem:$0x3FB7] =	sst s0;
	s0 =	simm.s32 @!p1 $0x0  }
0x14: {  	s2 =	sld [smem:$0x3F9B];
	s0 =	simm.s32 @p1 $0x1  }
0x15: {  	[smem:$0x3FB8] =	sst s0;
	s0 =	simm.s32 @!p2 $0x0  }
0x16: {  	s3 =	sld [smem:$0x3FDB];
	s0 =	simm.s32 @p2 $0x1  }
0x17: {  	s4 =	simm.s32 $0x1BF5;
	[smem:$0x3FBA] =	sst s0  }
0x18: {  	s0 =	sld [smem:$0x3F9D];
	_ =	swait.ge [sflag:s4], $0x0  }
0x19: {  	s7 =	sld [smem:$0x3F9E]  }
0x1a: {  	s8 =	sadd.s32 $0xFFFFE003, lr  }
0x1b: {  	s9 =	sadd.s32 $0xFFFFFEF7, lr;
	s5 =	simm.s32 $0xFFFFFFFF;
	p2 =	slt.u32 s8, $0xFFFFF086  }
0x1c: {  	p1 =	slt.u32 s9, $0xF7A;
	s5 =	simm.s32 @!p2 $0x0  }
0x1d: {  	s5 =	simm.s32 @p1 $0x1;
	p0 =	seq.s32 s7, s2  }
0x1e: {  	s7 =	smul.u32 @!p0 $0xF7A, s2;
	p2 =	seq.s32 @!p0 s5, $0x0  }
0x1f: {  	s9 =	smul.u32 $0xF7A, s1;
	s8 =	simm.s32 @!p0 $0x1BF5;
	p2 =	por !p2, p0  }
0x20: {  	[sflag:s8] =	ssyncset.s32 @!p0 $0xFFFFF086;
	s6 =	sadd.s32 @!p0 s3, s7;
	s7 =	simm.s32 @!p0 $0x108  }
0x21: {  	s3 =	sadd.s32 s3, s9;
	s6 =	sadd.s32 @!p0 $0x88, s6;
	s7 =	simm.s32 @p2 $0x1082  }
0x22: {  	[simem:s7], [sflag:s8] =	dma.local @!p0 [hbm:s6], $0xF7A  }
0x23: {  	s9 =	sor.u32 $0xD0000000, s2;
	s6 =	simm.s32 $0x108;
	_ =	swait.ge @!p0 [sflag:s8], $0x0  }
0x24: {  	s3 =	sadd.s32 $0x88, s3;
	s6 =	simm.s32 @!p1 $0x1082;
	[sflag:s4] =	ssyncset.s32 $0xFFFFF086  }
0x25: {  	[simem:s6], [sflag:s4] =	dma.local [hbm:s3], $0xF7A  }
0x26: {  	[smem:$0x3F9E] =	sst s1;
	(tag) =	ssettag s2;
	_ =	strace s9  }
0x27: {  	s1 =	sld [smem:$0x3FAE]  }
0x28: {  	s2 =	sld [smem:$0x3FAF]  }
0x29: {  	s4 =	sld [smem:$0x3FB1]  }
0x2a: {  	p0 =	seq.s32 s5, $0x0;
	s5 =	sld [smem:$0x3FB2]  }
0x2b: {  	s6 =	sld [smem:$0x3FB3]  }
0x2c: {  	s7 =	sld [smem:$0x3FB4]  }
0x2d: {  	s3 =	simm.s32 $0x108;
	s8 =	sld [smem:$0x3FB5]  }
0x2e: {  	s3 =	simm.s32 @!p0 $0x1082;
	s9 =	sld [smem:$0x3FB6]  }
0x2f: {  	lr =	sadd.s32 s0, s3;
	s0 =	sld [smem:$0x3FAD]  }
0x30: {  	s3 =	sld [smem:$0x3FB0]  }
0x31: {  	[smem:$0x3FB9] =	sst s10  }
0x32: {  	s10 =	sld [smem:$0x3FB7];
	_ =	sdelay $0x3  }
0x33: {  	p0 =	seq.s32 s10, $0x1;
	s10 =	sld [smem:$0x3FB9];
	_ =	sdelay $0x3  }
0x34: {  	[smem:$0x3FB9] =	sst s10  }
0x35: {  	s10 =	sld [smem:$0x3FB8];
	_ =	sdelay $0x3  }
0x36: {  	p1 =	seq.s32 s10, $0x1;
	s10 =	sld [smem:$0x3FB9];
	_ =	sdelay $0x3  }
0x37: {  	[smem:$0x3FB9] =	sst s10  }
0x38: {  	s10 =	sld [smem:$0x3FBA]  }
0x39: {  	_ = 	snop;
	(pc) =	sbr.ind lr, $3  }
0x3a: {  	_ = 	snop  }
0x3b: {  	_ = 	snop  }
0x3c: {  	p2 =	seq.s32 s10, $0x1;
	s10 =	sld [smem:$0x3FB9]  }
0x3d: {  	_ =	shalt  }
0x3e: {  	_ =	shalt  }
0x3f: {  	_ =	shalt  }
0x40: {  	_ =	shalt  }
0x41: {  	_ =	shalt  }
0x42: {  	_ =	shalt  }
0x43: {  	_ =	shalt  }
0x44: {  	_ =	shalt  }
0x45: {  	_ =	shalt  }
0x46: {  	_ =	shalt  }
0x47: {  	_ =	shalt  }
0x48: {  	_ =	shalt  }
0x49: {  	_ =	shalt  }
0x4a: {  	_ =	shalt  }
0x4b: {  	_ =	shalt  }
0x4c: {  	_ =	shalt  }
0x4d: {  	_ =	shalt  }
0x4e: {  	_ =	shalt  }
0x4f: {  	_ =	shalt  }
0x50: {  	_ =	shalt  }
0x51: {  	_ =	shalt  }
0x52: {  	_ =	shalt  }
0x53: {  	_ =	shalt  }
0x54: {  	_ =	shalt  }
0x55: {  	_ =	shalt  }
0x56: {  	_ =	shalt  }
0x57: {  	_ =	shalt  }
0x58: {  	_ =	shalt  }
0x59: {  	_ =	shalt  }
0x5a: {  	_ =	shalt  }
0x5b: {  	_ =	shalt  }
0x5c: {  	_ =	shalt  }
0x5d: {  	_ =	shalt  }
0x5e: {  	_ =	shalt  }
0x5f: {  	_ =	shalt  }
0x60: {  	_ =	shalt  }
0x61: {  	_ =	shalt  }
0x62: {  	_ =	shalt  }
0x63: {  	_ =	shalt  }
0x64: {  	_ =	shalt  }
0x65: {  	_ =	shalt  }
0x66: {  	_ =	shalt  }
0x67: {  	_ =	shalt  }
0x68: {  	_ =	shalt  }
0x69: {  	_ =	shalt  }
0x6a: {  	_ =	shalt  }
0x6b: {  	_ =	shalt  }
0x6c: {  	_ =	shalt  }
0x6d: {  	_ =	shalt  }
0x6e: {  	_ =	shalt  }
0x6f: {  	_ =	shalt  }
0x70: {  	_ =	shalt  }
0x71: {  	_ =	shalt  }
0x72: {  	_ =	shalt  }
0x73: {  	_ =	shalt  }
0x74: {  	_ =	shalt  }
0x75: {  	_ =	shalt  }
0x76: {  	_ =	shalt  }
0x77: {  	_ =	shalt  }
0x78: {  	_ =	shalt  }
0x79: {  	_ =	shalt  }
0x7a: {  	_ =	shalt  }
0x7b: {  	_ =	shalt  }
0x7c: {  	_ =	shalt  }
0x7d: {  	_ =	shalt  }
0x7e: {  	_ =	shalt  }
0x7f: {  	_ =	shalt  }
0x80: {  	_ =	shalt  }
0x81: {  	_ =	shalt  }
0x82: {  	_ =	shalt  }
0x83: {  	_ =	shalt  }
0x84: {  	_ =	shalt  }
0x85: {  	_ =	shalt  }
0x86: {  	_ =	shalt  }
0x87: {  	_ =	shalt  }
.Lfunc_end0:
.L_simem_size_0:
called_computation.2_lowered:
.L_overlay_start_0:
0x88: {  	s2 =	sld [smem:$0x3FD9]  }
0x89: {  	s3 =	sld [smem:$0x3FFE];
	_ =	sdelay $0x1  }
0x8a: {  	s1 =	srdreg.scid  }
0x8b: {  	s0 =	sand.u32 $0x1, s1  }
0x8c: {  	s17 =	sshll.u32 s0, $0xA;
	s2 =	sadd.s32 s3, s2  }
0x8d: {  	s2 =	sadd.s32 s2, s17  }
0x8e: {  	[smem:$0x3FC5] =	sst s2  }
0x8f: {  	_ = 	snop  }
0x90: {  	(tm) =	ssettm $0x1  }
0x91: {  	s18 =	sld [smem:$0x3FFB];
	_ =	sdelay $0x3  }
0x92: {  	_ =	strace s18  }
0x93: {  	s2 =	sld [smem:$0x3FFC];
	_ =	sdelay $0x3  }
0x94: {  	_ =	strace s2  }
0x95: {  	s2 =	sld [smem:$0x3FFD];
	_ =	sdelay $0x3  }
0x96: {  	_ =	strace s2  }
0x97: {  	_ =	strace $0x8FFFFFFF  }
0x98: {  	s19 =	sld [smem:$0x3FDB];
	_ =	sdelay $0x1  }
0x99: {  	s20 =	simm.s32 $_scs_section_size  }
0x9a: {  	s4 =	simm.s32 $_size__tile_overlayer_lowered;
	s5 =	simm.s32 $_tile_overlayer_lowered  }
0x9b: {  	s6 =	simm.s32 $0x1BFF;
	s21 =	sshll.u32 s5, $0x1;
	s3 =	sadd.s32 s20, s19  }
0x9c: {  	s22 =	simm.s32 $0x0;
	s4 =	sshll.u32 s4, $0x1;
	s5 =	sadd.s32 s21, s3  }
0x9d: {  	[timem:s22], [sflag:s6] =	dma.local [hbm:s5], s4  }
0x9e: {  	_ =	swait.ge [sflag:s6], s4  }
0x9f: {  	s4 =	ssub.s32 $0x0, s4;
	[sflag:s6] =	ssyncset.done $0x0  }
0xa0: {  	[sflag:s6] =	ssyncadd.s32 s4;
	_ =	sdelay $0x1  }
0xa1: {  	s23 =	simm.s32 $0x1B8B  }
0xa2: {  	_ =	swait.ge [sflag:s23], $0x1  }
0xa3: {  	[sflag:s23] =	ssyncset.done $0x0  }
0xa4: {  	[sflag:s23] =	ssyncadd.s32 $0xFFFFFFFF  }
0xa5: {  	s4 =	sld [smem:$0x0]  }
0xa6: {  	s5 =	sand.u32 $0xFFFFFFFE, s1  }
0xa7: {  	p0 =	sne.s32 s1, s5  }
0xa8: {  	s5 =	sshll.u32 @p0 s5, $0xE  }
0xa9: {  	s5 =	sadd.s32 @p0 $0x11B8D, s5;
	s6 =	sshll.u32 @p0 s4, $0x11  }
0xaa: {  	s5 =	sor.u32 @p0 s6, s5  }
0xab: {  	[sflag:s5] =	ssyncadd.remote.s32 @p0 $0x1;
	_ =	sdelay $0x1  }
0xac: {  	s5 =	simm.s32 @p0 $0x1B8D  }
0xad: {  	_ =	swait.eq @p0 [sflag:s5], $0x1  }
0xae: {  	[sflag:s5] =	ssyncadd.s32 @p0 $0xFFFFFFFF  }
0xaf: {  	s6 =	sshll.u32 @!p0 s1, $0xE  }
0xb0: {  	s6 =	sor.u32 @!p0 $0x4000, s6;
	s5 =	simm.s32 @!p0 $0x1B8D  }
0xb1: {  	s4 =	sshll.u32 @!p0 s4, $0x11;
	s6 =	sadd.s32 @!p0 $0x11B8D, s6;
	_ =	swait.eq @!p0 [sflag:s5], $0x1  }
0xb2: {  	s4 =	sor.u32 @!p0 s4, s6;
	[sflag:s5] =	ssyncadd.s32 @!p0 $0xFFFFFFFF  }
0xb3: {  	s25 =	simm.s32 $0x1B8E;
	s24 =	sld [smem:$0x3FFE];
	[sflag:s4] =	ssyncadd.remote.s32 @!p0 $0x1  }
0xb4: {  	s26 =	simm.s32 $execute0_lowered;
	[smem:$0x3FD2] =	sst s25  }
0xb5: {  	s5 =	sshll.u32 s26, $0x1;
	_ =	strace $0x8000004C;
	[dreg:$0x1] =	wrdreg $0xFFFFFFFF  }
0xb6: {  	s28 =	simm.s32 $_size_execute0_lowered;
	s3 =	sadd.s32 s3, s5;
	[dreg:$0x0] =	wrdreg $0x0  }
0xb7: {  	s5 =	sshll.u32 s28, $0x1;
	[dreg:$0x2] =	wrdreg s3  }
0xb8: {  	[dreg:$0x3] =	wrdreg s5  }
0xb9: {  	[dreg:$0x4] =	wrdreg $0xC0  }
0xba: {  	_ =	task [dreg:s22], $0x5FFFF  }
0xbb: {  	[dreg:$0x1] =	wrdreg $0xFFFFFFFF  }
0xbc: {  	[dreg:$0x0] =	wrdreg $0x60  }
0xbd: {  	[dreg:$0x2] =	wrdreg s24  }
0xbe: {  	[dreg:$0x3] =	wrdreg $0xA  }
0xbf: {  	_ =	task.clear_ibuf [dreg:s22], $0x4FFFF;
	_ =	strace $0x9000004C  }
0xc0: {  	s29 =	simm.s32 $0xA;
	_ =	strace $0x8000004E  }
0xc1: {  	_ =	swait.ge [sflag:s29], $0x1  }
0xc2: {  	[sflag:s29] =	ssyncadd.s32 $0xFFFFFFFF  }
0xc3: {  	_ =	strace $0x9000004E  }
0xc4: {  	_ =	sfence  }
0xc5: {  	s30 =	sld [smem:$0x0];
	_ =	sdelay $0x2  }
0xc6: {  	s31 =	sshll.u32 s1, $0xD;
	s1 =	sshrl.u32 s1, $0x2  }
0xc7: {  	s4 =	sand.u32 $0x4000, s31;
	s1 =	sadd.s32 s1, s30  }
0xc8: {  	s0 =	sor.u32 s4, s0;
	s1 =	sshll.u32 s1, $0x11  }
0xc9: {  	s0 =	sor.u32 s1, s0  }
0xca: {  	s0 =	sadd.s32 $0x8F2B, s0  }
0xcb: {  	[sflag:s0] =	ssyncadd.remote.s32 $0x1  }
0xcc: {  	_ =	sfence.sel $0xFFFF  }
0xcd: {  	[dreg:$0x0] =	wrdreg $0xFFFFFFFF;
	(pc) =	sbr.abs _section_cstart, $3  }
0xce: {  	[dreg:$0x1] =	wrdreg $0xFFFFFFFF  }
0xcf: {  	_ =	task.clear_ibuf [dreg:s22], $0x2FFFF;
	_ =	strace $0x9FFFFFFF  }
0xd0: {  	(tm) =	ssettm $0x7FFFFFFF  }
0xd1: {  	_ =	shalt  }
tec
execute0_lowered:
.L_overlay_start_1:
0x0: {  	(tag) =	ssettag $0x1  }
0x1: {  	s4 =	rddreg [dreg:$0x0]  }
0x2: {  	s0 =	rddreg [dreg:$0x1];
	s2 =	simm.s32 $0x0;
	s3 =	srdreg.scid  }
0x3: {  	s1 =	stileid.u32;
	s10 =	simm.s32 $0x0;
	[smem:$0x7FF] =	sst s2  }
0x4: {  	s5 =	sand.u32 $0x1, s3;
	s6 =	sshll.u32 s1, $0xD;
	s3 =	sadd.s32 $0x45A800, s4  }
0x5: {  	s8 =	sshll.u32 s1, $0x11;
	_ =	strace $0x8000004D;
	s7 =	sshll.u32 s5, $0xC  }
0x6: {  	s31 =	ssub.s32 $0x2, s5;
	s8 =	sadd.s32 s8, s4;
	s5 =	sshll.u32 s5, $0x10  }
0x7: {  	s6 =	sor.u32 s7, s6;
	s9 =	sshrl.u32 s31, $0x1;
	s5 =	sadd.s32 s5, s8  }
0x8: {  	s8 =	simm.s32 $0x1;
	s6 =	sshrl.u32 s6, $0x3;
	s7 =	ssub.s32 s31, s9  }
0x9: {  	s5 =	sadd.s32 $0x4E800, s5;
	s9 =	simm.s32 $0x100;
	s6 =	sadd.s32 s6, s4  }
0xa: {  	s4 =	smax.u32 s7, $0x1;
	s7 =	simm.s32 $0x8000;
	s6 =	sadd.s32 $0x4A800, s6  }
.LBB2_1:
0xb: {  	s11 =	sadd.s32 $0x0, s6  }
0xc: {  	[tilespmem:s7], [sflag:$0x1] =	stream.linear.gather [hbm4b:s11+s2], $0x100, $0x38;
	[tilespmem:$0x8100] =	vst v63  }
0xd: {  	_ =	swait.ge [sflag:s8], $0x100  }
0xe: {  	[sflag:s8] =	ssyncset.done $0x0  }
0xf: {  	[sflag:s8] =	ssyncadd.s32 $0xFFFFFF00  }
0x10: {  	[tilespmem:s2], [sflag:$0x1] =	stream.indirect.gather [hbm4b:s3+s9], $0x80, s7, s9, $0xb8;
	[tilespmem:$0x8100] =	vst v63  }
0x11: {  	_ =	swait.ge [sflag:s8], $0x8000  }
0x12: {  	[sflag:s8] =	ssyncset.done $0x0  }
0x13: {  	[sflag:s8] =	ssyncadd.s32 $0xFFFF8000  }
0x14: {  	[hbm4b:s5+s2] =	stream.linear.scatter [tilespmem:s2], [sflag:$0x1], $0x8000, $0x38;
	[tilespmem:$0x8100] =	vst v63  }
0x15: {  	s12 =	simm.s32 $0x20;
	_ =	swait.ge [sflag:s8], $0x8000  }
0x16: {  	s13 =	simm.s32 $0x40;
	s11 =	sadd.s32 $0x1000, s5;
	[sflag:s8] =	ssyncset.done $0x0  }
.LBB2_2:
0x17: {  	s14 =	sadd.s32 s12, s6  }
0x18: {  	[sflag:s8] =	ssyncadd.s32 $0xFFFF8000;
	s12 =	smov.u32 s13;
	s15 =	sadd.s32 $0x20, s13  }
0x19: {  	[tilespmem:s7], [sflag:$0x1] =	stream.linear.gather [hbm4b:s14+s2], $0x100, $0x38;
	[tilespmem:$0x8100] =	vst v63  }
0x1a: {  	p0 =	sne.s32 s13, $0x1E0;
	_ =	swait.ge [sflag:s8], $0x100  }
0x1b: {  	[sflag:s8] =	ssyncset.done $0x0  }
0x1c: {  	[sflag:s8] =	ssyncadd.s32 $0xFFFFFF00  }
0x1d: {  	[tilespmem:s2], [sflag:$0x1] =	stream.indirect.gather [hbm4b:s3+s9], $0x80, s7, s9, $0xb8;
	[tilespmem:$0x8100] =	vst v63  }
0x1e: {  	_ =	swait.ge [sflag:s8], $0x8000  }
.Ltmp0:
0x1f: {  	[sflag:s8] =	ssyncset.done $0x0;
	(pc) =	sbr.rel @p0 .LBB2_2-.Ltmp0, $4  }
0x20: {  	[sflag:s8] =	ssyncadd.s32 $0xFFFF8000  }
0x21: {  	[hbm4b:s11+s2] =	stream.linear.scatter [tilespmem:s2], [sflag:$0x1], $0x8000, $0x38;
	[tilespmem:$0x8100] =	vst v63  }
0x22: {  	_ =	swait.ge [sflag:s8], $0x8000  }
0x23: {  	s13 =	smov.u32 s15;
	s11 =	sadd.s32 $0x1000, s11;
	[sflag:s8] =	ssyncset.done $0x0  }
0x24: {  	s12 =	sadd.s32 s12, s6;
	[sflag:s8] =	ssyncadd.s32 $0xFFFF8000  }
0x25: {  	[tilespmem:s7], [sflag:$0x1] =	stream.linear.gather [hbm4b:s12+s2], $0x100, $0x38;
	[tilespmem:$0x8100] =	vst v63  }
0x26: {  	_ =	swait.ge [sflag:s8], $0x100  }
0x27: {  	[sflag:s8] =	ssyncset.done $0x0  }
0x28: {  	[sflag:s8] =	ssyncadd.s32 $0xFFFFFF00  }
0x29: {  	[tilespmem:s2], [sflag:$0x1] =	stream.indirect.gather [hbm4b:s3+s9], $0x80, s7, s9, $0xb8;
	[tilespmem:$0x8100] =	vst v63  }
0x2a: {  	s10 =	sadd.s32 $0x1, s10;
	_ =	swait.ge [sflag:s8], $0x8000  }
0x2b: {  	p0 =	sne.s32 s10, s4;
	[sflag:s8] =	ssyncset.done $0x0  }
.Ltmp1:
0x2c: {  	[sflag:s8] =	ssyncadd.s32 $0xFFFF8000;
	(pc) =	sbr.rel @p0 .LBB2_1-.Ltmp1, $4  }
0x2d: {  	[hbm4b:s11+s2] =	stream.linear.scatter [tilespmem:s2], [sflag:$0x1], $0x8000, $0x38;
	[tilespmem:$0x8100] =	vst v63  }
0x2e: {  	_ =	swait.ge [sflag:s8], $0x8000  }
0x2f: {  	[sflag:s8] =	ssyncset.done $0x0  }
0x30: {  	[sflag:s8] =	ssyncadd.s32 $0xFFFF8000  }
0x31: {  	_ =	sfence.sel $0x180000  }
0x32: {  	[bflag:$0x0] =	sbarrier.arrive $0xFFFF  }
0x33: {  	p0 =	sne.s32 s1, $0x0;
	_ =	strace $0x9000004D  }
0x34: {  	s0 =	sadd.s32 @!p0 $0x100000, s0;
	[bflag:$0x2] =	sbarrier.arrive $0xFFFF  }
0x35: {  	[sflag:s0] =	ssyncadd.tile.s32 @!p0 $0x1;
	_ =	shalt  }
.Lfunc_end2:
_tile_overlayer_lowered:
.L_overlay_start_2:
0x36: {  	(tag) =	ssettag $0x2  }
0x37: {  	s0 =	rddreg [dreg:$0x0];
	s2 =	stileid.u32  }
0x38: {  	s1 =	rddreg [dreg:$0x1];
	p0 =	sne.s32 s2, $0x0  }
0x39: {  	s3 =	rddreg [dreg:$0x2];
	[bflag:$0x3] =	sbarrier.arrive $0xFFFF;
	s2 =	simm.s32 @!p0 $0x1C01  }
0x3a: {  	[timem:s3], [sflag:s2] =	dma.local @!p0 [hbm:s0], s1  }
0x3b: {  	s0 =	simm.s32 @!p0 $0x1  }
0x3c: {  	_ =	swait.ge @!p0 [sflag:s0], s1  }
0x3d: {  	s1 =	ssub.s32 @!p0 $0x0, s1;
	[sflag:s0] =	ssyncset.done @!p0 $0x0  }
0x3e: {  	[sflag:s0] =	ssyncadd.s32 @!p0 s1  }
0x3f: {  	[bflag:$0x3] =	sbarrier.arrive $0xFFFF  }
0x40: {  	_ =	shalt  }

// kernel: kernel.21.cloned.1.call-start
scs
__scs_entry_jumppad:
0x0: {  	(pc) =	sbr.rel $0x88, $3  }
0x1: {  	(tag) =	ssettag $0x0;
	lr =	simm.s32 $0x1  }
0x2: {  	[smem:$0x3F9E] =	sst lr;
	_ =	strace $0xD0000000  }
0x3: {  	_ = 	snop  }
0x4: {  	_ = 	snop  }
0x5: {  	_ = 	snop  }
0x6: {  	_ = 	snop  }
0x7: {  	_ = 	snop  }
__scs_overlays_trampoline_lowered:
0x8: {  	[smem:$0x3FAD] =	sst s0  }
0x9: {  	[smem:$0x3FAE] =	sst s1  }
0xa: {  	[smem:$0x3FAF] =	sst s2  }
0xb: {  	[smem:$0x3FB0] =	sst s3  }
0xc: {  	[smem:$0x3FB1] =	sst s4  }
0xd: {  	[smem:$0x3FB2] =	sst s5  }
0xe: {  	[smem:$0x3FB3] =	sst s6  }
0xf: {  	[smem:$0x3FB4] =	sst s7  }
0x10: {  	[smem:$0x3FB5] =	sst s8  }
0x11: {  	[smem:$0x3FB6] =	sst s9;
	s0 =	simm.s32 @!p0 $0x0  }
0x12: {  	s1 =	sld [smem:$0x3F9C];
	s0 =	simm.s32 @p0 $0x1  }
0x13: {  	[smem:$0x3FB7] =	sst s0;
	s0 =	simm.s32 @!p1 $0x0  }
0x14: {  	s2 =	sld [smem:$0x3F9B];
	s0 =	simm.s32 @p1 $0x1  }
0x15: {  	[smem:$0x3FB8] =	sst s0;
	s0 =	simm.s32 @!p2 $0x0  }
0x16: {  	s3 =	sld [smem:$0x3FDB];
	s0 =	simm.s32 @p2 $0x1  }
0x17: {  	s4 =	simm.s32 $0x1BF5;
	[smem:$0x3FBA] =	sst s0  }
0x18: {  	s0 =	sld [smem:$0x3F9D];
	_ =	swait.ge [sflag:s4], $0x0  }
0x19: {  	s7 =	sld [smem:$0x3F9E]  }
0x1a: {  	s8 =	sadd.s32 $0xFFFFE003, lr  }
0x1b: {  	s9 =	sadd.s32 $0xFFFFFEF7, lr;
	s5 =	simm.s32 $0xFFFFFFFF;
	p2 =	slt.u32 s8, $0xFFFFF086  }
0x1c: {  	p1 =	slt.u32 s9, $0xF7A;
	s5 =	simm.s32 @!p2 $0x0  }
0x1d: {  	s5 =	simm.s32 @p1 $0x1;
	p0 =	seq.s32 s7, s2  }
0x1e: {  	s7 =	smul.u32 @!p0 $0xF7A, s2;
	p2 =	seq.s32 @!p0 s5, $0x0  }
0x1f: {  	s9 =	smul.u32 $0xF7A, s1;
	s8 =	simm.s32 @!p0 $0x1BF5;
	p2 =	por !p2, p0  }
0x20: {  	[sflag:s8] =	ssyncset.s32 @!p0 $0xFFFFF086;
	s6 =	sadd.s32 @!p0 s3, s7;
	s7 =	simm.s32 @!p0 $0x108  }
0x21: {  	s3 =	sadd.s32 s3, s9;
	s6 =	sadd.s32 @!p0 $0x88, s6;
	s7 =	simm.s32 @p2 $0x1082  }
0x22: {  	[simem:s7], [sflag:s8] =	dma.local @!p0 [hbm:s6], $0xF7A  }
0x23: {  	s9 =	sor.u32 $0xD0000000, s2;
	s6 =	simm.s32 $0x108;
	_ =	swait.ge @!p0 [sflag:s8], $0x0  }
0x24: {  	s3 =	sadd.s32 $0x88, s3;
	s6 =	simm.s32 @!p1 $0x1082;
	[sflag:s4] =	ssyncset.s32 $0xFFFFF086  }
0x25: {  	[simem:s6], [sflag:s4] =	dma.local [hbm:s3], $0xF7A  }
0x26: {  	[smem:$0x3F9E] =	sst s1;
	(tag) =	ssettag s2;
	_ =	strace s9  }
0x27: {  	s1 =	sld [smem:$0x3FAE]  }
0x28: {  	s2 =	sld [smem:$0x3FAF]  }
0x29: {  	s4 =	sld [smem:$0x3FB1]  }
0x2a: {  	p0 =	seq.s32 s5, $0x0;
	s5 =	sld [smem:$0x3FB2]  }
0x2b: {  	s6 =	sld [smem:$0x3FB3]  }
0x2c: {  	s7 =	sld [smem:$0x3FB4]  }
0x2d: {  	s3 =	simm.s32 $0x108;
	s8 =	sld [smem:$0x3FB5]  }
0x2e: {  	s3 =	simm.s32 @!p0 $0x1082;
	s9 =	sld [smem:$0x3FB6]  }
0x2f: {  	lr =	sadd.s32 s0, s3;
	s0 =	sld [smem:$0x3FAD]  }
0x30: {  	s3 =	sld [smem:$0x3FB0]  }
0x31: {  	[smem:$0x3FB9] =	sst s10  }
0x32: {  	s10 =	sld [smem:$0x3FB7];
	_ =	sdelay $0x3  }
0x33: {  	p0 =	seq.s32 s10, $0x1;
	s10 =	sld [smem:$0x3FB9];
	_ =	sdelay $0x3  }
0x34: {  	[smem:$0x3FB9] =	sst s10  }
0x35: {  	s10 =	sld [smem:$0x3FB8];
	_ =	sdelay $0x3  }
0x36: {  	p1 =	seq.s32 s10, $0x1;
	s10 =	sld [smem:$0x3FB9];
	_ =	sdelay $0x3  }
0x37: {  	[smem:$0x3FB9] =	sst s10  }
0x38: {  	s10 =	sld [smem:$0x3FBA]  }
0x39: {  	_ = 	snop;
	(pc) =	sbr.ind lr, $3  }
0x3a: {  	_ = 	snop  }
0x3b: {  	_ = 	snop  }
0x3c: {  	p2 =	seq.s32 s10, $0x1;
	s10 =	sld [smem:$0x3FB9]  }
0x3d: {  	_ =	shalt  }
0x3e: {  	_ =	shalt  }
0x3f: {  	_ =	shalt  }
0x40: {  	_ =	shalt  }
0x41: {  	_ =	shalt  }
0x42: {  	_ =	shalt  }
0x43: {  	_ =	shalt  }
0x44: {  	_ =	shalt  }
0x45: {  	_ =	shalt  }
0x46: {  	_ =	shalt  }
0x47: {  	_ =	shalt  }
0x48: {  	_ =	shalt  }
0x49: {  	_ =	shalt  }
0x4a: {  	_ =	shalt  }
0x4b: {  	_ =	shalt  }
0x4c: {  	_ =	shalt  }
0x4d: {  	_ =	shalt  }
0x4e: {  	_ =	shalt  }
0x4f: {  	_ =	shalt  }
0x50: {  	_ =	shalt  }
0x51: {  	_ =	shalt  }
0x52: {  	_ =	shalt  }
0x53: {  	_ =	shalt  }
0x54: {  	_ =	shalt  }
0x55: {  	_ =	shalt  }
0x56: {  	_ =	shalt  }
0x57: {  	_ =	shalt  }
0x58: {  	_ =	shalt  }
0x59: {  	_ =	shalt  }
0x5a: {  	_ =	shalt  }
0x5b: {  	_ =	shalt  }
0x5c: {  	_ =	shalt  }
0x5d: {  	_ =	shalt  }
0x5e: {  	_ =	shalt  }
0x5f: {  	_ =	shalt  }
0x60: {  	_ =	shalt  }
0x61: {  	_ =	shalt  }
0x62: {  	_ =	shalt  }
0x63: {  	_ =	shalt  }
0x64: {  	_ =	shalt  }
0x65: {  	_ =	shalt  }
0x66: {  	_ =	shalt  }
0x67: {  	_ =	shalt  }
0x68: {  	_ =	shalt  }
0x69: {  	_ =	shalt  }
0x6a: {  	_ =	shalt  }
0x6b: {  	_ =	shalt  }
0x6c: {  	_ =	shalt  }
0x6d: {  	_ =	shalt  }
0x6e: {  	_ =	shalt  }
0x6f: {  	_ =	shalt  }
0x70: {  	_ =	shalt  }
0x71: {  	_ =	shalt  }
0x72: {  	_ =	shalt  }
0x73: {  	_ =	shalt  }
0x74: {  	_ =	shalt  }
0x75: {  	_ =	shalt  }
0x76: {  	_ =	shalt  }
0x77: {  	_ =	shalt  }
0x78: {  	_ =	shalt  }
0x79: {  	_ =	shalt  }
0x7a: {  	_ =	shalt  }
0x7b: {  	_ =	shalt  }
0x7c: {  	_ =	shalt  }
0x7d: {  	_ =	shalt  }
0x7e: {  	_ =	shalt  }
0x7f: {  	_ =	shalt  }
0x80: {  	_ =	shalt  }
0x81: {  	_ =	shalt  }
0x82: {  	_ =	shalt  }
0x83: {  	_ =	shalt  }
0x84: {  	_ =	shalt  }
0x85: {  	_ =	shalt  }
0x86: {  	_ =	shalt  }
0x87: {  	_ =	shalt  }
.Lfunc_end0:
.L_simem_size_0:
called_computation.3_lowered:
.L_overlay_start_0:
0x88: {  	s2 =	sld [smem:$0x3FD9]  }
0x89: {  	s3 =	sld [smem:$0x3FFE];
	_ =	sdelay $0x1  }
0x8a: {  	s1 =	srdreg.scid  }
0x8b: {  	s0 =	sand.u32 $0x1, s1  }
0x8c: {  	s17 =	sshll.u32 s0, $0xA;
	s2 =	sadd.s32 s3, s2  }
0x8d: {  	s2 =	sadd.s32 s2, s17  }
0x8e: {  	[smem:$0x3FC5] =	sst s2  }
0x8f: {  	_ = 	snop  }
0x90: {  	(tm) =	ssettm $0x1  }
0x91: {  	s18 =	sld [smem:$0x3FFB];
	_ =	sdelay $0x3  }
0x92: {  	_ =	strace s18  }
0x93: {  	s2 =	sld [smem:$0x3FFC];
	_ =	sdelay $0x3  }
0x94: {  	_ =	strace s2  }
0x95: {  	s2 =	sld [smem:$0x3FFD];
	_ =	sdelay $0x3  }
0x96: {  	_ =	strace s2  }
0x97: {  	_ =	strace $0x8FFFFFFF  }
0x98: {  	s19 =	sld [smem:$0x3FDB];
	_ =	sdelay $0x1  }
0x99: {  	s20 =	simm.s32 $_scs_section_size  }
0x9a: {  	s4 =	simm.s32 $_size__tile_overlayer_lowered;
	s5 =	simm.s32 $_tile_overlayer_lowered  }
0x9b: {  	s6 =	simm.s32 $0x1BFF;
	s21 =	sshll.u32 s5, $0x1;
	s3 =	sadd.s32 s20, s19  }
0x9c: {  	s22 =	simm.s32 $0x0;
	s4 =	sshll.u32 s4, $0x1;
	s5 =	sadd.s32 s21, s3  }
0x9d: {  	[timem:s22], [sflag:s6] =	dma.local [hbm:s5], s4  }
0x9e: {  	_ =	swait.ge [sflag:s6], s4  }
0x9f: {  	s4 =	ssub.s32 $0x0, s4;
	[sflag:s6] =	ssyncset.done $0x0  }
0xa0: {  	[sflag:s6] =	ssyncadd.s32 s4;
	_ =	sdelay $0x1  }
0xa1: {  	s23 =	simm.s32 $0x1B8B  }
0xa2: {  	_ =	swait.ge [sflag:s23], $0x1  }
0xa3: {  	[sflag:s23] =	ssyncset.done $0x0  }
0xa4: {  	[sflag:s23] =	ssyncadd.s32 $0xFFFFFFFF  }
0xa5: {  	s4 =	sld [smem:$0x0]  }
0xa6: {  	s5 =	sand.u32 $0xFFFFFFFE, s1  }
0xa7: {  	p0 =	sne.s32 s1, s5  }
0xa8: {  	s5 =	sshll.u32 @p0 s5, $0xE  }
0xa9: {  	s5 =	sadd.s32 @p0 $0x11B8D, s5;
	s6 =	sshll.u32 @p0 s4, $0x11  }
0xaa: {  	s5 =	sor.u32 @p0 s6, s5  }
0xab: {  	[sflag:s5] =	ssyncadd.remote.s32 @p0 $0x1;
	_ =	sdelay $0x1  }
0xac: {  	s5 =	simm.s32 @p0 $0x1B8D  }
0xad: {  	_ =	swait.eq @p0 [sflag:s5], $0x1  }
0xae: {  	[sflag:s5] =	ssyncadd.s32 @p0 $0xFFFFFFFF  }
0xaf: {  	s6 =	sshll.u32 @!p0 s1, $0xE  }
0xb0: {  	s6 =	sor.u32 @!p0 $0x4000, s6;
	s5 =	simm.s32 @!p0 $0x1B8D  }
0xb1: {  	s4 =	sshll.u32 @!p0 s4, $0x11;
	s6 =	sadd.s32 @!p0 $0x11B8D, s6;
	_ =	swait.eq @!p0 [sflag:s5], $0x1  }
0xb2: {  	s4 =	sor.u32 @!p0 s4, s6;
	[sflag:s5] =	ssyncadd.s32 @!p0 $0xFFFFFFFF  }
0xb3: {  	s25 =	simm.s32 $0x1B8E;
	s24 =	sld [smem:$0x3FFE];
	[sflag:s4] =	ssyncadd.remote.s32 @!p0 $0x1  }
0xb4: {  	s26 =	simm.s32 $execute0_lowered;
	[smem:$0x3FD2] =	sst s25  }
0xb5: {  	s5 =	sshll.u32 s26, $0x1;
	_ =	strace $0x8000004F;
	[dreg:$0x1] =	wrdreg $0xFFFFFFFF  }
0xb6: {  	s28 =	simm.s32 $_size_execute0_lowered;
	s3 =	sadd.s32 s3, s5;
	[dreg:$0x0] =	wrdreg $0x0  }
0xb7: {  	s5 =	sshll.u32 s28, $0x1;
	[dreg:$0x2] =	wrdreg s3  }
0xb8: {  	[dreg:$0x3] =	wrdreg s5  }
0xb9: {  	[dreg:$0x4] =	wrdreg $0xC0  }
0xba: {  	_ =	task [dreg:s22], $0x5FFFF  }
0xbb: {  	[dreg:$0x1] =	wrdreg $0xFFFFFFFF  }
0xbc: {  	[dreg:$0x0] =	wrdreg $0x60  }
0xbd: {  	[dreg:$0x2] =	wrdreg s24  }
0xbe: {  	[dreg:$0x3] =	wrdreg $0x9  }
0xbf: {  	_ =	task.clear_ibuf [dreg:s22], $0x4FFFF;
	_ =	strace $0x9000004F  }
0xc0: {  	s29 =	simm.s32 $0x9;
	_ =	strace $0x80000051  }
0xc1: {  	_ =	swait.ge [sflag:s29], $0x1  }
0xc2: {  	[sflag:s29] =	ssyncadd.s32 $0xFFFFFFFF  }
0xc3: {  	_ =	strace $0x90000051  }
0xc4: {  	_ =	sfence  }
0xc5: {  	s30 =	sld [smem:$0x0];
	_ =	sdelay $0x2  }
0xc6: {  	s31 =	sshll.u32 s1, $0xD;
	s1 =	sshrl.u32 s1, $0x2  }
0xc7: {  	s4 =	sand.u32 $0x4000, s31;
	s1 =	sadd.s32 s1, s30  }
0xc8: {  	s0 =	sor.u32 s4, s0;
	s1 =	sshll.u32 s1, $0x11  }
0xc9: {  	s0 =	sor.u32 s1, s0  }
0xca: {  	s0 =	sadd.s32 $0x8F2B, s0  }
0xcb: {  	[sflag:s0] =	ssyncadd.remote.s32 $0x1  }
0xcc: {  	_ =	sfence.sel $0xFFFF  }
0xcd: {  	[dreg:$0x0] =	wrdreg $0xFFFFFFFF;
	(pc) =	sbr.abs _section_cstart, $3  }
0xce: {  	[dreg:$0x1] =	wrdreg $0xFFFFFFFF  }
0xcf: {  	_ =	task.clear_ibuf [dreg:s22], $0x2FFFF;
	_ =	strace $0x9FFFFFFF  }
0xd0: {  	(tm) =	ssettm $0x7FFFFFFF  }
0xd1: {  	_ =	shalt  }
tec
execute0_lowered:
.L_overlay_start_1:
0x0: {  	(tag) =	ssettag $0x1  }
0x1: {  	s4 =	rddreg [dreg:$0x0]  }
0x2: {  	s0 =	rddreg [dreg:$0x1];
	s2 =	simm.s32 $0x0;
	s3 =	srdreg.scid  }
0x3: {  	s1 =	stileid.u32;
	s10 =	simm.s32 $0x0;
	[smem:$0x7FF] =	sst s2  }
0x4: {  	s5 =	sand.u32 $0x1, s3;
	s6 =	sshll.u32 s1, $0xD;
	s3 =	sadd.s32 $0x65A800, s4  }
0x5: {  	s30 =	sshll.u32 s1, $0x11;
	_ =	strace $0x80000050;
	s7 =	sshll.u32 s5, $0xC  }
0x6: {  	s8 =	ssub.s32 $0x2, s5;
	s5 =	sshll.u32 s5, $0x10;
	s6 =	sor.u32 s7, s6  }
0x7: {  	s7 =	sadd.s32 s30, s4;
	s9 =	sshrl.u32 s8, $0x1;
	s6 =	sshrl.u32 s6, $0x3  }
0x8: {  	s5 =	sadd.s32 s5, s7;
	s31 =	ssub.s32 s8, s9;
	s7 =	simm.s32 $0x8000  }
0x9: {  	s8 =	simm.s32 $0x1;
	s9 =	simm.s32 $0x100;
	s6 =	sadd.s32 s6, s4  }
0xa: {  	s4 =	sadd.s32 $0x25A800, s5;
	s5 =	smax.u32 s31, $0x1;
	s6 =	sadd.s32 $0x256800, s6  }
.LBB2_1:
0xb: {  	s11 =	sadd.s32 $0x0, s6  }
0xc: {  	[tilespmem:s7], [sflag:$0x1] =	stream.linear.gather [hbm4b:s11+s2], $0x100, $0x38;
	[tilespmem:$0x8100] =	vst v63  }
0xd: {  	_ =	swait.ge [sflag:s8], $0x100  }
0xe: {  	[sflag:s8] =	ssyncset.done $0x0  }
0xf: {  	[sflag:s8] =	ssyncadd.s32 $0xFFFFFF00  }
0x10: {  	[tilespmem:s2], [sflag:$0x1] =	stream.indirect.gather [hbm4b:s3+s9], $0x80, s7, s9, $0xb8;
	[tilespmem:$0x8100] =	vst v63  }
0x11: {  	_ =	swait.ge [sflag:s8], $0x8000  }
0x12: {  	[sflag:s8] =	ssyncset.done $0x0  }
0x13: {  	[sflag:s8] =	ssyncadd.s32 $0xFFFF8000  }
0x14: {  	[hbm4b:s4+s2] =	stream.linear.scatter [tilespmem:s2], [sflag:$0x1], $0x8000, $0x38;
	[tilespmem:$0x8100] =	vst v63  }
0x15: {  	s12 =	simm.s32 $0x20;
	_ =	swait.ge [sflag:s8], $0x8000  }
0x16: {  	s13 =	simm.s32 $0x40;
	s11 =	sadd.s32 $0x1000, s4;
	[sflag:s8] =	ssyncset.done $0x0  }
.LBB2_2:
0x17: {  	s14 =	sadd.s32 s12, s6  }
0x18: {  	[sflag:s8] =	ssyncadd.s32 $0xFFFF8000;
	s12 =	smov.u32 s13;
	s15 =	sadd.s32 $0x20, s13  }
0x19: {  	[tilespmem:s7], [sflag:$0x1] =	stream.linear.gather [hbm4b:s14+s2], $0x100, $0x38;
	[tilespmem:$0x8100] =	vst v63  }
0x1a: {  	p0 =	sne.s32 s13, $0x1E0;
	_ =	swait.ge [sflag:s8], $0x100  }
0x1b: {  	[sflag:s8] =	ssyncset.done $0x0  }
0x1c: {  	[sflag:s8] =	ssyncadd.s32 $0xFFFFFF00  }
0x1d: {  	[tilespmem:s2], [sflag:$0x1] =	stream.indirect.gather [hbm4b:s3+s9], $0x80, s7, s9, $0xb8;
	[tilespmem:$0x8100] =	vst v63  }
0x1e: {  	_ =	swait.ge [sflag:s8], $0x8000  }
.Ltmp0:
0x1f: {  	[sflag:s8] =	ssyncset.done $0x0;
	(pc) =	sbr.rel @p0 .LBB2_2-.Ltmp0, $4  }
0x20: {  	[sflag:s8] =	ssyncadd.s32 $0xFFFF8000  }
0x21: {  	[hbm4b:s11+s2] =	stream.linear.scatter [tilespmem:s2], [sflag:$0x1], $0x8000, $0x38;
	[tilespmem:$0x8100] =	vst v63  }
0x22: {  	_ =	swait.ge [sflag:s8], $0x8000  }
0x23: {  	s13 =	smov.u32 s15;
	s11 =	sadd.s32 $0x1000, s11;
	[sflag:s8] =	ssyncset.done $0x0  }
0x24: {  	s12 =	sadd.s32 s12, s6;
	[sflag:s8] =	ssyncadd.s32 $0xFFFF8000  }
0x25: {  	[tilespmem:s7], [sflag:$0x1] =	stream.linear.gather [hbm4b:s12+s2], $0x100, $0x38;
	[tilespmem:$0x8100] =	vst v63  }
0x26: {  	_ =	swait.ge [sflag:s8], $0x100  }
0x27: {  	[sflag:s8] =	ssyncset.done $0x0  }
0x28: {  	[sflag:s8] =	ssyncadd.s32 $0xFFFFFF00  }
0x29: {  	[tilespmem:s2], [sflag:$0x1] =	stream.indirect.gather [hbm4b:s3+s9], $0x80, s7, s9, $0xb8;
	[tilespmem:$0x8100] =	vst v63  }
0x2a: {  	s10 =	sadd.s32 $0x1, s10;
	_ =	swait.ge [sflag:s8], $0x8000  }
0x2b: {  	p0 =	sne.s32 s10, s5;
	[sflag:s8] =	ssyncset.done $0x0  }
.Ltmp1:
0x2c: {  	[sflag:s8] =	ssyncadd.s32 $0xFFFF8000;
	(pc) =	sbr.rel @p0 .LBB2_1-.Ltmp1, $4  }
0x2d: {  	[hbm4b:s11+s2] =	stream.linear.scatter [tilespmem:s2], [sflag:$0x1], $0x8000, $0x38;
	[tilespmem:$0x8100] =	vst v63  }
0x2e: {  	_ =	swait.ge [sflag:s8], $0x8000  }
0x2f: {  	[sflag:s8] =	ssyncset.done $0x0  }
0x30: {  	[sflag:s8] =	ssyncadd.s32 $0xFFFF8000  }
0x31: {  	_ =	sfence.sel $0x180000  }
0x32: {  	[bflag:$0x0] =	sbarrier.arrive $0xFFFF  }
0x33: {  	p0 =	sne.s32 s1, $0x0;
	_ =	strace $0x90000050  }
0x34: {  	s0 =	sadd.s32 @!p0 $0x100000, s0;
	[bflag:$0x2] =	sbarrier.arrive $0xFFFF  }
0x35: {  	[sflag:s0] =	ssyncadd.tile.s32 @!p0 $0x1;
	_ =	shalt  }
.Lfunc_end2:
_tile_overlayer_lowered:
.L_overlay_start_2:
0x36: {  	(tag) =	ssettag $0x2  }
0x37: {  	s0 =	rddreg [dreg:$0x0];
	s2 =	stileid.u32  }
0x38: {  	s1 =	rddreg [dreg:$0x1];
	p0 =	sne.s32 s2, $0x0  }
0x39: {  	s3 =	rddreg [dreg:$0x2];
	[bflag:$0x3] =	sbarrier.arrive $0xFFFF;
	s2 =	simm.s32 @!p0 $0x1C01  }
0x3a: {  	[timem:s3], [sflag:s2] =	dma.local @!p0 [hbm:s0], s1  }
0x3b: {  	s0 =	simm.s32 @!p0 $0x1  }
0x3c: {  	_ =	swait.ge @!p0 [sflag:s0], s1  }
0x3d: {  	s1 =	ssub.s32 @!p0 $0x0, s1;
	[sflag:s0] =	ssyncset.done @!p0 $0x0  }
0x3e: {  	[sflag:s0] =	ssyncadd.s32 @!p0 s1  }
0x3f: {  	[bflag:$0x3] =	sbarrier.arrive $0xFFFF  }
0x40: {  	_ =	shalt  }

</sc_bundles>
